<compile_context>
chip_gen: v7x
topology: tpu7x:2x2x1
jax: 0.10.2.dev20260603
libtpu: 0.0.44.dev20260713+nightly
codegen_flags: <defaults>
</compile_context>

<pallas_src>
import jax
import jax.numpy as jnp
from jax import lax
from jax.experimental import pallas as pl
from jax.experimental.pallas import tpu as pltpu
from jax.experimental.pallas import tpu_sc as plsc

N = 10000
D = 128
H = 128
NROW = 10240
TRASH = N
E_PAD = 327680
DCH = 128
CH = 32

_NC, _NS = 2, 16
ROWS_PER_SUB = NROW // _NS
DEG_EPW = E_PAD // (_NC * _NS)
DEG_CHUNKS = DEG_EPW // DCH
MAIN_EPS = E_PAD // _NS
MAIN_CHUNKS = MAIN_EPS // CH
NBUF = 8
LEAD = 4
SEG = 8
NSEG = MAIN_CHUNKS // SEG
DEG_LAG = 8

_f32 = jnp.float32
_MESH = dict(core_axis_name="c", subcore_axis_name="s")


def _deg_body(dstp2, ones_hbm, zeros_hbm, deg_out, didx_v, ones_v, semd, cnt_sh):
    cid = lax.axis_index("c")
    sid = lax.axis_index("s")
    wid = sid * _NC + cid
    my_rows = pl.ds(sid * ROWS_PER_SUB, ROWS_PER_SUB)
    pltpu.sync_copy(zeros_hbm, cnt_sh.at[my_rows])
    pltpu.sync_copy(ones_hbm, ones_v)
    pltpu.sync_copy(dstp2.at[pl.ds(wid * DEG_CHUNKS, DEG_CHUNKS)], didx_v)
    plsc.subcore_barrier()

    def step(j, carry):
        pltpu.async_copy(ones_v, cnt_sh.at[didx_v.at[j]], semd, add=True)

        @pl.when(j >= DEG_LAG)
        def _():
            pltpu.make_async_copy(ones_v, cnt_sh.at[didx_v.at[j - DEG_LAG]],
                                  semd).wait()

        return carry

    lax.fori_loop(0, DEG_CHUNKS, step, 0)
    for j in range(DEG_CHUNKS - DEG_LAG, DEG_CHUNKS):
        pltpu.make_async_copy(ones_v, cnt_sh.at[didx_v.at[j]], semd).wait()
    plsc.subcore_barrier()
    out_off = pl.multiple_of(cid * NROW + sid * ROWS_PER_SUB, 8)
    pltpu.sync_copy(cnt_sh.at[my_rows], deg_out.at[pl.ds(out_off, ROWS_PER_SUB)])


_deg_call = pl.kernel(
    _deg_body,
    out_type=jax.ShapeDtypeStruct((2 * NROW, H), _f32),
    mesh=plsc.VectorSubcoreMesh(**_MESH),
    scratch_types=[
        pltpu.VMEM((DEG_CHUNKS, DCH), jnp.int32),
        pltpu.VMEM((DCH, H), _f32),
        pltpu.SemaphoreType.DMA,
        pltpu.VMEM_SHARED((NROW, H), _f32),
    ],
)




def _scatter_body(tcat, srcp2, dstp2, zeros_hbm, out_cat,
                  sidx2, didx_b, rows,
                  sg0, sg1, sg2, sg3, sg4, sg5, sg6, sg7,
                  ss0, ss1, ss2, ss3, ss4, ss5, ss6, ss7,
                  sd0, sd1, sd2, sd3, sd4, sd5, sd6, sd7,
                  si0, si1, acc_sh):
    semg = (sg0, sg1, sg2, sg3, sg4, sg5, sg6, sg7)
    sems = (ss0, ss1, ss2, ss3, ss4, ss5, ss6, ss7)
    semd = (sd0, sd1, sd2, sd3, sd4, sd5, sd6, sd7)
    semi = (si0, si1)
    cid = lax.axis_index("c")
    sid = lax.axis_index("s")
    my_rows = pl.ds(sid * ROWS_PER_SUB, ROWS_PER_SUB)
    srow = cid * (E_PAD // CH) + sid * MAIN_CHUNKS
    drow = sid * MAIN_CHUNKS
    pltpu.sync_copy(zeros_hbm, acc_sh.at[my_rows])
    pltpu.sync_copy(srcp2.at[pl.ds(srow, SEG)], sidx2.at[0])
    pltpu.sync_copy(srcp2.at[pl.ds(srow + SEG, SEG)], sidx2.at[1])
    plsc.subcore_barrier()

    def g_issue(slab, pos, b):
        pltpu.async_copy(tcat.at[sidx2.at[slab, pos]], rows.at[b], semg[b])

    def d_issue(jq, b):
        pltpu.async_copy(dstp2.at[pl.ds(jq, 1)], didx_b.at[pl.ds(b, 1)], semd[b])

    def wait_g(b):
        pltpu.make_async_copy(tcat.at[sidx2.at[0, 0]], rows.at[b], semg[b]).wait()

    def wait_d(b):
        pltpu.make_async_copy(dstp2.at[pl.ds(0, 1)], didx_b.at[pl.ds(b, 1)],
                              semd[b]).wait()

    def wait_s(b):
        pltpu.make_async_copy(rows.at[b], acc_sh.at[didx_b.at[0]], sems[b]).wait()

    def wait_i(p):
        pltpu.make_async_copy(srcp2.at[pl.ds(srow, SEG)], sidx2.at[p],
                              semi[p]).wait()

    for j in range(LEAD):
        g_issue(0, j, j)
        d_issue(drow + j, j)

    def seg_run(s, p):
        for k in range(SEG):
            j = s * SEG + k
            b = k
            if k == 0:
                @pl.when(jnp.logical_and(s >= 1, s + 1 < NSEG))
                def _():
                    pltpu.async_copy(srcp2.at[pl.ds(srow + (s + 1) * SEG, SEG)],
                                     sidx2.at[1 - p], semi[1 - p])
            wait_g(b)
            wait_d(b)
            pltpu.async_copy(rows.at[b], acc_sh.at[didx_b.at[b]],
                             sems[b], add=True)

            @pl.when(j >= NBUF - LEAD)
            def _():
                wait_s((k - (NBUF - LEAD)) % NBUF)

            if k == SEG - LEAD - 1:
                @pl.when(jnp.logical_and(s >= 1, s + 1 < NSEG))
                def _():
                    wait_i(1 - p)

            bq = (k + LEAD) % NBUF

            @pl.when(j + LEAD < MAIN_CHUNKS)
            def _():
                if k < SEG - LEAD:
                    g_issue(p, k + LEAD, bq)
                else:
                    g_issue(1 - p, k + LEAD - SEG, bq)
                d_issue(drow + j + LEAD, bq)

    def round_(s2, carry):
        seg_run(2 * s2, 0)
        seg_run(2 * s2 + 1, 1)
        return carry

    lax.fori_loop(0, NSEG // 2, round_, 0)
    for j in range(MAIN_CHUNKS - (NBUF - LEAD), MAIN_CHUNKS):
        wait_s(j % NBUF)
    plsc.subcore_barrier()
    out_off = pl.multiple_of(cid * NROW + sid * ROWS_PER_SUB, 8)
    pltpu.sync_copy(acc_sh.at[my_rows], out_cat.at[pl.ds(out_off, ROWS_PER_SUB)])


_scatter_call = pl.kernel(
    _scatter_body,
    out_type=jax.ShapeDtypeStruct((2 * NROW, H), _f32),
    mesh=plsc.VectorSubcoreMesh(**_MESH),
    scratch_types=[
        pltpu.VMEM((2, SEG, CH), jnp.int32),
        pltpu.VMEM((NBUF, CH), jnp.int32),
        pltpu.VMEM((NBUF, CH, H), _f32),
    ] + [pltpu.SemaphoreType.DMA] * 26 + [
        pltpu.VMEM_SHARED((NROW, H), _f32),
    ],
)


def _xwt_body(x_ref, w_ref, da_ref, db_ref, t_ref):
    deg = da_ref[:, 0:1] + db_ref[:, 0:1] + 1.0
    xs = x_ref[...] * lax.rsqrt(deg)
    t_ref[...] = jnp.dot(xs, w_ref[...], preferred_element_type=_f32)


_RB = 1280
_NB = NROW // _RB

_xwt_call = pl.pallas_call(
    _xwt_body,
    grid=(2 * _NB,),
    in_specs=[
        pl.BlockSpec((_RB, D), lambda i: (i, 0)),
        pl.BlockSpec((D, H), lambda i: (0, 0)),
        pl.BlockSpec((_RB, H), lambda i: (i % _NB, 0)),
        pl.BlockSpec((_RB, H), lambda i: (_NB + i % _NB, 0)),
    ],
    out_specs=pl.BlockSpec((_RB, H), lambda i: (i, 0)),
    out_shape=jax.ShapeDtypeStruct((2 * NROW, H), _f32),
)


def _final_body(acc_ref, t_ref, deg_ref, b_ref, a_ref, disc_ref, out_ref):
    deg = deg_ref[0:NROW, 0:1] + deg_ref[NROW:2 * NROW, 0:1] + 1.0
    dinv = lax.rsqrt(deg)
    b = b_ref[0]
    a = a_ref[0]
    rows = lax.broadcasted_iota(jnp.int32, (NROW, 1), 0)
    mask = rows < N

    hp = dinv * (acc_ref[0:NROW, :] + t_ref[0:NROW, :]) + b[None, :]
    hn = dinv * (acc_ref[NROW:2 * NROW, :] + t_ref[NROW:2 * NROW, :]) + b[None, :]
    pos = jnp.where(hp > 0, hp, a[None, :] * hp)
    neg = jnp.where(hn > 0, hn, a[None, :] * hn)

    pos_m = jnp.where(mask, pos, 0.0)
    summary = jax.nn.sigmoid(jnp.sum(pos_m, axis=0) / N)
    ws = jnp.sum(disc_ref[...] * summary[None, :], axis=1)

    pos_log = jnp.sum(pos * ws[None, :], axis=1, keepdims=True)
    neg_log = jnp.sum(neg * ws[None, :], axis=1, keepdims=True)

    def softplus(z):
        return jnp.maximum(z, 0.0) + jnp.log1p(jnp.exp(-jnp.abs(z)))

    l1 = jnp.sum(jnp.where(mask, softplus(-pos_log), 0.0)) / N
    l2 = jnp.sum(jnp.where(mask, softplus(neg_log), 0.0)) / N
    out_ref[...] = jnp.broadcast_to(l1 + l2, (1, 1))


_final_call = pl.pallas_call(
    _final_body,
    out_shape=jax.ShapeDtypeStruct((1, 1), _f32),
)


def kernel(x, edge_index, conv_W, conv_b, prelu_a, disc_W):
    n = x.shape[0]
    e = edge_index.shape[1]
    perm = jax.random.permutation(jax.random.key(42), n)

    zrows = jnp.zeros((NROW - n, D), _f32)
    x2 = jnp.concatenate([x, zrows, x[perm], zrows])

    src = edge_index[0]
    dst = edge_index[1]
    srcp = jnp.concatenate([src, jnp.zeros((E_PAD - e,), jnp.int32)])
    srcp2 = jnp.concatenate([srcp, srcp + NROW]).reshape(2 * E_PAD // CH, CH)
    dstp = jnp.concatenate([dst, jnp.full((E_PAD - e,), TRASH, jnp.int32)])
    dstp2 = dstp.reshape(E_PAD // CH, CH)
    dstp2d = dstp.reshape(E_PAD // DCH, DCH)

    ones_w = jnp.ones((DCH, H), _f32)
    zeros128 = jnp.zeros((ROWS_PER_SUB, H), _f32)

    deg_cat = _deg_call(dstp2d, ones_w, zeros128)
    tcat = _xwt_call(x2, conv_W, deg_cat, deg_cat)
    acc_cat = _scatter_call(tcat, srcp2, dstp2, zeros128)
    out = _final_call(acc_cat, tcat, deg_cat,
                      conv_b.reshape(1, H), prelu_a.reshape(1, H), disc_W)
    return out.reshape(())

# --- scband reference (transcript-rebuilt; emitter-appended) ---
"""Pipeline reference for scband-infomax-19559281066224 (READ-ONLY COPY).

The authoritative reference and input builder live on the scoring server;
editing this copy changes nothing except your own understanding.
"""

import jax, jax.numpy as jnp
import numpy as np

N = 10000
E = 320000
D = 128
H = 128


def setup_inputs(seed: int = 0) -> dict:
    key = jax.random.key(seed)
    k1, k2, k3, k4, k5, k6 = jax.random.split(key, 6)
    x = jax.random.normal(k1, (N, D), dtype=jnp.float32)
    edge_index = jax.random.randint(k2, (2, E), 0, N, dtype=jnp.int32)
    # GCNConv parameters (in_channels=D, out_channels=H)
    conv_W = jax.random.normal(k3, (D, H), dtype=jnp.float32) * (1.0 / np.sqrt(D))
    conv_b = jnp.zeros((H,), dtype=jnp.float32)
    # PReLU per-channel slope (torch default init 0.25)
    prelu_a = jnp.full((H,), 0.25, dtype=jnp.float32)
    # Discriminator bilinear weight, uniform(-1/sqrt(H), 1/sqrt(H))
    bound = 1.0 / np.sqrt(H)
    disc_W = jax.random.uniform(k4, (H, H), dtype=jnp.float32, minval=-bound, maxval=bound)
    return {"x": x, "edge_index": edge_index, "conv_W": conv_W, "conv_b": conv_b, "prelu_a": prelu_a, "disc_W": disc_W}


def reference(x, edge_index, conv_W, conv_b, prelu_a, disc_W):
    n = x.shape[0]
    src = edge_index[0]
    dst = edge_index[1]
    loop = jnp.arange(n, dtype=src.dtype)
    src_a = jnp.concatenate([src, loop])
    dst_a = jnp.concatenate([dst, loop])

    def gcn_conv(h):
        h = h @ conv_W
        deg = jax.ops.segment_sum(jnp.ones_like(dst_a, dtype=h.dtype), dst_a, num_segments=n)
        dinv = jnp.where(deg > 0, jax.lax.rsqrt(deg), 0.0)
        norm = dinv[src_a] * dinv[dst_a]
        msg = h[src_a] * norm[:, None]
        out = jax.ops.segment_sum(msg, dst_a, num_segments=n)
        return out + conv_b

    def encode(h):
        h = gcn_conv(h)
        return jnp.where(h > 0, h, prelu_a * h)  # PReLU

    # corruption: permute node features (fixed key stands in for torch.randperm)
    perm = jax.random.permutation(jax.random.key(42), n)

    positive = encode(x)
    negative = encode(x[perm])

    summary = jax.nn.sigmoid(positive.mean(axis=0))
    ws = disc_W @ summary
    pos_logits = positive @ ws
    neg_logits = negative @ ws

    # BCEWithLogits vs ones -> softplus(-logit); vs zeros -> softplus(logit)
    l1 = jnp.mean(jax.nn.softplus(-pos_logits))
    l2 = jnp.mean(jax.nn.softplus(neg_logits))
    return l1 + l2

if __name__ == "__main__":
    import jax
    _d = setup_inputs()
    print(jax.jit(kernel)(*tuple(_d.values())))

</pallas_src>

<mosaic_0001>
#map = affine_map<(d0, d1) -> (0, 0)>
module attributes {stable_mosaic.version = 14 : i64} {
  func.func @_deg_body(%arg0: i32, %arg1: i32, %arg2: memref<2560x128xi32, #tpu.memory_space<hbm>>, %arg3: memref<128x128xf32, #tpu.memory_space<hbm>>, %arg4: memref<640x128xf32, #tpu.memory_space<hbm>>, %arg5: memref<20480x128xf32, #tpu.memory_space<hbm>>, %arg6: memref<80x128xi32, #tpu.memory_space<vmem>>, %arg7: memref<128x128xf32, #tpu.memory_space<vmem>>, %arg8: memref<!tpu.dma_semaphore, #tpu.memory_space<semaphore_mem>>, %arg9: memref<10240x128xf32, #tpu.memory_space<vmem_shared>>) attributes {dimension_semantics = [#tpu.dimension_semantics<core_parallel>, #tpu.dimension_semantics<subcore_parallel>], iteration_bounds = array<i64: 2, 16>, scalar_prefetch = 0 : i64, scratch_operands = 4 : i64, tpu.core_type = #tpu.core_type<sc_vector_subcore>, window_params = [{transform_indices = #map}, {transform_indices = #map}, {transform_indices = #map}, {transform_indices = #map}]} {
    %mul3A = arith.constant 2 : i32
    %mul3A_0 = arith.muli %arg1, %mul3A : i32
    %add3A = arith.addi %mul3A_0, %arg0 : i32
    %mul3A_1 = arith.constant 640 : i32
    %mul3A_2 = arith.muli %arg1, %mul3A_1 : i32
    "tpu.region"() ({
      %run_scoped3A = tpu.sem_alloc : memref<!tpu.dma_semaphore, #tpu.memory_space<semaphore_mem>>
      %dma_start3A = arith.constant 0 : i32
      %dma_start3A_71 = tpu.memref_slice %arg9[%mul3A_2, %dma_start3A] : memref<10240x128xf32, #tpu.memory_space<vmem_shared>> -> memref<640x128xf32, #tpu.memory_space<vmem_shared>>
      tpu.enqueue_dma source(%arg4 : memref<640x128xf32, #tpu.memory_space<hbm>>) target(%dma_start3A_71 : memref<640x128xf32, #tpu.memory_space<vmem_shared>>) target_semaphore(%run_scoped3A : memref<!tpu.dma_semaphore, #tpu.memory_space<semaphore_mem>>)
      %dma_wait3A_72 = arith.constant 0 : i32
      %dma_wait3A_73 = tpu.memref_slice %arg9[%mul3A_2, %dma_wait3A_72] : memref<10240x128xf32, #tpu.memory_space<vmem_shared>> -> memref<640x128xf32, #tpu.memory_space<vmem_shared>>
      tpu.wait_dma2 semaphore(%run_scoped3A : memref<!tpu.dma_semaphore, #tpu.memory_space<semaphore_mem>>) src(%arg4 : memref<640x128xf32, #tpu.memory_space<hbm>>) dst(%dma_wait3A_73 : memref<640x128xf32, #tpu.memory_space<vmem_shared>>)
      tpu.yield
    }) : () -> ()
    "tpu.region"() ({
      %run_scoped3A = tpu.sem_alloc : memref<!tpu.dma_semaphore, #tpu.memory_space<semaphore_mem>>
      tpu.enqueue_dma source(%arg3 : memref<128x128xf32, #tpu.memory_space<hbm>>) target(%arg7 : memref<128x128xf32, #tpu.memory_space<vmem>>) target_semaphore(%run_scoped3A : memref<!tpu.dma_semaphore, #tpu.memory_space<semaphore_mem>>)
      tpu.wait_dma2 semaphore(%run_scoped3A : memref<!tpu.dma_semaphore, #tpu.memory_space<semaphore_mem>>) src(%arg3 : memref<128x128xf32, #tpu.memory_space<hbm>>) dst(%arg7 : memref<128x128xf32, #tpu.memory_space<vmem>>)
      tpu.yield
    }) : () -> ()
    %mul3A_3 = arith.constant 80 : i32
    %mul3A_4 = arith.muli %add3A, %mul3A_3 : i32
    "tpu.region"() ({
      %run_scoped3A = tpu.sem_alloc : memref<!tpu.dma_semaphore, #tpu.memory_space<semaphore_mem>>
      %dma_start3A = arith.constant 0 : i32
      %dma_start3A_71 = tpu.memref_slice %arg2[%mul3A_4, %dma_start3A] : memref<2560x128xi32, #tpu.memory_space<hbm>> -> memref<80x128xi32, #tpu.memory_space<hbm>>
      %dma_start3A_72 = arith.constant 0 : i32
      %dma_start3A_73 = tpu.memref_slice %arg2[%mul3A_4, %dma_start3A_72] : memref<2560x128xi32, #tpu.memory_space<hbm>> -> memref<80x128xi32, #tpu.memory_space<hbm>>
      tpu.enqueue_dma source(%dma_start3A_73 : memref<80x128xi32, #tpu.memory_space<hbm>>) target(%arg6 : memref<80x128xi32, #tpu.memory_space<vmem>>) target_semaphore(%run_scoped3A : memref<!tpu.dma_semaphore, #tpu.memory_space<semaphore_mem>>)
      %dma_wait3A_74 = arith.constant 0 : i32
      %dma_wait3A_75 = tpu.memref_slice %arg2[%mul3A_4, %dma_wait3A_74] : memref<2560x128xi32, #tpu.memory_space<hbm>> -> memref<80x128xi32, #tpu.memory_space<hbm>>
      %dma_wait3A_76 = arith.constant 0 : i32
      %dma_wait3A_77 = tpu.memref_slice %arg2[%mul3A_4, %dma_wait3A_76] : memref<2560x128xi32, #tpu.memory_space<hbm>> -> memref<80x128xi32, #tpu.memory_space<hbm>>
      tpu.wait_dma2 semaphore(%run_scoped3A : memref<!tpu.dma_semaphore, #tpu.memory_space<semaphore_mem>>) src(%dma_wait3A_77 : memref<80x128xi32, #tpu.memory_space<hbm>>) dst(%arg6 : memref<80x128xi32, #tpu.memory_space<vmem>>)
      tpu.yield
    }) : () -> ()
    %barrier3A = arith.constant 0 : index
    tpu.barrier barrier_id(%barrier3A)
    %scan3A = arith.constant 0 : i32
    %scan3A_5 = arith.constant 0 : i32
    %scan3A_6 = arith.constant 80 : i32
    %scan3A_7 = arith.addi %scan3A_5, %scan3A_6 : i32
    %scan3A_8 = arith.constant 1 : i32
    scf.for %scan3A_71 = %scan3A_5 to %scan3A_7 step %scan3A_8  : i32 {
      %dma_start3A = arith.constant 0 : i32
      %dma_start3A_72 = tpu.memref_slice %arg6[%scan3A_71, %dma_start3A] : memref<80x128xi32, #tpu.memory_space<vmem>> -> memref<1x128xi32, #tpu.memory_space<vmem>>
      %dma_start3A_73 = tpu.memref_squeeze %dma_start3A_72 : memref<1x128xi32, #tpu.memory_space<vmem>> -> memref<128xi32, #tpu.memory_space<vmem>>
      %dma_start3A_74 = arith.constant 0 : i32
      %dma_start3A_75 = arith.constant 0 : i32
      %dma_start3A_76 = tpu.memref_slice %arg9[%dma_start3A_74, %dma_start3A_75] : memref<10240x128xf32, #tpu.memory_space<vmem_shared>> -> memref<10240x128xf32, #tpu.memory_space<vmem_shared>>
      tpu.enqueue_indirect_dma source(%arg7 : memref<128x128xf32, #tpu.memory_space<vmem>>) target(%dma_start3A_76 : memref<10240x128xf32, #tpu.memory_space<vmem_shared>>) offsets(%dma_start3A_73 : memref<128xi32, #tpu.memory_space<vmem>>) semaphore(%arg8 : memref<!tpu.dma_semaphore, #tpu.memory_space<semaphore_mem>>) {add = true}
      %ge3A = arith.constant 8 : i32
      %ge3A_77 = arith.cmpi sge, %scan3A_71, %ge3A : i32
      %convert_element_type3A = arith.extui %ge3A_77 : i1 to i32
      %cond3A = arith.constant 0 : i32
      %cond3A_78 = arith.cmpi ne, %convert_element_type3A, %cond3A : i32
      scf.if %cond3A_78 {
        %sub3A = arith.constant 8 : i32
        %sub3A_79 = arith.subi %scan3A_71, %sub3A : i32
        %dma_wait3A_80 = arith.constant 0 : i32
        %dma_wait3A_81 = tpu.memref_slice %arg6[%sub3A_79, %dma_wait3A_80] : memref<80x128xi32, #tpu.memory_space<vmem>> -> memref<1x128xi32, #tpu.memory_space<vmem>>
        %dma_wait3A_82 = tpu.memref_squeeze %dma_wait3A_81 : memref<1x128xi32, #tpu.memory_space<vmem>> -> memref<128xi32, #tpu.memory_space<vmem>>
        %dma_wait3A_83 = arith.constant 0 : i32
        %dma_wait3A_84 = arith.constant 0 : i32
        %dma_wait3A_85 = tpu.memref_slice %arg9[%dma_wait3A_83, %dma_wait3A_84] : memref<10240x128xf32, #tpu.memory_space<vmem_shared>> -> memref<10240x128xf32, #tpu.memory_space<vmem_shared>>
        tpu.wait_indirect_dma semaphore(%arg8 : memref<!tpu.dma_semaphore, #tpu.memory_space<semaphore_mem>>) src(%arg7 : memref<128x128xf32, #tpu.memory_space<vmem>>) dst(%dma_wait3A_85 : memref<10240x128xf32, #tpu.memory_space<vmem_shared>>)
      } else {
      }
    }
    %scan3A_9 = arith.constant 80 : i32
    %dma_wait3A = arith.constant 72 : i32
    %dma_wait3A_10 = arith.constant 0 : i32
    %dma_wait3A_11 = tpu.memref_slice %arg6[%dma_wait3A, %dma_wait3A_10] : memref<80x128xi32, #tpu.memory_space<vmem>> -> memref<1x128xi32, #tpu.memory_space<vmem>>
    %dma_wait3A_12 = tpu.memref_squeeze %dma_wait3A_11 : memref<1x128xi32, #tpu.memory_space<vmem>> -> memref<128xi32, #tpu.memory_space<vmem>>
    %dma_wait3A_13 = arith.constant 0 : i32
    %dma_wait3A_14 = arith.constant 0 : i32
    %dma_wait3A_15 = tpu.memref_slice %arg9[%dma_wait3A_13, %dma_wait3A_14] : memref<10240x128xf32, #tpu.memory_space<vmem_shared>> -> memref<10240x128xf32, #tpu.memory_space<vmem_shared>>
    tpu.wait_indirect_dma semaphore(%arg8 : memref<!tpu.dma_semaphore, #tpu.memory_space<semaphore_mem>>) src(%arg7 : memref<128x128xf32, #tpu.memory_space<vmem>>) dst(%dma_wait3A_15 : memref<10240x128xf32, #tpu.memory_space<vmem_shared>>)
    %dma_wait3A_16 = arith.constant 73 : i32
    %dma_wait3A_17 = arith.constant 0 : i32
    %dma_wait3A_18 = tpu.memref_slice %arg6[%dma_wait3A_16, %dma_wait3A_17] : memref<80x128xi32, #tpu.memory_space<vmem>> -> memref<1x128xi32, #tpu.memory_space<vmem>>
    %dma_wait3A_19 = tpu.memref_squeeze %dma_wait3A_18 : memref<1x128xi32, #tpu.memory_space<vmem>> -> memref<128xi32, #tpu.memory_space<vmem>>
    %dma_wait3A_20 = arith.constant 0 : i32
    %dma_wait3A_21 = arith.constant 0 : i32
    %dma_wait3A_22 = tpu.memref_slice %arg9[%dma_wait3A_20, %dma_wait3A_21] : memref<10240x128xf32, #tpu.memory_space<vmem_shared>> -> memref<10240x128xf32, #tpu.memory_space<vmem_shared>>
    tpu.wait_indirect_dma semaphore(%arg8 : memref<!tpu.dma_semaphore, #tpu.memory_space<semaphore_mem>>) src(%arg7 : memref<128x128xf32, #tpu.memory_space<vmem>>) dst(%dma_wait3A_22 : memref<10240x128xf32, #tpu.memory_space<vmem_shared>>)
    %dma_wait3A_23 = arith.constant 74 : i32
    %dma_wait3A_24 = arith.constant 0 : i32
    %dma_wait3A_25 = tpu.memref_slice %arg6[%dma_wait3A_23, %dma_wait3A_24] : memref<80x128xi32, #tpu.memory_space<vmem>> -> memref<1x128xi32, #tpu.memory_space<vmem>>
    %dma_wait3A_26 = tpu.memref_squeeze %dma_wait3A_25 : memref<1x128xi32, #tpu.memory_space<vmem>> -> memref<128xi32, #tpu.memory_space<vmem>>
    %dma_wait3A_27 = arith.constant 0 : i32
    %dma_wait3A_28 = arith.constant 0 : i32
    %dma_wait3A_29 = tpu.memref_slice %arg9[%dma_wait3A_27, %dma_wait3A_28] : memref<10240x128xf32, #tpu.memory_space<vmem_shared>> -> memref<10240x128xf32, #tpu.memory_space<vmem_shared>>
    tpu.wait_indirect_dma semaphore(%arg8 : memref<!tpu.dma_semaphore, #tpu.memory_space<semaphore_mem>>) src(%arg7 : memref<128x128xf32, #tpu.memory_space<vmem>>) dst(%dma_wait3A_29 : memref<10240x128xf32, #tpu.memory_space<vmem_shared>>)
    %dma_wait3A_30 = arith.constant 75 : i32
    %dma_wait3A_31 = arith.constant 0 : i32
    %dma_wait3A_32 = tpu.memref_slice %arg6[%dma_wait3A_30, %dma_wait3A_31] : memref<80x128xi32, #tpu.memory_space<vmem>> -> memref<1x128xi32, #tpu.memory_space<vmem>>
    %dma_wait3A_33 = tpu.memref_squeeze %dma_wait3A_32 : memref<1x128xi32, #tpu.memory_space<vmem>> -> memref<128xi32, #tpu.memory_space<vmem>>
    %dma_wait3A_34 = arith.constant 0 : i32
    %dma_wait3A_35 = arith.constant 0 : i32
    %dma_wait3A_36 = tpu.memref_slice %arg9[%dma_wait3A_34, %dma_wait3A_35] : memref<10240x128xf32, #tpu.memory_space<vmem_shared>> -> memref<10240x128xf32, #tpu.memory_space<vmem_shared>>
    tpu.wait_indirect_dma semaphore(%arg8 : memref<!tpu.dma_semaphore, #tpu.memory_space<semaphore_mem>>) src(%arg7 : memref<128x128xf32, #tpu.memory_space<vmem>>) dst(%dma_wait3A_36 : memref<10240x128xf32, #tpu.memory_space<vmem_shared>>)
    %dma_wait3A_37 = arith.constant 76 : i32
    %dma_wait3A_38 = arith.constant 0 : i32
    %dma_wait3A_39 = tpu.memref_slice %arg6[%dma_wait3A_37, %dma_wait3A_38] : memref<80x128xi32, #tpu.memory_space<vmem>> -> memref<1x128xi32, #tpu.memory_space<vmem>>
    %dma_wait3A_40 = tpu.memref_squeeze %dma_wait3A_39 : memref<1x128xi32, #tpu.memory_space<vmem>> -> memref<128xi32, #tpu.memory_space<vmem>>
    %dma_wait3A_41 = arith.constant 0 : i32
    %dma_wait3A_42 = arith.constant 0 : i32
    %dma_wait3A_43 = tpu.memref_slice %arg9[%dma_wait3A_41, %dma_wait3A_42] : memref<10240x128xf32, #tpu.memory_space<vmem_shared>> -> memref<10240x128xf32, #tpu.memory_space<vmem_shared>>
    tpu.wait_indirect_dma semaphore(%arg8 : memref<!tpu.dma_semaphore, #tpu.memory_space<semaphore_mem>>) src(%arg7 : memref<128x128xf32, #tpu.memory_space<vmem>>) dst(%dma_wait3A_43 : memref<10240x128xf32, #tpu.memory_space<vmem_shared>>)
    %dma_wait3A_44 = arith.constant 77 : i32
    %dma_wait3A_45 = arith.constant 0 : i32
    %dma_wait3A_46 = tpu.memref_slice %arg6[%dma_wait3A_44, %dma_wait3A_45] : memref<80x128xi32, #tpu.memory_space<vmem>> -> memref<1x128xi32, #tpu.memory_space<vmem>>
    %dma_wait3A_47 = tpu.memref_squeeze %dma_wait3A_46 : memref<1x128xi32, #tpu.memory_space<vmem>> -> memref<128xi32, #tpu.memory_space<vmem>>
    %dma_wait3A_48 = arith.constant 0 : i32
    %dma_wait3A_49 = arith.constant 0 : i32
    %dma_wait3A_50 = tpu.memref_slice %arg9[%dma_wait3A_48, %dma_wait3A_49] : memref<10240x128xf32, #tpu.memory_space<vmem_shared>> -> memref<10240x128xf32, #tpu.memory_space<vmem_shared>>
    tpu.wait_indirect_dma semaphore(%arg8 : memref<!tpu.dma_semaphore, #tpu.memory_space<semaphore_mem>>) src(%arg7 : memref<128x128xf32, #tpu.memory_space<vmem>>) dst(%dma_wait3A_50 : memref<10240x128xf32, #tpu.memory_space<vmem_shared>>)
    %dma_wait3A_51 = arith.constant 78 : i32
    %dma_wait3A_52 = arith.constant 0 : i32
    %dma_wait3A_53 = tpu.memref_slice %arg6[%dma_wait3A_51, %dma_wait3A_52] : memref<80x128xi32, #tpu.memory_space<vmem>> -> memref<1x128xi32, #tpu.memory_space<vmem>>
    %dma_wait3A_54 = tpu.memref_squeeze %dma_wait3A_53 : memref<1x128xi32, #tpu.memory_space<vmem>> -> memref<128xi32, #tpu.memory_space<vmem>>
    %dma_wait3A_55 = arith.constant 0 : i32
    %dma_wait3A_56 = arith.constant 0 : i32
    %dma_wait3A_57 = tpu.memref_slice %arg9[%dma_wait3A_55, %dma_wait3A_56] : memref<10240x128xf32, #tpu.memory_space<vmem_shared>> -> memref<10240x128xf32, #tpu.memory_space<vmem_shared>>
    tpu.wait_indirect_dma semaphore(%arg8 : memref<!tpu.dma_semaphore, #tpu.memory_space<semaphore_mem>>) src(%arg7 : memref<128x128xf32, #tpu.memory_space<vmem>>) dst(%dma_wait3A_57 : memref<10240x128xf32, #tpu.memory_space<vmem_shared>>)
    %dma_wait3A_58 = arith.constant 79 : i32
    %dma_wait3A_59 = arith.constant 0 : i32
    %dma_wait3A_60 = tpu.memref_slice %arg6[%dma_wait3A_58, %dma_wait3A_59] : memref<80x128xi32, #tpu.memory_space<vmem>> -> memref<1x128xi32, #tpu.memory_space<vmem>>
    %dma_wait3A_61 = tpu.memref_squeeze %dma_wait3A_60 : memref<1x128xi32, #tpu.memory_space<vmem>> -> memref<128xi32, #tpu.memory_space<vmem>>
    %dma_wait3A_62 = arith.constant 0 : i32
    %dma_wait3A_63 = arith.constant 0 : i32
    %dma_wait3A_64 = tpu.memref_slice %arg9[%dma_wait3A_62, %dma_wait3A_63] : memref<10240x128xf32, #tpu.memory_space<vmem_shared>> -> memref<10240x128xf32, #tpu.memory_space<vmem_shared>>
    tpu.wait_indirect_dma semaphore(%arg8 : memref<!tpu.dma_semaphore, #tpu.memory_space<semaphore_mem>>) src(%arg7 : memref<128x128xf32, #tpu.memory_space<vmem>>) dst(%dma_wait3A_64 : memref<10240x128xf32, #tpu.memory_space<vmem_shared>>)
    %barrier3A_65 = arith.constant 0 : index
    tpu.barrier barrier_id(%barrier3A_65)
    %mul3A_66 = arith.constant 10240 : i32
    %mul3A_67 = arith.muli %arg0, %mul3A_66 : i32
    %mul3A_68 = arith.constant 640 : i32
    %mul3A_69 = arith.muli %arg1, %mul3A_68 : i32
    %add3A_70 = arith.addi %mul3A_67, %mul3A_69 : i32
    %multiple_of3A = tpu.assume_multiple %add3A_70, 8 : i32
    "tpu.region"() ({
      %run_scoped3A = tpu.sem_alloc : memref<!tpu.dma_semaphore, #tpu.memory_space<semaphore_mem>>
      %dma_start3A = arith.constant 0 : i32
      %dma_start3A_71 = tpu.memref_slice %arg5[%multiple_of3A, %dma_start3A] : memref<20480x128xf32, #tpu.memory_space<hbm>> -> memref<640x128xf32, #tpu.memory_space<hbm>>
      %dma_start3A_72 = arith.constant 0 : i32
      %dma_start3A_73 = tpu.memref_slice %arg9[%mul3A_2, %dma_start3A_72] : memref<10240x128xf32, #tpu.memory_space<vmem_shared>> -> memref<640x128xf32, #tpu.memory_space<vmem_shared>>
      tpu.enqueue_dma source(%dma_start3A_73 : memref<640x128xf32, #tpu.memory_space<vmem_shared>>) target(%dma_start3A_71 : memref<640x128xf32, #tpu.memory_space<hbm>>) target_semaphore(%run_scoped3A : memref<!tpu.dma_semaphore, #tpu.memory_space<semaphore_mem>>)
      %dma_wait3A_74 = arith.constant 0 : i32
      %dma_wait3A_75 = tpu.memref_slice %arg5[%multiple_of3A, %dma_wait3A_74] : memref<20480x128xf32, #tpu.memory_space<hbm>> -> memref<640x128xf32, #tpu.memory_space<hbm>>
      %dma_wait3A_76 = arith.constant 0 : i32
      %dma_wait3A_77 = tpu.memref_slice %arg9[%mul3A_2, %dma_wait3A_76] : memref<10240x128xf32, #tpu.memory_space<vmem_shared>> -> memref<640x128xf32, #tpu.memory_space<vmem_shared>>
      tpu.wait_dma2 semaphore(%run_scoped3A : memref<!tpu.dma_semaphore, #tpu.memory_space<semaphore_mem>>) src(%dma_wait3A_77 : memref<640x128xf32, #tpu.memory_space<vmem_shared>>) dst(%dma_wait3A_75 : memref<640x128xf32, #tpu.memory_space<hbm>>)
      tpu.yield
    }) : () -> ()
    return
  }
}

#map = affine_map<(d0, d1) -> (0, 0)>
module attributes {stable_mosaic.version = 14 : i64} {
  func.func @_scatter_body(%arg0: i32, %arg1: i32, %arg2: memref<20480x128xf32, #tpu.memory_space<hbm>>, %arg3: memref<20480x32xi32, #tpu.memory_space<hbm>>, %arg4: memref<10240x32xi32, #tpu.memory_space<hbm>>, %arg5: memref<640x128xf32, #tpu.memory_space<hbm>>, %arg6: memref<20480x128xf32, #tpu.memory_space<hbm>>, %arg7: memref<2x8x32xi32, #tpu.memory_space<vmem>>, %arg8: memref<8x32xi32, #tpu.memory_space<vmem>>, %arg9: memref<8x32x128xf32, #tpu.memory_space<vmem>>, %arg10: memref<!tpu.dma_semaphore, #tpu.memory_space<semaphore_mem>>, %arg11: memref<!tpu.dma_semaphore, #tpu.memory_space<semaphore_mem>>, %arg12: memref<!tpu.dma_semaphore, #tpu.memory_space<semaphore_mem>>, %arg13: memref<!tpu.dma_semaphore, #tpu.memory_space<semaphore_mem>>, %arg14: memref<!tpu.dma_semaphore, #tpu.memory_space<semaphore_mem>>, %arg15: memref<!tpu.dma_semaphore, #tpu.memory_space<semaphore_mem>>, %arg16: memref<!tpu.dma_semaphore, #tpu.memory_space<semaphore_mem>>, %arg17: memref<!tpu.dma_semaphore, #tpu.memory_space<semaphore_mem>>, %arg18: memref<!tpu.dma_semaphore, #tpu.memory_space<semaphore_mem>>, %arg19: memref<!tpu.dma_semaphore, #tpu.memory_space<semaphore_mem>>, %arg20: memref<!tpu.dma_semaphore, #tpu.memory_space<semaphore_mem>>, %arg21: memref<!tpu.dma_semaphore, #tpu.memory_space<semaphore_mem>>, %arg22: memref<!tpu.dma_semaphore, #tpu.memory_space<semaphore_mem>>, %arg23: memref<!tpu.dma_semaphore, #tpu.memory_space<semaphore_mem>>, %arg24: memref<!tpu.dma_semaphore, #tpu.memory_space<semaphore_mem>>, %arg25: memref<!tpu.dma_semaphore, #tpu.memory_space<semaphore_mem>>, %arg26: memref<!tpu.dma_semaphore, #tpu.memory_space<semaphore_mem>>, %arg27: memref<!tpu.dma_semaphore, #tpu.memory_space<semaphore_mem>>, %arg28: memref<!tpu.dma_semaphore, #tpu.memory_space<semaphore_mem>>, %arg29: memref<!tpu.dma_semaphore, #tpu.memory_space<semaphore_mem>>, %arg30: memref<!tpu.dma_semaphore, #tpu.memory_space<semaphore_mem>>, %arg31: memref<!tpu.dma_semaphore, #tpu.memory_space<semaphore_mem>>, %arg32: memref<!tpu.dma_semaphore, #tpu.memory_space<semaphore_mem>>, %arg33: memref<!tpu.dma_semaphore, #tpu.memory_space<semaphore_mem>>, %arg34: memref<!tpu.dma_semaphore, #tpu.memory_space<semaphore_mem>>, %arg35: memref<!tpu.dma_semaphore, #tpu.memory_space<semaphore_mem>>, %arg36: memref<10240x128xf32, #tpu.memory_space<vmem_shared>>) attributes {dimension_semantics = [#tpu.dimension_semantics<core_parallel>, #tpu.dimension_semantics<subcore_parallel>], iteration_bounds = array<i64: 2, 16>, scalar_prefetch = 0 : i64, scratch_operands = 30 : i64, tpu.core_type = #tpu.core_type<sc_vector_subcore>, window_params = [{transform_indices = #map}, {transform_indices = #map}, {transform_indices = #map}, {transform_indices = #map}, {transform_indices = #map}]} {
    %mul3A = arith.constant 640 : i32
    %mul3A_0 = arith.muli %arg1, %mul3A : i32
    %mul3A_1 = arith.constant 10240 : i32
    %mul3A_2 = arith.muli %arg0, %mul3A_1 : i32
    %mul3A_3 = arith.constant 640 : i32
    %mul3A_4 = arith.muli %arg1, %mul3A_3 : i32
    %add3A = arith.addi %mul3A_2, %mul3A_4 : i32
    %mul3A_5 = arith.constant 640 : i32
    %mul3A_6 = arith.muli %arg1, %mul3A_5 : i32
    "tpu.region"() ({
      %run_scoped3A_167 = tpu.sem_alloc : memref<!tpu.dma_semaphore, #tpu.memory_space<semaphore_mem>>
      %dma_start3A_168 = arith.constant 0 : i32
      %dma_start3A_169 = tpu.memref_slice %arg36[%mul3A_0, %dma_start3A_168] : memref<10240x128xf32, #tpu.memory_space<vmem_shared>> -> memref<640x128xf32, #tpu.memory_space<vmem_shared>>
      tpu.enqueue_dma source(%arg5 : memref<640x128xf32, #tpu.memory_space<hbm>>) target(%dma_start3A_169 : memref<640x128xf32, #tpu.memory_space<vmem_shared>>) target_semaphore(%run_scoped3A_167 : memref<!tpu.dma_semaphore, #tpu.memory_space<semaphore_mem>>)
      %dma_wait3A_170 = arith.constant 0 : i32
      %dma_wait3A_171 = tpu.memref_slice %arg36[%mul3A_0, %dma_wait3A_170] : memref<10240x128xf32, #tpu.memory_space<vmem_shared>> -> memref<640x128xf32, #tpu.memory_space<vmem_shared>>
      tpu.wait_dma2 semaphore(%run_scoped3A_167 : memref<!tpu.dma_semaphore, #tpu.memory_space<semaphore_mem>>) src(%arg5 : memref<640x128xf32, #tpu.memory_space<hbm>>) dst(%dma_wait3A_171 : memref<640x128xf32, #tpu.memory_space<vmem_shared>>)
      tpu.yield
    }) : () -> ()
    %run_scoped3A = arith.constant 0 : i32
    "tpu.region"() ({
      %run_scoped3A_167 = tpu.sem_alloc : memref<!tpu.dma_semaphore, #tpu.memory_space<semaphore_mem>>
      %dma_start3A_168 = arith.constant 0 : i32
      %dma_start3A_169 = arith.constant 0 : i32
      %dma_start3A_170 = tpu.memref_slice %arg7[%run_scoped3A, %dma_start3A_168, %dma_start3A_169] : memref<2x8x32xi32, #tpu.memory_space<vmem>> -> memref<1x8x32xi32, #tpu.memory_space<vmem>>
      %dma_start3A_171 = tpu.memref_squeeze %dma_start3A_170 : memref<1x8x32xi32, #tpu.memory_space<vmem>> -> memref<8x32xi32, #tpu.memory_space<vmem>>
      %dma_start3A_172 = arith.constant 0 : i32
      %dma_start3A_173 = tpu.memref_slice %arg3[%add3A, %dma_start3A_172] : memref<20480x32xi32, #tpu.memory_space<hbm>> -> memref<8x32xi32, #tpu.memory_space<hbm>>
      %dma_start3A_174 = arith.constant 0 : i32
      %dma_start3A_175 = arith.constant 0 : i32
      %dma_start3A_176 = tpu.memref_slice %arg7[%run_scoped3A, %dma_start3A_174, %dma_start3A_175] : memref<2x8x32xi32, #tpu.memory_space<vmem>> -> memref<1x8x32xi32, #tpu.memory_space<vmem>>
      %dma_start3A_177 = tpu.memref_squeeze %dma_start3A_176 : memref<1x8x32xi32, #tpu.memory_space<vmem>> -> memref<8x32xi32, #tpu.memory_space<vmem>>
      %dma_start3A_178 = arith.constant 0 : i32
      %dma_start3A_179 = tpu.memref_slice %arg3[%add3A, %dma_start3A_178] : memref<20480x32xi32, #tpu.memory_space<hbm>> -> memref<8x32xi32, #tpu.memory_space<hbm>>
      tpu.enqueue_dma source(%dma_start3A_179 : memref<8x32xi32, #tpu.memory_space<hbm>>) target(%dma_start3A_177 : memref<8x32xi32, #tpu.memory_space<vmem>>) target_semaphore(%run_scoped3A_167 : memref<!tpu.dma_semaphore, #tpu.memory_space<semaphore_mem>>)
      %dma_wait3A_180 = arith.constant 0 : i32
      %dma_wait3A_181 = arith.constant 0 : i32
      %dma_wait3A_182 = tpu.memref_slice %arg7[%run_scoped3A, %dma_wait3A_180, %dma_wait3A_181] : memref<2x8x32xi32, #tpu.memory_space<vmem>> -> memref<1x8x32xi32, #tpu.memory_space<vmem>>
      %dma_wait3A_183 = tpu.memref_squeeze %dma_wait3A_182 : memref<1x8x32xi32, #tpu.memory_space<vmem>> -> memref<8x32xi32, #tpu.memory_space<vmem>>
      %dma_wait3A_184 = arith.constant 0 : i32
      %dma_wait3A_185 = tpu.memref_slice %arg3[%add3A, %dma_wait3A_184] : memref<20480x32xi32, #tpu.memory_space<hbm>> -> memref<8x32xi32, #tpu.memory_space<hbm>>
      %dma_wait3A_186 = arith.constant 0 : i32
      %dma_wait3A_187 = arith.constant 0 : i32
      %dma_wait3A_188 = tpu.memref_slice %arg7[%run_scoped3A, %dma_wait3A_186, %dma_wait3A_187] : memref<2x8x32xi32, #tpu.memory_space<vmem>> -> memref<1x8x32xi32, #tpu.memory_space<vmem>>
      %dma_wait3A_189 = tpu.memref_squeeze %dma_wait3A_188 : memref<1x8x32xi32, #tpu.memory_space<vmem>> -> memref<8x32xi32, #tpu.memory_space<vmem>>
      %dma_wait3A_190 = arith.constant 0 : i32
      %dma_wait3A_191 = tpu.memref_slice %arg3[%add3A, %dma_wait3A_190] : memref<20480x32xi32, #tpu.memory_space<hbm>> -> memref<8x32xi32, #tpu.memory_space<hbm>>
      tpu.wait_dma2 semaphore(%run_scoped3A_167 : memref<!tpu.dma_semaphore, #tpu.memory_space<semaphore_mem>>) src(%dma_wait3A_191 : memref<8x32xi32, #tpu.memory_space<hbm>>) dst(%dma_wait3A_189 : memref<8x32xi32, #tpu.memory_space<vmem>>)
      tpu.yield
    }) : () -> ()
    %add3A_7 = arith.constant 8 : i32
    %add3A_8 = arith.addi %add3A, %add3A_7 : i32
    %run_scoped3A_9 = arith.constant 1 : i32
    "tpu.region"() ({
      %run_scoped3A_167 = tpu.sem_alloc : memref<!tpu.dma_semaphore, #tpu.memory_space<semaphore_mem>>
      %dma_start3A_168 = arith.constant 0 : i32
      %dma_start3A_169 = arith.constant 0 : i32
      %dma_start3A_170 = tpu.memref_slice %arg7[%run_scoped3A_9, %dma_start3A_168, %dma_start3A_169] : memref<2x8x32xi32, #tpu.memory_space<vmem>> -> memref<1x8x32xi32, #tpu.memory_space<vmem>>
      %dma_start3A_171 = tpu.memref_squeeze %dma_start3A_170 : memref<1x8x32xi32, #tpu.memory_space<vmem>> -> memref<8x32xi32, #tpu.memory_space<vmem>>
      %dma_start3A_172 = arith.constant 0 : i32
      %dma_start3A_173 = tpu.memref_slice %arg3[%add3A_8, %dma_start3A_172] : memref<20480x32xi32, #tpu.memory_space<hbm>> -> memref<8x32xi32, #tpu.memory_space<hbm>>
      %dma_start3A_174 = arith.constant 0 : i32
      %dma_start3A_175 = arith.constant 0 : i32
      %dma_start3A_176 = tpu.memref_slice %arg7[%run_scoped3A_9, %dma_start3A_174, %dma_start3A_175] : memref<2x8x32xi32, #tpu.memory_space<vmem>> -> memref<1x8x32xi32, #tpu.memory_space<vmem>>
      %dma_start3A_177 = tpu.memref_squeeze %dma_start3A_176 : memref<1x8x32xi32, #tpu.memory_space<vmem>> -> memref<8x32xi32, #tpu.memory_space<vmem>>
      %dma_start3A_178 = arith.constant 0 : i32
      %dma_start3A_179 = tpu.memref_slice %arg3[%add3A_8, %dma_start3A_178] : memref<20480x32xi32, #tpu.memory_space<hbm>> -> memref<8x32xi32, #tpu.memory_space<hbm>>
      tpu.enqueue_dma source(%dma_start3A_179 : memref<8x32xi32, #tpu.memory_space<hbm>>) target(%dma_start3A_177 : memref<8x32xi32, #tpu.memory_space<vmem>>) target_semaphore(%run_scoped3A_167 : memref<!tpu.dma_semaphore, #tpu.memory_space<semaphore_mem>>)
      %dma_wait3A_180 = arith.constant 0 : i32
      %dma_wait3A_181 = arith.constant 0 : i32
      %dma_wait3A_182 = tpu.memref_slice %arg7[%run_scoped3A_9, %dma_wait3A_180, %dma_wait3A_181] : memref<2x8x32xi32, #tpu.memory_space<vmem>> -> memref<1x8x32xi32, #tpu.memory_space<vmem>>
      %dma_wait3A_183 = tpu.memref_squeeze %dma_wait3A_182 : memref<1x8x32xi32, #tpu.memory_space<vmem>> -> memref<8x32xi32, #tpu.memory_space<vmem>>
      %dma_wait3A_184 = arith.constant 0 : i32
      %dma_wait3A_185 = tpu.memref_slice %arg3[%add3A_8, %dma_wait3A_184] : memref<20480x32xi32, #tpu.memory_space<hbm>> -> memref<8x32xi32, #tpu.memory_space<hbm>>
      %dma_wait3A_186 = arith.constant 0 : i32
      %dma_wait3A_187 = arith.constant 0 : i32
      %dma_wait3A_188 = tpu.memref_slice %arg7[%run_scoped3A_9, %dma_wait3A_186, %dma_wait3A_187] : memref<2x8x32xi32, #tpu.memory_space<vmem>> -> memref<1x8x32xi32, #tpu.memory_space<vmem>>
      %dma_wait3A_189 = tpu.memref_squeeze %dma_wait3A_188 : memref<1x8x32xi32, #tpu.memory_space<vmem>> -> memref<8x32xi32, #tpu.memory_space<vmem>>
      %dma_wait3A_190 = arith.constant 0 : i32
      %dma_wait3A_191 = tpu.memref_slice %arg3[%add3A_8, %dma_wait3A_190] : memref<20480x32xi32, #tpu.memory_space<hbm>> -> memref<8x32xi32, #tpu.memory_space<hbm>>
      tpu.wait_dma2 semaphore(%run_scoped3A_167 : memref<!tpu.dma_semaphore, #tpu.memory_space<semaphore_mem>>) src(%dma_wait3A_191 : memref<8x32xi32, #tpu.memory_space<hbm>>) dst(%dma_wait3A_189 : memref<8x32xi32, #tpu.memory_space<vmem>>)
      tpu.yield
    }) : () -> ()
    %barrier3A = arith.constant 0 : index
    tpu.barrier barrier_id(%barrier3A)
    %dma_start3A = arith.constant 0 : i32
    %dma_start3A_10 = arith.constant 0 : i32
    %dma_start3A_11 = arith.constant 0 : i32
    %dma_start3A_12 = arith.constant 0 : i32
    %dma_start3A_13 = arith.constant 0 : i32
    %dma_start3A_14 = tpu.memref_slice %arg9[%dma_start3A_11, %dma_start3A_12, %dma_start3A_13] : memref<8x32x128xf32, #tpu.memory_space<vmem>> -> memref<1x32x128xf32, #tpu.memory_space<vmem>>
    %dma_start3A_15 = tpu.memref_squeeze %dma_start3A_14 : memref<1x32x128xf32, #tpu.memory_space<vmem>> -> memref<32x128xf32, #tpu.memory_space<vmem>>
    %dma_start3A_16 = arith.constant 0 : i32
    %dma_start3A_17 = tpu.memref_slice %arg7[%dma_start3A, %dma_start3A_10, %dma_start3A_16] : memref<2x8x32xi32, #tpu.memory_space<vmem>> -> memref<1x1x32xi32, #tpu.memory_space<vmem>>
    %dma_start3A_18 = tpu.memref_squeeze %dma_start3A_17 : memref<1x1x32xi32, #tpu.memory_space<vmem>> -> memref<32xi32, #tpu.memory_space<vmem>>
    %dma_start3A_19 = arith.constant 0 : i32
    %dma_start3A_20 = arith.constant 0 : i32
    %dma_start3A_21 = tpu.memref_slice %arg2[%dma_start3A_19, %dma_start3A_20] : memref<20480x128xf32, #tpu.memory_space<hbm>> -> memref<20480x128xf32, #tpu.memory_space<hbm>>
    tpu.enqueue_indirect_dma source(%dma_start3A_21 : memref<20480x128xf32, #tpu.memory_space<hbm>>) target(%dma_start3A_15 : memref<32x128xf32, #tpu.memory_space<vmem>>) offsets(%dma_start3A_18 : memref<32xi32, #tpu.memory_space<vmem>>) semaphore(%arg10 : memref<!tpu.dma_semaphore, #tpu.memory_space<semaphore_mem>>)
    %add3A_22 = arith.constant 0 : i32
    %add3A_23 = arith.addi %mul3A_6, %add3A_22 : i32
    %dma_start3A_24 = arith.constant 0 : i32
    %dma_start3A_25 = arith.constant 0 : i32
    %dma_start3A_26 = tpu.memref_slice %arg8[%dma_start3A_24, %dma_start3A_25] : memref<8x32xi32, #tpu.memory_space<vmem>> -> memref<1x32xi32, #tpu.memory_space<vmem>>
    %dma_start3A_27 = arith.constant 0 : i32
    %dma_start3A_28 = tpu.memref_slice %arg4[%add3A_23, %dma_start3A_27] : memref<10240x32xi32, #tpu.memory_space<hbm>> -> memref<1x32xi32, #tpu.memory_space<hbm>>
    %dma_start3A_29 = arith.constant 0 : i32
    %dma_start3A_30 = arith.constant 0 : i32
    %dma_start3A_31 = tpu.memref_slice %arg8[%dma_start3A_29, %dma_start3A_30] : memref<8x32xi32, #tpu.memory_space<vmem>> -> memref<1x32xi32, #tpu.memory_space<vmem>>
    %dma_start3A_32 = arith.constant 0 : i32
    %dma_start3A_33 = tpu.memref_slice %arg4[%add3A_23, %dma_start3A_32] : memref<10240x32xi32, #tpu.memory_space<hbm>> -> memref<1x32xi32, #tpu.memory_space<hbm>>
    tpu.enqueue_dma source(%dma_start3A_33 : memref<1x32xi32, #tpu.memory_space<hbm>>) target(%dma_start3A_31 : memref<1x32xi32, #tpu.memory_space<vmem>>) target_semaphore(%arg26 : memref<!tpu.dma_semaphore, #tpu.memory_space<semaphore_mem>>)
    %dma_start3A_34 = arith.constant 0 : i32
    %dma_start3A_35 = arith.constant 1 : i32
    %dma_start3A_36 = arith.constant 1 : i32
    %dma_start3A_37 = arith.constant 0 : i32
    %dma_start3A_38 = arith.constant 0 : i32
    %dma_start3A_39 = tpu.memref_slice %arg9[%dma_start3A_36, %dma_start3A_37, %dma_start3A_38] : memref<8x32x128xf32, #tpu.memory_space<vmem>> -> memref<1x32x128xf32, #tpu.memory_space<vmem>>
    %dma_start3A_40 = tpu.memref_squeeze %dma_start3A_39 : memref<1x32x128xf32, #tpu.memory_space<vmem>> -> memref<32x128xf32, #tpu.memory_space<vmem>>
    %dma_start3A_41 = arith.constant 0 : i32
    %dma_start3A_42 = tpu.memref_slice %arg7[%dma_start3A_34, %dma_start3A_35, %dma_start3A_41] : memref<2x8x32xi32, #tpu.memory_space<vmem>> -> memref<1x1x32xi32, #tpu.memory_space<vmem>>
    %dma_start3A_43 = tpu.memref_squeeze %dma_start3A_42 : memref<1x1x32xi32, #tpu.memory_space<vmem>> -> memref<32xi32, #tpu.memory_space<vmem>>
    %dma_start3A_44 = arith.constant 0 : i32
    %dma_start3A_45 = arith.constant 0 : i32
    %dma_start3A_46 = tpu.memref_slice %arg2[%dma_start3A_44, %dma_start3A_45] : memref<20480x128xf32, #tpu.memory_space<hbm>> -> memref<20480x128xf32, #tpu.memory_space<hbm>>
    tpu.enqueue_indirect_dma source(%dma_start3A_46 : memref<20480x128xf32, #tpu.memory_space<hbm>>) target(%dma_start3A_40 : memref<32x128xf32, #tpu.memory_space<vmem>>) offsets(%dma_start3A_43 : memref<32xi32, #tpu.memory_space<vmem>>) semaphore(%arg11 : memref<!tpu.dma_semaphore, #tpu.memory_space<semaphore_mem>>)
    %add3A_47 = arith.constant 1 : i32
    %add3A_48 = arith.addi %mul3A_6, %add3A_47 : i32
    %dma_start3A_49 = arith.constant 1 : i32
    %dma_start3A_50 = arith.constant 0 : i32
    %dma_start3A_51 = tpu.memref_slice %arg8[%dma_start3A_49, %dma_start3A_50] : memref<8x32xi32, #tpu.memory_space<vmem>> -> memref<1x32xi32, #tpu.memory_space<vmem>>
    %dma_start3A_52 = arith.constant 0 : i32
    %dma_start3A_53 = tpu.memref_slice %arg4[%add3A_48, %dma_start3A_52] : memref<10240x32xi32, #tpu.memory_space<hbm>> -> memref<1x32xi32, #tpu.memory_space<hbm>>
    %dma_start3A_54 = arith.constant 1 : i32
    %dma_start3A_55 = arith.constant 0 : i32
    %dma_start3A_56 = tpu.memref_slice %arg8[%dma_start3A_54, %dma_start3A_55] : memref<8x32xi32, #tpu.memory_space<vmem>> -> memref<1x32xi32, #tpu.memory_space<vmem>>
    %dma_start3A_57 = arith.constant 0 : i32
    %dma_start3A_58 = tpu.memref_slice %arg4[%add3A_48, %dma_start3A_57] : memref<10240x32xi32, #tpu.memory_space<hbm>> -> memref<1x32xi32, #tpu.memory_space<hbm>>
    tpu.enqueue_dma source(%dma_start3A_58 : memref<1x32xi32, #tpu.memory_space<hbm>>) target(%dma_start3A_56 : memref<1x32xi32, #tpu.memory_space<vmem>>) target_semaphore(%arg27 : memref<!tpu.dma_semaphore, #tpu.memory_space<semaphore_mem>>)
    %dma_start3A_59 = arith.constant 0 : i32
    %dma_start3A_60 = arith.constant 2 : i32
    %dma_start3A_61 = arith.constant 2 : i32
    %dma_start3A_62 = arith.constant 0 : i32
    %dma_start3A_63 = arith.constant 0 : i32
    %dma_start3A_64 = tpu.memref_slice %arg9[%dma_start3A_61, %dma_start3A_62, %dma_start3A_63] : memref<8x32x128xf32, #tpu.memory_space<vmem>> -> memref<1x32x128xf32, #tpu.memory_space<vmem>>
    %dma_start3A_65 = tpu.memref_squeeze %dma_start3A_64 : memref<1x32x128xf32, #tpu.memory_space<vmem>> -> memref<32x128xf32, #tpu.memory_space<vmem>>
    %dma_start3A_66 = arith.constant 0 : i32
    %dma_start3A_67 = tpu.memref_slice %arg7[%dma_start3A_59, %dma_start3A_60, %dma_start3A_66] : memref<2x8x32xi32, #tpu.memory_space<vmem>> -> memref<1x1x32xi32, #tpu.memory_space<vmem>>
    %dma_start3A_68 = tpu.memref_squeeze %dma_start3A_67 : memref<1x1x32xi32, #tpu.memory_space<vmem>> -> memref<32xi32, #tpu.memory_space<vmem>>
    %dma_start3A_69 = arith.constant 0 : i32
    %dma_start3A_70 = arith.constant 0 : i32
    %dma_start3A_71 = tpu.memref_slice %arg2[%dma_start3A_69, %dma_start3A_70] : memref<20480x128xf32, #tpu.memory_space<hbm>> -> memref<20480x128xf32, #tpu.memory_space<hbm>>
    tpu.enqueue_indirect_dma source(%dma_start3A_71 : memref<20480x128xf32, #tpu.memory_space<hbm>>) target(%dma_start3A_65 : memref<32x128xf32, #tpu.memory_space<vmem>>) offsets(%dma_start3A_68 : memref<32xi32, #tpu.memory_space<vmem>>) semaphore(%arg12 : memref<!tpu.dma_semaphore, #tpu.memory_space<semaphore_mem>>)
    %add3A_72 = arith.constant 2 : i32
    %add3A_73 = arith.addi %mul3A_6, %add3A_72 : i32
    %dma_start3A_74 = arith.constant 2 : i32
    %dma_start3A_75 = arith.constant 0 : i32
    %dma_start3A_76 = tpu.memref_slice %arg8[%dma_start3A_74, %dma_start3A_75] : memref<8x32xi32, #tpu.memory_space<vmem>> -> memref<1x32xi32, #tpu.memory_space<vmem>>
    %dma_start3A_77 = arith.constant 0 : i32
    %dma_start3A_78 = tpu.memref_slice %arg4[%add3A_73, %dma_start3A_77] : memref<10240x32xi32, #tpu.memory_space<hbm>> -> memref<1x32xi32, #tpu.memory_space<hbm>>
    %dma_start3A_79 = arith.constant 2 : i32
    %dma_start3A_80 = arith.constant 0 : i32
    %dma_start3A_81 = tpu.memref_slice %arg8[%dma_start3A_79, %dma_start3A_80] : memref<8x32xi32, #tpu.memory_space<vmem>> -> memref<1x32xi32, #tpu.memory_space<vmem>>
    %dma_start3A_82 = arith.constant 0 : i32
    %dma_start3A_83 = tpu.memref_slice %arg4[%add3A_73, %dma_start3A_82] : memref<10240x32xi32, #tpu.memory_space<hbm>> -> memref<1x32xi32, #tpu.memory_space<hbm>>
    tpu.enqueue_dma source(%dma_start3A_83 : memref<1x32xi32, #tpu.memory_space<hbm>>) target(%dma_start3A_81 : memref<1x32xi32, #tpu.memory_space<vmem>>) target_semaphore(%arg28 : memref<!tpu.dma_semaphore, #tpu.memory_space<semaphore_mem>>)
    %dma_start3A_84 = arith.constant 0 : i32
    %dma_start3A_85 = arith.constant 3 : i32
    %dma_start3A_86 = arith.constant 3 : i32
    %dma_start3A_87 = arith.constant 0 : i32
    %dma_start3A_88 = arith.constant 0 : i32
    %dma_start3A_89 = tpu.memref_slice %arg9[%dma_start3A_86, %dma_start3A_87, %dma_start3A_88] : memref<8x32x128xf32, #tpu.memory_space<vmem>> -> memref<1x32x128xf32, #tpu.memory_space<vmem>>
    %dma_start3A_90 = tpu.memref_squeeze %dma_start3A_89 : memref<1x32x128xf32, #tpu.memory_space<vmem>> -> memref<32x128xf32, #tpu.memory_space<vmem>>
    %dma_start3A_91 = arith.constant 0 : i32
    %dma_start3A_92 = tpu.memref_slice %arg7[%dma_start3A_84, %dma_start3A_85, %dma_start3A_91] : memref<2x8x32xi32, #tpu.memory_space<vmem>> -> memref<1x1x32xi32, #tpu.memory_space<vmem>>
    %dma_start3A_93 = tpu.memref_squeeze %dma_start3A_92 : memref<1x1x32xi32, #tpu.memory_space<vmem>> -> memref<32xi32, #tpu.memory_space<vmem>>
    %dma_start3A_94 = arith.constant 0 : i32
    %dma_start3A_95 = arith.constant 0 : i32
    %dma_start3A_96 = tpu.memref_slice %arg2[%dma_start3A_94, %dma_start3A_95] : memref<20480x128xf32, #tpu.memory_space<hbm>> -> memref<20480x128xf32, #tpu.memory_space<hbm>>
    tpu.enqueue_indirect_dma source(%dma_start3A_96 : memref<20480x128xf32, #tpu.memory_space<hbm>>) target(%dma_start3A_90 : memref<32x128xf32, #tpu.memory_space<vmem>>) offsets(%dma_start3A_93 : memref<32xi32, #tpu.memory_space<vmem>>) semaphore(%arg13 : memref<!tpu.dma_semaphore, #tpu.memory_space<semaphore_mem>>)
    %add3A_97 = arith.constant 3 : i32
    %add3A_98 = arith.addi %mul3A_6, %add3A_97 : i32
    %dma_start3A_99 = arith.constant 3 : i32
    %dma_start3A_100 = arith.constant 0 : i32
    %dma_start3A_101 = tpu.memref_slice %arg8[%dma_start3A_99, %dma_start3A_100] : memref<8x32xi32, #tpu.memory_space<vmem>> -> memref<1x32xi32, #tpu.memory_space<vmem>>
    %dma_start3A_102 = arith.constant 0 : i32
    %dma_start3A_103 = tpu.memref_slice %arg4[%add3A_98, %dma_start3A_102] : memref<10240x32xi32, #tpu.memory_space<hbm>> -> memref<1x32xi32, #tpu.memory_space<hbm>>
    %dma_start3A_104 = arith.constant 3 : i32
    %dma_start3A_105 = arith.constant 0 : i32
    %dma_start3A_106 = tpu.memref_slice %arg8[%dma_start3A_104, %dma_start3A_105] : memref<8x32xi32, #tpu.memory_space<vmem>> -> memref<1x32xi32, #tpu.memory_space<vmem>>
    %dma_start3A_107 = arith.constant 0 : i32
    %dma_start3A_108 = tpu.memref_slice %arg4[%add3A_98, %dma_start3A_107] : memref<10240x32xi32, #tpu.memory_space<hbm>> -> memref<1x32xi32, #tpu.memory_space<hbm>>
    tpu.enqueue_dma source(%dma_start3A_108 : memref<1x32xi32, #tpu.memory_space<hbm>>) target(%dma_start3A_106 : memref<1x32xi32, #tpu.memory_space<vmem>>) target_semaphore(%arg29 : memref<!tpu.dma_semaphore, #tpu.memory_space<semaphore_mem>>)
    %scan3A = arith.constant 0 : i32
    %scan3A_109 = arith.constant 0 : i32
    %scan3A_110 = arith.constant 40 : i32
    %scan3A_111 = arith.addi %scan3A_109, %scan3A_110 : i32
    %scan3A_112 = arith.constant 1 : i32
    scf.for %scan3A_167 = %scan3A_109 to %scan3A_111 step %scan3A_112  : i32 {
      %mul3A_168 = arith.constant 2 : i32
      %mul3A_169 = arith.muli %mul3A_168, %scan3A_167 : i32
      %mul3A_170 = arith.constant 8 : i32
      %mul3A_171 = arith.muli %mul3A_169, %mul3A_170 : i32
      %add3A_172 = arith.constant 0 : i32
      %add3A_173 = arith.addi %mul3A_171, %add3A_172 : i32
      %ge3A = arith.constant 1 : i32
      %ge3A_174 = arith.cmpi sge, %mul3A_169, %ge3A : i32
      %add3A_175 = arith.constant 1 : i32
      %add3A_176 = arith.addi %mul3A_169, %add3A_175 : i32
      %lt3A = arith.constant 80 : i32
      %lt3A_177 = arith.cmpi slt, %add3A_176, %lt3A : i32
      %and3A = arith.andi %ge3A_174, %lt3A_177 : i1
      %convert_element_type3A = arith.extui %and3A : i1 to i32
      %cond3A = arith.constant 0 : i32
      %cond3A_178 = arith.cmpi ne, %convert_element_type3A, %cond3A : i32
      scf.if %cond3A_178 {
        %add3A_1057 = arith.constant 1 : i32
        %add3A_1058 = arith.addi %mul3A_169, %add3A_1057 : i32
        %mul3A_1059 = arith.constant 8 : i32
        %mul3A_1060 = arith.muli %add3A_1058, %mul3A_1059 : i32
        %add3A_1061 = arith.addi %add3A, %mul3A_1060 : i32
        %dma_start3A_1062 = arith.constant 1 : i32
        %dma_start3A_1063 = arith.constant 0 : i32
        %dma_start3A_1064 = arith.constant 0 : i32
        %dma_start3A_1065 = tpu.memref_slice %arg7[%dma_start3A_1062, %dma_start3A_1063, %dma_start3A_1064] : memref<2x8x32xi32, #tpu.memory_space<vmem>> -> memref<1x8x32xi32, #tpu.memory_space<vmem>>
        %dma_start3A_1066 = tpu.memref_squeeze %dma_start3A_1065 : memref<1x8x32xi32, #tpu.memory_space<vmem>> -> memref<8x32xi32, #tpu.memory_space<vmem>>
        %dma_start3A_1067 = arith.constant 0 : i32
        %dma_start3A_1068 = tpu.memref_slice %arg3[%add3A_1061, %dma_start3A_1067] : memref<20480x32xi32, #tpu.memory_space<hbm>> -> memref<8x32xi32, #tpu.memory_space<hbm>>
        %dma_start3A_1069 = arith.constant 0 : i32
        %dma_start3A_1070 = arith.constant 0 : i32
        %dma_start3A_1071 = tpu.memref_slice %arg7[%dma_start3A_1062, %dma_start3A_1069, %dma_start3A_1070] : memref<2x8x32xi32, #tpu.memory_space<vmem>> -> memref<1x8x32xi32, #tpu.memory_space<vmem>>
        %dma_start3A_1072 = tpu.memref_squeeze %dma_start3A_1071 : memref<1x8x32xi32, #tpu.memory_space<vmem>> -> memref<8x32xi32, #tpu.memory_space<vmem>>
        %dma_start3A_1073 = arith.constant 0 : i32
        %dma_start3A_1074 = tpu.memref_slice %arg3[%add3A_1061, %dma_start3A_1073] : memref<20480x32xi32, #tpu.memory_space<hbm>> -> memref<8x32xi32, #tpu.memory_space<hbm>>
        tpu.enqueue_dma source(%dma_start3A_1074 : memref<8x32xi32, #tpu.memory_space<hbm>>) target(%dma_start3A_1072 : memref<8x32xi32, #tpu.memory_space<vmem>>) target_semaphore(%arg35 : memref<!tpu.dma_semaphore, #tpu.memory_space<semaphore_mem>>)
      } else {
      }
      %dma_wait3A_179 = arith.constant 0 : i32
      %dma_wait3A_180 = arith.constant 0 : i32
      %dma_wait3A_181 = arith.constant 0 : i32
      %dma_wait3A_182 = arith.constant 0 : i32
      %dma_wait3A_183 = arith.constant 0 : i32
      %dma_wait3A_184 = tpu.memref_slice %arg9[%dma_wait3A_181, %dma_wait3A_182, %dma_wait3A_183] : memref<8x32x128xf32, #tpu.memory_space<vmem>> -> memref<1x32x128xf32, #tpu.memory_space<vmem>>
      %dma_wait3A_185 = tpu.memref_squeeze %dma_wait3A_184 : memref<1x32x128xf32, #tpu.memory_space<vmem>> -> memref<32x128xf32, #tpu.memory_space<vmem>>
      %dma_wait3A_186 = arith.constant 0 : i32
      %dma_wait3A_187 = tpu.memref_slice %arg7[%dma_wait3A_179, %dma_wait3A_180, %dma_wait3A_186] : memref<2x8x32xi32, #tpu.memory_space<vmem>> -> memref<1x1x32xi32, #tpu.memory_space<vmem>>
      %dma_wait3A_188 = tpu.memref_squeeze %dma_wait3A_187 : memref<1x1x32xi32, #tpu.memory_space<vmem>> -> memref<32xi32, #tpu.memory_space<vmem>>
      %dma_wait3A_189 = arith.constant 0 : i32
      %dma_wait3A_190 = arith.constant 0 : i32
      %dma_wait3A_191 = tpu.memref_slice %arg2[%dma_wait3A_189, %dma_wait3A_190] : memref<20480x128xf32, #tpu.memory_space<hbm>> -> memref<20480x128xf32, #tpu.memory_space<hbm>>
      tpu.wait_indirect_dma semaphore(%arg10 : memref<!tpu.dma_semaphore, #tpu.memory_space<semaphore_mem>>) src(%dma_wait3A_191 : memref<20480x128xf32, #tpu.memory_space<hbm>>) dst(%dma_wait3A_185 : memref<32x128xf32, #tpu.memory_space<vmem>>)
      %dma_wait3A_192 = arith.constant 0 : i32
      %dma_wait3A_193 = arith.constant 0 : i32
      %dma_wait3A_194 = tpu.memref_slice %arg8[%dma_wait3A_192, %dma_wait3A_193] : memref<8x32xi32, #tpu.memory_space<vmem>> -> memref<1x32xi32, #tpu.memory_space<vmem>>
      %dma_wait3A_195 = arith.constant 0 : i32
      %dma_wait3A_196 = arith.constant 0 : i32
      %dma_wait3A_197 = tpu.memref_slice %arg4[%dma_wait3A_195, %dma_wait3A_196] : memref<10240x32xi32, #tpu.memory_space<hbm>> -> memref<1x32xi32, #tpu.memory_space<hbm>>
      %dma_wait3A_198 = arith.constant 0 : i32
      %dma_wait3A_199 = arith.constant 0 : i32
      %dma_wait3A_200 = tpu.memref_slice %arg8[%dma_wait3A_198, %dma_wait3A_199] : memref<8x32xi32, #tpu.memory_space<vmem>> -> memref<1x32xi32, #tpu.memory_space<vmem>>
      %dma_wait3A_201 = arith.constant 0 : i32
      %dma_wait3A_202 = arith.constant 0 : i32
      %dma_wait3A_203 = tpu.memref_slice %arg4[%dma_wait3A_201, %dma_wait3A_202] : memref<10240x32xi32, #tpu.memory_space<hbm>> -> memref<1x32xi32, #tpu.memory_space<hbm>>
      tpu.wait_dma2 semaphore(%arg26 : memref<!tpu.dma_semaphore, #tpu.memory_space<semaphore_mem>>) src(%dma_wait3A_203 : memref<1x32xi32, #tpu.memory_space<hbm>>) dst(%dma_wait3A_200 : memref<1x32xi32, #tpu.memory_space<vmem>>)
      %dma_start3A_204 = arith.constant 0 : i32
      %dma_start3A_205 = arith.constant 0 : i32
      %dma_start3A_206 = arith.constant 0 : i32
      %dma_start3A_207 = arith.constant 0 : i32
      %dma_start3A_208 = tpu.memref_slice %arg9[%dma_start3A_204, %dma_start3A_206, %dma_start3A_207] : memref<8x32x128xf32, #tpu.memory_space<vmem>> -> memref<1x32x128xf32, #tpu.memory_space<vmem>>
      %dma_start3A_209 = tpu.memref_squeeze %dma_start3A_208 : memref<1x32x128xf32, #tpu.memory_space<vmem>> -> memref<32x128xf32, #tpu.memory_space<vmem>>
      %dma_start3A_210 = arith.constant 0 : i32
      %dma_start3A_211 = tpu.memref_slice %arg8[%dma_start3A_205, %dma_start3A_210] : memref<8x32xi32, #tpu.memory_space<vmem>> -> memref<1x32xi32, #tpu.memory_space<vmem>>
      %dma_start3A_212 = tpu.memref_squeeze %dma_start3A_211 : memref<1x32xi32, #tpu.memory_space<vmem>> -> memref<32xi32, #tpu.memory_space<vmem>>
      %dma_start3A_213 = arith.constant 0 : i32
      %dma_start3A_214 = arith.constant 0 : i32
      %dma_start3A_215 = tpu.memref_slice %arg36[%dma_start3A_213, %dma_start3A_214] : memref<10240x128xf32, #tpu.memory_space<vmem_shared>> -> memref<10240x128xf32, #tpu.memory_space<vmem_shared>>
      tpu.enqueue_indirect_dma source(%dma_start3A_209 : memref<32x128xf32, #tpu.memory_space<vmem>>) target(%dma_start3A_215 : memref<10240x128xf32, #tpu.memory_space<vmem_shared>>) offsets(%dma_start3A_212 : memref<32xi32, #tpu.memory_space<vmem>>) semaphore(%arg18 : memref<!tpu.dma_semaphore, #tpu.memory_space<semaphore_mem>>) {add = true}
      %ge3A_216 = arith.constant 4 : i32
      %ge3A_217 = arith.cmpi sge, %add3A_173, %ge3A_216 : i32
      %convert_element_type3A_218 = arith.extui %ge3A_217 : i1 to i32
      %cond3A_219 = arith.constant 0 : i32
      %cond3A_220 = arith.cmpi ne, %convert_element_type3A_218, %cond3A_219 : i32
      scf.if %cond3A_220 {
        %dma_wait3A_1057 = arith.constant 4 : i32
        %dma_wait3A_1058 = arith.constant 0 : i32
        %dma_wait3A_1059 = arith.constant 0 : i32
        %dma_wait3A_1060 = arith.constant 0 : i32
        %dma_wait3A_1061 = tpu.memref_slice %arg9[%dma_wait3A_1057, %dma_wait3A_1059, %dma_wait3A_1060] : memref<8x32x128xf32, #tpu.memory_space<vmem>> -> memref<1x32x128xf32, #tpu.memory_space<vmem>>
        %dma_wait3A_1062 = tpu.memref_squeeze %dma_wait3A_1061 : memref<1x32x128xf32, #tpu.memory_space<vmem>> -> memref<32x128xf32, #tpu.memory_space<vmem>>
        %dma_wait3A_1063 = arith.constant 0 : i32
        %dma_wait3A_1064 = tpu.memref_slice %arg8[%dma_wait3A_1058, %dma_wait3A_1063] : memref<8x32xi32, #tpu.memory_space<vmem>> -> memref<1x32xi32, #tpu.memory_space<vmem>>
        %dma_wait3A_1065 = tpu.memref_squeeze %dma_wait3A_1064 : memref<1x32xi32, #tpu.memory_space<vmem>> -> memref<32xi32, #tpu.memory_space<vmem>>
        %dma_wait3A_1066 = arith.constant 0 : i32
        %dma_wait3A_1067 = arith.constant 0 : i32
        %dma_wait3A_1068 = tpu.memref_slice %arg36[%dma_wait3A_1066, %dma_wait3A_1067] : memref<10240x128xf32, #tpu.memory_space<vmem_shared>> -> memref<10240x128xf32, #tpu.memory_space<vmem_shared>>
        tpu.wait_indirect_dma semaphore(%arg22 : memref<!tpu.dma_semaphore, #tpu.memory_space<semaphore_mem>>) src(%dma_wait3A_1062 : memref<32x128xf32, #tpu.memory_space<vmem>>) dst(%dma_wait3A_1068 : memref<10240x128xf32, #tpu.memory_space<vmem_shared>>)
      } else {
      }
      %add3A_221 = arith.constant 4 : i32
      %add3A_222 = arith.addi %add3A_173, %add3A_221 : i32
      %lt3A_223 = arith.constant 640 : i32
      %lt3A_224 = arith.cmpi slt, %add3A_222, %lt3A_223 : i32
      %convert_element_type3A_225 = arith.extui %lt3A_224 : i1 to i32
      %cond3A_226 = arith.constant 0 : i32
      %cond3A_227 = arith.cmpi ne, %convert_element_type3A_225, %cond3A_226 : i32
      scf.if %cond3A_227 {
        %dma_start3A_1057 = arith.constant 0 : i32
        %dma_start3A_1058 = arith.constant 4 : i32
        %dma_start3A_1059 = arith.constant 4 : i32
        %dma_start3A_1060 = arith.constant 0 : i32
        %dma_start3A_1061 = arith.constant 0 : i32
        %dma_start3A_1062 = tpu.memref_slice %arg9[%dma_start3A_1059, %dma_start3A_1060, %dma_start3A_1061] : memref<8x32x128xf32, #tpu.memory_space<vmem>> -> memref<1x32x128xf32, #tpu.memory_space<vmem>>
        %dma_start3A_1063 = tpu.memref_squeeze %dma_start3A_1062 : memref<1x32x128xf32, #tpu.memory_space<vmem>> -> memref<32x128xf32, #tpu.memory_space<vmem>>
        %dma_start3A_1064 = arith.constant 0 : i32
        %dma_start3A_1065 = tpu.memref_slice %arg7[%dma_start3A_1057, %dma_start3A_1058, %dma_start3A_1064] : memref<2x8x32xi32, #tpu.memory_space<vmem>> -> memref<1x1x32xi32, #tpu.memory_space<vmem>>
        %dma_start3A_1066 = tpu.memref_squeeze %dma_start3A_1065 : memref<1x1x32xi32, #tpu.memory_space<vmem>> -> memref<32xi32, #tpu.memory_space<vmem>>
        %dma_start3A_1067 = arith.constant 0 : i32
        %dma_start3A_1068 = arith.constant 0 : i32
        %dma_start3A_1069 = tpu.memref_slice %arg2[%dma_start3A_1067, %dma_start3A_1068] : memref<20480x128xf32, #tpu.memory_space<hbm>> -> memref<20480x128xf32, #tpu.memory_space<hbm>>
        tpu.enqueue_indirect_dma source(%dma_start3A_1069 : memref<20480x128xf32, #tpu.memory_space<hbm>>) target(%dma_start3A_1063 : memref<32x128xf32, #tpu.memory_space<vmem>>) offsets(%dma_start3A_1066 : memref<32xi32, #tpu.memory_space<vmem>>) semaphore(%arg14 : memref<!tpu.dma_semaphore, #tpu.memory_space<semaphore_mem>>)
        %add3A_1070 = arith.addi %mul3A_6, %add3A_173 : i32
        %add3A_1071 = arith.constant 4 : i32
        %add3A_1072 = arith.addi %add3A_1070, %add3A_1071 : i32
        %dma_start3A_1073 = arith.constant 4 : i32
        %dma_start3A_1074 = arith.constant 0 : i32
        %dma_start3A_1075 = tpu.memref_slice %arg8[%dma_start3A_1073, %dma_start3A_1074] : memref<8x32xi32, #tpu.memory_space<vmem>> -> memref<1x32xi32, #tpu.memory_space<vmem>>
        %dma_start3A_1076 = arith.constant 0 : i32
        %dma_start3A_1077 = tpu.memref_slice %arg4[%add3A_1072, %dma_start3A_1076] : memref<10240x32xi32, #tpu.memory_space<hbm>> -> memref<1x32xi32, #tpu.memory_space<hbm>>
        %dma_start3A_1078 = arith.constant 4 : i32
        %dma_start3A_1079 = arith.constant 0 : i32
        %dma_start3A_1080 = tpu.memref_slice %arg8[%dma_start3A_1078, %dma_start3A_1079] : memref<8x32xi32, #tpu.memory_space<vmem>> -> memref<1x32xi32, #tpu.memory_space<vmem>>
        %dma_start3A_1081 = arith.constant 0 : i32
        %dma_start3A_1082 = tpu.memref_slice %arg4[%add3A_1072, %dma_start3A_1081] : memref<10240x32xi32, #tpu.memory_space<hbm>> -> memref<1x32xi32, #tpu.memory_space<hbm>>
        tpu.enqueue_dma source(%dma_start3A_1082 : memref<1x32xi32, #tpu.memory_space<hbm>>) target(%dma_start3A_1080 : memref<1x32xi32, #tpu.memory_space<vmem>>) target_semaphore(%arg30 : memref<!tpu.dma_semaphore, #tpu.memory_space<semaphore_mem>>)
      } else {
      }
      %mul3A_228 = arith.constant 8 : i32
      %mul3A_229 = arith.muli %mul3A_169, %mul3A_228 : i32
      %add3A_230 = arith.constant 1 : i32
      %add3A_231 = arith.addi %mul3A_229, %add3A_230 : i32
      %dma_wait3A_232 = arith.constant 0 : i32
      %dma_wait3A_233 = arith.constant 0 : i32
      %dma_wait3A_234 = arith.constant 1 : i32
      %dma_wait3A_235 = arith.constant 0 : i32
      %dma_wait3A_236 = arith.constant 0 : i32
      %dma_wait3A_237 = tpu.memref_slice %arg9[%dma_wait3A_234, %dma_wait3A_235, %dma_wait3A_236] : memref<8x32x128xf32, #tpu.memory_space<vmem>> -> memref<1x32x128xf32, #tpu.memory_space<vmem>>
      %dma_wait3A_238 = tpu.memref_squeeze %dma_wait3A_237 : memref<1x32x128xf32, #tpu.memory_space<vmem>> -> memref<32x128xf32, #tpu.memory_space<vmem>>
      %dma_wait3A_239 = arith.constant 0 : i32
      %dma_wait3A_240 = tpu.memref_slice %arg7[%dma_wait3A_232, %dma_wait3A_233, %dma_wait3A_239] : memref<2x8x32xi32, #tpu.memory_space<vmem>> -> memref<1x1x32xi32, #tpu.memory_space<vmem>>
      %dma_wait3A_241 = tpu.memref_squeeze %dma_wait3A_240 : memref<1x1x32xi32, #tpu.memory_space<vmem>> -> memref<32xi32, #tpu.memory_space<vmem>>
      %dma_wait3A_242 = arith.constant 0 : i32
      %dma_wait3A_243 = arith.constant 0 : i32
      %dma_wait3A_244 = tpu.memref_slice %arg2[%dma_wait3A_242, %dma_wait3A_243] : memref<20480x128xf32, #tpu.memory_space<hbm>> -> memref<20480x128xf32, #tpu.memory_space<hbm>>
      tpu.wait_indirect_dma semaphore(%arg11 : memref<!tpu.dma_semaphore, #tpu.memory_space<semaphore_mem>>) src(%dma_wait3A_244 : memref<20480x128xf32, #tpu.memory_space<hbm>>) dst(%dma_wait3A_238 : memref<32x128xf32, #tpu.memory_space<vmem>>)
      %dma_wait3A_245 = arith.constant 1 : i32
      %dma_wait3A_246 = arith.constant 0 : i32
      %dma_wait3A_247 = tpu.memref_slice %arg8[%dma_wait3A_245, %dma_wait3A_246] : memref<8x32xi32, #tpu.memory_space<vmem>> -> memref<1x32xi32, #tpu.memory_space<vmem>>
      %dma_wait3A_248 = arith.constant 0 : i32
      %dma_wait3A_249 = arith.constant 0 : i32
      %dma_wait3A_250 = tpu.memref_slice %arg4[%dma_wait3A_248, %dma_wait3A_249] : memref<10240x32xi32, #tpu.memory_space<hbm>> -> memref<1x32xi32, #tpu.memory_space<hbm>>
      %dma_wait3A_251 = arith.constant 1 : i32
      %dma_wait3A_252 = arith.constant 0 : i32
      %dma_wait3A_253 = tpu.memref_slice %arg8[%dma_wait3A_251, %dma_wait3A_252] : memref<8x32xi32, #tpu.memory_space<vmem>> -> memref<1x32xi32, #tpu.memory_space<vmem>>
      %dma_wait3A_254 = arith.constant 0 : i32
      %dma_wait3A_255 = arith.constant 0 : i32
      %dma_wait3A_256 = tpu.memref_slice %arg4[%dma_wait3A_254, %dma_wait3A_255] : memref<10240x32xi32, #tpu.memory_space<hbm>> -> memref<1x32xi32, #tpu.memory_space<hbm>>
      tpu.wait_dma2 semaphore(%arg27 : memref<!tpu.dma_semaphore, #tpu.memory_space<semaphore_mem>>) src(%dma_wait3A_256 : memref<1x32xi32, #tpu.memory_space<hbm>>) dst(%dma_wait3A_253 : memref<1x32xi32, #tpu.memory_space<vmem>>)
      %dma_start3A_257 = arith.constant 1 : i32
      %dma_start3A_258 = arith.constant 1 : i32
      %dma_start3A_259 = arith.constant 0 : i32
      %dma_start3A_260 = arith.constant 0 : i32
      %dma_start3A_261 = tpu.memref_slice %arg9[%dma_start3A_257, %dma_start3A_259, %dma_start3A_260] : memref<8x32x128xf32, #tpu.memory_space<vmem>> -> memref<1x32x128xf32, #tpu.memory_space<vmem>>
      %dma_start3A_262 = tpu.memref_squeeze %dma_start3A_261 : memref<1x32x128xf32, #tpu.memory_space<vmem>> -> memref<32x128xf32, #tpu.memory_space<vmem>>
      %dma_start3A_263 = arith.constant 0 : i32
      %dma_start3A_264 = tpu.memref_slice %arg8[%dma_start3A_258, %dma_start3A_263] : memref<8x32xi32, #tpu.memory_space<vmem>> -> memref<1x32xi32, #tpu.memory_space<vmem>>
      %dma_start3A_265 = tpu.memref_squeeze %dma_start3A_264 : memref<1x32xi32, #tpu.memory_space<vmem>> -> memref<32xi32, #tpu.memory_space<vmem>>
      %dma_start3A_266 = arith.constant 0 : i32
      %dma_start3A_267 = arith.constant 0 : i32
      %dma_start3A_268 = tpu.memref_slice %arg36[%dma_start3A_266, %dma_start3A_267] : memref<10240x128xf32, #tpu.memory_space<vmem_shared>> -> memref<10240x128xf32, #tpu.memory_space<vmem_shared>>
      tpu.enqueue_indirect_dma source(%dma_start3A_262 : memref<32x128xf32, #tpu.memory_space<vmem>>) target(%dma_start3A_268 : memref<10240x128xf32, #tpu.memory_space<vmem_shared>>) offsets(%dma_start3A_265 : memref<32xi32, #tpu.memory_space<vmem>>) semaphore(%arg19 : memref<!tpu.dma_semaphore, #tpu.memory_space<semaphore_mem>>) {add = true}
      %ge3A_269 = arith.constant 4 : i32
      %ge3A_270 = arith.cmpi sge, %add3A_231, %ge3A_269 : i32
      %convert_element_type3A_271 = arith.extui %ge3A_270 : i1 to i32
      %cond3A_272 = arith.constant 0 : i32
      %cond3A_273 = arith.cmpi ne, %convert_element_type3A_271, %cond3A_272 : i32
      scf.if %cond3A_273 {
        %dma_wait3A_1057 = arith.constant 5 : i32
        %dma_wait3A_1058 = arith.constant 0 : i32
        %dma_wait3A_1059 = arith.constant 0 : i32
        %dma_wait3A_1060 = arith.constant 0 : i32
        %dma_wait3A_1061 = tpu.memref_slice %arg9[%dma_wait3A_1057, %dma_wait3A_1059, %dma_wait3A_1060] : memref<8x32x128xf32, #tpu.memory_space<vmem>> -> memref<1x32x128xf32, #tpu.memory_space<vmem>>
        %dma_wait3A_1062 = tpu.memref_squeeze %dma_wait3A_1061 : memref<1x32x128xf32, #tpu.memory_space<vmem>> -> memref<32x128xf32, #tpu.memory_space<vmem>>
        %dma_wait3A_1063 = arith.constant 0 : i32
        %dma_wait3A_1064 = tpu.memref_slice %arg8[%dma_wait3A_1058, %dma_wait3A_1063] : memref<8x32xi32, #tpu.memory_space<vmem>> -> memref<1x32xi32, #tpu.memory_space<vmem>>
        %dma_wait3A_1065 = tpu.memref_squeeze %dma_wait3A_1064 : memref<1x32xi32, #tpu.memory_space<vmem>> -> memref<32xi32, #tpu.memory_space<vmem>>
        %dma_wait3A_1066 = arith.constant 0 : i32
        %dma_wait3A_1067 = arith.constant 0 : i32
        %dma_wait3A_1068 = tpu.memref_slice %arg36[%dma_wait3A_1066, %dma_wait3A_1067] : memref<10240x128xf32, #tpu.memory_space<vmem_shared>> -> memref<10240x128xf32, #tpu.memory_space<vmem_shared>>
        tpu.wait_indirect_dma semaphore(%arg23 : memref<!tpu.dma_semaphore, #tpu.memory_space<semaphore_mem>>) src(%dma_wait3A_1062 : memref<32x128xf32, #tpu.memory_space<vmem>>) dst(%dma_wait3A_1068 : memref<10240x128xf32, #tpu.memory_space<vmem_shared>>)
      } else {
      }
      %add3A_274 = arith.constant 4 : i32
      %add3A_275 = arith.addi %add3A_231, %add3A_274 : i32
      %lt3A_276 = arith.constant 640 : i32
      %lt3A_277 = arith.cmpi slt, %add3A_275, %lt3A_276 : i32
      %convert_element_type3A_278 = arith.extui %lt3A_277 : i1 to i32
      %cond3A_279 = arith.constant 0 : i32
      %cond3A_280 = arith.cmpi ne, %convert_element_type3A_278, %cond3A_279 : i32
      scf.if %cond3A_280 {
        %dma_start3A_1057 = arith.constant 0 : i32
        %dma_start3A_1058 = arith.constant 5 : i32
        %dma_start3A_1059 = arith.constant 5 : i32
        %dma_start3A_1060 = arith.constant 0 : i32
        %dma_start3A_1061 = arith.constant 0 : i32
        %dma_start3A_1062 = tpu.memref_slice %arg9[%dma_start3A_1059, %dma_start3A_1060, %dma_start3A_1061] : memref<8x32x128xf32, #tpu.memory_space<vmem>> -> memref<1x32x128xf32, #tpu.memory_space<vmem>>
        %dma_start3A_1063 = tpu.memref_squeeze %dma_start3A_1062 : memref<1x32x128xf32, #tpu.memory_space<vmem>> -> memref<32x128xf32, #tpu.memory_space<vmem>>
        %dma_start3A_1064 = arith.constant 0 : i32
        %dma_start3A_1065 = tpu.memref_slice %arg7[%dma_start3A_1057, %dma_start3A_1058, %dma_start3A_1064] : memref<2x8x32xi32, #tpu.memory_space<vmem>> -> memref<1x1x32xi32, #tpu.memory_space<vmem>>
        %dma_start3A_1066 = tpu.memref_squeeze %dma_start3A_1065 : memref<1x1x32xi32, #tpu.memory_space<vmem>> -> memref<32xi32, #tpu.memory_space<vmem>>
        %dma_start3A_1067 = arith.constant 0 : i32
        %dma_start3A_1068 = arith.constant 0 : i32
        %dma_start3A_1069 = tpu.memref_slice %arg2[%dma_start3A_1067, %dma_start3A_1068] : memref<20480x128xf32, #tpu.memory_space<hbm>> -> memref<20480x128xf32, #tpu.memory_space<hbm>>
        tpu.enqueue_indirect_dma source(%dma_start3A_1069 : memref<20480x128xf32, #tpu.memory_space<hbm>>) target(%dma_start3A_1063 : memref<32x128xf32, #tpu.memory_space<vmem>>) offsets(%dma_start3A_1066 : memref<32xi32, #tpu.memory_space<vmem>>) semaphore(%arg15 : memref<!tpu.dma_semaphore, #tpu.memory_space<semaphore_mem>>)
        %add3A_1070 = arith.addi %mul3A_6, %add3A_231 : i32
        %add3A_1071 = arith.constant 4 : i32
        %add3A_1072 = arith.addi %add3A_1070, %add3A_1071 : i32
        %dma_start3A_1073 = arith.constant 5 : i32
        %dma_start3A_1074 = arith.constant 0 : i32
        %dma_start3A_1075 = tpu.memref_slice %arg8[%dma_start3A_1073, %dma_start3A_1074] : memref<8x32xi32, #tpu.memory_space<vmem>> -> memref<1x32xi32, #tpu.memory_space<vmem>>
        %dma_start3A_1076 = arith.constant 0 : i32
        %dma_start3A_1077 = tpu.memref_slice %arg4[%add3A_1072, %dma_start3A_1076] : memref<10240x32xi32, #tpu.memory_space<hbm>> -> memref<1x32xi32, #tpu.memory_space<hbm>>
        %dma_start3A_1078 = arith.constant 5 : i32
        %dma_start3A_1079 = arith.constant 0 : i32
        %dma_start3A_1080 = tpu.memref_slice %arg8[%dma_start3A_1078, %dma_start3A_1079] : memref<8x32xi32, #tpu.memory_space<vmem>> -> memref<1x32xi32, #tpu.memory_space<vmem>>
        %dma_start3A_1081 = arith.constant 0 : i32
        %dma_start3A_1082 = tpu.memref_slice %arg4[%add3A_1072, %dma_start3A_1081] : memref<10240x32xi32, #tpu.memory_space<hbm>> -> memref<1x32xi32, #tpu.memory_space<hbm>>
        tpu.enqueue_dma source(%dma_start3A_1082 : memref<1x32xi32, #tpu.memory_space<hbm>>) target(%dma_start3A_1080 : memref<1x32xi32, #tpu.memory_space<vmem>>) target_semaphore(%arg31 : memref<!tpu.dma_semaphore, #tpu.memory_space<semaphore_mem>>)
      } else {
      }
      %mul3A_281 = arith.constant 8 : i32
      %mul3A_282 = arith.muli %mul3A_169, %mul3A_281 : i32
      %add3A_283 = arith.constant 2 : i32
      %add3A_284 = arith.addi %mul3A_282, %add3A_283 : i32
      %dma_wait3A_285 = arith.constant 0 : i32
      %dma_wait3A_286 = arith.constant 0 : i32
      %dma_wait3A_287 = arith.constant 2 : i32
      %dma_wait3A_288 = arith.constant 0 : i32
      %dma_wait3A_289 = arith.constant 0 : i32
      %dma_wait3A_290 = tpu.memref_slice %arg9[%dma_wait3A_287, %dma_wait3A_288, %dma_wait3A_289] : memref<8x32x128xf32, #tpu.memory_space<vmem>> -> memref<1x32x128xf32, #tpu.memory_space<vmem>>
      %dma_wait3A_291 = tpu.memref_squeeze %dma_wait3A_290 : memref<1x32x128xf32, #tpu.memory_space<vmem>> -> memref<32x128xf32, #tpu.memory_space<vmem>>
      %dma_wait3A_292 = arith.constant 0 : i32
      %dma_wait3A_293 = tpu.memref_slice %arg7[%dma_wait3A_285, %dma_wait3A_286, %dma_wait3A_292] : memref<2x8x32xi32, #tpu.memory_space<vmem>> -> memref<1x1x32xi32, #tpu.memory_space<vmem>>
      %dma_wait3A_294 = tpu.memref_squeeze %dma_wait3A_293 : memref<1x1x32xi32, #tpu.memory_space<vmem>> -> memref<32xi32, #tpu.memory_space<vmem>>
      %dma_wait3A_295 = arith.constant 0 : i32
      %dma_wait3A_296 = arith.constant 0 : i32
      %dma_wait3A_297 = tpu.memref_slice %arg2[%dma_wait3A_295, %dma_wait3A_296] : memref<20480x128xf32, #tpu.memory_space<hbm>> -> memref<20480x128xf32, #tpu.memory_space<hbm>>
      tpu.wait_indirect_dma semaphore(%arg12 : memref<!tpu.dma_semaphore, #tpu.memory_space<semaphore_mem>>) src(%dma_wait3A_297 : memref<20480x128xf32, #tpu.memory_space<hbm>>) dst(%dma_wait3A_291 : memref<32x128xf32, #tpu.memory_space<vmem>>)
      %dma_wait3A_298 = arith.constant 2 : i32
      %dma_wait3A_299 = arith.constant 0 : i32
      %dma_wait3A_300 = tpu.memref_slice %arg8[%dma_wait3A_298, %dma_wait3A_299] : memref<8x32xi32, #tpu.memory_space<vmem>> -> memref<1x32xi32, #tpu.memory_space<vmem>>
      %dma_wait3A_301 = arith.constant 0 : i32
      %dma_wait3A_302 = arith.constant 0 : i32
      %dma_wait3A_303 = tpu.memref_slice %arg4[%dma_wait3A_301, %dma_wait3A_302] : memref<10240x32xi32, #tpu.memory_space<hbm>> -> memref<1x32xi32, #tpu.memory_space<hbm>>
      %dma_wait3A_304 = arith.constant 2 : i32
      %dma_wait3A_305 = arith.constant 0 : i32
      %dma_wait3A_306 = tpu.memref_slice %arg8[%dma_wait3A_304, %dma_wait3A_305] : memref<8x32xi32, #tpu.memory_space<vmem>> -> memref<1x32xi32, #tpu.memory_space<vmem>>
      %dma_wait3A_307 = arith.constant 0 : i32
      %dma_wait3A_308 = arith.constant 0 : i32
      %dma_wait3A_309 = tpu.memref_slice %arg4[%dma_wait3A_307, %dma_wait3A_308] : memref<10240x32xi32, #tpu.memory_space<hbm>> -> memref<1x32xi32, #tpu.memory_space<hbm>>
      tpu.wait_dma2 semaphore(%arg28 : memref<!tpu.dma_semaphore, #tpu.memory_space<semaphore_mem>>) src(%dma_wait3A_309 : memref<1x32xi32, #tpu.memory_space<hbm>>) dst(%dma_wait3A_306 : memref<1x32xi32, #tpu.memory_space<vmem>>)
      %dma_start3A_310 = arith.constant 2 : i32
      %dma_start3A_311 = arith.constant 2 : i32
      %dma_start3A_312 = arith.constant 0 : i32
      %dma_start3A_313 = arith.constant 0 : i32
      %dma_start3A_314 = tpu.memref_slice %arg9[%dma_start3A_310, %dma_start3A_312, %dma_start3A_313] : memref<8x32x128xf32, #tpu.memory_space<vmem>> -> memref<1x32x128xf32, #tpu.memory_space<vmem>>
      %dma_start3A_315 = tpu.memref_squeeze %dma_start3A_314 : memref<1x32x128xf32, #tpu.memory_space<vmem>> -> memref<32x128xf32, #tpu.memory_space<vmem>>
      %dma_start3A_316 = arith.constant 0 : i32
      %dma_start3A_317 = tpu.memref_slice %arg8[%dma_start3A_311, %dma_start3A_316] : memref<8x32xi32, #tpu.memory_space<vmem>> -> memref<1x32xi32, #tpu.memory_space<vmem>>
      %dma_start3A_318 = tpu.memref_squeeze %dma_start3A_317 : memref<1x32xi32, #tpu.memory_space<vmem>> -> memref<32xi32, #tpu.memory_space<vmem>>
      %dma_start3A_319 = arith.constant 0 : i32
      %dma_start3A_320 = arith.constant 0 : i32
      %dma_start3A_321 = tpu.memref_slice %arg36[%dma_start3A_319, %dma_start3A_320] : memref<10240x128xf32, #tpu.memory_space<vmem_shared>> -> memref<10240x128xf32, #tpu.memory_space<vmem_shared>>
      tpu.enqueue_indirect_dma source(%dma_start3A_315 : memref<32x128xf32, #tpu.memory_space<vmem>>) target(%dma_start3A_321 : memref<10240x128xf32, #tpu.memory_space<vmem_shared>>) offsets(%dma_start3A_318 : memref<32xi32, #tpu.memory_space<vmem>>) semaphore(%arg20 : memref<!tpu.dma_semaphore, #tpu.memory_space<semaphore_mem>>) {add = true}
      %ge3A_322 = arith.constant 4 : i32
      %ge3A_323 = arith.cmpi sge, %add3A_284, %ge3A_322 : i32
      %convert_element_type3A_324 = arith.extui %ge3A_323 : i1 to i32
      %cond3A_325 = arith.constant 0 : i32
      %cond3A_326 = arith.cmpi ne, %convert_element_type3A_324, %cond3A_325 : i32
      scf.if %cond3A_326 {
        %dma_wait3A_1057 = arith.constant 6 : i32
        %dma_wait3A_1058 = arith.constant 0 : i32
        %dma_wait3A_1059 = arith.constant 0 : i32
        %dma_wait3A_1060 = arith.constant 0 : i32
        %dma_wait3A_1061 = tpu.memref_slice %arg9[%dma_wait3A_1057, %dma_wait3A_1059, %dma_wait3A_1060] : memref<8x32x128xf32, #tpu.memory_space<vmem>> -> memref<1x32x128xf32, #tpu.memory_space<vmem>>
        %dma_wait3A_1062 = tpu.memref_squeeze %dma_wait3A_1061 : memref<1x32x128xf32, #tpu.memory_space<vmem>> -> memref<32x128xf32, #tpu.memory_space<vmem>>
        %dma_wait3A_1063 = arith.constant 0 : i32
        %dma_wait3A_1064 = tpu.memref_slice %arg8[%dma_wait3A_1058, %dma_wait3A_1063] : memref<8x32xi32, #tpu.memory_space<vmem>> -> memref<1x32xi32, #tpu.memory_space<vmem>>
        %dma_wait3A_1065 = tpu.memref_squeeze %dma_wait3A_1064 : memref<1x32xi32, #tpu.memory_space<vmem>> -> memref<32xi32, #tpu.memory_space<vmem>>
        %dma_wait3A_1066 = arith.constant 0 : i32
        %dma_wait3A_1067 = arith.constant 0 : i32
        %dma_wait3A_1068 = tpu.memref_slice %arg36[%dma_wait3A_1066, %dma_wait3A_1067] : memref<10240x128xf32, #tpu.memory_space<vmem_shared>> -> memref<10240x128xf32, #tpu.memory_space<vmem_shared>>
        tpu.wait_indirect_dma semaphore(%arg24 : memref<!tpu.dma_semaphore, #tpu.memory_space<semaphore_mem>>) src(%dma_wait3A_1062 : memref<32x128xf32, #tpu.memory_space<vmem>>) dst(%dma_wait3A_1068 : memref<10240x128xf32, #tpu.memory_space<vmem_shared>>)
      } else {
      }
      %add3A_327 = arith.constant 4 : i32
      %add3A_328 = arith.addi %add3A_284, %add3A_327 : i32
      %lt3A_329 = arith.constant 640 : i32
      %lt3A_330 = arith.cmpi slt, %add3A_328, %lt3A_329 : i32
      %convert_element_type3A_331 = arith.extui %lt3A_330 : i1 to i32
      %cond3A_332 = arith.constant 0 : i32
      %cond3A_333 = arith.cmpi ne, %convert_element_type3A_331, %cond3A_332 : i32
      scf.if %cond3A_333 {
        %dma_start3A_1057 = arith.constant 0 : i32
        %dma_start3A_1058 = arith.constant 6 : i32
        %dma_start3A_1059 = arith.constant 6 : i32
        %dma_start3A_1060 = arith.constant 0 : i32
        %dma_start3A_1061 = arith.constant 0 : i32
        %dma_start3A_1062 = tpu.memref_slice %arg9[%dma_start3A_1059, %dma_start3A_1060, %dma_start3A_1061] : memref<8x32x128xf32, #tpu.memory_space<vmem>> -> memref<1x32x128xf32, #tpu.memory_space<vmem>>
        %dma_start3A_1063 = tpu.memref_squeeze %dma_start3A_1062 : memref<1x32x128xf32, #tpu.memory_space<vmem>> -> memref<32x128xf32, #tpu.memory_space<vmem>>
        %dma_start3A_1064 = arith.constant 0 : i32
        %dma_start3A_1065 = tpu.memref_slice %arg7[%dma_start3A_1057, %dma_start3A_1058, %dma_start3A_1064] : memref<2x8x32xi32, #tpu.memory_space<vmem>> -> memref<1x1x32xi32, #tpu.memory_space<vmem>>
        %dma_start3A_1066 = tpu.memref_squeeze %dma_start3A_1065 : memref<1x1x32xi32, #tpu.memory_space<vmem>> -> memref<32xi32, #tpu.memory_space<vmem>>
        %dma_start3A_1067 = arith.constant 0 : i32
        %dma_start3A_1068 = arith.constant 0 : i32
        %dma_start3A_1069 = tpu.memref_slice %arg2[%dma_start3A_1067, %dma_start3A_1068] : memref<20480x128xf32, #tpu.memory_space<hbm>> -> memref<20480x128xf32, #tpu.memory_space<hbm>>
        tpu.enqueue_indirect_dma source(%dma_start3A_1069 : memref<20480x128xf32, #tpu.memory_space<hbm>>) target(%dma_start3A_1063 : memref<32x128xf32, #tpu.memory_space<vmem>>) offsets(%dma_start3A_1066 : memref<32xi32, #tpu.memory_space<vmem>>) semaphore(%arg16 : memref<!tpu.dma_semaphore, #tpu.memory_space<semaphore_mem>>)
        %add3A_1070 = arith.addi %mul3A_6, %add3A_284 : i32
        %add3A_1071 = arith.constant 4 : i32
        %add3A_1072 = arith.addi %add3A_1070, %add3A_1071 : i32
        %dma_start3A_1073 = arith.constant 6 : i32
        %dma_start3A_1074 = arith.constant 0 : i32
        %dma_start3A_1075 = tpu.memref_slice %arg8[%dma_start3A_1073, %dma_start3A_1074] : memref<8x32xi32, #tpu.memory_space<vmem>> -> memref<1x32xi32, #tpu.memory_space<vmem>>
        %dma_start3A_1076 = arith.constant 0 : i32
        %dma_start3A_1077 = tpu.memref_slice %arg4[%add3A_1072, %dma_start3A_1076] : memref<10240x32xi32, #tpu.memory_space<hbm>> -> memref<1x32xi32, #tpu.memory_space<hbm>>
        %dma_start3A_1078 = arith.constant 6 : i32
        %dma_start3A_1079 = arith.constant 0 : i32
        %dma_start3A_1080 = tpu.memref_slice %arg8[%dma_start3A_1078, %dma_start3A_1079] : memref<8x32xi32, #tpu.memory_space<vmem>> -> memref<1x32xi32, #tpu.memory_space<vmem>>
        %dma_start3A_1081 = arith.constant 0 : i32
        %dma_start3A_1082 = tpu.memref_slice %arg4[%add3A_1072, %dma_start3A_1081] : memref<10240x32xi32, #tpu.memory_space<hbm>> -> memref<1x32xi32, #tpu.memory_space<hbm>>
        tpu.enqueue_dma source(%dma_start3A_1082 : memref<1x32xi32, #tpu.memory_space<hbm>>) target(%dma_start3A_1080 : memref<1x32xi32, #tpu.memory_space<vmem>>) target_semaphore(%arg32 : memref<!tpu.dma_semaphore, #tpu.memory_space<semaphore_mem>>)
      } else {
      }
      %mul3A_334 = arith.constant 8 : i32
      %mul3A_335 = arith.muli %mul3A_169, %mul3A_334 : i32
      %add3A_336 = arith.constant 3 : i32
      %add3A_337 = arith.addi %mul3A_335, %add3A_336 : i32
      %dma_wait3A_338 = arith.constant 0 : i32
      %dma_wait3A_339 = arith.constant 0 : i32
      %dma_wait3A_340 = arith.constant 3 : i32
      %dma_wait3A_341 = arith.constant 0 : i32
      %dma_wait3A_342 = arith.constant 0 : i32
      %dma_wait3A_343 = tpu.memref_slice %arg9[%dma_wait3A_340, %dma_wait3A_341, %dma_wait3A_342] : memref<8x32x128xf32, #tpu.memory_space<vmem>> -> memref<1x32x128xf32, #tpu.memory_space<vmem>>
      %dma_wait3A_344 = tpu.memref_squeeze %dma_wait3A_343 : memref<1x32x128xf32, #tpu.memory_space<vmem>> -> memref<32x128xf32, #tpu.memory_space<vmem>>
      %dma_wait3A_345 = arith.constant 0 : i32
      %dma_wait3A_346 = tpu.memref_slice %arg7[%dma_wait3A_338, %dma_wait3A_339, %dma_wait3A_345] : memref<2x8x32xi32, #tpu.memory_space<vmem>> -> memref<1x1x32xi32, #tpu.memory_space<vmem>>
      %dma_wait3A_347 = tpu.memref_squeeze %dma_wait3A_346 : memref<1x1x32xi32, #tpu.memory_space<vmem>> -> memref<32xi32, #tpu.memory_space<vmem>>
      %dma_wait3A_348 = arith.constant 0 : i32
      %dma_wait3A_349 = arith.constant 0 : i32
      %dma_wait3A_350 = tpu.memref_slice %arg2[%dma_wait3A_348, %dma_wait3A_349] : memref<20480x128xf32, #tpu.memory_space<hbm>> -> memref<20480x128xf32, #tpu.memory_space<hbm>>
      tpu.wait_indirect_dma semaphore(%arg13 : memref<!tpu.dma_semaphore, #tpu.memory_space<semaphore_mem>>) src(%dma_wait3A_350 : memref<20480x128xf32, #tpu.memory_space<hbm>>) dst(%dma_wait3A_344 : memref<32x128xf32, #tpu.memory_space<vmem>>)
      %dma_wait3A_351 = arith.constant 3 : i32
      %dma_wait3A_352 = arith.constant 0 : i32
      %dma_wait3A_353 = tpu.memref_slice %arg8[%dma_wait3A_351, %dma_wait3A_352] : memref<8x32xi32, #tpu.memory_space<vmem>> -> memref<1x32xi32, #tpu.memory_space<vmem>>
      %dma_wait3A_354 = arith.constant 0 : i32
      %dma_wait3A_355 = arith.constant 0 : i32
      %dma_wait3A_356 = tpu.memref_slice %arg4[%dma_wait3A_354, %dma_wait3A_355] : memref<10240x32xi32, #tpu.memory_space<hbm>> -> memref<1x32xi32, #tpu.memory_space<hbm>>
      %dma_wait3A_357 = arith.constant 3 : i32
      %dma_wait3A_358 = arith.constant 0 : i32
      %dma_wait3A_359 = tpu.memref_slice %arg8[%dma_wait3A_357, %dma_wait3A_358] : memref<8x32xi32, #tpu.memory_space<vmem>> -> memref<1x32xi32, #tpu.memory_space<vmem>>
      %dma_wait3A_360 = arith.constant 0 : i32
      %dma_wait3A_361 = arith.constant 0 : i32
      %dma_wait3A_362 = tpu.memref_slice %arg4[%dma_wait3A_360, %dma_wait3A_361] : memref<10240x32xi32, #tpu.memory_space<hbm>> -> memref<1x32xi32, #tpu.memory_space<hbm>>
      tpu.wait_dma2 semaphore(%arg29 : memref<!tpu.dma_semaphore, #tpu.memory_space<semaphore_mem>>) src(%dma_wait3A_362 : memref<1x32xi32, #tpu.memory_space<hbm>>) dst(%dma_wait3A_359 : memref<1x32xi32, #tpu.memory_space<vmem>>)
      %dma_start3A_363 = arith.constant 3 : i32
      %dma_start3A_364 = arith.constant 3 : i32
      %dma_start3A_365 = arith.constant 0 : i32
      %dma_start3A_366 = arith.constant 0 : i32
      %dma_start3A_367 = tpu.memref_slice %arg9[%dma_start3A_363, %dma_start3A_365, %dma_start3A_366] : memref<8x32x128xf32, #tpu.memory_space<vmem>> -> memref<1x32x128xf32, #tpu.memory_space<vmem>>
      %dma_start3A_368 = tpu.memref_squeeze %dma_start3A_367 : memref<1x32x128xf32, #tpu.memory_space<vmem>> -> memref<32x128xf32, #tpu.memory_space<vmem>>
      %dma_start3A_369 = arith.constant 0 : i32
      %dma_start3A_370 = tpu.memref_slice %arg8[%dma_start3A_364, %dma_start3A_369] : memref<8x32xi32, #tpu.memory_space<vmem>> -> memref<1x32xi32, #tpu.memory_space<vmem>>
      %dma_start3A_371 = tpu.memref_squeeze %dma_start3A_370 : memref<1x32xi32, #tpu.memory_space<vmem>> -> memref<32xi32, #tpu.memory_space<vmem>>
      %dma_start3A_372 = arith.constant 0 : i32
      %dma_start3A_373 = arith.constant 0 : i32
      %dma_start3A_374 = tpu.memref_slice %arg36[%dma_start3A_372, %dma_start3A_373] : memref<10240x128xf32, #tpu.memory_space<vmem_shared>> -> memref<10240x128xf32, #tpu.memory_space<vmem_shared>>
      tpu.enqueue_indirect_dma source(%dma_start3A_368 : memref<32x128xf32, #tpu.memory_space<vmem>>) target(%dma_start3A_374 : memref<10240x128xf32, #tpu.memory_space<vmem_shared>>) offsets(%dma_start3A_371 : memref<32xi32, #tpu.memory_space<vmem>>) semaphore(%arg21 : memref<!tpu.dma_semaphore, #tpu.memory_space<semaphore_mem>>) {add = true}
      %ge3A_375 = arith.constant 4 : i32
      %ge3A_376 = arith.cmpi sge, %add3A_337, %ge3A_375 : i32
      %convert_element_type3A_377 = arith.extui %ge3A_376 : i1 to i32
      %cond3A_378 = arith.constant 0 : i32
      %cond3A_379 = arith.cmpi ne, %convert_element_type3A_377, %cond3A_378 : i32
      scf.if %cond3A_379 {
        %dma_wait3A_1057 = arith.constant 7 : i32
        %dma_wait3A_1058 = arith.constant 0 : i32
        %dma_wait3A_1059 = arith.constant 0 : i32
        %dma_wait3A_1060 = arith.constant 0 : i32
        %dma_wait3A_1061 = tpu.memref_slice %arg9[%dma_wait3A_1057, %dma_wait3A_1059, %dma_wait3A_1060] : memref<8x32x128xf32, #tpu.memory_space<vmem>> -> memref<1x32x128xf32, #tpu.memory_space<vmem>>
        %dma_wait3A_1062 = tpu.memref_squeeze %dma_wait3A_1061 : memref<1x32x128xf32, #tpu.memory_space<vmem>> -> memref<32x128xf32, #tpu.memory_space<vmem>>
        %dma_wait3A_1063 = arith.constant 0 : i32
        %dma_wait3A_1064 = tpu.memref_slice %arg8[%dma_wait3A_1058, %dma_wait3A_1063] : memref<8x32xi32, #tpu.memory_space<vmem>> -> memref<1x32xi32, #tpu.memory_space<vmem>>
        %dma_wait3A_1065 = tpu.memref_squeeze %dma_wait3A_1064 : memref<1x32xi32, #tpu.memory_space<vmem>> -> memref<32xi32, #tpu.memory_space<vmem>>
        %dma_wait3A_1066 = arith.constant 0 : i32
        %dma_wait3A_1067 = arith.constant 0 : i32
        %dma_wait3A_1068 = tpu.memref_slice %arg36[%dma_wait3A_1066, %dma_wait3A_1067] : memref<10240x128xf32, #tpu.memory_space<vmem_shared>> -> memref<10240x128xf32, #tpu.memory_space<vmem_shared>>
        tpu.wait_indirect_dma semaphore(%arg25 : memref<!tpu.dma_semaphore, #tpu.memory_space<semaphore_mem>>) src(%dma_wait3A_1062 : memref<32x128xf32, #tpu.memory_space<vmem>>) dst(%dma_wait3A_1068 : memref<10240x128xf32, #tpu.memory_space<vmem_shared>>)
      } else {
      }
      %ge3A_380 = arith.constant 1 : i32
      %ge3A_381 = arith.cmpi sge, %mul3A_169, %ge3A_380 : i32
      %add3A_382 = arith.constant 1 : i32
      %add3A_383 = arith.addi %mul3A_169, %add3A_382 : i32
      %lt3A_384 = arith.constant 80 : i32
      %lt3A_385 = arith.cmpi slt, %add3A_383, %lt3A_384 : i32
      %and3A_386 = arith.andi %ge3A_381, %lt3A_385 : i1
      %convert_element_type3A_387 = arith.extui %and3A_386 : i1 to i32
      %cond3A_388 = arith.constant 0 : i32
      %cond3A_389 = arith.cmpi ne, %convert_element_type3A_387, %cond3A_388 : i32
      scf.if %cond3A_389 {
        %dma_wait3A_1057 = arith.constant 1 : i32
        %dma_wait3A_1058 = arith.constant 0 : i32
        %dma_wait3A_1059 = arith.constant 0 : i32
        %dma_wait3A_1060 = tpu.memref_slice %arg7[%dma_wait3A_1057, %dma_wait3A_1058, %dma_wait3A_1059] : memref<2x8x32xi32, #tpu.memory_space<vmem>> -> memref<1x8x32xi32, #tpu.memory_space<vmem>>
        %dma_wait3A_1061 = tpu.memref_squeeze %dma_wait3A_1060 : memref<1x8x32xi32, #tpu.memory_space<vmem>> -> memref<8x32xi32, #tpu.memory_space<vmem>>
        %dma_wait3A_1062 = arith.constant 0 : i32
        %dma_wait3A_1063 = tpu.memref_slice %arg3[%add3A, %dma_wait3A_1062] : memref<20480x32xi32, #tpu.memory_space<hbm>> -> memref<8x32xi32, #tpu.memory_space<hbm>>
        %dma_wait3A_1064 = arith.constant 0 : i32
        %dma_wait3A_1065 = arith.constant 0 : i32
        %dma_wait3A_1066 = tpu.memref_slice %arg7[%dma_wait3A_1057, %dma_wait3A_1064, %dma_wait3A_1065] : memref<2x8x32xi32, #tpu.memory_space<vmem>> -> memref<1x8x32xi32, #tpu.memory_space<vmem>>
        %dma_wait3A_1067 = tpu.memref_squeeze %dma_wait3A_1066 : memref<1x8x32xi32, #tpu.memory_space<vmem>> -> memref<8x32xi32, #tpu.memory_space<vmem>>
        %dma_wait3A_1068 = arith.constant 0 : i32
        %dma_wait3A_1069 = tpu.memref_slice %arg3[%add3A, %dma_wait3A_1068] : memref<20480x32xi32, #tpu.memory_space<hbm>> -> memref<8x32xi32, #tpu.memory_space<hbm>>
        tpu.wait_dma2 semaphore(%arg35 : memref<!tpu.dma_semaphore, #tpu.memory_space<semaphore_mem>>) src(%dma_wait3A_1069 : memref<8x32xi32, #tpu.memory_space<hbm>>) dst(%dma_wait3A_1067 : memref<8x32xi32, #tpu.memory_space<vmem>>)
      } else {
      }
      %add3A_390 = arith.constant 4 : i32
      %add3A_391 = arith.addi %add3A_337, %add3A_390 : i32
      %lt3A_392 = arith.constant 640 : i32
      %lt3A_393 = arith.cmpi slt, %add3A_391, %lt3A_392 : i32
      %convert_element_type3A_394 = arith.extui %lt3A_393 : i1 to i32
      %cond3A_395 = arith.constant 0 : i32
      %cond3A_396 = arith.cmpi ne, %convert_element_type3A_394, %cond3A_395 : i32
      scf.if %cond3A_396 {
        %dma_start3A_1057 = arith.constant 0 : i32
        %dma_start3A_1058 = arith.constant 7 : i32
        %dma_start3A_1059 = arith.constant 7 : i32
        %dma_start3A_1060 = arith.constant 0 : i32
        %dma_start3A_1061 = arith.constant 0 : i32
        %dma_start3A_1062 = tpu.memref_slice %arg9[%dma_start3A_1059, %dma_start3A_1060, %dma_start3A_1061] : memref<8x32x128xf32, #tpu.memory_space<vmem>> -> memref<1x32x128xf32, #tpu.memory_space<vmem>>
        %dma_start3A_1063 = tpu.memref_squeeze %dma_start3A_1062 : memref<1x32x128xf32, #tpu.memory_space<vmem>> -> memref<32x128xf32, #tpu.memory_space<vmem>>
        %dma_start3A_1064 = arith.constant 0 : i32
        %dma_start3A_1065 = tpu.memref_slice %arg7[%dma_start3A_1057, %dma_start3A_1058, %dma_start3A_1064] : memref<2x8x32xi32, #tpu.memory_space<vmem>> -> memref<1x1x32xi32, #tpu.memory_space<vmem>>
        %dma_start3A_1066 = tpu.memref_squeeze %dma_start3A_1065 : memref<1x1x32xi32, #tpu.memory_space<vmem>> -> memref<32xi32, #tpu.memory_space<vmem>>
        %dma_start3A_1067 = arith.constant 0 : i32
        %dma_start3A_1068 = arith.constant 0 : i32
        %dma_start3A_1069 = tpu.memref_slice %arg2[%dma_start3A_1067, %dma_start3A_1068] : memref<20480x128xf32, #tpu.memory_space<hbm>> -> memref<20480x128xf32, #tpu.memory_space<hbm>>
        tpu.enqueue_indirect_dma source(%dma_start3A_1069 : memref<20480x128xf32, #tpu.memory_space<hbm>>) target(%dma_start3A_1063 : memref<32x128xf32, #tpu.memory_space<vmem>>) offsets(%dma_start3A_1066 : memref<32xi32, #tpu.memory_space<vmem>>) semaphore(%arg17 : memref<!tpu.dma_semaphore, #tpu.memory_space<semaphore_mem>>)
        %add3A_1070 = arith.addi %mul3A_6, %add3A_337 : i32
        %add3A_1071 = arith.constant 4 : i32
        %add3A_1072 = arith.addi %add3A_1070, %add3A_1071 : i32
        %dma_start3A_1073 = arith.constant 7 : i32
        %dma_start3A_1074 = arith.constant 0 : i32
        %dma_start3A_1075 = tpu.memref_slice %arg8[%dma_start3A_1073, %dma_start3A_1074] : memref<8x32xi32, #tpu.memory_space<vmem>> -> memref<1x32xi32, #tpu.memory_space<vmem>>
        %dma_start3A_1076 = arith.constant 0 : i32
        %dma_start3A_1077 = tpu.memref_slice %arg4[%add3A_1072, %dma_start3A_1076] : memref<10240x32xi32, #tpu.memory_space<hbm>> -> memref<1x32xi32, #tpu.memory_space<hbm>>
        %dma_start3A_1078 = arith.constant 7 : i32
        %dma_start3A_1079 = arith.constant 0 : i32
        %dma_start3A_1080 = tpu.memref_slice %arg8[%dma_start3A_1078, %dma_start3A_1079] : memref<8x32xi32, #tpu.memory_space<vmem>> -> memref<1x32xi32, #tpu.memory_space<vmem>>
        %dma_start3A_1081 = arith.constant 0 : i32
        %dma_start3A_1082 = tpu.memref_slice %arg4[%add3A_1072, %dma_start3A_1081] : memref<10240x32xi32, #tpu.memory_space<hbm>> -> memref<1x32xi32, #tpu.memory_space<hbm>>
        tpu.enqueue_dma source(%dma_start3A_1082 : memref<1x32xi32, #tpu.memory_space<hbm>>) target(%dma_start3A_1080 : memref<1x32xi32, #tpu.memory_space<vmem>>) target_semaphore(%arg33 : memref<!tpu.dma_semaphore, #tpu.memory_space<semaphore_mem>>)
      } else {
      }
      %mul3A_397 = arith.constant 8 : i32
      %mul3A_398 = arith.muli %mul3A_169, %mul3A_397 : i32
      %add3A_399 = arith.constant 4 : i32
      %add3A_400 = arith.addi %mul3A_398, %add3A_399 : i32
      %dma_wait3A_401 = arith.constant 0 : i32
      %dma_wait3A_402 = arith.constant 0 : i32
      %dma_wait3A_403 = arith.constant 4 : i32
      %dma_wait3A_404 = arith.constant 0 : i32
      %dma_wait3A_405 = arith.constant 0 : i32
      %dma_wait3A_406 = tpu.memref_slice %arg9[%dma_wait3A_403, %dma_wait3A_404, %dma_wait3A_405] : memref<8x32x128xf32, #tpu.memory_space<vmem>> -> memref<1x32x128xf32, #tpu.memory_space<vmem>>
      %dma_wait3A_407 = tpu.memref_squeeze %dma_wait3A_406 : memref<1x32x128xf32, #tpu.memory_space<vmem>> -> memref<32x128xf32, #tpu.memory_space<vmem>>
      %dma_wait3A_408 = arith.constant 0 : i32
      %dma_wait3A_409 = tpu.memref_slice %arg7[%dma_wait3A_401, %dma_wait3A_402, %dma_wait3A_408] : memref<2x8x32xi32, #tpu.memory_space<vmem>> -> memref<1x1x32xi32, #tpu.memory_space<vmem>>
      %dma_wait3A_410 = tpu.memref_squeeze %dma_wait3A_409 : memref<1x1x32xi32, #tpu.memory_space<vmem>> -> memref<32xi32, #tpu.memory_space<vmem>>
      %dma_wait3A_411 = arith.constant 0 : i32
      %dma_wait3A_412 = arith.constant 0 : i32
      %dma_wait3A_413 = tpu.memref_slice %arg2[%dma_wait3A_411, %dma_wait3A_412] : memref<20480x128xf32, #tpu.memory_space<hbm>> -> memref<20480x128xf32, #tpu.memory_space<hbm>>
      tpu.wait_indirect_dma semaphore(%arg14 : memref<!tpu.dma_semaphore, #tpu.memory_space<semaphore_mem>>) src(%dma_wait3A_413 : memref<20480x128xf32, #tpu.memory_space<hbm>>) dst(%dma_wait3A_407 : memref<32x128xf32, #tpu.memory_space<vmem>>)
      %dma_wait3A_414 = arith.constant 4 : i32
      %dma_wait3A_415 = arith.constant 0 : i32
      %dma_wait3A_416 = tpu.memref_slice %arg8[%dma_wait3A_414, %dma_wait3A_415] : memref<8x32xi32, #tpu.memory_space<vmem>> -> memref<1x32xi32, #tpu.memory_space<vmem>>
      %dma_wait3A_417 = arith.constant 0 : i32
      %dma_wait3A_418 = arith.constant 0 : i32
      %dma_wait3A_419 = tpu.memref_slice %arg4[%dma_wait3A_417, %dma_wait3A_418] : memref<10240x32xi32, #tpu.memory_space<hbm>> -> memref<1x32xi32, #tpu.memory_space<hbm>>
      %dma_wait3A_420 = arith.constant 4 : i32
      %dma_wait3A_421 = arith.constant 0 : i32
      %dma_wait3A_422 = tpu.memref_slice %arg8[%dma_wait3A_420, %dma_wait3A_421] : memref<8x32xi32, #tpu.memory_space<vmem>> -> memref<1x32xi32, #tpu.memory_space<vmem>>
      %dma_wait3A_423 = arith.constant 0 : i32
      %dma_wait3A_424 = arith.constant 0 : i32
      %dma_wait3A_425 = tpu.memref_slice %arg4[%dma_wait3A_423, %dma_wait3A_424] : memref<10240x32xi32, #tpu.memory_space<hbm>> -> memref<1x32xi32, #tpu.memory_space<hbm>>
      tpu.wait_dma2 semaphore(%arg30 : memref<!tpu.dma_semaphore, #tpu.memory_space<semaphore_mem>>) src(%dma_wait3A_425 : memref<1x32xi32, #tpu.memory_space<hbm>>) dst(%dma_wait3A_422 : memref<1x32xi32, #tpu.memory_space<vmem>>)
      %dma_start3A_426 = arith.constant 4 : i32
      %dma_start3A_427 = arith.constant 4 : i32
      %dma_start3A_428 = arith.constant 0 : i32
      %dma_start3A_429 = arith.constant 0 : i32
      %dma_start3A_430 = tpu.memref_slice %arg9[%dma_start3A_426, %dma_start3A_428, %dma_start3A_429] : memref<8x32x128xf32, #tpu.memory_space<vmem>> -> memref<1x32x128xf32, #tpu.memory_space<vmem>>
      %dma_start3A_431 = tpu.memref_squeeze %dma_start3A_430 : memref<1x32x128xf32, #tpu.memory_space<vmem>> -> memref<32x128xf32, #tpu.memory_space<vmem>>
      %dma_start3A_432 = arith.constant 0 : i32
      %dma_start3A_433 = tpu.memref_slice %arg8[%dma_start3A_427, %dma_start3A_432] : memref<8x32xi32, #tpu.memory_space<vmem>> -> memref<1x32xi32, #tpu.memory_space<vmem>>
      %dma_start3A_434 = tpu.memref_squeeze %dma_start3A_433 : memref<1x32xi32, #tpu.memory_space<vmem>> -> memref<32xi32, #tpu.memory_space<vmem>>
      %dma_start3A_435 = arith.constant 0 : i32
      %dma_start3A_436 = arith.constant 0 : i32
      %dma_start3A_437 = tpu.memref_slice %arg36[%dma_start3A_435, %dma_start3A_436] : memref<10240x128xf32, #tpu.memory_space<vmem_shared>> -> memref<10240x128xf32, #tpu.memory_space<vmem_shared>>
      tpu.enqueue_indirect_dma source(%dma_start3A_431 : memref<32x128xf32, #tpu.memory_space<vmem>>) target(%dma_start3A_437 : memref<10240x128xf32, #tpu.memory_space<vmem_shared>>) offsets(%dma_start3A_434 : memref<32xi32, #tpu.memory_space<vmem>>) semaphore(%arg22 : memref<!tpu.dma_semaphore, #tpu.memory_space<semaphore_mem>>) {add = true}
      %ge3A_438 = arith.constant 4 : i32
      %ge3A_439 = arith.cmpi sge, %add3A_400, %ge3A_438 : i32
      %convert_element_type3A_440 = arith.extui %ge3A_439 : i1 to i32
      %cond3A_441 = arith.constant 0 : i32
      %cond3A_442 = arith.cmpi ne, %convert_element_type3A_440, %cond3A_441 : i32
      scf.if %cond3A_442 {
        %dma_wait3A_1057 = arith.constant 0 : i32
        %dma_wait3A_1058 = arith.constant 0 : i32
        %dma_wait3A_1059 = arith.constant 0 : i32
        %dma_wait3A_1060 = arith.constant 0 : i32
        %dma_wait3A_1061 = tpu.memref_slice %arg9[%dma_wait3A_1057, %dma_wait3A_1059, %dma_wait3A_1060] : memref<8x32x128xf32, #tpu.memory_space<vmem>> -> memref<1x32x128xf32, #tpu.memory_space<vmem>>
        %dma_wait3A_1062 = tpu.memref_squeeze %dma_wait3A_1061 : memref<1x32x128xf32, #tpu.memory_space<vmem>> -> memref<32x128xf32, #tpu.memory_space<vmem>>
        %dma_wait3A_1063 = arith.constant 0 : i32
        %dma_wait3A_1064 = tpu.memref_slice %arg8[%dma_wait3A_1058, %dma_wait3A_1063] : memref<8x32xi32, #tpu.memory_space<vmem>> -> memref<1x32xi32, #tpu.memory_space<vmem>>
        %dma_wait3A_1065 = tpu.memref_squeeze %dma_wait3A_1064 : memref<1x32xi32, #tpu.memory_space<vmem>> -> memref<32xi32, #tpu.memory_space<vmem>>
        %dma_wait3A_1066 = arith.constant 0 : i32
        %dma_wait3A_1067 = arith.constant 0 : i32
        %dma_wait3A_1068 = tpu.memref_slice %arg36[%dma_wait3A_1066, %dma_wait3A_1067] : memref<10240x128xf32, #tpu.memory_space<vmem_shared>> -> memref<10240x128xf32, #tpu.memory_space<vmem_shared>>
        tpu.wait_indirect_dma semaphore(%arg18 : memref<!tpu.dma_semaphore, #tpu.memory_space<semaphore_mem>>) src(%dma_wait3A_1062 : memref<32x128xf32, #tpu.memory_space<vmem>>) dst(%dma_wait3A_1068 : memref<10240x128xf32, #tpu.memory_space<vmem_shared>>)
      } else {
      }
      %add3A_443 = arith.constant 4 : i32
      %add3A_444 = arith.addi %add3A_400, %add3A_443 : i32
      %lt3A_445 = arith.constant 640 : i32
      %lt3A_446 = arith.cmpi slt, %add3A_444, %lt3A_445 : i32
      %convert_element_type3A_447 = arith.extui %lt3A_446 : i1 to i32
      %cond3A_448 = arith.constant 0 : i32
      %cond3A_449 = arith.cmpi ne, %convert_element_type3A_447, %cond3A_448 : i32
      scf.if %cond3A_449 {
        %dma_start3A_1057 = arith.constant 1 : i32
        %dma_start3A_1058 = arith.constant 0 : i32
        %dma_start3A_1059 = arith.constant 0 : i32
        %dma_start3A_1060 = arith.constant 0 : i32
        %dma_start3A_1061 = arith.constant 0 : i32
        %dma_start3A_1062 = tpu.memref_slice %arg9[%dma_start3A_1059, %dma_start3A_1060, %dma_start3A_1061] : memref<8x32x128xf32, #tpu.memory_space<vmem>> -> memref<1x32x128xf32, #tpu.memory_space<vmem>>
        %dma_start3A_1063 = tpu.memref_squeeze %dma_start3A_1062 : memref<1x32x128xf32, #tpu.memory_space<vmem>> -> memref<32x128xf32, #tpu.memory_space<vmem>>
        %dma_start3A_1064 = arith.constant 0 : i32
        %dma_start3A_1065 = tpu.memref_slice %arg7[%dma_start3A_1057, %dma_start3A_1058, %dma_start3A_1064] : memref<2x8x32xi32, #tpu.memory_space<vmem>> -> memref<1x1x32xi32, #tpu.memory_space<vmem>>
        %dma_start3A_1066 = tpu.memref_squeeze %dma_start3A_1065 : memref<1x1x32xi32, #tpu.memory_space<vmem>> -> memref<32xi32, #tpu.memory_space<vmem>>
        %dma_start3A_1067 = arith.constant 0 : i32
        %dma_start3A_1068 = arith.constant 0 : i32
        %dma_start3A_1069 = tpu.memref_slice %arg2[%dma_start3A_1067, %dma_start3A_1068] : memref<20480x128xf32, #tpu.memory_space<hbm>> -> memref<20480x128xf32, #tpu.memory_space<hbm>>
        tpu.enqueue_indirect_dma source(%dma_start3A_1069 : memref<20480x128xf32, #tpu.memory_space<hbm>>) target(%dma_start3A_1063 : memref<32x128xf32, #tpu.memory_space<vmem>>) offsets(%dma_start3A_1066 : memref<32xi32, #tpu.memory_space<vmem>>) semaphore(%arg10 : memref<!tpu.dma_semaphore, #tpu.memory_space<semaphore_mem>>)
        %add3A_1070 = arith.addi %mul3A_6, %add3A_400 : i32
        %add3A_1071 = arith.constant 4 : i32
        %add3A_1072 = arith.addi %add3A_1070, %add3A_1071 : i32
        %dma_start3A_1073 = arith.constant 0 : i32
        %dma_start3A_1074 = arith.constant 0 : i32
        %dma_start3A_1075 = tpu.memref_slice %arg8[%dma_start3A_1073, %dma_start3A_1074] : memref<8x32xi32, #tpu.memory_space<vmem>> -> memref<1x32xi32, #tpu.memory_space<vmem>>
        %dma_start3A_1076 = arith.constant 0 : i32
        %dma_start3A_1077 = tpu.memref_slice %arg4[%add3A_1072, %dma_start3A_1076] : memref<10240x32xi32, #tpu.memory_space<hbm>> -> memref<1x32xi32, #tpu.memory_space<hbm>>
        %dma_start3A_1078 = arith.constant 0 : i32
        %dma_start3A_1079 = arith.constant 0 : i32
        %dma_start3A_1080 = tpu.memref_slice %arg8[%dma_start3A_1078, %dma_start3A_1079] : memref<8x32xi32, #tpu.memory_space<vmem>> -> memref<1x32xi32, #tpu.memory_space<vmem>>
        %dma_start3A_1081 = arith.constant 0 : i32
        %dma_start3A_1082 = tpu.memref_slice %arg4[%add3A_1072, %dma_start3A_1081] : memref<10240x32xi32, #tpu.memory_space<hbm>> -> memref<1x32xi32, #tpu.memory_space<hbm>>
        tpu.enqueue_dma source(%dma_start3A_1082 : memref<1x32xi32, #tpu.memory_space<hbm>>) target(%dma_start3A_1080 : memref<1x32xi32, #tpu.memory_space<vmem>>) target_semaphore(%arg26 : memref<!tpu.dma_semaphore, #tpu.memory_space<semaphore_mem>>)
      } else {
      }
      %mul3A_450 = arith.constant 8 : i32
      %mul3A_451 = arith.muli %mul3A_169, %mul3A_450 : i32
      %add3A_452 = arith.constant 5 : i32
      %add3A_453 = arith.addi %mul3A_451, %add3A_452 : i32
      %dma_wait3A_454 = arith.constant 0 : i32
      %dma_wait3A_455 = arith.constant 0 : i32
      %dma_wait3A_456 = arith.constant 5 : i32
      %dma_wait3A_457 = arith.constant 0 : i32
      %dma_wait3A_458 = arith.constant 0 : i32
      %dma_wait3A_459 = tpu.memref_slice %arg9[%dma_wait3A_456, %dma_wait3A_457, %dma_wait3A_458] : memref<8x32x128xf32, #tpu.memory_space<vmem>> -> memref<1x32x128xf32, #tpu.memory_space<vmem>>
      %dma_wait3A_460 = tpu.memref_squeeze %dma_wait3A_459 : memref<1x32x128xf32, #tpu.memory_space<vmem>> -> memref<32x128xf32, #tpu.memory_space<vmem>>
      %dma_wait3A_461 = arith.constant 0 : i32
      %dma_wait3A_462 = tpu.memref_slice %arg7[%dma_wait3A_454, %dma_wait3A_455, %dma_wait3A_461] : memref<2x8x32xi32, #tpu.memory_space<vmem>> -> memref<1x1x32xi32, #tpu.memory_space<vmem>>
      %dma_wait3A_463 = tpu.memref_squeeze %dma_wait3A_462 : memref<1x1x32xi32, #tpu.memory_space<vmem>> -> memref<32xi32, #tpu.memory_space<vmem>>
      %dma_wait3A_464 = arith.constant 0 : i32
      %dma_wait3A_465 = arith.constant 0 : i32
      %dma_wait3A_466 = tpu.memref_slice %arg2[%dma_wait3A_464, %dma_wait3A_465] : memref<20480x128xf32, #tpu.memory_space<hbm>> -> memref<20480x128xf32, #tpu.memory_space<hbm>>
      tpu.wait_indirect_dma semaphore(%arg15 : memref<!tpu.dma_semaphore, #tpu.memory_space<semaphore_mem>>) src(%dma_wait3A_466 : memref<20480x128xf32, #tpu.memory_space<hbm>>) dst(%dma_wait3A_460 : memref<32x128xf32, #tpu.memory_space<vmem>>)
      %dma_wait3A_467 = arith.constant 5 : i32
      %dma_wait3A_468 = arith.constant 0 : i32
      %dma_wait3A_469 = tpu.memref_slice %arg8[%dma_wait3A_467, %dma_wait3A_468] : memref<8x32xi32, #tpu.memory_space<vmem>> -> memref<1x32xi32, #tpu.memory_space<vmem>>
      %dma_wait3A_470 = arith.constant 0 : i32
      %dma_wait3A_471 = arith.constant 0 : i32
      %dma_wait3A_472 = tpu.memref_slice %arg4[%dma_wait3A_470, %dma_wait3A_471] : memref<10240x32xi32, #tpu.memory_space<hbm>> -> memref<1x32xi32, #tpu.memory_space<hbm>>
      %dma_wait3A_473 = arith.constant 5 : i32
      %dma_wait3A_474 = arith.constant 0 : i32
      %dma_wait3A_475 = tpu.memref_slice %arg8[%dma_wait3A_473, %dma_wait3A_474] : memref<8x32xi32, #tpu.memory_space<vmem>> -> memref<1x32xi32, #tpu.memory_space<vmem>>
      %dma_wait3A_476 = arith.constant 0 : i32
      %dma_wait3A_477 = arith.constant 0 : i32
      %dma_wait3A_478 = tpu.memref_slice %arg4[%dma_wait3A_476, %dma_wait3A_477] : memref<10240x32xi32, #tpu.memory_space<hbm>> -> memref<1x32xi32, #tpu.memory_space<hbm>>
      tpu.wait_dma2 semaphore(%arg31 : memref<!tpu.dma_semaphore, #tpu.memory_space<semaphore_mem>>) src(%dma_wait3A_478 : memref<1x32xi32, #tpu.memory_space<hbm>>) dst(%dma_wait3A_475 : memref<1x32xi32, #tpu.memory_space<vmem>>)
      %dma_start3A_479 = arith.constant 5 : i32
      %dma_start3A_480 = arith.constant 5 : i32
      %dma_start3A_481 = arith.constant 0 : i32
      %dma_start3A_482 = arith.constant 0 : i32
      %dma_start3A_483 = tpu.memref_slice %arg9[%dma_start3A_479, %dma_start3A_481, %dma_start3A_482] : memref<8x32x128xf32, #tpu.memory_space<vmem>> -> memref<1x32x128xf32, #tpu.memory_space<vmem>>
      %dma_start3A_484 = tpu.memref_squeeze %dma_start3A_483 : memref<1x32x128xf32, #tpu.memory_space<vmem>> -> memref<32x128xf32, #tpu.memory_space<vmem>>
      %dma_start3A_485 = arith.constant 0 : i32
      %dma_start3A_486 = tpu.memref_slice %arg8[%dma_start3A_480, %dma_start3A_485] : memref<8x32xi32, #tpu.memory_space<vmem>> -> memref<1x32xi32, #tpu.memory_space<vmem>>
      %dma_start3A_487 = tpu.memref_squeeze %dma_start3A_486 : memref<1x32xi32, #tpu.memory_space<vmem>> -> memref<32xi32, #tpu.memory_space<vmem>>
      %dma_start3A_488 = arith.constant 0 : i32
      %dma_start3A_489 = arith.constant 0 : i32
      %dma_start3A_490 = tpu.memref_slice %arg36[%dma_start3A_488, %dma_start3A_489] : memref<10240x128xf32, #tpu.memory_space<vmem_shared>> -> memref<10240x128xf32, #tpu.memory_space<vmem_shared>>
      tpu.enqueue_indirect_dma source(%dma_start3A_484 : memref<32x128xf32, #tpu.memory_space<vmem>>) target(%dma_start3A_490 : memref<10240x128xf32, #tpu.memory_space<vmem_shared>>) offsets(%dma_start3A_487 : memref<32xi32, #tpu.memory_space<vmem>>) semaphore(%arg23 : memref<!tpu.dma_semaphore, #tpu.memory_space<semaphore_mem>>) {add = true}
      %ge3A_491 = arith.constant 4 : i32
      %ge3A_492 = arith.cmpi sge, %add3A_453, %ge3A_491 : i32
      %convert_element_type3A_493 = arith.extui %ge3A_492 : i1 to i32
      %cond3A_494 = arith.constant 0 : i32
      %cond3A_495 = arith.cmpi ne, %convert_element_type3A_493, %cond3A_494 : i32
      scf.if %cond3A_495 {
        %dma_wait3A_1057 = arith.constant 1 : i32
        %dma_wait3A_1058 = arith.constant 0 : i32
        %dma_wait3A_1059 = arith.constant 0 : i32
        %dma_wait3A_1060 = arith.constant 0 : i32
        %dma_wait3A_1061 = tpu.memref_slice %arg9[%dma_wait3A_1057, %dma_wait3A_1059, %dma_wait3A_1060] : memref<8x32x128xf32, #tpu.memory_space<vmem>> -> memref<1x32x128xf32, #tpu.memory_space<vmem>>
        %dma_wait3A_1062 = tpu.memref_squeeze %dma_wait3A_1061 : memref<1x32x128xf32, #tpu.memory_space<vmem>> -> memref<32x128xf32, #tpu.memory_space<vmem>>
        %dma_wait3A_1063 = arith.constant 0 : i32
        %dma_wait3A_1064 = tpu.memref_slice %arg8[%dma_wait3A_1058, %dma_wait3A_1063] : memref<8x32xi32, #tpu.memory_space<vmem>> -> memref<1x32xi32, #tpu.memory_space<vmem>>
        %dma_wait3A_1065 = tpu.memref_squeeze %dma_wait3A_1064 : memref<1x32xi32, #tpu.memory_space<vmem>> -> memref<32xi32, #tpu.memory_space<vmem>>
        %dma_wait3A_1066 = arith.constant 0 : i32
        %dma_wait3A_1067 = arith.constant 0 : i32
        %dma_wait3A_1068 = tpu.memref_slice %arg36[%dma_wait3A_1066, %dma_wait3A_1067] : memref<10240x128xf32, #tpu.memory_space<vmem_shared>> -> memref<10240x128xf32, #tpu.memory_space<vmem_shared>>
        tpu.wait_indirect_dma semaphore(%arg19 : memref<!tpu.dma_semaphore, #tpu.memory_space<semaphore_mem>>) src(%dma_wait3A_1062 : memref<32x128xf32, #tpu.memory_space<vmem>>) dst(%dma_wait3A_1068 : memref<10240x128xf32, #tpu.memory_space<vmem_shared>>)
      } else {
      }
      %add3A_496 = arith.constant 4 : i32
      %add3A_497 = arith.addi %add3A_453, %add3A_496 : i32
      %lt3A_498 = arith.constant 640 : i32
      %lt3A_499 = arith.cmpi slt, %add3A_497, %lt3A_498 : i32
      %convert_element_type3A_500 = arith.extui %lt3A_499 : i1 to i32
      %cond3A_501 = arith.constant 0 : i32
      %cond3A_502 = arith.cmpi ne, %convert_element_type3A_500, %cond3A_501 : i32
      scf.if %cond3A_502 {
        %dma_start3A_1057 = arith.constant 1 : i32
        %dma_start3A_1058 = arith.constant 1 : i32
        %dma_start3A_1059 = arith.constant 1 : i32
        %dma_start3A_1060 = arith.constant 0 : i32
        %dma_start3A_1061 = arith.constant 0 : i32
        %dma_start3A_1062 = tpu.memref_slice %arg9[%dma_start3A_1059, %dma_start3A_1060, %dma_start3A_1061] : memref<8x32x128xf32, #tpu.memory_space<vmem>> -> memref<1x32x128xf32, #tpu.memory_space<vmem>>
        %dma_start3A_1063 = tpu.memref_squeeze %dma_start3A_1062 : memref<1x32x128xf32, #tpu.memory_space<vmem>> -> memref<32x128xf32, #tpu.memory_space<vmem>>
        %dma_start3A_1064 = arith.constant 0 : i32
        %dma_start3A_1065 = tpu.memref_slice %arg7[%dma_start3A_1057, %dma_start3A_1058, %dma_start3A_1064] : memref<2x8x32xi32, #tpu.memory_space<vmem>> -> memref<1x1x32xi32, #tpu.memory_space<vmem>>
        %dma_start3A_1066 = tpu.memref_squeeze %dma_start3A_1065 : memref<1x1x32xi32, #tpu.memory_space<vmem>> -> memref<32xi32, #tpu.memory_space<vmem>>
        %dma_start3A_1067 = arith.constant 0 : i32
        %dma_start3A_1068 = arith.constant 0 : i32
        %dma_start3A_1069 = tpu.memref_slice %arg2[%dma_start3A_1067, %dma_start3A_1068] : memref<20480x128xf32, #tpu.memory_space<hbm>> -> memref<20480x128xf32, #tpu.memory_space<hbm>>
        tpu.enqueue_indirect_dma source(%dma_start3A_1069 : memref<20480x128xf32, #tpu.memory_space<hbm>>) target(%dma_start3A_1063 : memref<32x128xf32, #tpu.memory_space<vmem>>) offsets(%dma_start3A_1066 : memref<32xi32, #tpu.memory_space<vmem>>) semaphore(%arg11 : memref<!tpu.dma_semaphore, #tpu.memory_space<semaphore_mem>>)
        %add3A_1070 = arith.addi %mul3A_6, %add3A_453 : i32
        %add3A_1071 = arith.constant 4 : i32
        %add3A_1072 = arith.addi %add3A_1070, %add3A_1071 : i32
        %dma_start3A_1073 = arith.constant 1 : i32
        %dma_start3A_1074 = arith.constant 0 : i32
        %dma_start3A_1075 = tpu.memref_slice %arg8[%dma_start3A_1073, %dma_start3A_1074] : memref<8x32xi32, #tpu.memory_space<vmem>> -> memref<1x32xi32, #tpu.memory_space<vmem>>
        %dma_start3A_1076 = arith.constant 0 : i32
        %dma_start3A_1077 = tpu.memref_slice %arg4[%add3A_1072, %dma_start3A_1076] : memref<10240x32xi32, #tpu.memory_space<hbm>> -> memref<1x32xi32, #tpu.memory_space<hbm>>
        %dma_start3A_1078 = arith.constant 1 : i32
        %dma_start3A_1079 = arith.constant 0 : i32
        %dma_start3A_1080 = tpu.memref_slice %arg8[%dma_start3A_1078, %dma_start3A_1079] : memref<8x32xi32, #tpu.memory_space<vmem>> -> memref<1x32xi32, #tpu.memory_space<vmem>>
        %dma_start3A_1081 = arith.constant 0 : i32
        %dma_start3A_1082 = tpu.memref_slice %arg4[%add3A_1072, %dma_start3A_1081] : memref<10240x32xi32, #tpu.memory_space<hbm>> -> memref<1x32xi32, #tpu.memory_space<hbm>>
        tpu.enqueue_dma source(%dma_start3A_1082 : memref<1x32xi32, #tpu.memory_space<hbm>>) target(%dma_start3A_1080 : memref<1x32xi32, #tpu.memory_space<vmem>>) target_semaphore(%arg27 : memref<!tpu.dma_semaphore, #tpu.memory_space<semaphore_mem>>)
      } else {
      }
      %mul3A_503 = arith.constant 8 : i32
      %mul3A_504 = arith.muli %mul3A_169, %mul3A_503 : i32
      %add3A_505 = arith.constant 6 : i32
      %add3A_506 = arith.addi %mul3A_504, %add3A_505 : i32
      %dma_wait3A_507 = arith.constant 0 : i32
      %dma_wait3A_508 = arith.constant 0 : i32
      %dma_wait3A_509 = arith.constant 6 : i32
      %dma_wait3A_510 = arith.constant 0 : i32
      %dma_wait3A_511 = arith.constant 0 : i32
      %dma_wait3A_512 = tpu.memref_slice %arg9[%dma_wait3A_509, %dma_wait3A_510, %dma_wait3A_511] : memref<8x32x128xf32, #tpu.memory_space<vmem>> -> memref<1x32x128xf32, #tpu.memory_space<vmem>>
      %dma_wait3A_513 = tpu.memref_squeeze %dma_wait3A_512 : memref<1x32x128xf32, #tpu.memory_space<vmem>> -> memref<32x128xf32, #tpu.memory_space<vmem>>
      %dma_wait3A_514 = arith.constant 0 : i32
      %dma_wait3A_515 = tpu.memref_slice %arg7[%dma_wait3A_507, %dma_wait3A_508, %dma_wait3A_514] : memref<2x8x32xi32, #tpu.memory_space<vmem>> -> memref<1x1x32xi32, #tpu.memory_space<vmem>>
      %dma_wait3A_516 = tpu.memref_squeeze %dma_wait3A_515 : memref<1x1x32xi32, #tpu.memory_space<vmem>> -> memref<32xi32, #tpu.memory_space<vmem>>
      %dma_wait3A_517 = arith.constant 0 : i32
      %dma_wait3A_518 = arith.constant 0 : i32
      %dma_wait3A_519 = tpu.memref_slice %arg2[%dma_wait3A_517, %dma_wait3A_518] : memref<20480x128xf32, #tpu.memory_space<hbm>> -> memref<20480x128xf32, #tpu.memory_space<hbm>>
      tpu.wait_indirect_dma semaphore(%arg16 : memref<!tpu.dma_semaphore, #tpu.memory_space<semaphore_mem>>) src(%dma_wait3A_519 : memref<20480x128xf32, #tpu.memory_space<hbm>>) dst(%dma_wait3A_513 : memref<32x128xf32, #tpu.memory_space<vmem>>)
      %dma_wait3A_520 = arith.constant 6 : i32
      %dma_wait3A_521 = arith.constant 0 : i32
      %dma_wait3A_522 = tpu.memref_slice %arg8[%dma_wait3A_520, %dma_wait3A_521] : memref<8x32xi32, #tpu.memory_space<vmem>> -> memref<1x32xi32, #tpu.memory_space<vmem>>
      %dma_wait3A_523 = arith.constant 0 : i32
      %dma_wait3A_524 = arith.constant 0 : i32
      %dma_wait3A_525 = tpu.memref_slice %arg4[%dma_wait3A_523, %dma_wait3A_524] : memref<10240x32xi32, #tpu.memory_space<hbm>> -> memref<1x32xi32, #tpu.memory_space<hbm>>
      %dma_wait3A_526 = arith.constant 6 : i32
      %dma_wait3A_527 = arith.constant 0 : i32
      %dma_wait3A_528 = tpu.memref_slice %arg8[%dma_wait3A_526, %dma_wait3A_527] : memref<8x32xi32, #tpu.memory_space<vmem>> -> memref<1x32xi32, #tpu.memory_space<vmem>>
      %dma_wait3A_529 = arith.constant 0 : i32
      %dma_wait3A_530 = arith.constant 0 : i32
      %dma_wait3A_531 = tpu.memref_slice %arg4[%dma_wait3A_529, %dma_wait3A_530] : memref<10240x32xi32, #tpu.memory_space<hbm>> -> memref<1x32xi32, #tpu.memory_space<hbm>>
      tpu.wait_dma2 semaphore(%arg32 : memref<!tpu.dma_semaphore, #tpu.memory_space<semaphore_mem>>) src(%dma_wait3A_531 : memref<1x32xi32, #tpu.memory_space<hbm>>) dst(%dma_wait3A_528 : memref<1x32xi32, #tpu.memory_space<vmem>>)
      %dma_start3A_532 = arith.constant 6 : i32
      %dma_start3A_533 = arith.constant 6 : i32
      %dma_start3A_534 = arith.constant 0 : i32
      %dma_start3A_535 = arith.constant 0 : i32
      %dma_start3A_536 = tpu.memref_slice %arg9[%dma_start3A_532, %dma_start3A_534, %dma_start3A_535] : memref<8x32x128xf32, #tpu.memory_space<vmem>> -> memref<1x32x128xf32, #tpu.memory_space<vmem>>
      %dma_start3A_537 = tpu.memref_squeeze %dma_start3A_536 : memref<1x32x128xf32, #tpu.memory_space<vmem>> -> memref<32x128xf32, #tpu.memory_space<vmem>>
      %dma_start3A_538 = arith.constant 0 : i32
      %dma_start3A_539 = tpu.memref_slice %arg8[%dma_start3A_533, %dma_start3A_538] : memref<8x32xi32, #tpu.memory_space<vmem>> -> memref<1x32xi32, #tpu.memory_space<vmem>>
      %dma_start3A_540 = tpu.memref_squeeze %dma_start3A_539 : memref<1x32xi32, #tpu.memory_space<vmem>> -> memref<32xi32, #tpu.memory_space<vmem>>
      %dma_start3A_541 = arith.constant 0 : i32
      %dma_start3A_542 = arith.constant 0 : i32
      %dma_start3A_543 = tpu.memref_slice %arg36[%dma_start3A_541, %dma_start3A_542] : memref<10240x128xf32, #tpu.memory_space<vmem_shared>> -> memref<10240x128xf32, #tpu.memory_space<vmem_shared>>
      tpu.enqueue_indirect_dma source(%dma_start3A_537 : memref<32x128xf32, #tpu.memory_space<vmem>>) target(%dma_start3A_543 : memref<10240x128xf32, #tpu.memory_space<vmem_shared>>) offsets(%dma_start3A_540 : memref<32xi32, #tpu.memory_space<vmem>>) semaphore(%arg24 : memref<!tpu.dma_semaphore, #tpu.memory_space<semaphore_mem>>) {add = true}
      %ge3A_544 = arith.constant 4 : i32
      %ge3A_545 = arith.cmpi sge, %add3A_506, %ge3A_544 : i32
      %convert_element_type3A_546 = arith.extui %ge3A_545 : i1 to i32
      %cond3A_547 = arith.constant 0 : i32
      %cond3A_548 = arith.cmpi ne, %convert_element_type3A_546, %cond3A_547 : i32
      scf.if %cond3A_548 {
        %dma_wait3A_1057 = arith.constant 2 : i32
        %dma_wait3A_1058 = arith.constant 0 : i32
        %dma_wait3A_1059 = arith.constant 0 : i32
        %dma_wait3A_1060 = arith.constant 0 : i32
        %dma_wait3A_1061 = tpu.memref_slice %arg9[%dma_wait3A_1057, %dma_wait3A_1059, %dma_wait3A_1060] : memref<8x32x128xf32, #tpu.memory_space<vmem>> -> memref<1x32x128xf32, #tpu.memory_space<vmem>>
        %dma_wait3A_1062 = tpu.memref_squeeze %dma_wait3A_1061 : memref<1x32x128xf32, #tpu.memory_space<vmem>> -> memref<32x128xf32, #tpu.memory_space<vmem>>
        %dma_wait3A_1063 = arith.constant 0 : i32
        %dma_wait3A_1064 = tpu.memref_slice %arg8[%dma_wait3A_1058, %dma_wait3A_1063] : memref<8x32xi32, #tpu.memory_space<vmem>> -> memref<1x32xi32, #tpu.memory_space<vmem>>
        %dma_wait3A_1065 = tpu.memref_squeeze %dma_wait3A_1064 : memref<1x32xi32, #tpu.memory_space<vmem>> -> memref<32xi32, #tpu.memory_space<vmem>>
        %dma_wait3A_1066 = arith.constant 0 : i32
        %dma_wait3A_1067 = arith.constant 0 : i32
        %dma_wait3A_1068 = tpu.memref_slice %arg36[%dma_wait3A_1066, %dma_wait3A_1067] : memref<10240x128xf32, #tpu.memory_space<vmem_shared>> -> memref<10240x128xf32, #tpu.memory_space<vmem_shared>>
        tpu.wait_indirect_dma semaphore(%arg20 : memref<!tpu.dma_semaphore, #tpu.memory_space<semaphore_mem>>) src(%dma_wait3A_1062 : memref<32x128xf32, #tpu.memory_space<vmem>>) dst(%dma_wait3A_1068 : memref<10240x128xf32, #tpu.memory_space<vmem_shared>>)
      } else {
      }
      %add3A_549 = arith.constant 4 : i32
      %add3A_550 = arith.addi %add3A_506, %add3A_549 : i32
      %lt3A_551 = arith.constant 640 : i32
      %lt3A_552 = arith.cmpi slt, %add3A_550, %lt3A_551 : i32
      %convert_element_type3A_553 = arith.extui %lt3A_552 : i1 to i32
      %cond3A_554 = arith.constant 0 : i32
      %cond3A_555 = arith.cmpi ne, %convert_element_type3A_553, %cond3A_554 : i32
      scf.if %cond3A_555 {
        %dma_start3A_1057 = arith.constant 1 : i32
        %dma_start3A_1058 = arith.constant 2 : i32
        %dma_start3A_1059 = arith.constant 2 : i32
        %dma_start3A_1060 = arith.constant 0 : i32
        %dma_start3A_1061 = arith.constant 0 : i32
        %dma_start3A_1062 = tpu.memref_slice %arg9[%dma_start3A_1059, %dma_start3A_1060, %dma_start3A_1061] : memref<8x32x128xf32, #tpu.memory_space<vmem>> -> memref<1x32x128xf32, #tpu.memory_space<vmem>>
        %dma_start3A_1063 = tpu.memref_squeeze %dma_start3A_1062 : memref<1x32x128xf32, #tpu.memory_space<vmem>> -> memref<32x128xf32, #tpu.memory_space<vmem>>
        %dma_start3A_1064 = arith.constant 0 : i32
        %dma_start3A_1065 = tpu.memref_slice %arg7[%dma_start3A_1057, %dma_start3A_1058, %dma_start3A_1064] : memref<2x8x32xi32, #tpu.memory_space<vmem>> -> memref<1x1x32xi32, #tpu.memory_space<vmem>>
        %dma_start3A_1066 = tpu.memref_squeeze %dma_start3A_1065 : memref<1x1x32xi32, #tpu.memory_space<vmem>> -> memref<32xi32, #tpu.memory_space<vmem>>
        %dma_start3A_1067 = arith.constant 0 : i32
        %dma_start3A_1068 = arith.constant 0 : i32
        %dma_start3A_1069 = tpu.memref_slice %arg2[%dma_start3A_1067, %dma_start3A_1068] : memref<20480x128xf32, #tpu.memory_space<hbm>> -> memref<20480x128xf32, #tpu.memory_space<hbm>>
        tpu.enqueue_indirect_dma source(%dma_start3A_1069 : memref<20480x128xf32, #tpu.memory_space<hbm>>) target(%dma_start3A_1063 : memref<32x128xf32, #tpu.memory_space<vmem>>) offsets(%dma_start3A_1066 : memref<32xi32, #tpu.memory_space<vmem>>) semaphore(%arg12 : memref<!tpu.dma_semaphore, #tpu.memory_space<semaphore_mem>>)
        %add3A_1070 = arith.addi %mul3A_6, %add3A_506 : i32
        %add3A_1071 = arith.constant 4 : i32
        %add3A_1072 = arith.addi %add3A_1070, %add3A_1071 : i32
        %dma_start3A_1073 = arith.constant 2 : i32
        %dma_start3A_1074 = arith.constant 0 : i32
        %dma_start3A_1075 = tpu.memref_slice %arg8[%dma_start3A_1073, %dma_start3A_1074] : memref<8x32xi32, #tpu.memory_space<vmem>> -> memref<1x32xi32, #tpu.memory_space<vmem>>
        %dma_start3A_1076 = arith.constant 0 : i32
        %dma_start3A_1077 = tpu.memref_slice %arg4[%add3A_1072, %dma_start3A_1076] : memref<10240x32xi32, #tpu.memory_space<hbm>> -> memref<1x32xi32, #tpu.memory_space<hbm>>
        %dma_start3A_1078 = arith.constant 2 : i32
        %dma_start3A_1079 = arith.constant 0 : i32
        %dma_start3A_1080 = tpu.memref_slice %arg8[%dma_start3A_1078, %dma_start3A_1079] : memref<8x32xi32, #tpu.memory_space<vmem>> -> memref<1x32xi32, #tpu.memory_space<vmem>>
        %dma_start3A_1081 = arith.constant 0 : i32
        %dma_start3A_1082 = tpu.memref_slice %arg4[%add3A_1072, %dma_start3A_1081] : memref<10240x32xi32, #tpu.memory_space<hbm>> -> memref<1x32xi32, #tpu.memory_space<hbm>>
        tpu.enqueue_dma source(%dma_start3A_1082 : memref<1x32xi32, #tpu.memory_space<hbm>>) target(%dma_start3A_1080 : memref<1x32xi32, #tpu.memory_space<vmem>>) target_semaphore(%arg28 : memref<!tpu.dma_semaphore, #tpu.memory_space<semaphore_mem>>)
      } else {
      }
      %mul3A_556 = arith.constant 8 : i32
      %mul3A_557 = arith.muli %mul3A_169, %mul3A_556 : i32
      %add3A_558 = arith.constant 7 : i32
      %add3A_559 = arith.addi %mul3A_557, %add3A_558 : i32
      %dma_wait3A_560 = arith.constant 0 : i32
      %dma_wait3A_561 = arith.constant 0 : i32
      %dma_wait3A_562 = arith.constant 7 : i32
      %dma_wait3A_563 = arith.constant 0 : i32
      %dma_wait3A_564 = arith.constant 0 : i32
      %dma_wait3A_565 = tpu.memref_slice %arg9[%dma_wait3A_562, %dma_wait3A_563, %dma_wait3A_564] : memref<8x32x128xf32, #tpu.memory_space<vmem>> -> memref<1x32x128xf32, #tpu.memory_space<vmem>>
      %dma_wait3A_566 = tpu.memref_squeeze %dma_wait3A_565 : memref<1x32x128xf32, #tpu.memory_space<vmem>> -> memref<32x128xf32, #tpu.memory_space<vmem>>
      %dma_wait3A_567 = arith.constant 0 : i32
      %dma_wait3A_568 = tpu.memref_slice %arg7[%dma_wait3A_560, %dma_wait3A_561, %dma_wait3A_567] : memref<2x8x32xi32, #tpu.memory_space<vmem>> -> memref<1x1x32xi32, #tpu.memory_space<vmem>>
      %dma_wait3A_569 = tpu.memref_squeeze %dma_wait3A_568 : memref<1x1x32xi32, #tpu.memory_space<vmem>> -> memref<32xi32, #tpu.memory_space<vmem>>
      %dma_wait3A_570 = arith.constant 0 : i32
      %dma_wait3A_571 = arith.constant 0 : i32
      %dma_wait3A_572 = tpu.memref_slice %arg2[%dma_wait3A_570, %dma_wait3A_571] : memref<20480x128xf32, #tpu.memory_space<hbm>> -> memref<20480x128xf32, #tpu.memory_space<hbm>>
      tpu.wait_indirect_dma semaphore(%arg17 : memref<!tpu.dma_semaphore, #tpu.memory_space<semaphore_mem>>) src(%dma_wait3A_572 : memref<20480x128xf32, #tpu.memory_space<hbm>>) dst(%dma_wait3A_566 : memref<32x128xf32, #tpu.memory_space<vmem>>)
      %dma_wait3A_573 = arith.constant 7 : i32
      %dma_wait3A_574 = arith.constant 0 : i32
      %dma_wait3A_575 = tpu.memref_slice %arg8[%dma_wait3A_573, %dma_wait3A_574] : memref<8x32xi32, #tpu.memory_space<vmem>> -> memref<1x32xi32, #tpu.memory_space<vmem>>
      %dma_wait3A_576 = arith.constant 0 : i32
      %dma_wait3A_577 = arith.constant 0 : i32
      %dma_wait3A_578 = tpu.memref_slice %arg4[%dma_wait3A_576, %dma_wait3A_577] : memref<10240x32xi32, #tpu.memory_space<hbm>> -> memref<1x32xi32, #tpu.memory_space<hbm>>
      %dma_wait3A_579 = arith.constant 7 : i32
      %dma_wait3A_580 = arith.constant 0 : i32
      %dma_wait3A_581 = tpu.memref_slice %arg8[%dma_wait3A_579, %dma_wait3A_580] : memref<8x32xi32, #tpu.memory_space<vmem>> -> memref<1x32xi32, #tpu.memory_space<vmem>>
      %dma_wait3A_582 = arith.constant 0 : i32
      %dma_wait3A_583 = arith.constant 0 : i32
      %dma_wait3A_584 = tpu.memref_slice %arg4[%dma_wait3A_582, %dma_wait3A_583] : memref<10240x32xi32, #tpu.memory_space<hbm>> -> memref<1x32xi32, #tpu.memory_space<hbm>>
      tpu.wait_dma2 semaphore(%arg33 : memref<!tpu.dma_semaphore, #tpu.memory_space<semaphore_mem>>) src(%dma_wait3A_584 : memref<1x32xi32, #tpu.memory_space<hbm>>) dst(%dma_wait3A_581 : memref<1x32xi32, #tpu.memory_space<vmem>>)
      %dma_start3A_585 = arith.constant 7 : i32
      %dma_start3A_586 = arith.constant 7 : i32
      %dma_start3A_587 = arith.constant 0 : i32
      %dma_start3A_588 = arith.constant 0 : i32
      %dma_start3A_589 = tpu.memref_slice %arg9[%dma_start3A_585, %dma_start3A_587, %dma_start3A_588] : memref<8x32x128xf32, #tpu.memory_space<vmem>> -> memref<1x32x128xf32, #tpu.memory_space<vmem>>
      %dma_start3A_590 = tpu.memref_squeeze %dma_start3A_589 : memref<1x32x128xf32, #tpu.memory_space<vmem>> -> memref<32x128xf32, #tpu.memory_space<vmem>>
      %dma_start3A_591 = arith.constant 0 : i32
      %dma_start3A_592 = tpu.memref_slice %arg8[%dma_start3A_586, %dma_start3A_591] : memref<8x32xi32, #tpu.memory_space<vmem>> -> memref<1x32xi32, #tpu.memory_space<vmem>>
      %dma_start3A_593 = tpu.memref_squeeze %dma_start3A_592 : memref<1x32xi32, #tpu.memory_space<vmem>> -> memref<32xi32, #tpu.memory_space<vmem>>
      %dma_start3A_594 = arith.constant 0 : i32
      %dma_start3A_595 = arith.constant 0 : i32
      %dma_start3A_596 = tpu.memref_slice %arg36[%dma_start3A_594, %dma_start3A_595] : memref<10240x128xf32, #tpu.memory_space<vmem_shared>> -> memref<10240x128xf32, #tpu.memory_space<vmem_shared>>
      tpu.enqueue_indirect_dma source(%dma_start3A_590 : memref<32x128xf32, #tpu.memory_space<vmem>>) target(%dma_start3A_596 : memref<10240x128xf32, #tpu.memory_space<vmem_shared>>) offsets(%dma_start3A_593 : memref<32xi32, #tpu.memory_space<vmem>>) semaphore(%arg25 : memref<!tpu.dma_semaphore, #tpu.memory_space<semaphore_mem>>) {add = true}
      %ge3A_597 = arith.constant 4 : i32
      %ge3A_598 = arith.cmpi sge, %add3A_559, %ge3A_597 : i32
      %convert_element_type3A_599 = arith.extui %ge3A_598 : i1 to i32
      %cond3A_600 = arith.constant 0 : i32
      %cond3A_601 = arith.cmpi ne, %convert_element_type3A_599, %cond3A_600 : i32
      scf.if %cond3A_601 {
        %dma_wait3A_1057 = arith.constant 3 : i32
        %dma_wait3A_1058 = arith.constant 0 : i32
        %dma_wait3A_1059 = arith.constant 0 : i32
        %dma_wait3A_1060 = arith.constant 0 : i32
        %dma_wait3A_1061 = tpu.memref_slice %arg9[%dma_wait3A_1057, %dma_wait3A_1059, %dma_wait3A_1060] : memref<8x32x128xf32, #tpu.memory_space<vmem>> -> memref<1x32x128xf32, #tpu.memory_space<vmem>>
        %dma_wait3A_1062 = tpu.memref_squeeze %dma_wait3A_1061 : memref<1x32x128xf32, #tpu.memory_space<vmem>> -> memref<32x128xf32, #tpu.memory_space<vmem>>
        %dma_wait3A_1063 = arith.constant 0 : i32
        %dma_wait3A_1064 = tpu.memref_slice %arg8[%dma_wait3A_1058, %dma_wait3A_1063] : memref<8x32xi32, #tpu.memory_space<vmem>> -> memref<1x32xi32, #tpu.memory_space<vmem>>
        %dma_wait3A_1065 = tpu.memref_squeeze %dma_wait3A_1064 : memref<1x32xi32, #tpu.memory_space<vmem>> -> memref<32xi32, #tpu.memory_space<vmem>>
        %dma_wait3A_1066 = arith.constant 0 : i32
        %dma_wait3A_1067 = arith.constant 0 : i32
        %dma_wait3A_1068 = tpu.memref_slice %arg36[%dma_wait3A_1066, %dma_wait3A_1067] : memref<10240x128xf32, #tpu.memory_space<vmem_shared>> -> memref<10240x128xf32, #tpu.memory_space<vmem_shared>>
        tpu.wait_indirect_dma semaphore(%arg21 : memref<!tpu.dma_semaphore, #tpu.memory_space<semaphore_mem>>) src(%dma_wait3A_1062 : memref<32x128xf32, #tpu.memory_space<vmem>>) dst(%dma_wait3A_1068 : memref<10240x128xf32, #tpu.memory_space<vmem_shared>>)
      } else {
      }
      %add3A_602 = arith.constant 4 : i32
      %add3A_603 = arith.addi %add3A_559, %add3A_602 : i32
      %lt3A_604 = arith.constant 640 : i32
      %lt3A_605 = arith.cmpi slt, %add3A_603, %lt3A_604 : i32
      %convert_element_type3A_606 = arith.extui %lt3A_605 : i1 to i32
      %cond3A_607 = arith.constant 0 : i32
      %cond3A_608 = arith.cmpi ne, %convert_element_type3A_606, %cond3A_607 : i32
      scf.if %cond3A_608 {
        %dma_start3A_1057 = arith.constant 1 : i32
        %dma_start3A_1058 = arith.constant 3 : i32
        %dma_start3A_1059 = arith.constant 3 : i32
        %dma_start3A_1060 = arith.constant 0 : i32
        %dma_start3A_1061 = arith.constant 0 : i32
        %dma_start3A_1062 = tpu.memref_slice %arg9[%dma_start3A_1059, %dma_start3A_1060, %dma_start3A_1061] : memref<8x32x128xf32, #tpu.memory_space<vmem>> -> memref<1x32x128xf32, #tpu.memory_space<vmem>>
        %dma_start3A_1063 = tpu.memref_squeeze %dma_start3A_1062 : memref<1x32x128xf32, #tpu.memory_space<vmem>> -> memref<32x128xf32, #tpu.memory_space<vmem>>
        %dma_start3A_1064 = arith.constant 0 : i32
        %dma_start3A_1065 = tpu.memref_slice %arg7[%dma_start3A_1057, %dma_start3A_1058, %dma_start3A_1064] : memref<2x8x32xi32, #tpu.memory_space<vmem>> -> memref<1x1x32xi32, #tpu.memory_space<vmem>>
        %dma_start3A_1066 = tpu.memref_squeeze %dma_start3A_1065 : memref<1x1x32xi32, #tpu.memory_space<vmem>> -> memref<32xi32, #tpu.memory_space<vmem>>
        %dma_start3A_1067 = arith.constant 0 : i32
        %dma_start3A_1068 = arith.constant 0 : i32
        %dma_start3A_1069 = tpu.memref_slice %arg2[%dma_start3A_1067, %dma_start3A_1068] : memref<20480x128xf32, #tpu.memory_space<hbm>> -> memref<20480x128xf32, #tpu.memory_space<hbm>>
        tpu.enqueue_indirect_dma source(%dma_start3A_1069 : memref<20480x128xf32, #tpu.memory_space<hbm>>) target(%dma_start3A_1063 : memref<32x128xf32, #tpu.memory_space<vmem>>) offsets(%dma_start3A_1066 : memref<32xi32, #tpu.memory_space<vmem>>) semaphore(%arg13 : memref<!tpu.dma_semaphore, #tpu.memory_space<semaphore_mem>>)
        %add3A_1070 = arith.addi %mul3A_6, %add3A_559 : i32
        %add3A_1071 = arith.constant 4 : i32
        %add3A_1072 = arith.addi %add3A_1070, %add3A_1071 : i32
        %dma_start3A_1073 = arith.constant 3 : i32
        %dma_start3A_1074 = arith.constant 0 : i32
        %dma_start3A_1075 = tpu.memref_slice %arg8[%dma_start3A_1073, %dma_start3A_1074] : memref<8x32xi32, #tpu.memory_space<vmem>> -> memref<1x32xi32, #tpu.memory_space<vmem>>
        %dma_start3A_1076 = arith.constant 0 : i32
        %dma_start3A_1077 = tpu.memref_slice %arg4[%add3A_1072, %dma_start3A_1076] : memref<10240x32xi32, #tpu.memory_space<hbm>> -> memref<1x32xi32, #tpu.memory_space<hbm>>
        %dma_start3A_1078 = arith.constant 3 : i32
        %dma_start3A_1079 = arith.constant 0 : i32
        %dma_start3A_1080 = tpu.memref_slice %arg8[%dma_start3A_1078, %dma_start3A_1079] : memref<8x32xi32, #tpu.memory_space<vmem>> -> memref<1x32xi32, #tpu.memory_space<vmem>>
        %dma_start3A_1081 = arith.constant 0 : i32
        %dma_start3A_1082 = tpu.memref_slice %arg4[%add3A_1072, %dma_start3A_1081] : memref<10240x32xi32, #tpu.memory_space<hbm>> -> memref<1x32xi32, #tpu.memory_space<hbm>>
        tpu.enqueue_dma source(%dma_start3A_1082 : memref<1x32xi32, #tpu.memory_space<hbm>>) target(%dma_start3A_1080 : memref<1x32xi32, #tpu.memory_space<vmem>>) target_semaphore(%arg29 : memref<!tpu.dma_semaphore, #tpu.memory_space<semaphore_mem>>)
      } else {
      }
      %mul3A_609 = arith.constant 2 : i32
      %mul3A_610 = arith.muli %mul3A_609, %scan3A_167 : i32
      %add3A_611 = arith.constant 1 : i32
      %add3A_612 = arith.addi %mul3A_610, %add3A_611 : i32
      %mul3A_613 = arith.constant 8 : i32
      %mul3A_614 = arith.muli %add3A_612, %mul3A_613 : i32
      %add3A_615 = arith.constant 0 : i32
      %add3A_616 = arith.addi %mul3A_614, %add3A_615 : i32
      %ge3A_617 = arith.constant 1 : i32
      %ge3A_618 = arith.cmpi sge, %add3A_612, %ge3A_617 : i32
      %add3A_619 = arith.constant 1 : i32
      %add3A_620 = arith.addi %add3A_612, %add3A_619 : i32
      %lt3A_621 = arith.constant 80 : i32
      %lt3A_622 = arith.cmpi slt, %add3A_620, %lt3A_621 : i32
      %and3A_623 = arith.andi %ge3A_618, %lt3A_622 : i1
      %convert_element_type3A_624 = arith.extui %and3A_623 : i1 to i32
      %cond3A_625 = arith.constant 0 : i32
      %cond3A_626 = arith.cmpi ne, %convert_element_type3A_624, %cond3A_625 : i32
      scf.if %cond3A_626 {
        %add3A_1057 = arith.constant 1 : i32
        %add3A_1058 = arith.addi %add3A_612, %add3A_1057 : i32
        %mul3A_1059 = arith.constant 8 : i32
        %mul3A_1060 = arith.muli %add3A_1058, %mul3A_1059 : i32
        %add3A_1061 = arith.addi %add3A, %mul3A_1060 : i32
        %dma_start3A_1062 = arith.constant 0 : i32
        %dma_start3A_1063 = arith.constant 0 : i32
        %dma_start3A_1064 = arith.constant 0 : i32
        %dma_start3A_1065 = tpu.memref_slice %arg7[%dma_start3A_1062, %dma_start3A_1063, %dma_start3A_1064] : memref<2x8x32xi32, #tpu.memory_space<vmem>> -> memref<1x8x32xi32, #tpu.memory_space<vmem>>
        %dma_start3A_1066 = tpu.memref_squeeze %dma_start3A_1065 : memref<1x8x32xi32, #tpu.memory_space<vmem>> -> memref<8x32xi32, #tpu.memory_space<vmem>>
        %dma_start3A_1067 = arith.constant 0 : i32
        %dma_start3A_1068 = tpu.memref_slice %arg3[%add3A_1061, %dma_start3A_1067] : memref<20480x32xi32, #tpu.memory_space<hbm>> -> memref<8x32xi32, #tpu.memory_space<hbm>>
        %dma_start3A_1069 = arith.constant 0 : i32
        %dma_start3A_1070 = arith.constant 0 : i32
        %dma_start3A_1071 = tpu.memref_slice %arg7[%dma_start3A_1062, %dma_start3A_1069, %dma_start3A_1070] : memref<2x8x32xi32, #tpu.memory_space<vmem>> -> memref<1x8x32xi32, #tpu.memory_space<vmem>>
        %dma_start3A_1072 = tpu.memref_squeeze %dma_start3A_1071 : memref<1x8x32xi32, #tpu.memory_space<vmem>> -> memref<8x32xi32, #tpu.memory_space<vmem>>
        %dma_start3A_1073 = arith.constant 0 : i32
        %dma_start3A_1074 = tpu.memref_slice %arg3[%add3A_1061, %dma_start3A_1073] : memref<20480x32xi32, #tpu.memory_space<hbm>> -> memref<8x32xi32, #tpu.memory_space<hbm>>
        tpu.enqueue_dma source(%dma_start3A_1074 : memref<8x32xi32, #tpu.memory_space<hbm>>) target(%dma_start3A_1072 : memref<8x32xi32, #tpu.memory_space<vmem>>) target_semaphore(%arg34 : memref<!tpu.dma_semaphore, #tpu.memory_space<semaphore_mem>>)
      } else {
      }
      %dma_wait3A_627 = arith.constant 0 : i32
      %dma_wait3A_628 = arith.constant 0 : i32
      %dma_wait3A_629 = arith.constant 0 : i32
      %dma_wait3A_630 = arith.constant 0 : i32
      %dma_wait3A_631 = arith.constant 0 : i32
      %dma_wait3A_632 = tpu.memref_slice %arg9[%dma_wait3A_629, %dma_wait3A_630, %dma_wait3A_631] : memref<8x32x128xf32, #tpu.memory_space<vmem>> -> memref<1x32x128xf32, #tpu.memory_space<vmem>>
      %dma_wait3A_633 = tpu.memref_squeeze %dma_wait3A_632 : memref<1x32x128xf32, #tpu.memory_space<vmem>> -> memref<32x128xf32, #tpu.memory_space<vmem>>
      %dma_wait3A_634 = arith.constant 0 : i32
      %dma_wait3A_635 = tpu.memref_slice %arg7[%dma_wait3A_627, %dma_wait3A_628, %dma_wait3A_634] : memref<2x8x32xi32, #tpu.memory_space<vmem>> -> memref<1x1x32xi32, #tpu.memory_space<vmem>>
      %dma_wait3A_636 = tpu.memref_squeeze %dma_wait3A_635 : memref<1x1x32xi32, #tpu.memory_space<vmem>> -> memref<32xi32, #tpu.memory_space<vmem>>
      %dma_wait3A_637 = arith.constant 0 : i32
      %dma_wait3A_638 = arith.constant 0 : i32
      %dma_wait3A_639 = tpu.memref_slice %arg2[%dma_wait3A_637, %dma_wait3A_638] : memref<20480x128xf32, #tpu.memory_space<hbm>> -> memref<20480x128xf32, #tpu.memory_space<hbm>>
      tpu.wait_indirect_dma semaphore(%arg10 : memref<!tpu.dma_semaphore, #tpu.memory_space<semaphore_mem>>) src(%dma_wait3A_639 : memref<20480x128xf32, #tpu.memory_space<hbm>>) dst(%dma_wait3A_633 : memref<32x128xf32, #tpu.memory_space<vmem>>)
      %dma_wait3A_640 = arith.constant 0 : i32
      %dma_wait3A_641 = arith.constant 0 : i32
      %dma_wait3A_642 = tpu.memref_slice %arg8[%dma_wait3A_640, %dma_wait3A_641] : memref<8x32xi32, #tpu.memory_space<vmem>> -> memref<1x32xi32, #tpu.memory_space<vmem>>
      %dma_wait3A_643 = arith.constant 0 : i32
      %dma_wait3A_644 = arith.constant 0 : i32
      %dma_wait3A_645 = tpu.memref_slice %arg4[%dma_wait3A_643, %dma_wait3A_644] : memref<10240x32xi32, #tpu.memory_space<hbm>> -> memref<1x32xi32, #tpu.memory_space<hbm>>
      %dma_wait3A_646 = arith.constant 0 : i32
      %dma_wait3A_647 = arith.constant 0 : i32
      %dma_wait3A_648 = tpu.memref_slice %arg8[%dma_wait3A_646, %dma_wait3A_647] : memref<8x32xi32, #tpu.memory_space<vmem>> -> memref<1x32xi32, #tpu.memory_space<vmem>>
      %dma_wait3A_649 = arith.constant 0 : i32
      %dma_wait3A_650 = arith.constant 0 : i32
      %dma_wait3A_651 = tpu.memref_slice %arg4[%dma_wait3A_649, %dma_wait3A_650] : memref<10240x32xi32, #tpu.memory_space<hbm>> -> memref<1x32xi32, #tpu.memory_space<hbm>>
      tpu.wait_dma2 semaphore(%arg26 : memref<!tpu.dma_semaphore, #tpu.memory_space<semaphore_mem>>) src(%dma_wait3A_651 : memref<1x32xi32, #tpu.memory_space<hbm>>) dst(%dma_wait3A_648 : memref<1x32xi32, #tpu.memory_space<vmem>>)
      %dma_start3A_652 = arith.constant 0 : i32
      %dma_start3A_653 = arith.constant 0 : i32
      %dma_start3A_654 = arith.constant 0 : i32
      %dma_start3A_655 = arith.constant 0 : i32
      %dma_start3A_656 = tpu.memref_slice %arg9[%dma_start3A_652, %dma_start3A_654, %dma_start3A_655] : memref<8x32x128xf32, #tpu.memory_space<vmem>> -> memref<1x32x128xf32, #tpu.memory_space<vmem>>
      %dma_start3A_657 = tpu.memref_squeeze %dma_start3A_656 : memref<1x32x128xf32, #tpu.memory_space<vmem>> -> memref<32x128xf32, #tpu.memory_space<vmem>>
      %dma_start3A_658 = arith.constant 0 : i32
      %dma_start3A_659 = tpu.memref_slice %arg8[%dma_start3A_653, %dma_start3A_658] : memref<8x32xi32, #tpu.memory_space<vmem>> -> memref<1x32xi32, #tpu.memory_space<vmem>>
      %dma_start3A_660 = tpu.memref_squeeze %dma_start3A_659 : memref<1x32xi32, #tpu.memory_space<vmem>> -> memref<32xi32, #tpu.memory_space<vmem>>
      %dma_start3A_661 = arith.constant 0 : i32
      %dma_start3A_662 = arith.constant 0 : i32
      %dma_start3A_663 = tpu.memref_slice %arg36[%dma_start3A_661, %dma_start3A_662] : memref<10240x128xf32, #tpu.memory_space<vmem_shared>> -> memref<10240x128xf32, #tpu.memory_space<vmem_shared>>
      tpu.enqueue_indirect_dma source(%dma_start3A_657 : memref<32x128xf32, #tpu.memory_space<vmem>>) target(%dma_start3A_663 : memref<10240x128xf32, #tpu.memory_space<vmem_shared>>) offsets(%dma_start3A_660 : memref<32xi32, #tpu.memory_space<vmem>>) semaphore(%arg18 : memref<!tpu.dma_semaphore, #tpu.memory_space<semaphore_mem>>) {add = true}
      %ge3A_664 = arith.constant 4 : i32
      %ge3A_665 = arith.cmpi sge, %add3A_616, %ge3A_664 : i32
      %convert_element_type3A_666 = arith.extui %ge3A_665 : i1 to i32
      %cond3A_667 = arith.constant 0 : i32
      %cond3A_668 = arith.cmpi ne, %convert_element_type3A_666, %cond3A_667 : i32
      scf.if %cond3A_668 {
        %dma_wait3A_1057 = arith.constant 4 : i32
        %dma_wait3A_1058 = arith.constant 0 : i32
        %dma_wait3A_1059 = arith.constant 0 : i32
        %dma_wait3A_1060 = arith.constant 0 : i32
        %dma_wait3A_1061 = tpu.memref_slice %arg9[%dma_wait3A_1057, %dma_wait3A_1059, %dma_wait3A_1060] : memref<8x32x128xf32, #tpu.memory_space<vmem>> -> memref<1x32x128xf32, #tpu.memory_space<vmem>>
        %dma_wait3A_1062 = tpu.memref_squeeze %dma_wait3A_1061 : memref<1x32x128xf32, #tpu.memory_space<vmem>> -> memref<32x128xf32, #tpu.memory_space<vmem>>
        %dma_wait3A_1063 = arith.constant 0 : i32
        %dma_wait3A_1064 = tpu.memref_slice %arg8[%dma_wait3A_1058, %dma_wait3A_1063] : memref<8x32xi32, #tpu.memory_space<vmem>> -> memref<1x32xi32, #tpu.memory_space<vmem>>
        %dma_wait3A_1065 = tpu.memref_squeeze %dma_wait3A_1064 : memref<1x32xi32, #tpu.memory_space<vmem>> -> memref<32xi32, #tpu.memory_space<vmem>>
        %dma_wait3A_1066 = arith.constant 0 : i32
        %dma_wait3A_1067 = arith.constant 0 : i32
        %dma_wait3A_1068 = tpu.memref_slice %arg36[%dma_wait3A_1066, %dma_wait3A_1067] : memref<10240x128xf32, #tpu.memory_space<vmem_shared>> -> memref<10240x128xf32, #tpu.memory_space<vmem_shared>>
        tpu.wait_indirect_dma semaphore(%arg22 : memref<!tpu.dma_semaphore, #tpu.memory_space<semaphore_mem>>) src(%dma_wait3A_1062 : memref<32x128xf32, #tpu.memory_space<vmem>>) dst(%dma_wait3A_1068 : memref<10240x128xf32, #tpu.memory_space<vmem_shared>>)
      } else {
      }
      %add3A_669 = arith.constant 4 : i32
      %add3A_670 = arith.addi %add3A_616, %add3A_669 : i32
      %lt3A_671 = arith.constant 640 : i32
      %lt3A_672 = arith.cmpi slt, %add3A_670, %lt3A_671 : i32
      %convert_element_type3A_673 = arith.extui %lt3A_672 : i1 to i32
      %cond3A_674 = arith.constant 0 : i32
      %cond3A_675 = arith.cmpi ne, %convert_element_type3A_673, %cond3A_674 : i32
      scf.if %cond3A_675 {
        %dma_start3A_1057 = arith.constant 1 : i32
        %dma_start3A_1058 = arith.constant 4 : i32
        %dma_start3A_1059 = arith.constant 4 : i32
        %dma_start3A_1060 = arith.constant 0 : i32
        %dma_start3A_1061 = arith.constant 0 : i32
        %dma_start3A_1062 = tpu.memref_slice %arg9[%dma_start3A_1059, %dma_start3A_1060, %dma_start3A_1061] : memref<8x32x128xf32, #tpu.memory_space<vmem>> -> memref<1x32x128xf32, #tpu.memory_space<vmem>>
        %dma_start3A_1063 = tpu.memref_squeeze %dma_start3A_1062 : memref<1x32x128xf32, #tpu.memory_space<vmem>> -> memref<32x128xf32, #tpu.memory_space<vmem>>
        %dma_start3A_1064 = arith.constant 0 : i32
        %dma_start3A_1065 = tpu.memref_slice %arg7[%dma_start3A_1057, %dma_start3A_1058, %dma_start3A_1064] : memref<2x8x32xi32, #tpu.memory_space<vmem>> -> memref<1x1x32xi32, #tpu.memory_space<vmem>>
        %dma_start3A_1066 = tpu.memref_squeeze %dma_start3A_1065 : memref<1x1x32xi32, #tpu.memory_space<vmem>> -> memref<32xi32, #tpu.memory_space<vmem>>
        %dma_start3A_1067 = arith.constant 0 : i32
        %dma_start3A_1068 = arith.constant 0 : i32
        %dma_start3A_1069 = tpu.memref_slice %arg2[%dma_start3A_1067, %dma_start3A_1068] : memref<20480x128xf32, #tpu.memory_space<hbm>> -> memref<20480x128xf32, #tpu.memory_space<hbm>>
        tpu.enqueue_indirect_dma source(%dma_start3A_1069 : memref<20480x128xf32, #tpu.memory_space<hbm>>) target(%dma_start3A_1063 : memref<32x128xf32, #tpu.memory_space<vmem>>) offsets(%dma_start3A_1066 : memref<32xi32, #tpu.memory_space<vmem>>) semaphore(%arg14 : memref<!tpu.dma_semaphore, #tpu.memory_space<semaphore_mem>>)
        %add3A_1070 = arith.addi %mul3A_6, %add3A_616 : i32
        %add3A_1071 = arith.constant 4 : i32
        %add3A_1072 = arith.addi %add3A_1070, %add3A_1071 : i32
        %dma_start3A_1073 = arith.constant 4 : i32
        %dma_start3A_1074 = arith.constant 0 : i32
        %dma_start3A_1075 = tpu.memref_slice %arg8[%dma_start3A_1073, %dma_start3A_1074] : memref<8x32xi32, #tpu.memory_space<vmem>> -> memref<1x32xi32, #tpu.memory_space<vmem>>
        %dma_start3A_1076 = arith.constant 0 : i32
        %dma_start3A_1077 = tpu.memref_slice %arg4[%add3A_1072, %dma_start3A_1076] : memref<10240x32xi32, #tpu.memory_space<hbm>> -> memref<1x32xi32, #tpu.memory_space<hbm>>
        %dma_start3A_1078 = arith.constant 4 : i32
        %dma_start3A_1079 = arith.constant 0 : i32
        %dma_start3A_1080 = tpu.memref_slice %arg8[%dma_start3A_1078, %dma_start3A_1079] : memref<8x32xi32, #tpu.memory_space<vmem>> -> memref<1x32xi32, #tpu.memory_space<vmem>>
        %dma_start3A_1081 = arith.constant 0 : i32
        %dma_start3A_1082 = tpu.memref_slice %arg4[%add3A_1072, %dma_start3A_1081] : memref<10240x32xi32, #tpu.memory_space<hbm>> -> memref<1x32xi32, #tpu.memory_space<hbm>>
        tpu.enqueue_dma source(%dma_start3A_1082 : memref<1x32xi32, #tpu.memory_space<hbm>>) target(%dma_start3A_1080 : memref<1x32xi32, #tpu.memory_space<vmem>>) target_semaphore(%arg30 : memref<!tpu.dma_semaphore, #tpu.memory_space<semaphore_mem>>)
      } else {
      }
      %mul3A_676 = arith.constant 8 : i32
      %mul3A_677 = arith.muli %add3A_612, %mul3A_676 : i32
      %add3A_678 = arith.constant 1 : i32
      %add3A_679 = arith.addi %mul3A_677, %add3A_678 : i32
      %dma_wait3A_680 = arith.constant 0 : i32
      %dma_wait3A_681 = arith.constant 0 : i32
      %dma_wait3A_682 = arith.constant 1 : i32
      %dma_wait3A_683 = arith.constant 0 : i32
      %dma_wait3A_684 = arith.constant 0 : i32
      %dma_wait3A_685 = tpu.memref_slice %arg9[%dma_wait3A_682, %dma_wait3A_683, %dma_wait3A_684] : memref<8x32x128xf32, #tpu.memory_space<vmem>> -> memref<1x32x128xf32, #tpu.memory_space<vmem>>
      %dma_wait3A_686 = tpu.memref_squeeze %dma_wait3A_685 : memref<1x32x128xf32, #tpu.memory_space<vmem>> -> memref<32x128xf32, #tpu.memory_space<vmem>>
      %dma_wait3A_687 = arith.constant 0 : i32
      %dma_wait3A_688 = tpu.memref_slice %arg7[%dma_wait3A_680, %dma_wait3A_681, %dma_wait3A_687] : memref<2x8x32xi32, #tpu.memory_space<vmem>> -> memref<1x1x32xi32, #tpu.memory_space<vmem>>
      %dma_wait3A_689 = tpu.memref_squeeze %dma_wait3A_688 : memref<1x1x32xi32, #tpu.memory_space<vmem>> -> memref<32xi32, #tpu.memory_space<vmem>>
      %dma_wait3A_690 = arith.constant 0 : i32
      %dma_wait3A_691 = arith.constant 0 : i32
      %dma_wait3A_692 = tpu.memref_slice %arg2[%dma_wait3A_690, %dma_wait3A_691] : memref<20480x128xf32, #tpu.memory_space<hbm>> -> memref<20480x128xf32, #tpu.memory_space<hbm>>
      tpu.wait_indirect_dma semaphore(%arg11 : memref<!tpu.dma_semaphore, #tpu.memory_space<semaphore_mem>>) src(%dma_wait3A_692 : memref<20480x128xf32, #tpu.memory_space<hbm>>) dst(%dma_wait3A_686 : memref<32x128xf32, #tpu.memory_space<vmem>>)
      %dma_wait3A_693 = arith.constant 1 : i32
      %dma_wait3A_694 = arith.constant 0 : i32
      %dma_wait3A_695 = tpu.memref_slice %arg8[%dma_wait3A_693, %dma_wait3A_694] : memref<8x32xi32, #tpu.memory_space<vmem>> -> memref<1x32xi32, #tpu.memory_space<vmem>>
      %dma_wait3A_696 = arith.constant 0 : i32
      %dma_wait3A_697 = arith.constant 0 : i32
      %dma_wait3A_698 = tpu.memref_slice %arg4[%dma_wait3A_696, %dma_wait3A_697] : memref<10240x32xi32, #tpu.memory_space<hbm>> -> memref<1x32xi32, #tpu.memory_space<hbm>>
      %dma_wait3A_699 = arith.constant 1 : i32
      %dma_wait3A_700 = arith.constant 0 : i32
      %dma_wait3A_701 = tpu.memref_slice %arg8[%dma_wait3A_699, %dma_wait3A_700] : memref<8x32xi32, #tpu.memory_space<vmem>> -> memref<1x32xi32, #tpu.memory_space<vmem>>
      %dma_wait3A_702 = arith.constant 0 : i32
      %dma_wait3A_703 = arith.constant 0 : i32
      %dma_wait3A_704 = tpu.memref_slice %arg4[%dma_wait3A_702, %dma_wait3A_703] : memref<10240x32xi32, #tpu.memory_space<hbm>> -> memref<1x32xi32, #tpu.memory_space<hbm>>
      tpu.wait_dma2 semaphore(%arg27 : memref<!tpu.dma_semaphore, #tpu.memory_space<semaphore_mem>>) src(%dma_wait3A_704 : memref<1x32xi32, #tpu.memory_space<hbm>>) dst(%dma_wait3A_701 : memref<1x32xi32, #tpu.memory_space<vmem>>)
      %dma_start3A_705 = arith.constant 1 : i32
      %dma_start3A_706 = arith.constant 1 : i32
      %dma_start3A_707 = arith.constant 0 : i32
      %dma_start3A_708 = arith.constant 0 : i32
      %dma_start3A_709 = tpu.memref_slice %arg9[%dma_start3A_705, %dma_start3A_707, %dma_start3A_708] : memref<8x32x128xf32, #tpu.memory_space<vmem>> -> memref<1x32x128xf32, #tpu.memory_space<vmem>>
      %dma_start3A_710 = tpu.memref_squeeze %dma_start3A_709 : memref<1x32x128xf32, #tpu.memory_space<vmem>> -> memref<32x128xf32, #tpu.memory_space<vmem>>
      %dma_start3A_711 = arith.constant 0 : i32
      %dma_start3A_712 = tpu.memref_slice %arg8[%dma_start3A_706, %dma_start3A_711] : memref<8x32xi32, #tpu.memory_space<vmem>> -> memref<1x32xi32, #tpu.memory_space<vmem>>
      %dma_start3A_713 = tpu.memref_squeeze %dma_start3A_712 : memref<1x32xi32, #tpu.memory_space<vmem>> -> memref<32xi32, #tpu.memory_space<vmem>>
      %dma_start3A_714 = arith.constant 0 : i32
      %dma_start3A_715 = arith.constant 0 : i32
      %dma_start3A_716 = tpu.memref_slice %arg36[%dma_start3A_714, %dma_start3A_715] : memref<10240x128xf32, #tpu.memory_space<vmem_shared>> -> memref<10240x128xf32, #tpu.memory_space<vmem_shared>>
      tpu.enqueue_indirect_dma source(%dma_start3A_710 : memref<32x128xf32, #tpu.memory_space<vmem>>) target(%dma_start3A_716 : memref<10240x128xf32, #tpu.memory_space<vmem_shared>>) offsets(%dma_start3A_713 : memref<32xi32, #tpu.memory_space<vmem>>) semaphore(%arg19 : memref<!tpu.dma_semaphore, #tpu.memory_space<semaphore_mem>>) {add = true}
      %ge3A_717 = arith.constant 4 : i32
      %ge3A_718 = arith.cmpi sge, %add3A_679, %ge3A_717 : i32
      %convert_element_type3A_719 = arith.extui %ge3A_718 : i1 to i32
      %cond3A_720 = arith.constant 0 : i32
      %cond3A_721 = arith.cmpi ne, %convert_element_type3A_719, %cond3A_720 : i32
      scf.if %cond3A_721 {
        %dma_wait3A_1057 = arith.constant 5 : i32
        %dma_wait3A_1058 = arith.constant 0 : i32
        %dma_wait3A_1059 = arith.constant 0 : i32
        %dma_wait3A_1060 = arith.constant 0 : i32
        %dma_wait3A_1061 = tpu.memref_slice %arg9[%dma_wait3A_1057, %dma_wait3A_1059, %dma_wait3A_1060] : memref<8x32x128xf32, #tpu.memory_space<vmem>> -> memref<1x32x128xf32, #tpu.memory_space<vmem>>
        %dma_wait3A_1062 = tpu.memref_squeeze %dma_wait3A_1061 : memref<1x32x128xf32, #tpu.memory_space<vmem>> -> memref<32x128xf32, #tpu.memory_space<vmem>>
        %dma_wait3A_1063 = arith.constant 0 : i32
        %dma_wait3A_1064 = tpu.memref_slice %arg8[%dma_wait3A_1058, %dma_wait3A_1063] : memref<8x32xi32, #tpu.memory_space<vmem>> -> memref<1x32xi32, #tpu.memory_space<vmem>>
        %dma_wait3A_1065 = tpu.memref_squeeze %dma_wait3A_1064 : memref<1x32xi32, #tpu.memory_space<vmem>> -> memref<32xi32, #tpu.memory_space<vmem>>
        %dma_wait3A_1066 = arith.constant 0 : i32
        %dma_wait3A_1067 = arith.constant 0 : i32
        %dma_wait3A_1068 = tpu.memref_slice %arg36[%dma_wait3A_1066, %dma_wait3A_1067] : memref<10240x128xf32, #tpu.memory_space<vmem_shared>> -> memref<10240x128xf32, #tpu.memory_space<vmem_shared>>
        tpu.wait_indirect_dma semaphore(%arg23 : memref<!tpu.dma_semaphore, #tpu.memory_space<semaphore_mem>>) src(%dma_wait3A_1062 : memref<32x128xf32, #tpu.memory_space<vmem>>) dst(%dma_wait3A_1068 : memref<10240x128xf32, #tpu.memory_space<vmem_shared>>)
      } else {
      }
      %add3A_722 = arith.constant 4 : i32
      %add3A_723 = arith.addi %add3A_679, %add3A_722 : i32
      %lt3A_724 = arith.constant 640 : i32
      %lt3A_725 = arith.cmpi slt, %add3A_723, %lt3A_724 : i32
      %convert_element_type3A_726 = arith.extui %lt3A_725 : i1 to i32
      %cond3A_727 = arith.constant 0 : i32
      %cond3A_728 = arith.cmpi ne, %convert_element_type3A_726, %cond3A_727 : i32
      scf.if %cond3A_728 {
        %dma_start3A_1057 = arith.constant 1 : i32
        %dma_start3A_1058 = arith.constant 5 : i32
        %dma_start3A_1059 = arith.constant 5 : i32
        %dma_start3A_1060 = arith.constant 0 : i32
        %dma_start3A_1061 = arith.constant 0 : i32
        %dma_start3A_1062 = tpu.memref_slice %arg9[%dma_start3A_1059, %dma_start3A_1060, %dma_start3A_1061] : memref<8x32x128xf32, #tpu.memory_space<vmem>> -> memref<1x32x128xf32, #tpu.memory_space<vmem>>
        %dma_start3A_1063 = tpu.memref_squeeze %dma_start3A_1062 : memref<1x32x128xf32, #tpu.memory_space<vmem>> -> memref<32x128xf32, #tpu.memory_space<vmem>>
        %dma_start3A_1064 = arith.constant 0 : i32
        %dma_start3A_1065 = tpu.memref_slice %arg7[%dma_start3A_1057, %dma_start3A_1058, %dma_start3A_1064] : memref<2x8x32xi32, #tpu.memory_space<vmem>> -> memref<1x1x32xi32, #tpu.memory_space<vmem>>
        %dma_start3A_1066 = tpu.memref_squeeze %dma_start3A_1065 : memref<1x1x32xi32, #tpu.memory_space<vmem>> -> memref<32xi32, #tpu.memory_space<vmem>>
        %dma_start3A_1067 = arith.constant 0 : i32
        %dma_start3A_1068 = arith.constant 0 : i32
        %dma_start3A_1069 = tpu.memref_slice %arg2[%dma_start3A_1067, %dma_start3A_1068] : memref<20480x128xf32, #tpu.memory_space<hbm>> -> memref<20480x128xf32, #tpu.memory_space<hbm>>
        tpu.enqueue_indirect_dma source(%dma_start3A_1069 : memref<20480x128xf32, #tpu.memory_space<hbm>>) target(%dma_start3A_1063 : memref<32x128xf32, #tpu.memory_space<vmem>>) offsets(%dma_start3A_1066 : memref<32xi32, #tpu.memory_space<vmem>>) semaphore(%arg15 : memref<!tpu.dma_semaphore, #tpu.memory_space<semaphore_mem>>)
        %add3A_1070 = arith.addi %mul3A_6, %add3A_679 : i32
        %add3A_1071 = arith.constant 4 : i32
        %add3A_1072 = arith.addi %add3A_1070, %add3A_1071 : i32
        %dma_start3A_1073 = arith.constant 5 : i32
        %dma_start3A_1074 = arith.constant 0 : i32
        %dma_start3A_1075 = tpu.memref_slice %arg8[%dma_start3A_1073, %dma_start3A_1074] : memref<8x32xi32, #tpu.memory_space<vmem>> -> memref<1x32xi32, #tpu.memory_space<vmem>>
        %dma_start3A_1076 = arith.constant 0 : i32
        %dma_start3A_1077 = tpu.memref_slice %arg4[%add3A_1072, %dma_start3A_1076] : memref<10240x32xi32, #tpu.memory_space<hbm>> -> memref<1x32xi32, #tpu.memory_space<hbm>>
        %dma_start3A_1078 = arith.constant 5 : i32
        %dma_start3A_1079 = arith.constant 0 : i32
        %dma_start3A_1080 = tpu.memref_slice %arg8[%dma_start3A_1078, %dma_start3A_1079] : memref<8x32xi32, #tpu.memory_space<vmem>> -> memref<1x32xi32, #tpu.memory_space<vmem>>
        %dma_start3A_1081 = arith.constant 0 : i32
        %dma_start3A_1082 = tpu.memref_slice %arg4[%add3A_1072, %dma_start3A_1081] : memref<10240x32xi32, #tpu.memory_space<hbm>> -> memref<1x32xi32, #tpu.memory_space<hbm>>
        tpu.enqueue_dma source(%dma_start3A_1082 : memref<1x32xi32, #tpu.memory_space<hbm>>) target(%dma_start3A_1080 : memref<1x32xi32, #tpu.memory_space<vmem>>) target_semaphore(%arg31 : memref<!tpu.dma_semaphore, #tpu.memory_space<semaphore_mem>>)
      } else {
      }
      %mul3A_729 = arith.constant 8 : i32
      %mul3A_730 = arith.muli %add3A_612, %mul3A_729 : i32
      %add3A_731 = arith.constant 2 : i32
      %add3A_732 = arith.addi %mul3A_730, %add3A_731 : i32
      %dma_wait3A_733 = arith.constant 0 : i32
      %dma_wait3A_734 = arith.constant 0 : i32
      %dma_wait3A_735 = arith.constant 2 : i32
      %dma_wait3A_736 = arith.constant 0 : i32
      %dma_wait3A_737 = arith.constant 0 : i32
      %dma_wait3A_738 = tpu.memref_slice %arg9[%dma_wait3A_735, %dma_wait3A_736, %dma_wait3A_737] : memref<8x32x128xf32, #tpu.memory_space<vmem>> -> memref<1x32x128xf32, #tpu.memory_space<vmem>>
      %dma_wait3A_739 = tpu.memref_squeeze %dma_wait3A_738 : memref<1x32x128xf32, #tpu.memory_space<vmem>> -> memref<32x128xf32, #tpu.memory_space<vmem>>
      %dma_wait3A_740 = arith.constant 0 : i32
      %dma_wait3A_741 = tpu.memref_slice %arg7[%dma_wait3A_733, %dma_wait3A_734, %dma_wait3A_740] : memref<2x8x32xi32, #tpu.memory_space<vmem>> -> memref<1x1x32xi32, #tpu.memory_space<vmem>>
      %dma_wait3A_742 = tpu.memref_squeeze %dma_wait3A_741 : memref<1x1x32xi32, #tpu.memory_space<vmem>> -> memref<32xi32, #tpu.memory_space<vmem>>
      %dma_wait3A_743 = arith.constant 0 : i32
      %dma_wait3A_744 = arith.constant 0 : i32
      %dma_wait3A_745 = tpu.memref_slice %arg2[%dma_wait3A_743, %dma_wait3A_744] : memref<20480x128xf32, #tpu.memory_space<hbm>> -> memref<20480x128xf32, #tpu.memory_space<hbm>>
      tpu.wait_indirect_dma semaphore(%arg12 : memref<!tpu.dma_semaphore, #tpu.memory_space<semaphore_mem>>) src(%dma_wait3A_745 : memref<20480x128xf32, #tpu.memory_space<hbm>>) dst(%dma_wait3A_739 : memref<32x128xf32, #tpu.memory_space<vmem>>)
      %dma_wait3A_746 = arith.constant 2 : i32
      %dma_wait3A_747 = arith.constant 0 : i32
      %dma_wait3A_748 = tpu.memref_slice %arg8[%dma_wait3A_746, %dma_wait3A_747] : memref<8x32xi32, #tpu.memory_space<vmem>> -> memref<1x32xi32, #tpu.memory_space<vmem>>
      %dma_wait3A_749 = arith.constant 0 : i32
      %dma_wait3A_750 = arith.constant 0 : i32
      %dma_wait3A_751 = tpu.memref_slice %arg4[%dma_wait3A_749, %dma_wait3A_750] : memref<10240x32xi32, #tpu.memory_space<hbm>> -> memref<1x32xi32, #tpu.memory_space<hbm>>
      %dma_wait3A_752 = arith.constant 2 : i32
      %dma_wait3A_753 = arith.constant 0 : i32
      %dma_wait3A_754 = tpu.memref_slice %arg8[%dma_wait3A_752, %dma_wait3A_753] : memref<8x32xi32, #tpu.memory_space<vmem>> -> memref<1x32xi32, #tpu.memory_space<vmem>>
      %dma_wait3A_755 = arith.constant 0 : i32
      %dma_wait3A_756 = arith.constant 0 : i32
      %dma_wait3A_757 = tpu.memref_slice %arg4[%dma_wait3A_755, %dma_wait3A_756] : memref<10240x32xi32, #tpu.memory_space<hbm>> -> memref<1x32xi32, #tpu.memory_space<hbm>>
      tpu.wait_dma2 semaphore(%arg28 : memref<!tpu.dma_semaphore, #tpu.memory_space<semaphore_mem>>) src(%dma_wait3A_757 : memref<1x32xi32, #tpu.memory_space<hbm>>) dst(%dma_wait3A_754 : memref<1x32xi32, #tpu.memory_space<vmem>>)
      %dma_start3A_758 = arith.constant 2 : i32
      %dma_start3A_759 = arith.constant 2 : i32
      %dma_start3A_760 = arith.constant 0 : i32
      %dma_start3A_761 = arith.constant 0 : i32
      %dma_start3A_762 = tpu.memref_slice %arg9[%dma_start3A_758, %dma_start3A_760, %dma_start3A_761] : memref<8x32x128xf32, #tpu.memory_space<vmem>> -> memref<1x32x128xf32, #tpu.memory_space<vmem>>
      %dma_start3A_763 = tpu.memref_squeeze %dma_start3A_762 : memref<1x32x128xf32, #tpu.memory_space<vmem>> -> memref<32x128xf32, #tpu.memory_space<vmem>>
      %dma_start3A_764 = arith.constant 0 : i32
      %dma_start3A_765 = tpu.memref_slice %arg8[%dma_start3A_759, %dma_start3A_764] : memref<8x32xi32, #tpu.memory_space<vmem>> -> memref<1x32xi32, #tpu.memory_space<vmem>>
      %dma_start3A_766 = tpu.memref_squeeze %dma_start3A_765 : memref<1x32xi32, #tpu.memory_space<vmem>> -> memref<32xi32, #tpu.memory_space<vmem>>
      %dma_start3A_767 = arith.constant 0 : i32
      %dma_start3A_768 = arith.constant 0 : i32
      %dma_start3A_769 = tpu.memref_slice %arg36[%dma_start3A_767, %dma_start3A_768] : memref<10240x128xf32, #tpu.memory_space<vmem_shared>> -> memref<10240x128xf32, #tpu.memory_space<vmem_shared>>
      tpu.enqueue_indirect_dma source(%dma_start3A_763 : memref<32x128xf32, #tpu.memory_space<vmem>>) target(%dma_start3A_769 : memref<10240x128xf32, #tpu.memory_space<vmem_shared>>) offsets(%dma_start3A_766 : memref<32xi32, #tpu.memory_space<vmem>>) semaphore(%arg20 : memref<!tpu.dma_semaphore, #tpu.memory_space<semaphore_mem>>) {add = true}
      %ge3A_770 = arith.constant 4 : i32
      %ge3A_771 = arith.cmpi sge, %add3A_732, %ge3A_770 : i32
      %convert_element_type3A_772 = arith.extui %ge3A_771 : i1 to i32
      %cond3A_773 = arith.constant 0 : i32
      %cond3A_774 = arith.cmpi ne, %convert_element_type3A_772, %cond3A_773 : i32
      scf.if %cond3A_774 {
        %dma_wait3A_1057 = arith.constant 6 : i32
        %dma_wait3A_1058 = arith.constant 0 : i32
        %dma_wait3A_1059 = arith.constant 0 : i32
        %dma_wait3A_1060 = arith.constant 0 : i32
        %dma_wait3A_1061 = tpu.memref_slice %arg9[%dma_wait3A_1057, %dma_wait3A_1059, %dma_wait3A_1060] : memref<8x32x128xf32, #tpu.memory_space<vmem>> -> memref<1x32x128xf32, #tpu.memory_space<vmem>>
        %dma_wait3A_1062 = tpu.memref_squeeze %dma_wait3A_1061 : memref<1x32x128xf32, #tpu.memory_space<vmem>> -> memref<32x128xf32, #tpu.memory_space<vmem>>
        %dma_wait3A_1063 = arith.constant 0 : i32
        %dma_wait3A_1064 = tpu.memref_slice %arg8[%dma_wait3A_1058, %dma_wait3A_1063] : memref<8x32xi32, #tpu.memory_space<vmem>> -> memref<1x32xi32, #tpu.memory_space<vmem>>
        %dma_wait3A_1065 = tpu.memref_squeeze %dma_wait3A_1064 : memref<1x32xi32, #tpu.memory_space<vmem>> -> memref<32xi32, #tpu.memory_space<vmem>>
        %dma_wait3A_1066 = arith.constant 0 : i32
        %dma_wait3A_1067 = arith.constant 0 : i32
        %dma_wait3A_1068 = tpu.memref_slice %arg36[%dma_wait3A_1066, %dma_wait3A_1067] : memref<10240x128xf32, #tpu.memory_space<vmem_shared>> -> memref<10240x128xf32, #tpu.memory_space<vmem_shared>>
        tpu.wait_indirect_dma semaphore(%arg24 : memref<!tpu.dma_semaphore, #tpu.memory_space<semaphore_mem>>) src(%dma_wait3A_1062 : memref<32x128xf32, #tpu.memory_space<vmem>>) dst(%dma_wait3A_1068 : memref<10240x128xf32, #tpu.memory_space<vmem_shared>>)
      } else {
      }
      %add3A_775 = arith.constant 4 : i32
      %add3A_776 = arith.addi %add3A_732, %add3A_775 : i32
      %lt3A_777 = arith.constant 640 : i32
      %lt3A_778 = arith.cmpi slt, %add3A_776, %lt3A_777 : i32
      %convert_element_type3A_779 = arith.extui %lt3A_778 : i1 to i32
      %cond3A_780 = arith.constant 0 : i32
      %cond3A_781 = arith.cmpi ne, %convert_element_type3A_779, %cond3A_780 : i32
      scf.if %cond3A_781 {
        %dma_start3A_1057 = arith.constant 1 : i32
        %dma_start3A_1058 = arith.constant 6 : i32
        %dma_start3A_1059 = arith.constant 6 : i32
        %dma_start3A_1060 = arith.constant 0 : i32
        %dma_start3A_1061 = arith.constant 0 : i32
        %dma_start3A_1062 = tpu.memref_slice %arg9[%dma_start3A_1059, %dma_start3A_1060, %dma_start3A_1061] : memref<8x32x128xf32, #tpu.memory_space<vmem>> -> memref<1x32x128xf32, #tpu.memory_space<vmem>>
        %dma_start3A_1063 = tpu.memref_squeeze %dma_start3A_1062 : memref<1x32x128xf32, #tpu.memory_space<vmem>> -> memref<32x128xf32, #tpu.memory_space<vmem>>
        %dma_start3A_1064 = arith.constant 0 : i32
        %dma_start3A_1065 = tpu.memref_slice %arg7[%dma_start3A_1057, %dma_start3A_1058, %dma_start3A_1064] : memref<2x8x32xi32, #tpu.memory_space<vmem>> -> memref<1x1x32xi32, #tpu.memory_space<vmem>>
        %dma_start3A_1066 = tpu.memref_squeeze %dma_start3A_1065 : memref<1x1x32xi32, #tpu.memory_space<vmem>> -> memref<32xi32, #tpu.memory_space<vmem>>
        %dma_start3A_1067 = arith.constant 0 : i32
        %dma_start3A_1068 = arith.constant 0 : i32
        %dma_start3A_1069 = tpu.memref_slice %arg2[%dma_start3A_1067, %dma_start3A_1068] : memref<20480x128xf32, #tpu.memory_space<hbm>> -> memref<20480x128xf32, #tpu.memory_space<hbm>>
        tpu.enqueue_indirect_dma source(%dma_start3A_1069 : memref<20480x128xf32, #tpu.memory_space<hbm>>) target(%dma_start3A_1063 : memref<32x128xf32, #tpu.memory_space<vmem>>) offsets(%dma_start3A_1066 : memref<32xi32, #tpu.memory_space<vmem>>) semaphore(%arg16 : memref<!tpu.dma_semaphore, #tpu.memory_space<semaphore_mem>>)
        %add3A_1070 = arith.addi %mul3A_6, %add3A_732 : i32
        %add3A_1071 = arith.constant 4 : i32
        %add3A_1072 = arith.addi %add3A_1070, %add3A_1071 : i32
        %dma_start3A_1073 = arith.constant 6 : i32
        %dma_start3A_1074 = arith.constant 0 : i32
        %dma_start3A_1075 = tpu.memref_slice %arg8[%dma_start3A_1073, %dma_start3A_1074] : memref<8x32xi32, #tpu.memory_space<vmem>> -> memref<1x32xi32, #tpu.memory_space<vmem>>
        %dma_start3A_1076 = arith.constant 0 : i32
        %dma_start3A_1077 = tpu.memref_slice %arg4[%add3A_1072, %dma_start3A_1076] : memref<10240x32xi32, #tpu.memory_space<hbm>> -> memref<1x32xi32, #tpu.memory_space<hbm>>
        %dma_start3A_1078 = arith.constant 6 : i32
        %dma_start3A_1079 = arith.constant 0 : i32
        %dma_start3A_1080 = tpu.memref_slice %arg8[%dma_start3A_1078, %dma_start3A_1079] : memref<8x32xi32, #tpu.memory_space<vmem>> -> memref<1x32xi32, #tpu.memory_space<vmem>>
        %dma_start3A_1081 = arith.constant 0 : i32
        %dma_start3A_1082 = tpu.memref_slice %arg4[%add3A_1072, %dma_start3A_1081] : memref<10240x32xi32, #tpu.memory_space<hbm>> -> memref<1x32xi32, #tpu.memory_space<hbm>>
        tpu.enqueue_dma source(%dma_start3A_1082 : memref<1x32xi32, #tpu.memory_space<hbm>>) target(%dma_start3A_1080 : memref<1x32xi32, #tpu.memory_space<vmem>>) target_semaphore(%arg32 : memref<!tpu.dma_semaphore, #tpu.memory_space<semaphore_mem>>)
      } else {
      }
      %mul3A_782 = arith.constant 8 : i32
      %mul3A_783 = arith.muli %add3A_612, %mul3A_782 : i32
      %add3A_784 = arith.constant 3 : i32
      %add3A_785 = arith.addi %mul3A_783, %add3A_784 : i32
      %dma_wait3A_786 = arith.constant 0 : i32
      %dma_wait3A_787 = arith.constant 0 : i32
      %dma_wait3A_788 = arith.constant 3 : i32
      %dma_wait3A_789 = arith.constant 0 : i32
      %dma_wait3A_790 = arith.constant 0 : i32
      %dma_wait3A_791 = tpu.memref_slice %arg9[%dma_wait3A_788, %dma_wait3A_789, %dma_wait3A_790] : memref<8x32x128xf32, #tpu.memory_space<vmem>> -> memref<1x32x128xf32, #tpu.memory_space<vmem>>
      %dma_wait3A_792 = tpu.memref_squeeze %dma_wait3A_791 : memref<1x32x128xf32, #tpu.memory_space<vmem>> -> memref<32x128xf32, #tpu.memory_space<vmem>>
      %dma_wait3A_793 = arith.constant 0 : i32
      %dma_wait3A_794 = tpu.memref_slice %arg7[%dma_wait3A_786, %dma_wait3A_787, %dma_wait3A_793] : memref<2x8x32xi32, #tpu.memory_space<vmem>> -> memref<1x1x32xi32, #tpu.memory_space<vmem>>
      %dma_wait3A_795 = tpu.memref_squeeze %dma_wait3A_794 : memref<1x1x32xi32, #tpu.memory_space<vmem>> -> memref<32xi32, #tpu.memory_space<vmem>>
      %dma_wait3A_796 = arith.constant 0 : i32
      %dma_wait3A_797 = arith.constant 0 : i32
      %dma_wait3A_798 = tpu.memref_slice %arg2[%dma_wait3A_796, %dma_wait3A_797] : memref<20480x128xf32, #tpu.memory_space<hbm>> -> memref<20480x128xf32, #tpu.memory_space<hbm>>
      tpu.wait_indirect_dma semaphore(%arg13 : memref<!tpu.dma_semaphore, #tpu.memory_space<semaphore_mem>>) src(%dma_wait3A_798 : memref<20480x128xf32, #tpu.memory_space<hbm>>) dst(%dma_wait3A_792 : memref<32x128xf32, #tpu.memory_space<vmem>>)
      %dma_wait3A_799 = arith.constant 3 : i32
      %dma_wait3A_800 = arith.constant 0 : i32
      %dma_wait3A_801 = tpu.memref_slice %arg8[%dma_wait3A_799, %dma_wait3A_800] : memref<8x32xi32, #tpu.memory_space<vmem>> -> memref<1x32xi32, #tpu.memory_space<vmem>>
      %dma_wait3A_802 = arith.constant 0 : i32
      %dma_wait3A_803 = arith.constant 0 : i32
      %dma_wait3A_804 = tpu.memref_slice %arg4[%dma_wait3A_802, %dma_wait3A_803] : memref<10240x32xi32, #tpu.memory_space<hbm>> -> memref<1x32xi32, #tpu.memory_space<hbm>>
      %dma_wait3A_805 = arith.constant 3 : i32
      %dma_wait3A_806 = arith.constant 0 : i32
      %dma_wait3A_807 = tpu.memref_slice %arg8[%dma_wait3A_805, %dma_wait3A_806] : memref<8x32xi32, #tpu.memory_space<vmem>> -> memref<1x32xi32, #tpu.memory_space<vmem>>
      %dma_wait3A_808 = arith.constant 0 : i32
      %dma_wait3A_809 = arith.constant 0 : i32
      %dma_wait3A_810 = tpu.memref_slice %arg4[%dma_wait3A_808, %dma_wait3A_809] : memref<10240x32xi32, #tpu.memory_space<hbm>> -> memref<1x32xi32, #tpu.memory_space<hbm>>
      tpu.wait_dma2 semaphore(%arg29 : memref<!tpu.dma_semaphore, #tpu.memory_space<semaphore_mem>>) src(%dma_wait3A_810 : memref<1x32xi32, #tpu.memory_space<hbm>>) dst(%dma_wait3A_807 : memref<1x32xi32, #tpu.memory_space<vmem>>)
      %dma_start3A_811 = arith.constant 3 : i32
      %dma_start3A_812 = arith.constant 3 : i32
      %dma_start3A_813 = arith.constant 0 : i32
      %dma_start3A_814 = arith.constant 0 : i32
      %dma_start3A_815 = tpu.memref_slice %arg9[%dma_start3A_811, %dma_start3A_813, %dma_start3A_814] : memref<8x32x128xf32, #tpu.memory_space<vmem>> -> memref<1x32x128xf32, #tpu.memory_space<vmem>>
      %dma_start3A_816 = tpu.memref_squeeze %dma_start3A_815 : memref<1x32x128xf32, #tpu.memory_space<vmem>> -> memref<32x128xf32, #tpu.memory_space<vmem>>
      %dma_start3A_817 = arith.constant 0 : i32
      %dma_start3A_818 = tpu.memref_slice %arg8[%dma_start3A_812, %dma_start3A_817] : memref<8x32xi32, #tpu.memory_space<vmem>> -> memref<1x32xi32, #tpu.memory_space<vmem>>
      %dma_start3A_819 = tpu.memref_squeeze %dma_start3A_818 : memref<1x32xi32, #tpu.memory_space<vmem>> -> memref<32xi32, #tpu.memory_space<vmem>>
      %dma_start3A_820 = arith.constant 0 : i32
      %dma_start3A_821 = arith.constant 0 : i32
      %dma_start3A_822 = tpu.memref_slice %arg36[%dma_start3A_820, %dma_start3A_821] : memref<10240x128xf32, #tpu.memory_space<vmem_shared>> -> memref<10240x128xf32, #tpu.memory_space<vmem_shared>>
      tpu.enqueue_indirect_dma source(%dma_start3A_816 : memref<32x128xf32, #tpu.memory_space<vmem>>) target(%dma_start3A_822 : memref<10240x128xf32, #tpu.memory_space<vmem_shared>>) offsets(%dma_start3A_819 : memref<32xi32, #tpu.memory_space<vmem>>) semaphore(%arg21 : memref<!tpu.dma_semaphore, #tpu.memory_space<semaphore_mem>>) {add = true}
      %ge3A_823 = arith.constant 4 : i32
      %ge3A_824 = arith.cmpi sge, %add3A_785, %ge3A_823 : i32
      %convert_element_type3A_825 = arith.extui %ge3A_824 : i1 to i32
      %cond3A_826 = arith.constant 0 : i32
      %cond3A_827 = arith.cmpi ne, %convert_element_type3A_825, %cond3A_826 : i32
      scf.if %cond3A_827 {
        %dma_wait3A_1057 = arith.constant 7 : i32
        %dma_wait3A_1058 = arith.constant 0 : i32
        %dma_wait3A_1059 = arith.constant 0 : i32
        %dma_wait3A_1060 = arith.constant 0 : i32
        %dma_wait3A_1061 = tpu.memref_slice %arg9[%dma_wait3A_1057, %dma_wait3A_1059, %dma_wait3A_1060] : memref<8x32x128xf32, #tpu.memory_space<vmem>> -> memref<1x32x128xf32, #tpu.memory_space<vmem>>
        %dma_wait3A_1062 = tpu.memref_squeeze %dma_wait3A_1061 : memref<1x32x128xf32, #tpu.memory_space<vmem>> -> memref<32x128xf32, #tpu.memory_space<vmem>>
        %dma_wait3A_1063 = arith.constant 0 : i32
        %dma_wait3A_1064 = tpu.memref_slice %arg8[%dma_wait3A_1058, %dma_wait3A_1063] : memref<8x32xi32, #tpu.memory_space<vmem>> -> memref<1x32xi32, #tpu.memory_space<vmem>>
        %dma_wait3A_1065 = tpu.memref_squeeze %dma_wait3A_1064 : memref<1x32xi32, #tpu.memory_space<vmem>> -> memref<32xi32, #tpu.memory_space<vmem>>
        %dma_wait3A_1066 = arith.constant 0 : i32
        %dma_wait3A_1067 = arith.constant 0 : i32
        %dma_wait3A_1068 = tpu.memref_slice %arg36[%dma_wait3A_1066, %dma_wait3A_1067] : memref<10240x128xf32, #tpu.memory_space<vmem_shared>> -> memref<10240x128xf32, #tpu.memory_space<vmem_shared>>
        tpu.wait_indirect_dma semaphore(%arg25 : memref<!tpu.dma_semaphore, #tpu.memory_space<semaphore_mem>>) src(%dma_wait3A_1062 : memref<32x128xf32, #tpu.memory_space<vmem>>) dst(%dma_wait3A_1068 : memref<10240x128xf32, #tpu.memory_space<vmem_shared>>)
      } else {
      }
      %ge3A_828 = arith.constant 1 : i32
      %ge3A_829 = arith.cmpi sge, %add3A_612, %ge3A_828 : i32
      %add3A_830 = arith.constant 1 : i32
      %add3A_831 = arith.addi %add3A_612, %add3A_830 : i32
      %lt3A_832 = arith.constant 80 : i32
      %lt3A_833 = arith.cmpi slt, %add3A_831, %lt3A_832 : i32
      %and3A_834 = arith.andi %ge3A_829, %lt3A_833 : i1
      %convert_element_type3A_835 = arith.extui %and3A_834 : i1 to i32
      %cond3A_836 = arith.constant 0 : i32
      %cond3A_837 = arith.cmpi ne, %convert_element_type3A_835, %cond3A_836 : i32
      scf.if %cond3A_837 {
        %dma_wait3A_1057 = arith.constant 0 : i32
        %dma_wait3A_1058 = arith.constant 0 : i32
        %dma_wait3A_1059 = arith.constant 0 : i32
        %dma_wait3A_1060 = tpu.memref_slice %arg7[%dma_wait3A_1057, %dma_wait3A_1058, %dma_wait3A_1059] : memref<2x8x32xi32, #tpu.memory_space<vmem>> -> memref<1x8x32xi32, #tpu.memory_space<vmem>>
        %dma_wait3A_1061 = tpu.memref_squeeze %dma_wait3A_1060 : memref<1x8x32xi32, #tpu.memory_space<vmem>> -> memref<8x32xi32, #tpu.memory_space<vmem>>
        %dma_wait3A_1062 = arith.constant 0 : i32
        %dma_wait3A_1063 = tpu.memref_slice %arg3[%add3A, %dma_wait3A_1062] : memref<20480x32xi32, #tpu.memory_space<hbm>> -> memref<8x32xi32, #tpu.memory_space<hbm>>
        %dma_wait3A_1064 = arith.constant 0 : i32
        %dma_wait3A_1065 = arith.constant 0 : i32
        %dma_wait3A_1066 = tpu.memref_slice %arg7[%dma_wait3A_1057, %dma_wait3A_1064, %dma_wait3A_1065] : memref<2x8x32xi32, #tpu.memory_space<vmem>> -> memref<1x8x32xi32, #tpu.memory_space<vmem>>
        %dma_wait3A_1067 = tpu.memref_squeeze %dma_wait3A_1066 : memref<1x8x32xi32, #tpu.memory_space<vmem>> -> memref<8x32xi32, #tpu.memory_space<vmem>>
        %dma_wait3A_1068 = arith.constant 0 : i32
        %dma_wait3A_1069 = tpu.memref_slice %arg3[%add3A, %dma_wait3A_1068] : memref<20480x32xi32, #tpu.memory_space<hbm>> -> memref<8x32xi32, #tpu.memory_space<hbm>>
        tpu.wait_dma2 semaphore(%arg34 : memref<!tpu.dma_semaphore, #tpu.memory_space<semaphore_mem>>) src(%dma_wait3A_1069 : memref<8x32xi32, #tpu.memory_space<hbm>>) dst(%dma_wait3A_1067 : memref<8x32xi32, #tpu.memory_space<vmem>>)
      } else {
      }
      %add3A_838 = arith.constant 4 : i32
      %add3A_839 = arith.addi %add3A_785, %add3A_838 : i32
      %lt3A_840 = arith.constant 640 : i32
      %lt3A_841 = arith.cmpi slt, %add3A_839, %lt3A_840 : i32
      %convert_element_type3A_842 = arith.extui %lt3A_841 : i1 to i32
      %cond3A_843 = arith.constant 0 : i32
      %cond3A_844 = arith.cmpi ne, %convert_element_type3A_842, %cond3A_843 : i32
      scf.if %cond3A_844 {
        %dma_start3A_1057 = arith.constant 1 : i32
        %dma_start3A_1058 = arith.constant 7 : i32
        %dma_start3A_1059 = arith.constant 7 : i32
        %dma_start3A_1060 = arith.constant 0 : i32
        %dma_start3A_1061 = arith.constant 0 : i32
        %dma_start3A_1062 = tpu.memref_slice %arg9[%dma_start3A_1059, %dma_start3A_1060, %dma_start3A_1061] : memref<8x32x128xf32, #tpu.memory_space<vmem>> -> memref<1x32x128xf32, #tpu.memory_space<vmem>>
        %dma_start3A_1063 = tpu.memref_squeeze %dma_start3A_1062 : memref<1x32x128xf32, #tpu.memory_space<vmem>> -> memref<32x128xf32, #tpu.memory_space<vmem>>
        %dma_start3A_1064 = arith.constant 0 : i32
        %dma_start3A_1065 = tpu.memref_slice %arg7[%dma_start3A_1057, %dma_start3A_1058, %dma_start3A_1064] : memref<2x8x32xi32, #tpu.memory_space<vmem>> -> memref<1x1x32xi32, #tpu.memory_space<vmem>>
        %dma_start3A_1066 = tpu.memref_squeeze %dma_start3A_1065 : memref<1x1x32xi32, #tpu.memory_space<vmem>> -> memref<32xi32, #tpu.memory_space<vmem>>
        %dma_start3A_1067 = arith.constant 0 : i32
        %dma_start3A_1068 = arith.constant 0 : i32
        %dma_start3A_1069 = tpu.memref_slice %arg2[%dma_start3A_1067, %dma_start3A_1068] : memref<20480x128xf32, #tpu.memory_space<hbm>> -> memref<20480x128xf32, #tpu.memory_space<hbm>>
        tpu.enqueue_indirect_dma source(%dma_start3A_1069 : memref<20480x128xf32, #tpu.memory_space<hbm>>) target(%dma_start3A_1063 : memref<32x128xf32, #tpu.memory_space<vmem>>) offsets(%dma_start3A_1066 : memref<32xi32, #tpu.memory_space<vmem>>) semaphore(%arg17 : memref<!tpu.dma_semaphore, #tpu.memory_space<semaphore_mem>>)
        %add3A_1070 = arith.addi %mul3A_6, %add3A_785 : i32
        %add3A_1071 = arith.constant 4 : i32
        %add3A_1072 = arith.addi %add3A_1070, %add3A_1071 : i32
        %dma_start3A_1073 = arith.constant 7 : i32
        %dma_start3A_1074 = arith.constant 0 : i32
        %dma_start3A_1075 = tpu.memref_slice %arg8[%dma_start3A_1073, %dma_start3A_1074] : memref<8x32xi32, #tpu.memory_space<vmem>> -> memref<1x32xi32, #tpu.memory_space<vmem>>
        %dma_start3A_1076 = arith.constant 0 : i32
        %dma_start3A_1077 = tpu.memref_slice %arg4[%add3A_1072, %dma_start3A_1076] : memref<10240x32xi32, #tpu.memory_space<hbm>> -> memref<1x32xi32, #tpu.memory_space<hbm>>
        %dma_start3A_1078 = arith.constant 7 : i32
        %dma_start3A_1079 = arith.constant 0 : i32
        %dma_start3A_1080 = tpu.memref_slice %arg8[%dma_start3A_1078, %dma_start3A_1079] : memref<8x32xi32, #tpu.memory_space<vmem>> -> memref<1x32xi32, #tpu.memory_space<vmem>>
        %dma_start3A_1081 = arith.constant 0 : i32
        %dma_start3A_1082 = tpu.memref_slice %arg4[%add3A_1072, %dma_start3A_1081] : memref<10240x32xi32, #tpu.memory_space<hbm>> -> memref<1x32xi32, #tpu.memory_space<hbm>>
        tpu.enqueue_dma source(%dma_start3A_1082 : memref<1x32xi32, #tpu.memory_space<hbm>>) target(%dma_start3A_1080 : memref<1x32xi32, #tpu.memory_space<vmem>>) target_semaphore(%arg33 : memref<!tpu.dma_semaphore, #tpu.memory_space<semaphore_mem>>)
      } else {
      }
      %mul3A_845 = arith.constant 8 : i32
      %mul3A_846 = arith.muli %add3A_612, %mul3A_845 : i32
      %add3A_847 = arith.constant 4 : i32
      %add3A_848 = arith.addi %mul3A_846, %add3A_847 : i32
      %dma_wait3A_849 = arith.constant 0 : i32
      %dma_wait3A_850 = arith.constant 0 : i32
      %dma_wait3A_851 = arith.constant 4 : i32
      %dma_wait3A_852 = arith.constant 0 : i32
      %dma_wait3A_853 = arith.constant 0 : i32
      %dma_wait3A_854 = tpu.memref_slice %arg9[%dma_wait3A_851, %dma_wait3A_852, %dma_wait3A_853] : memref<8x32x128xf32, #tpu.memory_space<vmem>> -> memref<1x32x128xf32, #tpu.memory_space<vmem>>
      %dma_wait3A_855 = tpu.memref_squeeze %dma_wait3A_854 : memref<1x32x128xf32, #tpu.memory_space<vmem>> -> memref<32x128xf32, #tpu.memory_space<vmem>>
      %dma_wait3A_856 = arith.constant 0 : i32
      %dma_wait3A_857 = tpu.memref_slice %arg7[%dma_wait3A_849, %dma_wait3A_850, %dma_wait3A_856] : memref<2x8x32xi32, #tpu.memory_space<vmem>> -> memref<1x1x32xi32, #tpu.memory_space<vmem>>
      %dma_wait3A_858 = tpu.memref_squeeze %dma_wait3A_857 : memref<1x1x32xi32, #tpu.memory_space<vmem>> -> memref<32xi32, #tpu.memory_space<vmem>>
      %dma_wait3A_859 = arith.constant 0 : i32
      %dma_wait3A_860 = arith.constant 0 : i32
      %dma_wait3A_861 = tpu.memref_slice %arg2[%dma_wait3A_859, %dma_wait3A_860] : memref<20480x128xf32, #tpu.memory_space<hbm>> -> memref<20480x128xf32, #tpu.memory_space<hbm>>
      tpu.wait_indirect_dma semaphore(%arg14 : memref<!tpu.dma_semaphore, #tpu.memory_space<semaphore_mem>>) src(%dma_wait3A_861 : memref<20480x128xf32, #tpu.memory_space<hbm>>) dst(%dma_wait3A_855 : memref<32x128xf32, #tpu.memory_space<vmem>>)
      %dma_wait3A_862 = arith.constant 4 : i32
      %dma_wait3A_863 = arith.constant 0 : i32
      %dma_wait3A_864 = tpu.memref_slice %arg8[%dma_wait3A_862, %dma_wait3A_863] : memref<8x32xi32, #tpu.memory_space<vmem>> -> memref<1x32xi32, #tpu.memory_space<vmem>>
      %dma_wait3A_865 = arith.constant 0 : i32
      %dma_wait3A_866 = arith.constant 0 : i32
      %dma_wait3A_867 = tpu.memref_slice %arg4[%dma_wait3A_865, %dma_wait3A_866] : memref<10240x32xi32, #tpu.memory_space<hbm>> -> memref<1x32xi32, #tpu.memory_space<hbm>>
      %dma_wait3A_868 = arith.constant 4 : i32
      %dma_wait3A_869 = arith.constant 0 : i32
      %dma_wait3A_870 = tpu.memref_slice %arg8[%dma_wait3A_868, %dma_wait3A_869] : memref<8x32xi32, #tpu.memory_space<vmem>> -> memref<1x32xi32, #tpu.memory_space<vmem>>
      %dma_wait3A_871 = arith.constant 0 : i32
      %dma_wait3A_872 = arith.constant 0 : i32
      %dma_wait3A_873 = tpu.memref_slice %arg4[%dma_wait3A_871, %dma_wait3A_872] : memref<10240x32xi32, #tpu.memory_space<hbm>> -> memref<1x32xi32, #tpu.memory_space<hbm>>
      tpu.wait_dma2 semaphore(%arg30 : memref<!tpu.dma_semaphore, #tpu.memory_space<semaphore_mem>>) src(%dma_wait3A_873 : memref<1x32xi32, #tpu.memory_space<hbm>>) dst(%dma_wait3A_870 : memref<1x32xi32, #tpu.memory_space<vmem>>)
      %dma_start3A_874 = arith.constant 4 : i32
      %dma_start3A_875 = arith.constant 4 : i32
      %dma_start3A_876 = arith.constant 0 : i32
      %dma_start3A_877 = arith.constant 0 : i32
      %dma_start3A_878 = tpu.memref_slice %arg9[%dma_start3A_874, %dma_start3A_876, %dma_start3A_877] : memref<8x32x128xf32, #tpu.memory_space<vmem>> -> memref<1x32x128xf32, #tpu.memory_space<vmem>>
      %dma_start3A_879 = tpu.memref_squeeze %dma_start3A_878 : memref<1x32x128xf32, #tpu.memory_space<vmem>> -> memref<32x128xf32, #tpu.memory_space<vmem>>
      %dma_start3A_880 = arith.constant 0 : i32
      %dma_start3A_881 = tpu.memref_slice %arg8[%dma_start3A_875, %dma_start3A_880] : memref<8x32xi32, #tpu.memory_space<vmem>> -> memref<1x32xi32, #tpu.memory_space<vmem>>
      %dma_start3A_882 = tpu.memref_squeeze %dma_start3A_881 : memref<1x32xi32, #tpu.memory_space<vmem>> -> memref<32xi32, #tpu.memory_space<vmem>>
      %dma_start3A_883 = arith.constant 0 : i32
      %dma_start3A_884 = arith.constant 0 : i32
      %dma_start3A_885 = tpu.memref_slice %arg36[%dma_start3A_883, %dma_start3A_884] : memref<10240x128xf32, #tpu.memory_space<vmem_shared>> -> memref<10240x128xf32, #tpu.memory_space<vmem_shared>>
      tpu.enqueue_indirect_dma source(%dma_start3A_879 : memref<32x128xf32, #tpu.memory_space<vmem>>) target(%dma_start3A_885 : memref<10240x128xf32, #tpu.memory_space<vmem_shared>>) offsets(%dma_start3A_882 : memref<32xi32, #tpu.memory_space<vmem>>) semaphore(%arg22 : memref<!tpu.dma_semaphore, #tpu.memory_space<semaphore_mem>>) {add = true}
      %ge3A_886 = arith.constant 4 : i32
      %ge3A_887 = arith.cmpi sge, %add3A_848, %ge3A_886 : i32
      %convert_element_type3A_888 = arith.extui %ge3A_887 : i1 to i32
      %cond3A_889 = arith.constant 0 : i32
      %cond3A_890 = arith.cmpi ne, %convert_element_type3A_888, %cond3A_889 : i32
      scf.if %cond3A_890 {
        %dma_wait3A_1057 = arith.constant 0 : i32
        %dma_wait3A_1058 = arith.constant 0 : i32
        %dma_wait3A_1059 = arith.constant 0 : i32
        %dma_wait3A_1060 = arith.constant 0 : i32
        %dma_wait3A_1061 = tpu.memref_slice %arg9[%dma_wait3A_1057, %dma_wait3A_1059, %dma_wait3A_1060] : memref<8x32x128xf32, #tpu.memory_space<vmem>> -> memref<1x32x128xf32, #tpu.memory_space<vmem>>
        %dma_wait3A_1062 = tpu.memref_squeeze %dma_wait3A_1061 : memref<1x32x128xf32, #tpu.memory_space<vmem>> -> memref<32x128xf32, #tpu.memory_space<vmem>>
        %dma_wait3A_1063 = arith.constant 0 : i32
        %dma_wait3A_1064 = tpu.memref_slice %arg8[%dma_wait3A_1058, %dma_wait3A_1063] : memref<8x32xi32, #tpu.memory_space<vmem>> -> memref<1x32xi32, #tpu.memory_space<vmem>>
        %dma_wait3A_1065 = tpu.memref_squeeze %dma_wait3A_1064 : memref<1x32xi32, #tpu.memory_space<vmem>> -> memref<32xi32, #tpu.memory_space<vmem>>
        %dma_wait3A_1066 = arith.constant 0 : i32
        %dma_wait3A_1067 = arith.constant 0 : i32
        %dma_wait3A_1068 = tpu.memref_slice %arg36[%dma_wait3A_1066, %dma_wait3A_1067] : memref<10240x128xf32, #tpu.memory_space<vmem_shared>> -> memref<10240x128xf32, #tpu.memory_space<vmem_shared>>
        tpu.wait_indirect_dma semaphore(%arg18 : memref<!tpu.dma_semaphore, #tpu.memory_space<semaphore_mem>>) src(%dma_wait3A_1062 : memref<32x128xf32, #tpu.memory_space<vmem>>) dst(%dma_wait3A_1068 : memref<10240x128xf32, #tpu.memory_space<vmem_shared>>)
      } else {
      }
      %add3A_891 = arith.constant 4 : i32
      %add3A_892 = arith.addi %add3A_848, %add3A_891 : i32
      %lt3A_893 = arith.constant 640 : i32
      %lt3A_894 = arith.cmpi slt, %add3A_892, %lt3A_893 : i32
      %convert_element_type3A_895 = arith.extui %lt3A_894 : i1 to i32
      %cond3A_896 = arith.constant 0 : i32
      %cond3A_897 = arith.cmpi ne, %convert_element_type3A_895, %cond3A_896 : i32
      scf.if %cond3A_897 {
        %dma_start3A_1057 = arith.constant 0 : i32
        %dma_start3A_1058 = arith.constant 0 : i32
        %dma_start3A_1059 = arith.constant 0 : i32
        %dma_start3A_1060 = arith.constant 0 : i32
        %dma_start3A_1061 = arith.constant 0 : i32
        %dma_start3A_1062 = tpu.memref_slice %arg9[%dma_start3A_1059, %dma_start3A_1060, %dma_start3A_1061] : memref<8x32x128xf32, #tpu.memory_space<vmem>> -> memref<1x32x128xf32, #tpu.memory_space<vmem>>
        %dma_start3A_1063 = tpu.memref_squeeze %dma_start3A_1062 : memref<1x32x128xf32, #tpu.memory_space<vmem>> -> memref<32x128xf32, #tpu.memory_space<vmem>>
        %dma_start3A_1064 = arith.constant 0 : i32
        %dma_start3A_1065 = tpu.memref_slice %arg7[%dma_start3A_1057, %dma_start3A_1058, %dma_start3A_1064] : memref<2x8x32xi32, #tpu.memory_space<vmem>> -> memref<1x1x32xi32, #tpu.memory_space<vmem>>
        %dma_start3A_1066 = tpu.memref_squeeze %dma_start3A_1065 : memref<1x1x32xi32, #tpu.memory_space<vmem>> -> memref<32xi32, #tpu.memory_space<vmem>>
        %dma_start3A_1067 = arith.constant 0 : i32
        %dma_start3A_1068 = arith.constant 0 : i32
        %dma_start3A_1069 = tpu.memref_slice %arg2[%dma_start3A_1067, %dma_start3A_1068] : memref<20480x128xf32, #tpu.memory_space<hbm>> -> memref<20480x128xf32, #tpu.memory_space<hbm>>
        tpu.enqueue_indirect_dma source(%dma_start3A_1069 : memref<20480x128xf32, #tpu.memory_space<hbm>>) target(%dma_start3A_1063 : memref<32x128xf32, #tpu.memory_space<vmem>>) offsets(%dma_start3A_1066 : memref<32xi32, #tpu.memory_space<vmem>>) semaphore(%arg10 : memref<!tpu.dma_semaphore, #tpu.memory_space<semaphore_mem>>)
        %add3A_1070 = arith.addi %mul3A_6, %add3A_848 : i32
        %add3A_1071 = arith.constant 4 : i32
        %add3A_1072 = arith.addi %add3A_1070, %add3A_1071 : i32
        %dma_start3A_1073 = arith.constant 0 : i32
        %dma_start3A_1074 = arith.constant 0 : i32
        %dma_start3A_1075 = tpu.memref_slice %arg8[%dma_start3A_1073, %dma_start3A_1074] : memref<8x32xi32, #tpu.memory_space<vmem>> -> memref<1x32xi32, #tpu.memory_space<vmem>>
        %dma_start3A_1076 = arith.constant 0 : i32
        %dma_start3A_1077 = tpu.memref_slice %arg4[%add3A_1072, %dma_start3A_1076] : memref<10240x32xi32, #tpu.memory_space<hbm>> -> memref<1x32xi32, #tpu.memory_space<hbm>>
        %dma_start3A_1078 = arith.constant 0 : i32
        %dma_start3A_1079 = arith.constant 0 : i32
        %dma_start3A_1080 = tpu.memref_slice %arg8[%dma_start3A_1078, %dma_start3A_1079] : memref<8x32xi32, #tpu.memory_space<vmem>> -> memref<1x32xi32, #tpu.memory_space<vmem>>
        %dma_start3A_1081 = arith.constant 0 : i32
        %dma_start3A_1082 = tpu.memref_slice %arg4[%add3A_1072, %dma_start3A_1081] : memref<10240x32xi32, #tpu.memory_space<hbm>> -> memref<1x32xi32, #tpu.memory_space<hbm>>
        tpu.enqueue_dma source(%dma_start3A_1082 : memref<1x32xi32, #tpu.memory_space<hbm>>) target(%dma_start3A_1080 : memref<1x32xi32, #tpu.memory_space<vmem>>) target_semaphore(%arg26 : memref<!tpu.dma_semaphore, #tpu.memory_space<semaphore_mem>>)
      } else {
      }
      %mul3A_898 = arith.constant 8 : i32
      %mul3A_899 = arith.muli %add3A_612, %mul3A_898 : i32
      %add3A_900 = arith.constant 5 : i32
      %add3A_901 = arith.addi %mul3A_899, %add3A_900 : i32
      %dma_wait3A_902 = arith.constant 0 : i32
      %dma_wait3A_903 = arith.constant 0 : i32
      %dma_wait3A_904 = arith.constant 5 : i32
      %dma_wait3A_905 = arith.constant 0 : i32
      %dma_wait3A_906 = arith.constant 0 : i32
      %dma_wait3A_907 = tpu.memref_slice %arg9[%dma_wait3A_904, %dma_wait3A_905, %dma_wait3A_906] : memref<8x32x128xf32, #tpu.memory_space<vmem>> -> memref<1x32x128xf32, #tpu.memory_space<vmem>>
      %dma_wait3A_908 = tpu.memref_squeeze %dma_wait3A_907 : memref<1x32x128xf32, #tpu.memory_space<vmem>> -> memref<32x128xf32, #tpu.memory_space<vmem>>
      %dma_wait3A_909 = arith.constant 0 : i32
      %dma_wait3A_910 = tpu.memref_slice %arg7[%dma_wait3A_902, %dma_wait3A_903, %dma_wait3A_909] : memref<2x8x32xi32, #tpu.memory_space<vmem>> -> memref<1x1x32xi32, #tpu.memory_space<vmem>>
      %dma_wait3A_911 = tpu.memref_squeeze %dma_wait3A_910 : memref<1x1x32xi32, #tpu.memory_space<vmem>> -> memref<32xi32, #tpu.memory_space<vmem>>
      %dma_wait3A_912 = arith.constant 0 : i32
      %dma_wait3A_913 = arith.constant 0 : i32
      %dma_wait3A_914 = tpu.memref_slice %arg2[%dma_wait3A_912, %dma_wait3A_913] : memref<20480x128xf32, #tpu.memory_space<hbm>> -> memref<20480x128xf32, #tpu.memory_space<hbm>>
      tpu.wait_indirect_dma semaphore(%arg15 : memref<!tpu.dma_semaphore, #tpu.memory_space<semaphore_mem>>) src(%dma_wait3A_914 : memref<20480x128xf32, #tpu.memory_space<hbm>>) dst(%dma_wait3A_908 : memref<32x128xf32, #tpu.memory_space<vmem>>)
      %dma_wait3A_915 = arith.constant 5 : i32
      %dma_wait3A_916 = arith.constant 0 : i32
      %dma_wait3A_917 = tpu.memref_slice %arg8[%dma_wait3A_915, %dma_wait3A_916] : memref<8x32xi32, #tpu.memory_space<vmem>> -> memref<1x32xi32, #tpu.memory_space<vmem>>
      %dma_wait3A_918 = arith.constant 0 : i32
      %dma_wait3A_919 = arith.constant 0 : i32
      %dma_wait3A_920 = tpu.memref_slice %arg4[%dma_wait3A_918, %dma_wait3A_919] : memref<10240x32xi32, #tpu.memory_space<hbm>> -> memref<1x32xi32, #tpu.memory_space<hbm>>
      %dma_wait3A_921 = arith.constant 5 : i32
      %dma_wait3A_922 = arith.constant 0 : i32
      %dma_wait3A_923 = tpu.memref_slice %arg8[%dma_wait3A_921, %dma_wait3A_922] : memref<8x32xi32, #tpu.memory_space<vmem>> -> memref<1x32xi32, #tpu.memory_space<vmem>>
      %dma_wait3A_924 = arith.constant 0 : i32
      %dma_wait3A_925 = arith.constant 0 : i32
      %dma_wait3A_926 = tpu.memref_slice %arg4[%dma_wait3A_924, %dma_wait3A_925] : memref<10240x32xi32, #tpu.memory_space<hbm>> -> memref<1x32xi32, #tpu.memory_space<hbm>>
      tpu.wait_dma2 semaphore(%arg31 : memref<!tpu.dma_semaphore, #tpu.memory_space<semaphore_mem>>) src(%dma_wait3A_926 : memref<1x32xi32, #tpu.memory_space<hbm>>) dst(%dma_wait3A_923 : memref<1x32xi32, #tpu.memory_space<vmem>>)
      %dma_start3A_927 = arith.constant 5 : i32
      %dma_start3A_928 = arith.constant 5 : i32
      %dma_start3A_929 = arith.constant 0 : i32
      %dma_start3A_930 = arith.constant 0 : i32
      %dma_start3A_931 = tpu.memref_slice %arg9[%dma_start3A_927, %dma_start3A_929, %dma_start3A_930] : memref<8x32x128xf32, #tpu.memory_space<vmem>> -> memref<1x32x128xf32, #tpu.memory_space<vmem>>
      %dma_start3A_932 = tpu.memref_squeeze %dma_start3A_931 : memref<1x32x128xf32, #tpu.memory_space<vmem>> -> memref<32x128xf32, #tpu.memory_space<vmem>>
      %dma_start3A_933 = arith.constant 0 : i32
      %dma_start3A_934 = tpu.memref_slice %arg8[%dma_start3A_928, %dma_start3A_933] : memref<8x32xi32, #tpu.memory_space<vmem>> -> memref<1x32xi32, #tpu.memory_space<vmem>>
      %dma_start3A_935 = tpu.memref_squeeze %dma_start3A_934 : memref<1x32xi32, #tpu.memory_space<vmem>> -> memref<32xi32, #tpu.memory_space<vmem>>
      %dma_start3A_936 = arith.constant 0 : i32
      %dma_start3A_937 = arith.constant 0 : i32
      %dma_start3A_938 = tpu.memref_slice %arg36[%dma_start3A_936, %dma_start3A_937] : memref<10240x128xf32, #tpu.memory_space<vmem_shared>> -> memref<10240x128xf32, #tpu.memory_space<vmem_shared>>
      tpu.enqueue_indirect_dma source(%dma_start3A_932 : memref<32x128xf32, #tpu.memory_space<vmem>>) target(%dma_start3A_938 : memref<10240x128xf32, #tpu.memory_space<vmem_shared>>) offsets(%dma_start3A_935 : memref<32xi32, #tpu.memory_space<vmem>>) semaphore(%arg23 : memref<!tpu.dma_semaphore, #tpu.memory_space<semaphore_mem>>) {add = true}
      %ge3A_939 = arith.constant 4 : i32
      %ge3A_940 = arith.cmpi sge, %add3A_901, %ge3A_939 : i32
      %convert_element_type3A_941 = arith.extui %ge3A_940 : i1 to i32
      %cond3A_942 = arith.constant 0 : i32
      %cond3A_943 = arith.cmpi ne, %convert_element_type3A_941, %cond3A_942 : i32
      scf.if %cond3A_943 {
        %dma_wait3A_1057 = arith.constant 1 : i32
        %dma_wait3A_1058 = arith.constant 0 : i32
        %dma_wait3A_1059 = arith.constant 0 : i32
        %dma_wait3A_1060 = arith.constant 0 : i32
        %dma_wait3A_1061 = tpu.memref_slice %arg9[%dma_wait3A_1057, %dma_wait3A_1059, %dma_wait3A_1060] : memref<8x32x128xf32, #tpu.memory_space<vmem>> -> memref<1x32x128xf32, #tpu.memory_space<vmem>>
        %dma_wait3A_1062 = tpu.memref_squeeze %dma_wait3A_1061 : memref<1x32x128xf32, #tpu.memory_space<vmem>> -> memref<32x128xf32, #tpu.memory_space<vmem>>
        %dma_wait3A_1063 = arith.constant 0 : i32
        %dma_wait3A_1064 = tpu.memref_slice %arg8[%dma_wait3A_1058, %dma_wait3A_1063] : memref<8x32xi32, #tpu.memory_space<vmem>> -> memref<1x32xi32, #tpu.memory_space<vmem>>
        %dma_wait3A_1065 = tpu.memref_squeeze %dma_wait3A_1064 : memref<1x32xi32, #tpu.memory_space<vmem>> -> memref<32xi32, #tpu.memory_space<vmem>>
        %dma_wait3A_1066 = arith.constant 0 : i32
        %dma_wait3A_1067 = arith.constant 0 : i32
        %dma_wait3A_1068 = tpu.memref_slice %arg36[%dma_wait3A_1066, %dma_wait3A_1067] : memref<10240x128xf32, #tpu.memory_space<vmem_shared>> -> memref<10240x128xf32, #tpu.memory_space<vmem_shared>>
        tpu.wait_indirect_dma semaphore(%arg19 : memref<!tpu.dma_semaphore, #tpu.memory_space<semaphore_mem>>) src(%dma_wait3A_1062 : memref<32x128xf32, #tpu.memory_space<vmem>>) dst(%dma_wait3A_1068 : memref<10240x128xf32, #tpu.memory_space<vmem_shared>>)
      } else {
      }
      %add3A_944 = arith.constant 4 : i32
      %add3A_945 = arith.addi %add3A_901, %add3A_944 : i32
      %lt3A_946 = arith.constant 640 : i32
      %lt3A_947 = arith.cmpi slt, %add3A_945, %lt3A_946 : i32
      %convert_element_type3A_948 = arith.extui %lt3A_947 : i1 to i32
      %cond3A_949 = arith.constant 0 : i32
      %cond3A_950 = arith.cmpi ne, %convert_element_type3A_948, %cond3A_949 : i32
      scf.if %cond3A_950 {
        %dma_start3A_1057 = arith.constant 0 : i32
        %dma_start3A_1058 = arith.constant 1 : i32
        %dma_start3A_1059 = arith.constant 1 : i32
        %dma_start3A_1060 = arith.constant 0 : i32
        %dma_start3A_1061 = arith.constant 0 : i32
        %dma_start3A_1062 = tpu.memref_slice %arg9[%dma_start3A_1059, %dma_start3A_1060, %dma_start3A_1061] : memref<8x32x128xf32, #tpu.memory_space<vmem>> -> memref<1x32x128xf32, #tpu.memory_space<vmem>>
        %dma_start3A_1063 = tpu.memref_squeeze %dma_start3A_1062 : memref<1x32x128xf32, #tpu.memory_space<vmem>> -> memref<32x128xf32, #tpu.memory_space<vmem>>
        %dma_start3A_1064 = arith.constant 0 : i32
        %dma_start3A_1065 = tpu.memref_slice %arg7[%dma_start3A_1057, %dma_start3A_1058, %dma_start3A_1064] : memref<2x8x32xi32, #tpu.memory_space<vmem>> -> memref<1x1x32xi32, #tpu.memory_space<vmem>>
        %dma_start3A_1066 = tpu.memref_squeeze %dma_start3A_1065 : memref<1x1x32xi32, #tpu.memory_space<vmem>> -> memref<32xi32, #tpu.memory_space<vmem>>
        %dma_start3A_1067 = arith.constant 0 : i32
        %dma_start3A_1068 = arith.constant 0 : i32
        %dma_start3A_1069 = tpu.memref_slice %arg2[%dma_start3A_1067, %dma_start3A_1068] : memref<20480x128xf32, #tpu.memory_space<hbm>> -> memref<20480x128xf32, #tpu.memory_space<hbm>>
        tpu.enqueue_indirect_dma source(%dma_start3A_1069 : memref<20480x128xf32, #tpu.memory_space<hbm>>) target(%dma_start3A_1063 : memref<32x128xf32, #tpu.memory_space<vmem>>) offsets(%dma_start3A_1066 : memref<32xi32, #tpu.memory_space<vmem>>) semaphore(%arg11 : memref<!tpu.dma_semaphore, #tpu.memory_space<semaphore_mem>>)
        %add3A_1070 = arith.addi %mul3A_6, %add3A_901 : i32
        %add3A_1071 = arith.constant 4 : i32
        %add3A_1072 = arith.addi %add3A_1070, %add3A_1071 : i32
        %dma_start3A_1073 = arith.constant 1 : i32
        %dma_start3A_1074 = arith.constant 0 : i32
        %dma_start3A_1075 = tpu.memref_slice %arg8[%dma_start3A_1073, %dma_start3A_1074] : memref<8x32xi32, #tpu.memory_space<vmem>> -> memref<1x32xi32, #tpu.memory_space<vmem>>
        %dma_start3A_1076 = arith.constant 0 : i32
        %dma_start3A_1077 = tpu.memref_slice %arg4[%add3A_1072, %dma_start3A_1076] : memref<10240x32xi32, #tpu.memory_space<hbm>> -> memref<1x32xi32, #tpu.memory_space<hbm>>
        %dma_start3A_1078 = arith.constant 1 : i32
        %dma_start3A_1079 = arith.constant 0 : i32
        %dma_start3A_1080 = tpu.memref_slice %arg8[%dma_start3A_1078, %dma_start3A_1079] : memref<8x32xi32, #tpu.memory_space<vmem>> -> memref<1x32xi32, #tpu.memory_space<vmem>>
        %dma_start3A_1081 = arith.constant 0 : i32
        %dma_start3A_1082 = tpu.memref_slice %arg4[%add3A_1072, %dma_start3A_1081] : memref<10240x32xi32, #tpu.memory_space<hbm>> -> memref<1x32xi32, #tpu.memory_space<hbm>>
        tpu.enqueue_dma source(%dma_start3A_1082 : memref<1x32xi32, #tpu.memory_space<hbm>>) target(%dma_start3A_1080 : memref<1x32xi32, #tpu.memory_space<vmem>>) target_semaphore(%arg27 : memref<!tpu.dma_semaphore, #tpu.memory_space<semaphore_mem>>)
      } else {
      }
      %mul3A_951 = arith.constant 8 : i32
      %mul3A_952 = arith.muli %add3A_612, %mul3A_951 : i32
      %add3A_953 = arith.constant 6 : i32
      %add3A_954 = arith.addi %mul3A_952, %add3A_953 : i32
      %dma_wait3A_955 = arith.constant 0 : i32
      %dma_wait3A_956 = arith.constant 0 : i32
      %dma_wait3A_957 = arith.constant 6 : i32
      %dma_wait3A_958 = arith.constant 0 : i32
      %dma_wait3A_959 = arith.constant 0 : i32
      %dma_wait3A_960 = tpu.memref_slice %arg9[%dma_wait3A_957, %dma_wait3A_958, %dma_wait3A_959] : memref<8x32x128xf32, #tpu.memory_space<vmem>> -> memref<1x32x128xf32, #tpu.memory_space<vmem>>
      %dma_wait3A_961 = tpu.memref_squeeze %dma_wait3A_960 : memref<1x32x128xf32, #tpu.memory_space<vmem>> -> memref<32x128xf32, #tpu.memory_space<vmem>>
      %dma_wait3A_962 = arith.constant 0 : i32
      %dma_wait3A_963 = tpu.memref_slice %arg7[%dma_wait3A_955, %dma_wait3A_956, %dma_wait3A_962] : memref<2x8x32xi32, #tpu.memory_space<vmem>> -> memref<1x1x32xi32, #tpu.memory_space<vmem>>
      %dma_wait3A_964 = tpu.memref_squeeze %dma_wait3A_963 : memref<1x1x32xi32, #tpu.memory_space<vmem>> -> memref<32xi32, #tpu.memory_space<vmem>>
      %dma_wait3A_965 = arith.constant 0 : i32
      %dma_wait3A_966 = arith.constant 0 : i32
      %dma_wait3A_967 = tpu.memref_slice %arg2[%dma_wait3A_965, %dma_wait3A_966] : memref<20480x128xf32, #tpu.memory_space<hbm>> -> memref<20480x128xf32, #tpu.memory_space<hbm>>
      tpu.wait_indirect_dma semaphore(%arg16 : memref<!tpu.dma_semaphore, #tpu.memory_space<semaphore_mem>>) src(%dma_wait3A_967 : memref<20480x128xf32, #tpu.memory_space<hbm>>) dst(%dma_wait3A_961 : memref<32x128xf32, #tpu.memory_space<vmem>>)
      %dma_wait3A_968 = arith.constant 6 : i32
      %dma_wait3A_969 = arith.constant 0 : i32
      %dma_wait3A_970 = tpu.memref_slice %arg8[%dma_wait3A_968, %dma_wait3A_969] : memref<8x32xi32, #tpu.memory_space<vmem>> -> memref<1x32xi32, #tpu.memory_space<vmem>>
      %dma_wait3A_971 = arith.constant 0 : i32
      %dma_wait3A_972 = arith.constant 0 : i32
      %dma_wait3A_973 = tpu.memref_slice %arg4[%dma_wait3A_971, %dma_wait3A_972] : memref<10240x32xi32, #tpu.memory_space<hbm>> -> memref<1x32xi32, #tpu.memory_space<hbm>>
      %dma_wait3A_974 = arith.constant 6 : i32
      %dma_wait3A_975 = arith.constant 0 : i32
      %dma_wait3A_976 = tpu.memref_slice %arg8[%dma_wait3A_974, %dma_wait3A_975] : memref<8x32xi32, #tpu.memory_space<vmem>> -> memref<1x32xi32, #tpu.memory_space<vmem>>
      %dma_wait3A_977 = arith.constant 0 : i32
      %dma_wait3A_978 = arith.constant 0 : i32
      %dma_wait3A_979 = tpu.memref_slice %arg4[%dma_wait3A_977, %dma_wait3A_978] : memref<10240x32xi32, #tpu.memory_space<hbm>> -> memref<1x32xi32, #tpu.memory_space<hbm>>
      tpu.wait_dma2 semaphore(%arg32 : memref<!tpu.dma_semaphore, #tpu.memory_space<semaphore_mem>>) src(%dma_wait3A_979 : memref<1x32xi32, #tpu.memory_space<hbm>>) dst(%dma_wait3A_976 : memref<1x32xi32, #tpu.memory_space<vmem>>)
      %dma_start3A_980 = arith.constant 6 : i32
      %dma_start3A_981 = arith.constant 6 : i32
      %dma_start3A_982 = arith.constant 0 : i32
      %dma_start3A_983 = arith.constant 0 : i32
      %dma_start3A_984 = tpu.memref_slice %arg9[%dma_start3A_980, %dma_start3A_982, %dma_start3A_983] : memref<8x32x128xf32, #tpu.memory_space<vmem>> -> memref<1x32x128xf32, #tpu.memory_space<vmem>>
      %dma_start3A_985 = tpu.memref_squeeze %dma_start3A_984 : memref<1x32x128xf32, #tpu.memory_space<vmem>> -> memref<32x128xf32, #tpu.memory_space<vmem>>
      %dma_start3A_986 = arith.constant 0 : i32
      %dma_start3A_987 = tpu.memref_slice %arg8[%dma_start3A_981, %dma_start3A_986] : memref<8x32xi32, #tpu.memory_space<vmem>> -> memref<1x32xi32, #tpu.memory_space<vmem>>
      %dma_start3A_988 = tpu.memref_squeeze %dma_start3A_987 : memref<1x32xi32, #tpu.memory_space<vmem>> -> memref<32xi32, #tpu.memory_space<vmem>>
      %dma_start3A_989 = arith.constant 0 : i32
      %dma_start3A_990 = arith.constant 0 : i32
      %dma_start3A_991 = tpu.memref_slice %arg36[%dma_start3A_989, %dma_start3A_990] : memref<10240x128xf32, #tpu.memory_space<vmem_shared>> -> memref<10240x128xf32, #tpu.memory_space<vmem_shared>>
      tpu.enqueue_indirect_dma source(%dma_start3A_985 : memref<32x128xf32, #tpu.memory_space<vmem>>) target(%dma_start3A_991 : memref<10240x128xf32, #tpu.memory_space<vmem_shared>>) offsets(%dma_start3A_988 : memref<32xi32, #tpu.memory_space<vmem>>) semaphore(%arg24 : memref<!tpu.dma_semaphore, #tpu.memory_space<semaphore_mem>>) {add = true}
      %ge3A_992 = arith.constant 4 : i32
      %ge3A_993 = arith.cmpi sge, %add3A_954, %ge3A_992 : i32
      %convert_element_type3A_994 = arith.extui %ge3A_993 : i1 to i32
      %cond3A_995 = arith.constant 0 : i32
      %cond3A_996 = arith.cmpi ne, %convert_element_type3A_994, %cond3A_995 : i32
      scf.if %cond3A_996 {
        %dma_wait3A_1057 = arith.constant 2 : i32
        %dma_wait3A_1058 = arith.constant 0 : i32
        %dma_wait3A_1059 = arith.constant 0 : i32
        %dma_wait3A_1060 = arith.constant 0 : i32
        %dma_wait3A_1061 = tpu.memref_slice %arg9[%dma_wait3A_1057, %dma_wait3A_1059, %dma_wait3A_1060] : memref<8x32x128xf32, #tpu.memory_space<vmem>> -> memref<1x32x128xf32, #tpu.memory_space<vmem>>
        %dma_wait3A_1062 = tpu.memref_squeeze %dma_wait3A_1061 : memref<1x32x128xf32, #tpu.memory_space<vmem>> -> memref<32x128xf32, #tpu.memory_space<vmem>>
        %dma_wait3A_1063 = arith.constant 0 : i32
        %dma_wait3A_1064 = tpu.memref_slice %arg8[%dma_wait3A_1058, %dma_wait3A_1063] : memref<8x32xi32, #tpu.memory_space<vmem>> -> memref<1x32xi32, #tpu.memory_space<vmem>>
        %dma_wait3A_1065 = tpu.memref_squeeze %dma_wait3A_1064 : memref<1x32xi32, #tpu.memory_space<vmem>> -> memref<32xi32, #tpu.memory_space<vmem>>
        %dma_wait3A_1066 = arith.constant 0 : i32
        %dma_wait3A_1067 = arith.constant 0 : i32
        %dma_wait3A_1068 = tpu.memref_slice %arg36[%dma_wait3A_1066, %dma_wait3A_1067] : memref<10240x128xf32, #tpu.memory_space<vmem_shared>> -> memref<10240x128xf32, #tpu.memory_space<vmem_shared>>
        tpu.wait_indirect_dma semaphore(%arg20 : memref<!tpu.dma_semaphore, #tpu.memory_space<semaphore_mem>>) src(%dma_wait3A_1062 : memref<32x128xf32, #tpu.memory_space<vmem>>) dst(%dma_wait3A_1068 : memref<10240x128xf32, #tpu.memory_space<vmem_shared>>)
      } else {
      }
      %add3A_997 = arith.constant 4 : i32
      %add3A_998 = arith.addi %add3A_954, %add3A_997 : i32
      %lt3A_999 = arith.constant 640 : i32
      %lt3A_1000 = arith.cmpi slt, %add3A_998, %lt3A_999 : i32
      %convert_element_type3A_1001 = arith.extui %lt3A_1000 : i1 to i32
      %cond3A_1002 = arith.constant 0 : i32
      %cond3A_1003 = arith.cmpi ne, %convert_element_type3A_1001, %cond3A_1002 : i32
      scf.if %cond3A_1003 {
        %dma_start3A_1057 = arith.constant 0 : i32
        %dma_start3A_1058 = arith.constant 2 : i32
        %dma_start3A_1059 = arith.constant 2 : i32
        %dma_start3A_1060 = arith.constant 0 : i32
        %dma_start3A_1061 = arith.constant 0 : i32
        %dma_start3A_1062 = tpu.memref_slice %arg9[%dma_start3A_1059, %dma_start3A_1060, %dma_start3A_1061] : memref<8x32x128xf32, #tpu.memory_space<vmem>> -> memref<1x32x128xf32, #tpu.memory_space<vmem>>
        %dma_start3A_1063 = tpu.memref_squeeze %dma_start3A_1062 : memref<1x32x128xf32, #tpu.memory_space<vmem>> -> memref<32x128xf32, #tpu.memory_space<vmem>>
        %dma_start3A_1064 = arith.constant 0 : i32
        %dma_start3A_1065 = tpu.memref_slice %arg7[%dma_start3A_1057, %dma_start3A_1058, %dma_start3A_1064] : memref<2x8x32xi32, #tpu.memory_space<vmem>> -> memref<1x1x32xi32, #tpu.memory_space<vmem>>
        %dma_start3A_1066 = tpu.memref_squeeze %dma_start3A_1065 : memref<1x1x32xi32, #tpu.memory_space<vmem>> -> memref<32xi32, #tpu.memory_space<vmem>>
        %dma_start3A_1067 = arith.constant 0 : i32
        %dma_start3A_1068 = arith.constant 0 : i32
        %dma_start3A_1069 = tpu.memref_slice %arg2[%dma_start3A_1067, %dma_start3A_1068] : memref<20480x128xf32, #tpu.memory_space<hbm>> -> memref<20480x128xf32, #tpu.memory_space<hbm>>
        tpu.enqueue_indirect_dma source(%dma_start3A_1069 : memref<20480x128xf32, #tpu.memory_space<hbm>>) target(%dma_start3A_1063 : memref<32x128xf32, #tpu.memory_space<vmem>>) offsets(%dma_start3A_1066 : memref<32xi32, #tpu.memory_space<vmem>>) semaphore(%arg12 : memref<!tpu.dma_semaphore, #tpu.memory_space<semaphore_mem>>)
        %add3A_1070 = arith.addi %mul3A_6, %add3A_954 : i32
        %add3A_1071 = arith.constant 4 : i32
        %add3A_1072 = arith.addi %add3A_1070, %add3A_1071 : i32
        %dma_start3A_1073 = arith.constant 2 : i32
        %dma_start3A_1074 = arith.constant 0 : i32
        %dma_start3A_1075 = tpu.memref_slice %arg8[%dma_start3A_1073, %dma_start3A_1074] : memref<8x32xi32, #tpu.memory_space<vmem>> -> memref<1x32xi32, #tpu.memory_space<vmem>>
        %dma_start3A_1076 = arith.constant 0 : i32
        %dma_start3A_1077 = tpu.memref_slice %arg4[%add3A_1072, %dma_start3A_1076] : memref<10240x32xi32, #tpu.memory_space<hbm>> -> memref<1x32xi32, #tpu.memory_space<hbm>>
        %dma_start3A_1078 = arith.constant 2 : i32
        %dma_start3A_1079 = arith.constant 0 : i32
        %dma_start3A_1080 = tpu.memref_slice %arg8[%dma_start3A_1078, %dma_start3A_1079] : memref<8x32xi32, #tpu.memory_space<vmem>> -> memref<1x32xi32, #tpu.memory_space<vmem>>
        %dma_start3A_1081 = arith.constant 0 : i32
        %dma_start3A_1082 = tpu.memref_slice %arg4[%add3A_1072, %dma_start3A_1081] : memref<10240x32xi32, #tpu.memory_space<hbm>> -> memref<1x32xi32, #tpu.memory_space<hbm>>
        tpu.enqueue_dma source(%dma_start3A_1082 : memref<1x32xi32, #tpu.memory_space<hbm>>) target(%dma_start3A_1080 : memref<1x32xi32, #tpu.memory_space<vmem>>) target_semaphore(%arg28 : memref<!tpu.dma_semaphore, #tpu.memory_space<semaphore_mem>>)
      } else {
      }
      %mul3A_1004 = arith.constant 8 : i32
      %mul3A_1005 = arith.muli %add3A_612, %mul3A_1004 : i32
      %add3A_1006 = arith.constant 7 : i32
      %add3A_1007 = arith.addi %mul3A_1005, %add3A_1006 : i32
      %dma_wait3A_1008 = arith.constant 0 : i32
      %dma_wait3A_1009 = arith.constant 0 : i32
      %dma_wait3A_1010 = arith.constant 7 : i32
      %dma_wait3A_1011 = arith.constant 0 : i32
      %dma_wait3A_1012 = arith.constant 0 : i32
      %dma_wait3A_1013 = tpu.memref_slice %arg9[%dma_wait3A_1010, %dma_wait3A_1011, %dma_wait3A_1012] : memref<8x32x128xf32, #tpu.memory_space<vmem>> -> memref<1x32x128xf32, #tpu.memory_space<vmem>>
      %dma_wait3A_1014 = tpu.memref_squeeze %dma_wait3A_1013 : memref<1x32x128xf32, #tpu.memory_space<vmem>> -> memref<32x128xf32, #tpu.memory_space<vmem>>
      %dma_wait3A_1015 = arith.constant 0 : i32
      %dma_wait3A_1016 = tpu.memref_slice %arg7[%dma_wait3A_1008, %dma_wait3A_1009, %dma_wait3A_1015] : memref<2x8x32xi32, #tpu.memory_space<vmem>> -> memref<1x1x32xi32, #tpu.memory_space<vmem>>
      %dma_wait3A_1017 = tpu.memref_squeeze %dma_wait3A_1016 : memref<1x1x32xi32, #tpu.memory_space<vmem>> -> memref<32xi32, #tpu.memory_space<vmem>>
      %dma_wait3A_1018 = arith.constant 0 : i32
      %dma_wait3A_1019 = arith.constant 0 : i32
      %dma_wait3A_1020 = tpu.memref_slice %arg2[%dma_wait3A_1018, %dma_wait3A_1019] : memref<20480x128xf32, #tpu.memory_space<hbm>> -> memref<20480x128xf32, #tpu.memory_space<hbm>>
      tpu.wait_indirect_dma semaphore(%arg17 : memref<!tpu.dma_semaphore, #tpu.memory_space<semaphore_mem>>) src(%dma_wait3A_1020 : memref<20480x128xf32, #tpu.memory_space<hbm>>) dst(%dma_wait3A_1014 : memref<32x128xf32, #tpu.memory_space<vmem>>)
      %dma_wait3A_1021 = arith.constant 7 : i32
      %dma_wait3A_1022 = arith.constant 0 : i32
      %dma_wait3A_1023 = tpu.memref_slice %arg8[%dma_wait3A_1021, %dma_wait3A_1022] : memref<8x32xi32, #tpu.memory_space<vmem>> -> memref<1x32xi32, #tpu.memory_space<vmem>>
      %dma_wait3A_1024 = arith.constant 0 : i32
      %dma_wait3A_1025 = arith.constant 0 : i32
      %dma_wait3A_1026 = tpu.memref_slice %arg4[%dma_wait3A_1024, %dma_wait3A_1025] : memref<10240x32xi32, #tpu.memory_space<hbm>> -> memref<1x32xi32, #tpu.memory_space<hbm>>
      %dma_wait3A_1027 = arith.constant 7 : i32
      %dma_wait3A_1028 = arith.constant 0 : i32
      %dma_wait3A_1029 = tpu.memref_slice %arg8[%dma_wait3A_1027, %dma_wait3A_1028] : memref<8x32xi32, #tpu.memory_space<vmem>> -> memref<1x32xi32, #tpu.memory_space<vmem>>
      %dma_wait3A_1030 = arith.constant 0 : i32
      %dma_wait3A_1031 = arith.constant 0 : i32
      %dma_wait3A_1032 = tpu.memref_slice %arg4[%dma_wait3A_1030, %dma_wait3A_1031] : memref<10240x32xi32, #tpu.memory_space<hbm>> -> memref<1x32xi32, #tpu.memory_space<hbm>>
      tpu.wait_dma2 semaphore(%arg33 : memref<!tpu.dma_semaphore, #tpu.memory_space<semaphore_mem>>) src(%dma_wait3A_1032 : memref<1x32xi32, #tpu.memory_space<hbm>>) dst(%dma_wait3A_1029 : memref<1x32xi32, #tpu.memory_space<vmem>>)
      %dma_start3A_1033 = arith.constant 7 : i32
      %dma_start3A_1034 = arith.constant 7 : i32
      %dma_start3A_1035 = arith.constant 0 : i32
      %dma_start3A_1036 = arith.constant 0 : i32
      %dma_start3A_1037 = tpu.memref_slice %arg9[%dma_start3A_1033, %dma_start3A_1035, %dma_start3A_1036] : memref<8x32x128xf32, #tpu.memory_space<vmem>> -> memref<1x32x128xf32, #tpu.memory_space<vmem>>
      %dma_start3A_1038 = tpu.memref_squeeze %dma_start3A_1037 : memref<1x32x128xf32, #tpu.memory_space<vmem>> -> memref<32x128xf32, #tpu.memory_space<vmem>>
      %dma_start3A_1039 = arith.constant 0 : i32
      %dma_start3A_1040 = tpu.memref_slice %arg8[%dma_start3A_1034, %dma_start3A_1039] : memref<8x32xi32, #tpu.memory_space<vmem>> -> memref<1x32xi32, #tpu.memory_space<vmem>>
      %dma_start3A_1041 = tpu.memref_squeeze %dma_start3A_1040 : memref<1x32xi32, #tpu.memory_space<vmem>> -> memref<32xi32, #tpu.memory_space<vmem>>
      %dma_start3A_1042 = arith.constant 0 : i32
      %dma_start3A_1043 = arith.constant 0 : i32
      %dma_start3A_1044 = tpu.memref_slice %arg36[%dma_start3A_1042, %dma_start3A_1043] : memref<10240x128xf32, #tpu.memory_space<vmem_shared>> -> memref<10240x128xf32, #tpu.memory_space<vmem_shared>>
      tpu.enqueue_indirect_dma source(%dma_start3A_1038 : memref<32x128xf32, #tpu.memory_space<vmem>>) target(%dma_start3A_1044 : memref<10240x128xf32, #tpu.memory_space<vmem_shared>>) offsets(%dma_start3A_1041 : memref<32xi32, #tpu.memory_space<vmem>>) semaphore(%arg25 : memref<!tpu.dma_semaphore, #tpu.memory_space<semaphore_mem>>) {add = true}
      %ge3A_1045 = arith.constant 4 : i32
      %ge3A_1046 = arith.cmpi sge, %add3A_1007, %ge3A_1045 : i32
      %convert_element_type3A_1047 = arith.extui %ge3A_1046 : i1 to i32
      %cond3A_1048 = arith.constant 0 : i32
      %cond3A_1049 = arith.cmpi ne, %convert_element_type3A_1047, %cond3A_1048 : i32
      scf.if %cond3A_1049 {
        %dma_wait3A_1057 = arith.constant 3 : i32
        %dma_wait3A_1058 = arith.constant 0 : i32
        %dma_wait3A_1059 = arith.constant 0 : i32
        %dma_wait3A_1060 = arith.constant 0 : i32
        %dma_wait3A_1061 = tpu.memref_slice %arg9[%dma_wait3A_1057, %dma_wait3A_1059, %dma_wait3A_1060] : memref<8x32x128xf32, #tpu.memory_space<vmem>> -> memref<1x32x128xf32, #tpu.memory_space<vmem>>
        %dma_wait3A_1062 = tpu.memref_squeeze %dma_wait3A_1061 : memref<1x32x128xf32, #tpu.memory_space<vmem>> -> memref<32x128xf32, #tpu.memory_space<vmem>>
        %dma_wait3A_1063 = arith.constant 0 : i32
        %dma_wait3A_1064 = tpu.memref_slice %arg8[%dma_wait3A_1058, %dma_wait3A_1063] : memref<8x32xi32, #tpu.memory_space<vmem>> -> memref<1x32xi32, #tpu.memory_space<vmem>>
        %dma_wait3A_1065 = tpu.memref_squeeze %dma_wait3A_1064 : memref<1x32xi32, #tpu.memory_space<vmem>> -> memref<32xi32, #tpu.memory_space<vmem>>
        %dma_wait3A_1066 = arith.constant 0 : i32
        %dma_wait3A_1067 = arith.constant 0 : i32
        %dma_wait3A_1068 = tpu.memref_slice %arg36[%dma_wait3A_1066, %dma_wait3A_1067] : memref<10240x128xf32, #tpu.memory_space<vmem_shared>> -> memref<10240x128xf32, #tpu.memory_space<vmem_shared>>
        tpu.wait_indirect_dma semaphore(%arg21 : memref<!tpu.dma_semaphore, #tpu.memory_space<semaphore_mem>>) src(%dma_wait3A_1062 : memref<32x128xf32, #tpu.memory_space<vmem>>) dst(%dma_wait3A_1068 : memref<10240x128xf32, #tpu.memory_space<vmem_shared>>)
      } else {
      }
      %add3A_1050 = arith.constant 4 : i32
      %add3A_1051 = arith.addi %add3A_1007, %add3A_1050 : i32
      %lt3A_1052 = arith.constant 640 : i32
      %lt3A_1053 = arith.cmpi slt, %add3A_1051, %lt3A_1052 : i32
      %convert_element_type3A_1054 = arith.extui %lt3A_1053 : i1 to i32
      %cond3A_1055 = arith.constant 0 : i32
      %cond3A_1056 = arith.cmpi ne, %convert_element_type3A_1054, %cond3A_1055 : i32
      scf.if %cond3A_1056 {
        %dma_start3A_1057 = arith.constant 0 : i32
        %dma_start3A_1058 = arith.constant 3 : i32
        %dma_start3A_1059 = arith.constant 3 : i32
        %dma_start3A_1060 = arith.constant 0 : i32
        %dma_start3A_1061 = arith.constant 0 : i32
        %dma_start3A_1062 = tpu.memref_slice %arg9[%dma_start3A_1059, %dma_start3A_1060, %dma_start3A_1061] : memref<8x32x128xf32, #tpu.memory_space<vmem>> -> memref<1x32x128xf32, #tpu.memory_space<vmem>>
        %dma_start3A_1063 = tpu.memref_squeeze %dma_start3A_1062 : memref<1x32x128xf32, #tpu.memory_space<vmem>> -> memref<32x128xf32, #tpu.memory_space<vmem>>
        %dma_start3A_1064 = arith.constant 0 : i32
        %dma_start3A_1065 = tpu.memref_slice %arg7[%dma_start3A_1057, %dma_start3A_1058, %dma_start3A_1064] : memref<2x8x32xi32, #tpu.memory_space<vmem>> -> memref<1x1x32xi32, #tpu.memory_space<vmem>>
        %dma_start3A_1066 = tpu.memref_squeeze %dma_start3A_1065 : memref<1x1x32xi32, #tpu.memory_space<vmem>> -> memref<32xi32, #tpu.memory_space<vmem>>
        %dma_start3A_1067 = arith.constant 0 : i32
        %dma_start3A_1068 = arith.constant 0 : i32
        %dma_start3A_1069 = tpu.memref_slice %arg2[%dma_start3A_1067, %dma_start3A_1068] : memref<20480x128xf32, #tpu.memory_space<hbm>> -> memref<20480x128xf32, #tpu.memory_space<hbm>>
        tpu.enqueue_indirect_dma source(%dma_start3A_1069 : memref<20480x128xf32, #tpu.memory_space<hbm>>) target(%dma_start3A_1063 : memref<32x128xf32, #tpu.memory_space<vmem>>) offsets(%dma_start3A_1066 : memref<32xi32, #tpu.memory_space<vmem>>) semaphore(%arg13 : memref<!tpu.dma_semaphore, #tpu.memory_space<semaphore_mem>>)
        %add3A_1070 = arith.addi %mul3A_6, %add3A_1007 : i32
        %add3A_1071 = arith.constant 4 : i32
        %add3A_1072 = arith.addi %add3A_1070, %add3A_1071 : i32
        %dma_start3A_1073 = arith.constant 3 : i32
        %dma_start3A_1074 = arith.constant 0 : i32
        %dma_start3A_1075 = tpu.memref_slice %arg8[%dma_start3A_1073, %dma_start3A_1074] : memref<8x32xi32, #tpu.memory_space<vmem>> -> memref<1x32xi32, #tpu.memory_space<vmem>>
        %dma_start3A_1076 = arith.constant 0 : i32
        %dma_start3A_1077 = tpu.memref_slice %arg4[%add3A_1072, %dma_start3A_1076] : memref<10240x32xi32, #tpu.memory_space<hbm>> -> memref<1x32xi32, #tpu.memory_space<hbm>>
        %dma_start3A_1078 = arith.constant 3 : i32
        %dma_start3A_1079 = arith.constant 0 : i32
        %dma_start3A_1080 = tpu.memref_slice %arg8[%dma_start3A_1078, %dma_start3A_1079] : memref<8x32xi32, #tpu.memory_space<vmem>> -> memref<1x32xi32, #tpu.memory_space<vmem>>
        %dma_start3A_1081 = arith.constant 0 : i32
        %dma_start3A_1082 = tpu.memref_slice %arg4[%add3A_1072, %dma_start3A_1081] : memref<10240x32xi32, #tpu.memory_space<hbm>> -> memref<1x32xi32, #tpu.memory_space<hbm>>
        tpu.enqueue_dma source(%dma_start3A_1082 : memref<1x32xi32, #tpu.memory_space<hbm>>) target(%dma_start3A_1080 : memref<1x32xi32, #tpu.memory_space<vmem>>) target_semaphore(%arg29 : memref<!tpu.dma_semaphore, #tpu.memory_space<semaphore_mem>>)
      } else {
      }
    }
    %scan3A_113 = arith.constant 40 : i32
    %dma_wait3A = arith.constant 4 : i32
    %dma_wait3A_114 = arith.constant 0 : i32
    %dma_wait3A_115 = arith.constant 0 : i32
    %dma_wait3A_116 = arith.constant 0 : i32
    %dma_wait3A_117 = tpu.memref_slice %arg9[%dma_wait3A, %dma_wait3A_115, %dma_wait3A_116] : memref<8x32x128xf32, #tpu.memory_space<vmem>> -> memref<1x32x128xf32, #tpu.memory_space<vmem>>
    %dma_wait3A_118 = tpu.memref_squeeze %dma_wait3A_117 : memref<1x32x128xf32, #tpu.memory_space<vmem>> -> memref<32x128xf32, #tpu.memory_space<vmem>>
    %dma_wait3A_119 = arith.constant 0 : i32
    %dma_wait3A_120 = tpu.memref_slice %arg8[%dma_wait3A_114, %dma_wait3A_119] : memref<8x32xi32, #tpu.memory_space<vmem>> -> memref<1x32xi32, #tpu.memory_space<vmem>>
    %dma_wait3A_121 = tpu.memref_squeeze %dma_wait3A_120 : memref<1x32xi32, #tpu.memory_space<vmem>> -> memref<32xi32, #tpu.memory_space<vmem>>
    %dma_wait3A_122 = arith.constant 0 : i32
    %dma_wait3A_123 = arith.constant 0 : i32
    %dma_wait3A_124 = tpu.memref_slice %arg36[%dma_wait3A_122, %dma_wait3A_123] : memref<10240x128xf32, #tpu.memory_space<vmem_shared>> -> memref<10240x128xf32, #tpu.memory_space<vmem_shared>>
    tpu.wait_indirect_dma semaphore(%arg22 : memref<!tpu.dma_semaphore, #tpu.memory_space<semaphore_mem>>) src(%dma_wait3A_118 : memref<32x128xf32, #tpu.memory_space<vmem>>) dst(%dma_wait3A_124 : memref<10240x128xf32, #tpu.memory_space<vmem_shared>>)
    %dma_wait3A_125 = arith.constant 5 : i32
    %dma_wait3A_126 = arith.constant 0 : i32
    %dma_wait3A_127 = arith.constant 0 : i32
    %dma_wait3A_128 = arith.constant 0 : i32
    %dma_wait3A_129 = tpu.memref_slice %arg9[%dma_wait3A_125, %dma_wait3A_127, %dma_wait3A_128] : memref<8x32x128xf32, #tpu.memory_space<vmem>> -> memref<1x32x128xf32, #tpu.memory_space<vmem>>
    %dma_wait3A_130 = tpu.memref_squeeze %dma_wait3A_129 : memref<1x32x128xf32, #tpu.memory_space<vmem>> -> memref<32x128xf32, #tpu.memory_space<vmem>>
    %dma_wait3A_131 = arith.constant 0 : i32
    %dma_wait3A_132 = tpu.memref_slice %arg8[%dma_wait3A_126, %dma_wait3A_131] : memref<8x32xi32, #tpu.memory_space<vmem>> -> memref<1x32xi32, #tpu.memory_space<vmem>>
    %dma_wait3A_133 = tpu.memref_squeeze %dma_wait3A_132 : memref<1x32xi32, #tpu.memory_space<vmem>> -> memref<32xi32, #tpu.memory_space<vmem>>
    %dma_wait3A_134 = arith.constant 0 : i32
    %dma_wait3A_135 = arith.constant 0 : i32
    %dma_wait3A_136 = tpu.memref_slice %arg36[%dma_wait3A_134, %dma_wait3A_135] : memref<10240x128xf32, #tpu.memory_space<vmem_shared>> -> memref<10240x128xf32, #tpu.memory_space<vmem_shared>>
    tpu.wait_indirect_dma semaphore(%arg23 : memref<!tpu.dma_semaphore, #tpu.memory_space<semaphore_mem>>) src(%dma_wait3A_130 : memref<32x128xf32, #tpu.memory_space<vmem>>) dst(%dma_wait3A_136 : memref<10240x128xf32, #tpu.memory_space<vmem_shared>>)
    %dma_wait3A_137 = arith.constant 6 : i32
    %dma_wait3A_138 = arith.constant 0 : i32
    %dma_wait3A_139 = arith.constant 0 : i32
    %dma_wait3A_140 = arith.constant 0 : i32
    %dma_wait3A_141 = tpu.memref_slice %arg9[%dma_wait3A_137, %dma_wait3A_139, %dma_wait3A_140] : memref<8x32x128xf32, #tpu.memory_space<vmem>> -> memref<1x32x128xf32, #tpu.memory_space<vmem>>
    %dma_wait3A_142 = tpu.memref_squeeze %dma_wait3A_141 : memref<1x32x128xf32, #tpu.memory_space<vmem>> -> memref<32x128xf32, #tpu.memory_space<vmem>>
    %dma_wait3A_143 = arith.constant 0 : i32
    %dma_wait3A_144 = tpu.memref_slice %arg8[%dma_wait3A_138, %dma_wait3A_143] : memref<8x32xi32, #tpu.memory_space<vmem>> -> memref<1x32xi32, #tpu.memory_space<vmem>>
    %dma_wait3A_145 = tpu.memref_squeeze %dma_wait3A_144 : memref<1x32xi32, #tpu.memory_space<vmem>> -> memref<32xi32, #tpu.memory_space<vmem>>
    %dma_wait3A_146 = arith.constant 0 : i32
    %dma_wait3A_147 = arith.constant 0 : i32
    %dma_wait3A_148 = tpu.memref_slice %arg36[%dma_wait3A_146, %dma_wait3A_147] : memref<10240x128xf32, #tpu.memory_space<vmem_shared>> -> memref<10240x128xf32, #tpu.memory_space<vmem_shared>>
    tpu.wait_indirect_dma semaphore(%arg24 : memref<!tpu.dma_semaphore, #tpu.memory_space<semaphore_mem>>) src(%dma_wait3A_142 : memref<32x128xf32, #tpu.memory_space<vmem>>) dst(%dma_wait3A_148 : memref<10240x128xf32, #tpu.memory_space<vmem_shared>>)
    %dma_wait3A_149 = arith.constant 7 : i32
    %dma_wait3A_150 = arith.constant 0 : i32
    %dma_wait3A_151 = arith.constant 0 : i32
    %dma_wait3A_152 = arith.constant 0 : i32
    %dma_wait3A_153 = tpu.memref_slice %arg9[%dma_wait3A_149, %dma_wait3A_151, %dma_wait3A_152] : memref<8x32x128xf32, #tpu.memory_space<vmem>> -> memref<1x32x128xf32, #tpu.memory_space<vmem>>
    %dma_wait3A_154 = tpu.memref_squeeze %dma_wait3A_153 : memref<1x32x128xf32, #tpu.memory_space<vmem>> -> memref<32x128xf32, #tpu.memory_space<vmem>>
    %dma_wait3A_155 = arith.constant 0 : i32
    %dma_wait3A_156 = tpu.memref_slice %arg8[%dma_wait3A_150, %dma_wait3A_155] : memref<8x32xi32, #tpu.memory_space<vmem>> -> memref<1x32xi32, #tpu.memory_space<vmem>>
    %dma_wait3A_157 = tpu.memref_squeeze %dma_wait3A_156 : memref<1x32xi32, #tpu.memory_space<vmem>> -> memref<32xi32, #tpu.memory_space<vmem>>
    %dma_wait3A_158 = arith.constant 0 : i32
    %dma_wait3A_159 = arith.constant 0 : i32
    %dma_wait3A_160 = tpu.memref_slice %arg36[%dma_wait3A_158, %dma_wait3A_159] : memref<10240x128xf32, #tpu.memory_space<vmem_shared>> -> memref<10240x128xf32, #tpu.memory_space<vmem_shared>>
    tpu.wait_indirect_dma semaphore(%arg25 : memref<!tpu.dma_semaphore, #tpu.memory_space<semaphore_mem>>) src(%dma_wait3A_154 : memref<32x128xf32, #tpu.memory_space<vmem>>) dst(%dma_wait3A_160 : memref<10240x128xf32, #tpu.memory_space<vmem_shared>>)
    %barrier3A_161 = arith.constant 0 : index
    tpu.barrier barrier_id(%barrier3A_161)
    %mul3A_162 = arith.constant 10240 : i32
    %mul3A_163 = arith.muli %arg0, %mul3A_162 : i32
    %mul3A_164 = arith.constant 640 : i32
    %mul3A_165 = arith.muli %arg1, %mul3A_164 : i32
    %add3A_166 = arith.addi %mul3A_163, %mul3A_165 : i32
    %multiple_of3A = tpu.assume_multiple %add3A_166, 8 : i32
    "tpu.region"() ({
      %run_scoped3A_167 = tpu.sem_alloc : memref<!tpu.dma_semaphore, #tpu.memory_space<semaphore_mem>>
      %dma_start3A_168 = arith.constant 0 : i32
      %dma_start3A_169 = tpu.memref_slice %arg6[%multiple_of3A, %dma_start3A_168] : memref<20480x128xf32, #tpu.memory_space<hbm>> -> memref<640x128xf32, #tpu.memory_space<hbm>>
      %dma_start3A_170 = arith.constant 0 : i32
      %dma_start3A_171 = tpu.memref_slice %arg36[%mul3A_0, %dma_start3A_170] : memref<10240x128xf32, #tpu.memory_space<vmem_shared>> -> memref<640x128xf32, #tpu.memory_space<vmem_shared>>
      tpu.enqueue_dma source(%dma_start3A_171 : memref<640x128xf32, #tpu.memory_space<vmem_shared>>) target(%dma_start3A_169 : memref<640x128xf32, #tpu.memory_space<hbm>>) target_semaphore(%run_scoped3A_167 : memref<!tpu.dma_semaphore, #tpu.memory_space<semaphore_mem>>)
      %dma_wait3A_172 = arith.constant 0 : i32
      %dma_wait3A_173 = tpu.memref_slice %arg6[%multiple_of3A, %dma_wait3A_172] : memref<20480x128xf32, #tpu.memory_space<hbm>> -> memref<640x128xf32, #tpu.memory_space<hbm>>
      %dma_wait3A_174 = arith.constant 0 : i32
      %dma_wait3A_175 = tpu.memref_slice %arg36[%mul3A_0, %dma_wait3A_174] : memref<10240x128xf32, #tpu.memory_space<vmem_shared>> -> memref<640x128xf32, #tpu.memory_space<vmem_shared>>
      tpu.wait_dma2 semaphore(%run_scoped3A_167 : memref<!tpu.dma_semaphore, #tpu.memory_space<semaphore_mem>>) src(%dma_wait3A_175 : memref<640x128xf32, #tpu.memory_space<vmem_shared>>) dst(%dma_wait3A_173 : memref<640x128xf32, #tpu.memory_space<hbm>>)
      tpu.yield
    }) : () -> ()
    return
  }
}

module attributes {stable_mosaic.version = 14 : i64} {
  func.func @_xwt_body(%arg0: i32, %arg1: memref<1280x128xf32, #tpu.memory_space<vmem>>, %arg2: memref<128x128xf32, #tpu.memory_space<vmem>>, %arg3: memref<1280x128xf32, #tpu.memory_space<vmem>>, %arg4: memref<1280x128xf32, #tpu.memory_space<vmem>>, %arg5: memref<1280x128xf32, #tpu.memory_space<vmem>>) attributes {dimension_semantics = [#tpu.dimension_semantics<arbitrary>], iteration_bounds = array<i64: 16>, scalar_prefetch = 0 : i64, scratch_operands = 0 : i64, tpu.core_type = #tpu.core_type<tc>, window_params = [{transform_indices = @transform_0, window_bounds = array<i64: 1280, 128>}, {pipeline_mode = #tpu.pipeline_mode<synchronous>, transform_indices = @transform_1, window_bounds = array<i64: 128, 128>}, {transform_indices = @transform_2, window_bounds = array<i64: 1280, 128>}, {transform_indices = @transform_3, window_bounds = array<i64: 1280, 128>}, {transform_indices = @transform_4, window_bounds = array<i64: 1280, 128>}]} {
    %get3A = arith.constant 0 : index
    %get3A_0 = arith.constant 0 : index
    %get3A_1 = vector.load %arg3[%get3A, %get3A_0] : memref<1280x128xf32, #tpu.memory_space<vmem>>, vector<1280x1xf32>
    %get3A_2 = arith.constant 0 : index
    %get3A_3 = arith.constant 0 : index
    %get3A_4 = vector.load %arg4[%get3A_2, %get3A_3] : memref<1280x128xf32, #tpu.memory_space<vmem>>, vector<1280x1xf32>
    %add3A = arith.addf %get3A_1, %get3A_4 : vector<1280x1xf32>
    %add3A_5 = arith.constant 1.000000e+00 : f32
    %add3A_6 = vector.broadcast %add3A_5 : f32 to vector<1280x1xf32>
    %add3A_7 = arith.addf %add3A, %add3A_6 : vector<1280x1xf32>
    %get3A_8 = arith.constant 0 : index
    %get3A_9 = arith.constant 0 : index
    %get3A_10 = vector.load %arg1[%get3A_8, %get3A_9] : memref<1280x128xf32, #tpu.memory_space<vmem>>, vector<1280x128xf32>
    %rsqrt3A = math.rsqrt %add3A_7 : vector<1280x1xf32>
    %mul3A = vector.broadcast %rsqrt3A : vector<1280x1xf32> to vector<1280x128xf32>
    %mul3A_11 = arith.mulf %get3A_10, %mul3A : vector<1280x128xf32>
    %get3A_12 = arith.constant 0 : index
    %get3A_13 = arith.constant 0 : index
    %get3A_14 = vector.load %arg2[%get3A_12, %get3A_13] : memref<128x128xf32, #tpu.memory_space<vmem>>, vector<128x128xf32>
    %dot_general3A = arith.constant dense<0.000000e+00> : vector<1280x128xf32>
    %dot_general3A_15 = tpu.matmul %mul3A_11, %get3A_14, %dot_general3A {dimension_numbers = #tpu.dot_dimension_numbers<[1], [0], [0], [1], [0, 0, 1, 1], [], []>, transpose_lhs_hint = false} : vector<1280x128xf32>, vector<128x128xf32>, vector<1280x128xf32> -> vector<1280x128xf32>
    %swap3A = arith.constant 0 : index
    %swap3A_16 = arith.constant 0 : index
    %swap3A_17 = vector.load %arg5[%swap3A, %swap3A_16] : memref<1280x128xf32, #tpu.memory_space<vmem>>, vector<1280x128xf32>
    tpu.vector_store %arg5[%swap3A, %swap3A_16], %dot_general3A_15 {strides = array<i32>} : memref<1280x128xf32, #tpu.memory_space<vmem>>, vector<1280x128xf32>,
    return
  }
  func.func @transform_0(%arg0: i32) -> (i32, i32) {
    %c0_i32 = arith.constant 0 : i32
    %c0_i32_0 = arith.constant 0 : i32
    return %arg0, %c0_i32 : i32, i32
  }
  func.func @transform_1(%arg0: i32) -> (i32, i32) {
    %c0_i32 = arith.constant 0 : i32
    %c0_i32_0 = arith.constant 0 : i32
    %c0_i32_1 = arith.constant 0 : i32
    return %c0_i32, %c0_i32_0 : i32, i32
  }
  func.func @transform_2(%arg0: i32) -> (i32, i32) {
    %jit3A = arith.constant 8 : i32
    %eq3A = arith.constant 0 : i32
    %eq3A_0 = arith.cmpi eq, %jit3A, %eq3A : i32
    %jit3A_1 = arith.constant 1 : i32
    %select_n3A = arith.select %eq3A_0, %jit3A_1, %jit3A : i32
    %rem3A = arith.remsi %arg0, %select_n3A : i32
    %ne3A = arith.constant 0 : i32
    %ne3A_2 = arith.cmpi ne, %rem3A, %ne3A : i32
    %lt3A = arith.constant 0 : i32
    %lt3A_3 = arith.cmpi slt, %rem3A, %lt3A : i32
    %lt3A_4 = arith.constant 0 : i32
    %lt3A_5 = arith.cmpi slt, %select_n3A, %lt3A_4 : i32
    %ne3A_6 = arith.xori %lt3A_3, %lt3A_5 : i1
    %and3A = arith.andi %ne3A_6, %ne3A_2 : i1
    %add3A = arith.addi %rem3A, %select_n3A : i32
    %select_n3A_7 = arith.select %and3A, %add3A, %rem3A : i32
    %c0_i32 = arith.constant 0 : i32
    %c0_i32_8 = arith.constant 0 : i32
    return %select_n3A_7, %c0_i32 : i32, i32
  }
  func.func @transform_3(%arg0: i32) -> (i32, i32) {
    %jit3A = arith.constant 8 : i32
    %eq3A = arith.constant 0 : i32
    %eq3A_0 = arith.cmpi eq, %jit3A, %eq3A : i32
    %jit3A_1 = arith.constant 1 : i32
    %select_n3A = arith.select %eq3A_0, %jit3A_1, %jit3A : i32
    %rem3A = arith.remsi %arg0, %select_n3A : i32
    %ne3A = arith.constant 0 : i32
    %ne3A_2 = arith.cmpi ne, %rem3A, %ne3A : i32
    %lt3A = arith.constant 0 : i32
    %lt3A_3 = arith.cmpi slt, %rem3A, %lt3A : i32
    %lt3A_4 = arith.constant 0 : i32
    %lt3A_5 = arith.cmpi slt, %select_n3A, %lt3A_4 : i32
    %ne3A_6 = arith.xori %lt3A_3, %lt3A_5 : i1
    %and3A = arith.andi %ne3A_6, %ne3A_2 : i1
    %add3A = arith.addi %rem3A, %select_n3A : i32
    %select_n3A_7 = arith.select %and3A, %add3A, %rem3A : i32
    %add3A_8 = arith.constant 8 : i32
    %add3A_9 = arith.addi %add3A_8, %select_n3A_7 : i32
    %c0_i32 = arith.constant 0 : i32
    %c0_i32_10 = arith.constant 0 : i32
    return %add3A_9, %c0_i32 : i32, i32
  }
  func.func @transform_4(%arg0: i32) -> (i32, i32) {
    %c0_i32 = arith.constant 0 : i32
    %c0_i32_0 = arith.constant 0 : i32
    return %arg0, %c0_i32 : i32, i32
  }
}

module attributes {stable_mosaic.version = 14 : i64} {
  func.func @_final_body(%arg0: memref<20480x128xf32, #tpu.memory_space<vmem>>, %arg1: memref<20480x128xf32, #tpu.memory_space<vmem>>, %arg2: memref<20480x128xf32, #tpu.memory_space<vmem>>, %arg3: memref<1x128xf32, #tpu.memory_space<vmem>>, %arg4: memref<1x128xf32, #tpu.memory_space<vmem>>, %arg5: memref<128x128xf32, #tpu.memory_space<vmem>>, %arg6: memref<1x1xf32, #tpu.memory_space<vmem>>) attributes {dimension_semantics = [], scalar_prefetch = 0 : i64, scratch_operands = 0 : i64, tpu.core_type = #tpu.core_type<tc>} {
    %get3A = arith.constant 0 : index
    %get3A_0 = arith.constant 0 : index
    %get3A_1 = vector.load %arg2[%get3A, %get3A_0] : memref<20480x128xf32, #tpu.memory_space<vmem>>, vector<10240x1xf32>
    %get3A_2 = arith.constant 10240 : index
    %get3A_3 = arith.constant 0 : index
    %get3A_4 = vector.load %arg2[%get3A_2, %get3A_3] : memref<20480x128xf32, #tpu.memory_space<vmem>>, vector<10240x1xf32>
    %add3A = arith.addf %get3A_1, %get3A_4 : vector<10240x1xf32>
    %add3A_5 = arith.constant 1.000000e+00 : f32
    %add3A_6 = vector.broadcast %add3A_5 : f32 to vector<10240x1xf32>
    %add3A_7 = arith.addf %add3A, %add3A_6 : vector<10240x1xf32>
    %rsqrt3A = math.rsqrt %add3A_7 : vector<10240x1xf32>
    %get3A_8 = arith.constant 0 : index
    %get3A_9 = arith.constant 0 : index
    %get3A_10 = vector.load %arg3[%get3A_8, %get3A_9] : memref<1x128xf32, #tpu.memory_space<vmem>>, vector<1x128xf32>
    %get3A_11 = vector.shape_cast %get3A_10 : vector<1x128xf32> to vector<128xf32>
    %get3A_12 = arith.constant 0 : index
    %get3A_13 = arith.constant 0 : index
    %get3A_14 = vector.load %arg4[%get3A_12, %get3A_13] : memref<1x128xf32, #tpu.memory_space<vmem>>, vector<1x128xf32>
    %get3A_15 = vector.shape_cast %get3A_14 : vector<1x128xf32> to vector<128xf32>
    %iota3A = tpu.iota {dimensions = array<i32: 0>} : vector<10240x1xi32>
    %lt3A = arith.constant 10000 : i32
    %lt3A_16 = vector.broadcast %lt3A : i32 to vector<10240x1xi32>
    %lt3A_17 = arith.cmpi slt, %iota3A, %lt3A_16 : vector<10240x1xi32>
    %get3A_18 = arith.constant 0 : index
    %get3A_19 = arith.constant 0 : index
    %get3A_20 = vector.load %arg0[%get3A_18, %get3A_19] : memref<20480x128xf32, #tpu.memory_space<vmem>>, vector<10240x128xf32>
    %get3A_21 = arith.constant 0 : index
    %get3A_22 = arith.constant 0 : index
    %get3A_23 = vector.load %arg1[%get3A_21, %get3A_22] : memref<20480x128xf32, #tpu.memory_space<vmem>>, vector<10240x128xf32>
    %add3A_24 = arith.addf %get3A_20, %get3A_23 : vector<10240x128xf32>
    %mul3A = vector.broadcast %rsqrt3A : vector<10240x1xf32> to vector<10240x128xf32>
    %mul3A_25 = arith.mulf %mul3A, %add3A_24 : vector<10240x128xf32>
    %broadcast_in_dim3A = vector.shape_cast %get3A_11 : vector<128xf32> to vector<1x128xf32>
    %add3A_26 = vector.broadcast %broadcast_in_dim3A : vector<1x128xf32> to vector<10240x128xf32>
    %add3A_27 = arith.addf %mul3A_25, %add3A_26 : vector<10240x128xf32>
    %get3A_28 = arith.constant 10240 : index
    %get3A_29 = arith.constant 0 : index
    %get3A_30 = vector.load %arg0[%get3A_28, %get3A_29] : memref<20480x128xf32, #tpu.memory_space<vmem>>, vector<10240x128xf32>
    %get3A_31 = arith.constant 10240 : index
    %get3A_32 = arith.constant 0 : index
    %get3A_33 = vector.load %arg1[%get3A_31, %get3A_32] : memref<20480x128xf32, #tpu.memory_space<vmem>>, vector<10240x128xf32>
    %add3A_34 = arith.addf %get3A_30, %get3A_33 : vector<10240x128xf32>
    %mul3A_35 = vector.broadcast %rsqrt3A : vector<10240x1xf32> to vector<10240x128xf32>
    %mul3A_36 = arith.mulf %mul3A_35, %add3A_34 : vector<10240x128xf32>
    %broadcast_in_dim3A_37 = vector.shape_cast %get3A_11 : vector<128xf32> to vector<1x128xf32>
    %add3A_38 = vector.broadcast %broadcast_in_dim3A_37 : vector<1x128xf32> to vector<10240x128xf32>
    %add3A_39 = arith.addf %mul3A_36, %add3A_38 : vector<10240x128xf32>
    %gt3A = arith.constant 0.000000e+00 : f32
    %gt3A_40 = vector.broadcast %gt3A : f32 to vector<10240x128xf32>
    %gt3A_41 = arith.cmpf ogt, %add3A_27, %gt3A_40 : vector<10240x128xf32>
    %broadcast_in_dim3A_42 = vector.shape_cast %get3A_15 : vector<128xf32> to vector<1x128xf32>
    %mul3A_43 = vector.broadcast %broadcast_in_dim3A_42 : vector<1x128xf32> to vector<10240x128xf32>
    %mul3A_44 = arith.mulf %mul3A_43, %add3A_27 : vector<10240x128xf32>
    %select_n3A = arith.select %gt3A_41, %add3A_27, %mul3A_44 : vector<10240x128xi1>, vector<10240x128xf32>
    %gt3A_45 = arith.constant 0.000000e+00 : f32
    %gt3A_46 = vector.broadcast %gt3A_45 : f32 to vector<10240x128xf32>
    %gt3A_47 = arith.cmpf ogt, %add3A_39, %gt3A_46 : vector<10240x128xf32>
    %broadcast_in_dim3A_48 = vector.shape_cast %get3A_15 : vector<128xf32> to vector<1x128xf32>
    %mul3A_49 = vector.broadcast %broadcast_in_dim3A_48 : vector<1x128xf32> to vector<10240x128xf32>
    %mul3A_50 = arith.mulf %mul3A_49, %add3A_39 : vector<10240x128xf32>
    %select_n3A_51 = arith.select %gt3A_47, %add3A_39, %mul3A_50 : vector<10240x128xi1>, vector<10240x128xf32>
    %jit3A = arith.constant 0.000000e+00 : f32
    %broadcast_in_dim3A_52 = vector.shape_cast %lt3A_17 : vector<10240x1xi1> to vector<10240x1xi1>
    %broadcast_in_dim3A_53 = vector.broadcast %broadcast_in_dim3A_52 : vector<10240x1xi1> to vector<10240x128xi1>
    %broadcast_in_dim3A_54 = vector.broadcast %jit3A : f32 to vector<10240x128xf32>
    %select_n3A_55 = arith.select %broadcast_in_dim3A_53, %select_n3A, %broadcast_in_dim3A_54 : vector<10240x128xi1>, vector<10240x128xf32>
    %reduce_sum3A = arith.constant dense<0.000000e+00> : vector<128xf32>
    %reduce_sum3A_56 = vector.multi_reduction <add>, %select_n3A_55, %reduce_sum3A [0] : vector<10240x128xf32> to vector<128xf32>
    %div3A = arith.constant 1.000000e+04 : f32
    %div3A_57 = vector.broadcast %div3A : f32 to vector<128xf32>
    %div3A_58 = arith.divf %reduce_sum3A_56, %div3A_57 : vector<128xf32>
    %logistic3A = arith.negf %div3A_58 : vector<128xf32>
    %logistic3A_59 = math.exp %logistic3A : vector<128xf32>
    %logistic3A_60 = arith.constant 1.000000e+00 : f32
    %logistic3A_61 = vector.broadcast %logistic3A_60 : f32 to vector<128xf32>
    %logistic3A_62 = arith.addf %logistic3A_61, %logistic3A_59 : vector<128xf32>
    %logistic3A_63 = arith.divf %logistic3A_61, %logistic3A_62 : vector<128xf32>
    %get3A_64 = arith.constant 0 : index
    %get3A_65 = arith.constant 0 : index
    %get3A_66 = vector.load %arg5[%get3A_64, %get3A_65] : memref<128x128xf32, #tpu.memory_space<vmem>>, vector<128x128xf32>
    %broadcast_in_dim3A_67 = vector.shape_cast %logistic3A_63 : vector<128xf32> to vector<1x128xf32>
    %mul3A_68 = vector.broadcast %broadcast_in_dim3A_67 : vector<1x128xf32> to vector<128x128xf32>
    %mul3A_69 = arith.mulf %get3A_66, %mul3A_68 : vector<128x128xf32>
    %reduce_sum3A_70 = arith.constant dense<0.000000e+00> : vector<128xf32>
    %reduce_sum3A_71 = vector.multi_reduction <add>, %mul3A_69, %reduce_sum3A_70 [1] : vector<128x128xf32> to vector<128xf32>
    %broadcast_in_dim3A_72 = vector.shape_cast %reduce_sum3A_71 : vector<128xf32> to vector<1x128xf32>
    %mul3A_73 = vector.broadcast %broadcast_in_dim3A_72 : vector<1x128xf32> to vector<10240x128xf32>
    %mul3A_74 = arith.mulf %select_n3A, %mul3A_73 : vector<10240x128xf32>
    %reduce_sum3A_75 = arith.constant dense<0.000000e+00> : vector<10240xf32>
    %reduce_sum3A_76 = vector.multi_reduction <add>, %mul3A_74, %reduce_sum3A_75 [1] : vector<10240x128xf32> to vector<10240xf32>
    %broadcast_in_dim3A_77 = vector.shape_cast %reduce_sum3A_76 : vector<10240xf32> to vector<10240x1xf32>
    %broadcast_in_dim3A_78 = vector.shape_cast %reduce_sum3A_71 : vector<128xf32> to vector<1x128xf32>
    %mul3A_79 = vector.broadcast %broadcast_in_dim3A_78 : vector<1x128xf32> to vector<10240x128xf32>
    %mul3A_80 = arith.mulf %select_n3A_51, %mul3A_79 : vector<10240x128xf32>
    %reduce_sum3A_81 = arith.constant dense<0.000000e+00> : vector<10240xf32>
    %reduce_sum3A_82 = vector.multi_reduction <add>, %mul3A_80, %reduce_sum3A_81 [1] : vector<10240x128xf32> to vector<10240xf32>
    %broadcast_in_dim3A_83 = vector.shape_cast %reduce_sum3A_82 : vector<10240xf32> to vector<10240x1xf32>
    %neg3A = arith.constant 0.000000e+00 : f32
    %neg3A_84 = vector.broadcast %neg3A : f32 to vector<10240x1xf32>
    %neg3A_85 = arith.subf %neg3A_84, %broadcast_in_dim3A_77 : vector<10240x1xf32>
    %max3A = arith.constant 0.000000e+00 : f32
    %max3A_86 = vector.broadcast %max3A : f32 to vector<10240x1xf32>
    %max3A_87 = arith.maximumf %neg3A_85, %max3A_86 : vector<10240x1xf32>
    %abs3A = math.absf %neg3A_85 : vector<10240x1xf32>
    %neg3A_88 = arith.constant 0.000000e+00 : f32
    %neg3A_89 = vector.broadcast %neg3A_88 : f32 to vector<10240x1xf32>
    %neg3A_90 = arith.subf %neg3A_89, %abs3A : vector<10240x1xf32>
    %exp3A = math.exp %neg3A_90 : vector<10240x1xf32>
    %log1p3A = math.log1p %exp3A : vector<10240x1xf32>
    %add3A_91 = arith.addf %max3A_87, %log1p3A : vector<10240x1xf32>
    %jit3A_92 = arith.constant 0.000000e+00 : f32
    %broadcast_in_dim3A_93 = vector.broadcast %jit3A_92 : f32 to vector<10240x1xf32>
    %select_n3A_94 = arith.select %lt3A_17, %add3A_91, %broadcast_in_dim3A_93 : vector<10240x1xi1>, vector<10240x1xf32>
    %reduce_sum3A_95 = vector.shape_cast %select_n3A_94 : vector<10240x1xf32> to vector<1x10240x1xf32>
    %reduce_sum3A_96 = arith.constant dense<0.000000e+00> : vector<1xf32>
    %reduce_sum3A_97 = vector.multi_reduction <add>, %reduce_sum3A_95, %reduce_sum3A_96 [1, 2] : vector<1x10240x1xf32> to vector<1xf32>
    %reduce_sum3A_98 = vector.shape_cast %reduce_sum3A_97 : vector<1xf32> to vector<1x1x1xf32>
    %reduce_sum3A_99 = vector.extract %reduce_sum3A_98[0, 0, 0] : f32 from vector<1x1x1xf32>
    %div3A_100 = arith.constant 1.000000e+04 : f32
    %div3A_101 = arith.divf %reduce_sum3A_99, %div3A_100 : f32
    %max3A_102 = arith.constant 0.000000e+00 : f32
    %max3A_103 = vector.broadcast %max3A_102 : f32 to vector<10240x1xf32>
    %max3A_104 = arith.maximumf %broadcast_in_dim3A_83, %max3A_103 : vector<10240x1xf32>
    %abs3A_105 = math.absf %broadcast_in_dim3A_83 : vector<10240x1xf32>
    %neg3A_106 = arith.constant 0.000000e+00 : f32
    %neg3A_107 = vector.broadcast %neg3A_106 : f32 to vector<10240x1xf32>
    %neg3A_108 = arith.subf %neg3A_107, %abs3A_105 : vector<10240x1xf32>
    %exp3A_109 = math.exp %neg3A_108 : vector<10240x1xf32>
    %log1p3A_110 = math.log1p %exp3A_109 : vector<10240x1xf32>
    %add3A_111 = arith.addf %max3A_104, %log1p3A_110 : vector<10240x1xf32>
    %jit3A_112 = arith.constant 0.000000e+00 : f32
    %broadcast_in_dim3A_113 = vector.broadcast %jit3A_112 : f32 to vector<10240x1xf32>
    %select_n3A_114 = arith.select %lt3A_17, %add3A_111, %broadcast_in_dim3A_113 : vector<10240x1xi1>, vector<10240x1xf32>
    %reduce_sum3A_115 = vector.shape_cast %select_n3A_114 : vector<10240x1xf32> to vector<1x10240x1xf32>
    %reduce_sum3A_116 = arith.constant dense<0.000000e+00> : vector<1xf32>
    %reduce_sum3A_117 = vector.multi_reduction <add>, %reduce_sum3A_115, %reduce_sum3A_116 [1, 2] : vector<1x10240x1xf32> to vector<1xf32>
    %reduce_sum3A_118 = vector.shape_cast %reduce_sum3A_117 : vector<1xf32> to vector<1x1x1xf32>
    %reduce_sum3A_119 = vector.extract %reduce_sum3A_118[0, 0, 0] : f32 from vector<1x1x1xf32>
    %div3A_120 = arith.constant 1.000000e+04 : f32
    %div3A_121 = arith.divf %reduce_sum3A_119, %div3A_120 : f32
    %add3A_122 = arith.addf %div3A_101, %div3A_121 : f32
    %broadcast_in_dim3A_123 = vector.broadcast %add3A_122 : f32 to vector<1x1xf32>
    %swap3A = arith.constant 0 : index
    %swap3A_124 = arith.constant 0 : index
    %swap3A_125 = vector.load %arg6[%swap3A, %swap3A_124] : memref<1x1xf32, #tpu.memory_space<vmem>>, vector<1x1xf32>
    tpu.vector_store %arg6[%swap3A, %swap3A_124], %broadcast_in_dim3A_123 {strides = array<i32>} : memref<1x1xf32, #tpu.memory_space<vmem>>, vector<1x1xf32>,
    return
  }
}

</mosaic_0001>

<sc_bundles>
// kernel: gather_offload_async_start
scs
__scs_entry_jumppad:
0x0: {  	(pc) =	sbr.rel $0x88, $3  }
0x1: {  	(tag) =	ssettag $0x0;
	lr =	simm.s32 $0x1  }
0x2: {  	[smem:$0x3F9B] =	sst lr;
	_ =	strace $0xD0000000  }
0x3: {  	_ = 	snop  }
0x4: {  	_ = 	snop  }
0x5: {  	_ = 	snop  }
0x6: {  	_ = 	snop  }
0x7: {  	_ = 	snop  }
__scs_overlays_trampoline_lowered:
0x8: {  	[smem:$0x3FAA] =	sst s0  }
0x9: {  	[smem:$0x3FAB] =	sst s1  }
0xa: {  	[smem:$0x3FAC] =	sst s2  }
0xb: {  	[smem:$0x3FAD] =	sst s3  }
0xc: {  	[smem:$0x3FAE] =	sst s4  }
0xd: {  	[smem:$0x3FAF] =	sst s5  }
0xe: {  	[smem:$0x3FB0] =	sst s6  }
0xf: {  	[smem:$0x3FB1] =	sst s7  }
0x10: {  	[smem:$0x3FB2] =	sst s8  }
0x11: {  	[smem:$0x3FB3] =	sst s9;
	s0 =	simm.s32 @!p0 $0x0  }
0x12: {  	s1 =	sld [smem:$0x3F99];
	s0 =	simm.s32 @p0 $0x1  }
0x13: {  	[smem:$0x3FB4] =	sst s0;
	s0 =	simm.s32 @!p1 $0x0  }
0x14: {  	s2 =	sld [smem:$0x3F98];
	s0 =	simm.s32 @p1 $0x1  }
0x15: {  	[smem:$0x3FB5] =	sst s0;
	s0 =	simm.s32 @!p2 $0x0  }
0x16: {  	s3 =	sld [smem:$0x3FDB];
	s0 =	simm.s32 @p2 $0x1  }
0x17: {  	s4 =	simm.s32 $0x1BF5;
	[smem:$0x3FB7] =	sst s0  }
0x18: {  	s0 =	sld [smem:$0x3F9A];
	_ =	swait.ge [sflag:s4], $0x0  }
0x19: {  	s7 =	sld [smem:$0x3F9B]  }
0x1a: {  	s8 =	sadd.s32 $0xFFFFE003, lr  }
0x1b: {  	s9 =	sadd.s32 $0xFFFFFEF7, lr;
	s5 =	simm.s32 $0xFFFFFFFF;
	p2 =	slt.u32 s8, $0xFFFFF086  }
0x1c: {  	p1 =	slt.u32 s9, $0xF7A;
	s5 =	simm.s32 @!p2 $0x0  }
0x1d: {  	s5 =	simm.s32 @p1 $0x1;
	p0 =	seq.s32 s7, s2  }
0x1e: {  	s7 =	smul.u32 @!p0 $0xF7A, s2;
	p2 =	seq.s32 @!p0 s5, $0x0  }
0x1f: {  	s9 =	smul.u32 $0xF7A, s1;
	s8 =	simm.s32 @!p0 $0x1BF5;
	p2 =	por !p2, p0  }
0x20: {  	[sflag:s8] =	ssyncset.s32 @!p0 $0xFFFFF086;
	s6 =	sadd.s32 @!p0 s3, s7;
	s7 =	simm.s32 @!p0 $0x108  }
0x21: {  	s3 =	sadd.s32 s3, s9;
	s6 =	sadd.s32 @!p0 $0x88, s6;
	s7 =	simm.s32 @p2 $0x1082  }
0x22: {  	[simem:s7], [sflag:s8] =	dma.local @!p0 [hbm:s6], $0xF7A  }
0x23: {  	s9 =	sor.u32 $0xD0000000, s2;
	s6 =	simm.s32 $0x108;
	_ =	swait.ge @!p0 [sflag:s8], $0x0  }
0x24: {  	s3 =	sadd.s32 $0x88, s3;
	s6 =	simm.s32 @!p1 $0x1082;
	[sflag:s4] =	ssyncset.s32 $0xFFFFF086  }
0x25: {  	[simem:s6], [sflag:s4] =	dma.local [hbm:s3], $0xF7A  }
0x26: {  	[smem:$0x3F9B] =	sst s1;
	(tag) =	ssettag s2;
	_ =	strace s9  }
0x27: {  	s1 =	sld [smem:$0x3FAB]  }
0x28: {  	s2 =	sld [smem:$0x3FAC]  }
0x29: {  	s4 =	sld [smem:$0x3FAE]  }
0x2a: {  	p0 =	seq.s32 s5, $0x0;
	s5 =	sld [smem:$0x3FAF]  }
0x2b: {  	s6 =	sld [smem:$0x3FB0]  }
0x2c: {  	s7 =	sld [smem:$0x3FB1]  }
0x2d: {  	s3 =	simm.s32 $0x108;
	s8 =	sld [smem:$0x3FB2]  }
0x2e: {  	s3 =	simm.s32 @!p0 $0x1082;
	s9 =	sld [smem:$0x3FB3]  }
0x2f: {  	lr =	sadd.s32 s0, s3;
	s0 =	sld [smem:$0x3FAA]  }
0x30: {  	s3 =	sld [smem:$0x3FAD]  }
0x31: {  	[smem:$0x3FB6] =	sst s10  }
0x32: {  	s10 =	sld [smem:$0x3FB4];
	_ =	sdelay $0x3  }
0x33: {  	p0 =	seq.s32 s10, $0x1;
	s10 =	sld [smem:$0x3FB6];
	_ =	sdelay $0x3  }
0x34: {  	[smem:$0x3FB6] =	sst s10  }
0x35: {  	s10 =	sld [smem:$0x3FB5];
	_ =	sdelay $0x3  }
0x36: {  	p1 =	seq.s32 s10, $0x1;
	s10 =	sld [smem:$0x3FB6];
	_ =	sdelay $0x3  }
0x37: {  	[smem:$0x3FB6] =	sst s10  }
0x38: {  	s10 =	sld [smem:$0x3FB7]  }
0x39: {  	_ = 	snop;
	(pc) =	sbr.ind lr, $3  }
0x3a: {  	_ = 	snop  }
0x3b: {  	_ = 	snop  }
0x3c: {  	p2 =	seq.s32 s10, $0x1;
	s10 =	sld [smem:$0x3FB6]  }
0x3d: {  	_ =	shalt  }
0x3e: {  	_ =	shalt  }
0x3f: {  	_ =	shalt  }
0x40: {  	_ =	shalt  }
0x41: {  	_ =	shalt  }
0x42: {  	_ =	shalt  }
0x43: {  	_ =	shalt  }
0x44: {  	_ =	shalt  }
0x45: {  	_ =	shalt  }
0x46: {  	_ =	shalt  }
0x47: {  	_ =	shalt  }
0x48: {  	_ =	shalt  }
0x49: {  	_ =	shalt  }
0x4a: {  	_ =	shalt  }
0x4b: {  	_ =	shalt  }
0x4c: {  	_ =	shalt  }
0x4d: {  	_ =	shalt  }
0x4e: {  	_ =	shalt  }
0x4f: {  	_ =	shalt  }
0x50: {  	_ =	shalt  }
0x51: {  	_ =	shalt  }
0x52: {  	_ =	shalt  }
0x53: {  	_ =	shalt  }
0x54: {  	_ =	shalt  }
0x55: {  	_ =	shalt  }
0x56: {  	_ =	shalt  }
0x57: {  	_ =	shalt  }
0x58: {  	_ =	shalt  }
0x59: {  	_ =	shalt  }
0x5a: {  	_ =	shalt  }
0x5b: {  	_ =	shalt  }
0x5c: {  	_ =	shalt  }
0x5d: {  	_ =	shalt  }
0x5e: {  	_ =	shalt  }
0x5f: {  	_ =	shalt  }
0x60: {  	_ =	shalt  }
0x61: {  	_ =	shalt  }
0x62: {  	_ =	shalt  }
0x63: {  	_ =	shalt  }
0x64: {  	_ =	shalt  }
0x65: {  	_ =	shalt  }
0x66: {  	_ =	shalt  }
0x67: {  	_ =	shalt  }
0x68: {  	_ =	shalt  }
0x69: {  	_ =	shalt  }
0x6a: {  	_ =	shalt  }
0x6b: {  	_ =	shalt  }
0x6c: {  	_ =	shalt  }
0x6d: {  	_ =	shalt  }
0x6e: {  	_ =	shalt  }
0x6f: {  	_ =	shalt  }
0x70: {  	_ =	shalt  }
0x71: {  	_ =	shalt  }
0x72: {  	_ =	shalt  }
0x73: {  	_ =	shalt  }
0x74: {  	_ =	shalt  }
0x75: {  	_ =	shalt  }
0x76: {  	_ =	shalt  }
0x77: {  	_ =	shalt  }
0x78: {  	_ =	shalt  }
0x79: {  	_ =	shalt  }
0x7a: {  	_ =	shalt  }
0x7b: {  	_ =	shalt  }
0x7c: {  	_ =	shalt  }
0x7d: {  	_ =	shalt  }
0x7e: {  	_ =	shalt  }
0x7f: {  	_ =	shalt  }
0x80: {  	_ =	shalt  }
0x81: {  	_ =	shalt  }
0x82: {  	_ =	shalt  }
0x83: {  	_ =	shalt  }
0x84: {  	_ =	shalt  }
0x85: {  	_ =	shalt  }
0x86: {  	_ =	shalt  }
0x87: {  	_ =	shalt  }
.Lfunc_end0:
.L_simem_size_0:
called_computation_lowered:
.L_overlay_start_0:
0x88: {  	s0 =	sld [smem:$0x3FD9]  }
0x89: {  	s1 =	sld [smem:$0x3FFE];
	_ =	sdelay $0x3  }
0x8a: {  	s0 =	sadd.s32 s1, s0  }
0x8b: {  	[smem:$0x3FC2] =	sst s0  }
0x8c: {  	_ = 	snop  }
0x8d: {  	s0 =	sld [smem:$0x3FC9];
	(tm) =	ssettm $0x1  }
0x8e: {  	s16 =	sld [smem:$0x3FFB];
	_ =	sdelay $0x3  }
0x8f: {  	_ =	strace s16  }
0x90: {  	s1 =	sld [smem:$0x3FFC];
	_ =	sdelay $0x3  }
0x91: {  	_ =	strace s1  }
0x92: {  	s1 =	sld [smem:$0x3FFD];
	_ =	sdelay $0x3  }
0x93: {  	_ =	strace s1  }
0x94: {  	_ =	strace $0x8FFFFFFF  }
0x95: {  	s17 =	sld [smem:$0x3FDB];
	_ =	sdelay $0x1  }
0x96: {  	s2 =	simm.s32 $_scs_section_size  }
0x97: {  	s3 =	simm.s32 $_size__tile_overlayer_lowered;
	s4 =	simm.s32 $_tile_overlayer_lowered  }
0x98: {  	s20 =	simm.s32 $0x1BFF;
	s19 =	sshll.u32 s4, $0x1;
	s1 =	sadd.s32 s2, s17  }
0x99: {  	s5 =	simm.s32 $0x0;
	s18 =	sshll.u32 s3, $0x1;
	s3 =	sadd.s32 s19, s1  }
0x9a: {  	[timem:s5], [sflag:s20] =	dma.local [hbm:s3], s18  }
0x9b: {  	_ =	swait.ge [sflag:s20], s18  }
0x9c: {  	s2 =	ssub.s32 $0x0, s18;
	[sflag:s20] =	ssyncset.done $0x0  }
0x9d: {  	[sflag:s20] =	ssyncadd.s32 s2;
	_ =	sdelay $0x1  }
0x9e: {  	s21 =	simm.s32 $0x1B8B  }
0x9f: {  	_ =	swait.ge [sflag:s21], $0x1  }
0xa0: {  	[sflag:s21] =	ssyncset.done $0x0  }
0xa1: {  	s23 =	simm.s32 $0x1B8E;
	s22 =	sld [smem:$0x3FFE];
	[sflag:s21] =	ssyncadd.s32 $0xFFFFFFFF  }
0xa2: {  	s24 =	simm.s32 $execute0_lowered;
	[smem:$0x3FD2] =	sst s23  }
0xa3: {  	s3 =	sshll.u32 s24, $0x1;
	_ =	strace $0x80000046;
	[dreg:$0x1] =	wrdreg $0xFFFFFFFF  }
0xa4: {  	s25 =	simm.s32 $_size_execute0_lowered;
	s1 =	sadd.s32 s1, s3;
	[dreg:$0x0] =	wrdreg $0x0  }
0xa5: {  	s3 =	sshll.u32 s25, $0x1;
	[dreg:$0x2] =	wrdreg s1  }
0xa6: {  	[dreg:$0x3] =	wrdreg s3  }
0xa7: {  	[dreg:$0x4] =	wrdreg $0xC0  }
0xa8: {  	_ =	task [dreg:s5], $0x5FFFF  }
0xa9: {  	[dreg:$0x1] =	wrdreg $0xFFFFFFFF  }
0xaa: {  	[dreg:$0x0] =	wrdreg $0x60  }
0xab: {  	[dreg:$0x2] =	wrdreg s0  }
0xac: {  	[dreg:$0x3] =	wrdreg s22  }
0xad: {  	[dreg:$0x4] =	wrdreg $0x9  }
0xae: {  	_ =	task.clear_ibuf [dreg:s5], $0x5FFFF;
	_ =	strace $0x90000046  }
0xaf: {  	s26 =	simm.s32 $0x9;
	_ =	strace $0x80000048  }
0xb0: {  	_ =	swait.ge [sflag:s26], $0x1  }
0xb1: {  	[sflag:s26] =	ssyncadd.s32 $0xFFFFFFFF  }
0xb2: {  	_ =	strace $0x90000048  }
0xb3: {  	_ =	sfence  }
0xb4: {  	s28 =	sld [smem:$0x0];
	_ =	sdelay $0x1  }
0xb5: {  	s29 =	srdreg.scid  }
0xb6: {  	s30 =	sshll.u32 s29, $0xD;
	s31 =	sshrl.u32 s29, $0x2  }
0xb7: {  	s2 =	sand.u32 $0x4000, s30;
	s1 =	sand.u32 $0x1, s29;
	s0 =	sadd.s32 s31, s28  }
0xb8: {  	s1 =	sor.u32 s2, s1;
	s0 =	sshll.u32 s0, $0x11  }
0xb9: {  	s0 =	sor.u32 s0, s1  }
0xba: {  	s0 =	sadd.s32 $0x8F2B, s0  }
0xbb: {  	[sflag:s0] =	ssyncadd.remote.s32 $0x1  }
0xbc: {  	_ =	sfence.sel $0xFFFF  }
0xbd: {  	[dreg:$0x0] =	wrdreg $0xFFFFFFFF;
	(pc) =	sbr.abs _section_cstart, $3  }
0xbe: {  	[dreg:$0x1] =	wrdreg $0xFFFFFFFF  }
0xbf: {  	_ =	task.clear_ibuf [dreg:s5], $0x2FFFF;
	_ =	strace $0x9FFFFFFF  }
0xc0: {  	(tm) =	ssettm $0x7FFFFFFF  }
0xc1: {  	_ =	shalt  }
tec
execute0_lowered:
.L_overlay_start_1:
0x0: {  	(tag) =	ssettag $0x1  }
0x1: {  	s0 =	stileid.u32  }
0x2: {  	s1 =	smin.u32 s0, $0x9  }
0x3: {  	s1 =	sadd.s32 s0, s1  }
0x4: {  	s2 =	simm.s32 $0x320;
	p0 =	slt.u32 s0, $0x9;
	s1 =	smul.u32 $0x190, s1  }
0x5: {  	s2 =	simm.s32 @!p0 $0x190  }
0x6: {  	s2 =	sadd.s32 s2, s1  }
0x7: {  	s3 =	smin.u32 s2, $0x2710  }
0x8: {  	s7 =	ssub.s32 s3, s1  }
0x9: {  	p0 =	sgt.s32 s7, $0x0  }
0xa: {  	s7 =	simm.s32 @!p0 $0x0  }
0xb: {  	s31 =	sand.u32 $0xFFF0, s7  }
0xc: {  	s2 =	sshrl.u32 s31, $0x4  }
0xd: {  	s4 =	rddreg [dreg:$0x0];
	s2 =	smul.u32 $0xA3E, s2  }
0xe: {  	s5 =	rddreg [dreg:$0x1]  }
0xf: {  	s6 =	simm.s32 $0x1;
	s10 =	simm.s32 $0x3;
	s8 =	sshrl.u32 s2, $0x10  }
0x10: {  	s13 =	simm.s32 $0x0;
	s12 =	simm.s32 $0x0;
	s9 =	smul.u32 $0x190, s8  }
.Ltmp0:
0x11: {  	s11 =	smov.u32 s1;
	s2 =	rddreg [dreg:$0x2];
	(pc) =	sbr.rel .LBB2_1-.Ltmp0, $4  }
0x12: {  	_ =	strace $0x80000047;
	p0 =	sne.s32 s7, s9;
	s9 =	simm.s32 $0x1  }
0x13: {  	[sflag:s6] =	ssyncpa.u1 $0x0;
	s7 =	simm.s32 $0x2;
	s9 =	simm.s32 @!p0 $0x0  }
0x14: {  	[sflag:s7] =	ssyncpa.u1 $0x0;
	p0 =	por $0x0, $0x0;
	s8 =	sadd.s32 s8, s9  }
0x15: {  	vm0 =	vmmov $0xff;
	vm1 =	vcmask $0x3F20;
	s9 =	sadd.s32 $0x600, s5;
	[sflag:s10] =	ssyncpa.u1 $0x0;
	s10 =	sadd.s32 $0x1, s8  }
.LBB2_6:
0x16: {  	[hbm:s17] =	stream.linear.scatter [tilespmem:s14], [sflag:$0x3], $0x400, $0x38;
	[tilespmem:$0x19320] =	vst v63  }
.LBB2_7:
0x17: {  	s13 =	sadd.s32 $0x190, s11  }
0x18: {  	s15 =	smov.u32 s1;
	p2 =	slt.s32 s13, s3  }
0x19: {  	s15 =	smov.u32 @p2 s13;
	p2 =	sne.s32 s12, s10  }
.Ltmp1:
0x1a: {  	p1 =	slt.u32 s12, $0x2;
	(pc) =	sbr.rel @!p2 .LBB2_8-.Ltmp1, $4  }
0x1b: {  	s14 =	simm.s32 @!p1 $0x3  }
0x1c: {  	s16 =	sadd.s32 $0x1, s12;
	_ =	swait.ge @!p1 [sflag:s14], $0xC800  }
0x1d: {  	p0 =	por !p0, !p0;
	s13 =	smov.u32 s11;
	[sflag:s14] =	ssyncset.done @!p1 $0x0  }
0x1e: {  	s12 =	smov.u32 s16;
	s11 =	smov.u32 s15;
	[sflag:s14] =	ssyncadd.s32 @!p1 $0xFFFF3800  }
.LBB2_1:
0x1f: {  	p1 =	sge.u32 s12, s8  }
0x20: {  	s14 =	sxor.u32 @!p1 $0xFFFFFFFF, s12  }
0x21: {  	s14 =	sand.u32 @!p1 $0x1, s14  }
0x22: {  	s14 =	smul.u32 @!p1 $0x640, s14  }
0x23: {  	s31 =	sadd.s32 $0xFFFFFFFF, s12;
	s15 =	sshrl.u32 @!p1 s11, $0x3  }
0x24: {  	s16 =	sand.u32 @!p1 $0x7, s11;
	s15 =	sadd.s32 @!p1 s5, s15;
	s14 =	sshrl.u32 @!p1 s14, $0x2  }
0x25: {  	[tilespmem:s14], [sflag:$0x2] =	stream.linear.gather @!p1 [hbm4b:s15+s16], $0x190, $0x38;
	[tilespmem:$0x19320] =	vst v63  }
0x26: {  	p1 =	sge.u32 s31, s8  }
.Ltmp2:
0x27: {  	_ = 	snop;
	(pc) =	sbr.rel @p1 .LBB2_7-.Ltmp2, $1  }
0x28: {  	_ =	sdelay $0x3  }
0x29: {  	s14 =	simm.s32 $0x1  }
0x2a: {  	s14 =	simm.s32 @!p0 $0x0  }
0x2b: {  	s15 =	smul.u32 $0x640, s14  }
0x2c: {  	_ =	swait.ge [sflag:s7], $0x190  }
0x2d: {  	[sflag:s7] =	ssyncset.done $0x0;
	s16 =	sshrl.u32 s15, $0x2  }
0x2e: {  	[sflag:s7] =	ssyncadd.s32 $0xFFFFFE70;
	s15 =	sadd.s32 $0x0, s16  }
0x2f: {  	v0 =	vld.msk [tilespmem:s15+$0x0 ss:$0x1], $0xffff;
	_ =	sdelay $0x4  }
0x30: {  	vm2 =	vgt.s32 v0, $0x0  }
0x31: {  	v0 =	vnsel vm2, $0x0, v0  }
0x32: {  	v0 =	vmin.u32 v0, $0x270F  }
0x33: {  	v0 =	vshll.u32 v0, $0x4  }
0x34: {  	s14 =	smul.u32 $0x32000, s14;
	_ =	sdelay $0x1  }
0x35: {  	s14 =	sshrl.u32 s14, $0x2  }
0x36: {  	s14 =	sor.u32 $0x320, s14  }
0x37: {  	[tilespmem:s14], [sflag:$0x1] =	stream.indirect_vreg.gather [hbm:s4], $0x80, v0, vm0, $0x38;
	[tilespmem:$0x19320] =	vst v63  }
0x38: {  	s17 =	sadd.s32 $0x10, s16;
	s15 =	sadd.s32 $0x400, s14  }
0x39: {  	[tilespmem:s15], [sflag:$0x1] =	stream.indirect_vreg.gather [hbm:s4], $0x80, v0, vm1, $0x38;
	[tilespmem:$0x19320] =	vst v63  }
0x3a: {  	s18 =	simm.s32 $0x80;
	v0 =	vld.msk [tilespmem:s17+$0x0 ss:$0x1], $0xffff;
	s17 =	smov.u32 s14  }
.LBB2_3:
0x3b: {  	p1 =	sne.s32 s18, $0x600;
	_ =	sdelay $0x4  }
0x3c: {  	vm2 =	vgt.s32 v0, $0x0  }
0x3d: {  	v0 =	vnsel vm2, $0x0, v0  }
0x3e: {  	v0 =	vmin.u32 v0, $0x270F  }
0x3f: {  	v0 =	vshll.u32 v0, $0x4;
	_ =	sdelay $0x3  }
.Ltmp3:
0x40: {  	s19 =	sshra.s32 s18, $0x2;
	s17 =	sadd.s32 $0x800, s17;
	(pc) =	sbr.rel @p1 .LBB2_3-.Ltmp3, $4  }
0x41: {  	[tilespmem:s17], [sflag:$0x1] =	stream.indirect_vreg.gather [hbm:s4], $0x80, v0, vm0, $0x38;
	[tilespmem:$0x19320] =	vst v63  }
0x42: {  	s19 =	sadd.s32 s19, s16;
	s20 =	sadd.s32 $0x400, s17  }
0x43: {  	[tilespmem:s20], [sflag:$0x1] =	stream.indirect_vreg.gather [hbm:s4], $0x80, v0, vm1, $0x38;
	[tilespmem:$0x19320] =	vst v63  }
0x44: {  	s18 =	sadd.s32 $0x40, s18;
	v0 =	vld.msk [tilespmem:s19+$0x0 ss:$0x1], $0xffff  }
0x45: {  	_ =	sdelay $0x3  }
0x46: {  	vm2 =	vgt.s32 v0, $0x0  }
0x47: {  	v0 =	vnsel vm2, $0x0, v0  }
0x48: {  	v0 =	vmin.u32 v0, $0x270F  }
0x49: {  	v0 =	vshll.u32 v0, $0x4;
	_ =	sdelay $0x3  }
0x4a: {  	s16 =	sadd.s32 $0x800, s17  }
0x4b: {  	[tilespmem:s16], [sflag:$0x1] =	stream.indirect_vreg.gather [hbm:s4], $0x80, v0, vm0, $0x38;
	[tilespmem:$0x19320] =	vst v63  }
0x4c: {  	s16 =	sadd.s32 $0x400, s16  }
0x4d: {  	[tilespmem:s16], [sflag:$0x1] =	stream.indirect_vreg.gather [hbm:s4], $0x80, v0, vm1, $0x38;
	[tilespmem:$0x19320] =	vst v63  }
0x4e: {  	s13 =	sshll.u32 s13, $0x4;
	_ =	swait.ge [sflag:s6], $0xC800  }
0x4f: {  	s13 =	sadd.s32 s13, s9;
	[sflag:s6] =	ssyncset.done $0x0  }
0x50: {  	s17 =	sadd.s32 $0x0, s13;
	s16 =	simm.s32 $0x80;
	[sflag:s6] =	ssyncadd.s32 $0xFFFF3800  }
.LBB2_5:
0x51: {  	[hbm:s17] =	stream.linear.scatter [tilespmem:s14], [sflag:$0x3], $0x400, $0x38;
	[tilespmem:$0x19320] =	vst v63  }
0x52: {  	s17 =	smov.u32 s16;
	s14 =	smov.u32 s15;
	p1 =	sne.s32 s16, $0x1880  }
.Ltmp4:
0x53: {  	s16 =	sadd.s32 $0x80, s16;
	(pc) =	sbr.rel @p1 .LBB2_5-.Ltmp4, $2  }
0x54: {  	_ =	sdelay $0x2  }
0x55: {  	s15 =	sadd.s32 $0x400, s15;
	s17 =	sadd.s32 s17, s13  }
.Ltmp5:
0x56: {  	_ = 	snop;
	(pc) =	sbr.rel .LBB2_6-.Ltmp5, $1  }
0x57: {  	_ =	sdelay $0x3  }
.LBB2_8:
0x58: {  	_ =	sfence.sel $0x180000  }
0x59: {  	s1 =	simm.s32 $0x2;
	[bflag:$0x0] =	sbarrier.arrive $0xFFFF  }
0x5a: {  	s30 =	simm.s32 $0x3;
	[sflag:s1] =	ssyncpa.u1 $0x1  }
0x5b: {  	s31 =	simm.s32 $0x1;
	[sflag:s30] =	ssyncpa.u1 $0x1  }
0x5c: {  	[sflag:s31] =	ssyncpa.u1 $0x1  }
0x5d: {  	p0 =	sne.s32 s0, $0x0;
	_ =	strace $0x90000047  }
0x5e: {  	s0 =	sadd.s32 @!p0 $0x100000, s2;
	[bflag:$0x2] =	sbarrier.arrive $0xFFFF  }
0x5f: {  	[sflag:s0] =	ssyncadd.tile.s32 @!p0 $0x1;
	_ =	shalt  }
.Lfunc_end2:
_tile_overlayer_lowered:
.L_overlay_start_2:
0x60: {  	(tag) =	ssettag $0x2  }
0x61: {  	s0 =	rddreg [dreg:$0x0];
	s2 =	stileid.u32  }
0x62: {  	s1 =	rddreg [dreg:$0x1];
	p0 =	sne.s32 s2, $0x0  }
0x63: {  	s3 =	rddreg [dreg:$0x2];
	[bflag:$0x3] =	sbarrier.arrive $0xFFFF;
	s2 =	simm.s32 @!p0 $0x1C01  }
0x64: {  	[timem:s3], [sflag:s2] =	dma.local @!p0 [hbm:s0], s1  }
0x65: {  	s0 =	simm.s32 @!p0 $0x1  }
0x66: {  	_ =	swait.ge @!p0 [sflag:s0], s1  }
0x67: {  	s1 =	ssub.s32 @!p0 $0x0, s1;
	[sflag:s0] =	ssyncset.done @!p0 $0x0  }
0x68: {  	[sflag:s0] =	ssyncadd.s32 @!p0 s1  }
0x69: {  	[bflag:$0x3] =	sbarrier.arrive $0xFFFF  }
0x6a: {  	_ =	shalt  }

// kernel: kernel.6.cloned.1.call-start
scs
__scs_entry_jumppad:
0x0: {  	(pc) =	sbr.rel $0x88, $3  }
0x1: {  	(tag) =	ssettag $0x0;
	lr =	simm.s32 $0x1  }
0x2: {  	[smem:$0x3F9B] =	sst lr;
	_ =	strace $0xD0000000  }
0x3: {  	_ = 	snop  }
0x4: {  	_ = 	snop  }
0x5: {  	_ = 	snop  }
0x6: {  	_ = 	snop  }
0x7: {  	_ = 	snop  }
__scs_overlays_trampoline_lowered:
0x8: {  	[smem:$0x3FAA] =	sst s0  }
0x9: {  	[smem:$0x3FAB] =	sst s1  }
0xa: {  	[smem:$0x3FAC] =	sst s2  }
0xb: {  	[smem:$0x3FAD] =	sst s3  }
0xc: {  	[smem:$0x3FAE] =	sst s4  }
0xd: {  	[smem:$0x3FAF] =	sst s5  }
0xe: {  	[smem:$0x3FB0] =	sst s6  }
0xf: {  	[smem:$0x3FB1] =	sst s7  }
0x10: {  	[smem:$0x3FB2] =	sst s8  }
0x11: {  	[smem:$0x3FB3] =	sst s9;
	s0 =	simm.s32 @!p0 $0x0  }
0x12: {  	s1 =	sld [smem:$0x3F99];
	s0 =	simm.s32 @p0 $0x1  }
0x13: {  	[smem:$0x3FB4] =	sst s0;
	s0 =	simm.s32 @!p1 $0x0  }
0x14: {  	s2 =	sld [smem:$0x3F98];
	s0 =	simm.s32 @p1 $0x1  }
0x15: {  	[smem:$0x3FB5] =	sst s0;
	s0 =	simm.s32 @!p2 $0x0  }
0x16: {  	s3 =	sld [smem:$0x3FDB];
	s0 =	simm.s32 @p2 $0x1  }
0x17: {  	s4 =	simm.s32 $0x1BF5;
	[smem:$0x3FB7] =	sst s0  }
0x18: {  	s0 =	sld [smem:$0x3F9A];
	_ =	swait.ge [sflag:s4], $0x0  }
0x19: {  	s7 =	sld [smem:$0x3F9B]  }
0x1a: {  	s8 =	sadd.s32 $0xFFFFE003, lr  }
0x1b: {  	s9 =	sadd.s32 $0xFFFFFEF7, lr;
	s5 =	simm.s32 $0xFFFFFFFF;
	p2 =	slt.u32 s8, $0xFFFFF086  }
0x1c: {  	p1 =	slt.u32 s9, $0xF7A;
	s5 =	simm.s32 @!p2 $0x0  }
0x1d: {  	s5 =	simm.s32 @p1 $0x1;
	p0 =	seq.s32 s7, s2  }
0x1e: {  	s7 =	smul.u32 @!p0 $0xF7A, s2;
	p2 =	seq.s32 @!p0 s5, $0x0  }
0x1f: {  	s9 =	smul.u32 $0xF7A, s1;
	s8 =	simm.s32 @!p0 $0x1BF5;
	p2 =	por !p2, p0  }
0x20: {  	[sflag:s8] =	ssyncset.s32 @!p0 $0xFFFFF086;
	s6 =	sadd.s32 @!p0 s3, s7;
	s7 =	simm.s32 @!p0 $0x108  }
0x21: {  	s3 =	sadd.s32 s3, s9;
	s6 =	sadd.s32 @!p0 $0x88, s6;
	s7 =	simm.s32 @p2 $0x1082  }
0x22: {  	[simem:s7], [sflag:s8] =	dma.local @!p0 [hbm:s6], $0xF7A  }
0x23: {  	s9 =	sor.u32 $0xD0000000, s2;
	s6 =	simm.s32 $0x108;
	_ =	swait.ge @!p0 [sflag:s8], $0x0  }
0x24: {  	s3 =	sadd.s32 $0x88, s3;
	s6 =	simm.s32 @!p1 $0x1082;
	[sflag:s4] =	ssyncset.s32 $0xFFFFF086  }
0x25: {  	[simem:s6], [sflag:s4] =	dma.local [hbm:s3], $0xF7A  }
0x26: {  	[smem:$0x3F9B] =	sst s1;
	(tag) =	ssettag s2;
	_ =	strace s9  }
0x27: {  	s1 =	sld [smem:$0x3FAB]  }
0x28: {  	s2 =	sld [smem:$0x3FAC]  }
0x29: {  	s4 =	sld [smem:$0x3FAE]  }
0x2a: {  	p0 =	seq.s32 s5, $0x0;
	s5 =	sld [smem:$0x3FAF]  }
0x2b: {  	s6 =	sld [smem:$0x3FB0]  }
0x2c: {  	s7 =	sld [smem:$0x3FB1]  }
0x2d: {  	s3 =	simm.s32 $0x108;
	s8 =	sld [smem:$0x3FB2]  }
0x2e: {  	s3 =	simm.s32 @!p0 $0x1082;
	s9 =	sld [smem:$0x3FB3]  }
0x2f: {  	lr =	sadd.s32 s0, s3;
	s0 =	sld [smem:$0x3FAA]  }
0x30: {  	s3 =	sld [smem:$0x3FAD]  }
0x31: {  	[smem:$0x3FB6] =	sst s10  }
0x32: {  	s10 =	sld [smem:$0x3FB4];
	_ =	sdelay $0x3  }
0x33: {  	p0 =	seq.s32 s10, $0x1;
	s10 =	sld [smem:$0x3FB6];
	_ =	sdelay $0x3  }
0x34: {  	[smem:$0x3FB6] =	sst s10  }
0x35: {  	s10 =	sld [smem:$0x3FB5];
	_ =	sdelay $0x3  }
0x36: {  	p1 =	seq.s32 s10, $0x1;
	s10 =	sld [smem:$0x3FB6];
	_ =	sdelay $0x3  }
0x37: {  	[smem:$0x3FB6] =	sst s10  }
0x38: {  	s10 =	sld [smem:$0x3FB7]  }
0x39: {  	_ = 	snop;
	(pc) =	sbr.ind lr, $3  }
0x3a: {  	_ = 	snop  }
0x3b: {  	_ = 	snop  }
0x3c: {  	p2 =	seq.s32 s10, $0x1;
	s10 =	sld [smem:$0x3FB6]  }
0x3d: {  	_ =	shalt  }
0x3e: {  	_ =	shalt  }
0x3f: {  	_ =	shalt  }
0x40: {  	_ =	shalt  }
0x41: {  	_ =	shalt  }
0x42: {  	_ =	shalt  }
0x43: {  	_ =	shalt  }
0x44: {  	_ =	shalt  }
0x45: {  	_ =	shalt  }
0x46: {  	_ =	shalt  }
0x47: {  	_ =	shalt  }
0x48: {  	_ =	shalt  }
0x49: {  	_ =	shalt  }
0x4a: {  	_ =	shalt  }
0x4b: {  	_ =	shalt  }
0x4c: {  	_ =	shalt  }
0x4d: {  	_ =	shalt  }
0x4e: {  	_ =	shalt  }
0x4f: {  	_ =	shalt  }
0x50: {  	_ =	shalt  }
0x51: {  	_ =	shalt  }
0x52: {  	_ =	shalt  }
0x53: {  	_ =	shalt  }
0x54: {  	_ =	shalt  }
0x55: {  	_ =	shalt  }
0x56: {  	_ =	shalt  }
0x57: {  	_ =	shalt  }
0x58: {  	_ =	shalt  }
0x59: {  	_ =	shalt  }
0x5a: {  	_ =	shalt  }
0x5b: {  	_ =	shalt  }
0x5c: {  	_ =	shalt  }
0x5d: {  	_ =	shalt  }
0x5e: {  	_ =	shalt  }
0x5f: {  	_ =	shalt  }
0x60: {  	_ =	shalt  }
0x61: {  	_ =	shalt  }
0x62: {  	_ =	shalt  }
0x63: {  	_ =	shalt  }
0x64: {  	_ =	shalt  }
0x65: {  	_ =	shalt  }
0x66: {  	_ =	shalt  }
0x67: {  	_ =	shalt  }
0x68: {  	_ =	shalt  }
0x69: {  	_ =	shalt  }
0x6a: {  	_ =	shalt  }
0x6b: {  	_ =	shalt  }
0x6c: {  	_ =	shalt  }
0x6d: {  	_ =	shalt  }
0x6e: {  	_ =	shalt  }
0x6f: {  	_ =	shalt  }
0x70: {  	_ =	shalt  }
0x71: {  	_ =	shalt  }
0x72: {  	_ =	shalt  }
0x73: {  	_ =	shalt  }
0x74: {  	_ =	shalt  }
0x75: {  	_ =	shalt  }
0x76: {  	_ =	shalt  }
0x77: {  	_ =	shalt  }
0x78: {  	_ =	shalt  }
0x79: {  	_ =	shalt  }
0x7a: {  	_ =	shalt  }
0x7b: {  	_ =	shalt  }
0x7c: {  	_ =	shalt  }
0x7d: {  	_ =	shalt  }
0x7e: {  	_ =	shalt  }
0x7f: {  	_ =	shalt  }
0x80: {  	_ =	shalt  }
0x81: {  	_ =	shalt  }
0x82: {  	_ =	shalt  }
0x83: {  	_ =	shalt  }
0x84: {  	_ =	shalt  }
0x85: {  	_ =	shalt  }
0x86: {  	_ =	shalt  }
0x87: {  	_ =	shalt  }
.Lfunc_end0:
.L_simem_size_0:
called_computation.1_lowered:
.L_overlay_start_0:
0x88: {  	s2 =	sld [smem:$0x3FD9]  }
0x89: {  	s3 =	sld [smem:$0x3FFE];
	_ =	sdelay $0x1  }
0x8a: {  	s1 =	srdreg.scid  }
0x8b: {  	s0 =	sand.u32 $0x1, s1  }
0x8c: {  	s17 =	sshll.u32 s0, $0xA;
	s2 =	sadd.s32 s3, s2  }
0x8d: {  	s2 =	sadd.s32 s2, s17  }
0x8e: {  	[smem:$0x3FC2] =	sst s2  }
0x8f: {  	_ = 	snop  }
0x90: {  	(tm) =	ssettm $0x1  }
0x91: {  	s18 =	sld [smem:$0x3FFB];
	_ =	sdelay $0x3  }
0x92: {  	_ =	strace s18  }
0x93: {  	s2 =	sld [smem:$0x3FFC];
	_ =	sdelay $0x3  }
0x94: {  	_ =	strace s2  }
0x95: {  	s2 =	sld [smem:$0x3FFD];
	_ =	sdelay $0x3  }
0x96: {  	_ =	strace s2  }
0x97: {  	_ =	strace $0x8FFFFFFF  }
0x98: {  	s19 =	sld [smem:$0x3FDB];
	_ =	sdelay $0x1  }
0x99: {  	s20 =	simm.s32 $_scs_section_size  }
0x9a: {  	s4 =	simm.s32 $_size__tile_overlayer_lowered;
	s5 =	simm.s32 $_tile_overlayer_lowered  }
0x9b: {  	s6 =	simm.s32 $0x1BFF;
	s21 =	sshll.u32 s5, $0x1;
	s3 =	sadd.s32 s20, s19  }
0x9c: {  	s22 =	simm.s32 $0x0;
	s4 =	sshll.u32 s4, $0x1;
	s5 =	sadd.s32 s21, s3  }
0x9d: {  	[timem:s22], [sflag:s6] =	dma.local [hbm:s5], s4  }
0x9e: {  	_ =	swait.ge [sflag:s6], s4  }
0x9f: {  	s4 =	ssub.s32 $0x0, s4;
	[sflag:s6] =	ssyncset.done $0x0  }
0xa0: {  	[sflag:s6] =	ssyncadd.s32 s4;
	_ =	sdelay $0x1  }
0xa1: {  	s23 =	simm.s32 $0x1B8B  }
0xa2: {  	_ =	swait.ge [sflag:s23], $0x1  }
0xa3: {  	[sflag:s23] =	ssyncset.done $0x0  }
0xa4: {  	[sflag:s23] =	ssyncadd.s32 $0xFFFFFFFF  }
0xa5: {  	s4 =	sld [smem:$0x0]  }
0xa6: {  	s5 =	sand.u32 $0xFFFFFFFE, s1  }
0xa7: {  	p0 =	sne.s32 s1, s5  }
0xa8: {  	s5 =	sshll.u32 @p0 s5, $0xE  }
0xa9: {  	s5 =	sadd.s32 @p0 $0x11B8D, s5;
	s6 =	sshll.u32 @p0 s4, $0x11  }
0xaa: {  	s5 =	sor.u32 @p0 s6, s5  }
0xab: {  	[sflag:s5] =	ssyncadd.remote.s32 @p0 $0x1;
	_ =	sdelay $0x1  }
0xac: {  	s5 =	simm.s32 @p0 $0x1B8D  }
0xad: {  	_ =	swait.eq @p0 [sflag:s5], $0x1  }
0xae: {  	[sflag:s5] =	ssyncadd.s32 @p0 $0xFFFFFFFF  }
0xaf: {  	s6 =	sshll.u32 @!p0 s1, $0xE  }
0xb0: {  	s6 =	sor.u32 @!p0 $0x4000, s6;
	s5 =	simm.s32 @!p0 $0x1B8D  }
0xb1: {  	s4 =	sshll.u32 @!p0 s4, $0x11;
	s6 =	sadd.s32 @!p0 $0x11B8D, s6;
	_ =	swait.eq @!p0 [sflag:s5], $0x1  }
0xb2: {  	s4 =	sor.u32 @!p0 s4, s6;
	[sflag:s5] =	ssyncadd.s32 @!p0 $0xFFFFFFFF  }
0xb3: {  	s25 =	simm.s32 $0x1B8E;
	s24 =	sld [smem:$0x3FFE];
	[sflag:s4] =	ssyncadd.remote.s32 @!p0 $0x1  }
0xb4: {  	s26 =	simm.s32 $execute0_lowered;
	[smem:$0x3FD2] =	sst s25  }
0xb5: {  	s5 =	sshll.u32 s26, $0x1;
	_ =	strace $0x80000049;
	[dreg:$0x1] =	wrdreg $0xFFFFFFFF  }
0xb6: {  	s28 =	simm.s32 $_size_execute0_lowered;
	s3 =	sadd.s32 s3, s5;
	[dreg:$0x0] =	wrdreg $0x0  }
0xb7: {  	s5 =	sshll.u32 s28, $0x1;
	[dreg:$0x2] =	wrdreg s3  }
0xb8: {  	[dreg:$0x3] =	wrdreg s5  }
0xb9: {  	[dreg:$0x4] =	wrdreg $0xC0  }
0xba: {  	_ =	task [dreg:s22], $0x5FFFF  }
0xbb: {  	[dreg:$0x1] =	wrdreg $0xFFFFFFFF  }
0xbc: {  	[dreg:$0x0] =	wrdreg $0x60  }
0xbd: {  	[dreg:$0x2] =	wrdreg s24  }
0xbe: {  	[dreg:$0x3] =	wrdreg $0x68000  }
0xbf: {  	[dreg:$0x4] =	wrdreg $0xA  }
0xc0: {  	_ =	task.clear_ibuf [dreg:s22], $0x5FFFF;
	_ =	strace $0x90000049  }
0xc1: {  	s29 =	simm.s32 $0xA;
	_ =	strace $0x8000004B  }
0xc2: {  	_ =	swait.ge [sflag:s29], $0x1  }
0xc3: {  	[sflag:s29] =	ssyncadd.s32 $0xFFFFFFFF  }
0xc4: {  	_ =	strace $0x9000004B  }
0xc5: {  	_ =	sfence  }
0xc6: {  	s30 =	sld [smem:$0x0];
	_ =	sdelay $0x2  }
0xc7: {  	s31 =	sshll.u32 s1, $0xD;
	s1 =	sshrl.u32 s1, $0x2  }
0xc8: {  	s4 =	sand.u32 $0x4000, s31;
	s1 =	sadd.s32 s1, s30  }
0xc9: {  	s0 =	sor.u32 s4, s0;
	s1 =	sshll.u32 s1, $0x11  }
0xca: {  	s0 =	sor.u32 s1, s0  }
0xcb: {  	s0 =	sadd.s32 $0x8F2B, s0  }
0xcc: {  	[sflag:s0] =	ssyncadd.remote.s32 $0x1  }
0xcd: {  	_ =	sfence.sel $0xFFFF  }
0xce: {  	[dreg:$0x0] =	wrdreg $0xFFFFFFFF;
	(pc) =	sbr.abs _section_cstart, $3  }
0xcf: {  	[dreg:$0x1] =	wrdreg $0xFFFFFFFF  }
0xd0: {  	_ =	task.clear_ibuf [dreg:s22], $0x2FFFF;
	_ =	strace $0x9FFFFFFF  }
0xd1: {  	(tm) =	ssettm $0x7FFFFFFF  }
tec
execute0_lowered:
.L_overlay_start_1:
0x0: {  	(tag) =	ssettag $0x1  }
0x1: {  	s1 =	srdreg.scid  }
0x2: {  	s0 =	stileid.u32;
	s7 =	rddreg [dreg:$0x0]  }
0x3: {  	s2 =	rddreg [dreg:$0x1];
	s3 =	simm.s32 $0x0;
	s13 =	simm.s32 $0x80  }
0x4: {  	s14 =	simm.s32 $0x1;
	s15 =	simm.s32 $0x0;
	s5 =	smul.u32 $0x2800, s0  }
0x5: {  	s6 =	sand.u32 $0x1, s1;
	s30 =	sshll.u32 s0, $0x1;
	s10 =	smul.u32 $0x50000, s0  }
0x6: {  	[smem:$0x7FF] =	sst s3;
	s1 =	sor.u32 s6, s30;
	s8 =	smul.u32 $0x28000, s6  }
0x7: {  	s11 =	sshll.u32 s0, $0x6;
	s6 =	ssub.s32 $0x2, s6;
	s4 =	smul.u32 $0x500, s1  }
0x8: {  	s1 =	rddreg [dreg:$0x2];
	_ =	strace $0x8000004A;
	s31 =	sshrl.u32 s6, $0x1  }
0x9: {  	s10 =	sshrl.u32 s10, $0x2;
	s8 =	sadd.s32 s5, s8;
	s5 =	sadd.s32 $0x32000, s7  }
0xa: {  	s12 =	ssub.s32 s6, s31;
	s10 =	sadd.s32 s10, s2;
	s6 =	sor.u32 $0x1C02, s11  }
0xb: {  	s11 =	simm.s32 $0x2;
	s9 =	sadd.s32 s4, s7;
	s4 =	sadd.s32 $0x31800, s7  }
0xc: {  	s8 =	sadd.s32 s8, s7;
	s10 =	sshrl.u32 s10, $0x3;
	s7 =	sadd.s32 $0x27800, s9  }
0xd: {  	s8 =	sadd.s32 $0x34800, s8;
	s9 =	smax.u32 s12, $0x1;
	s12 =	simm.s32 $0x2800  }
.LBB2_1:
0xe: {  	[spmem:s10], [sflag:s6] =	dma.local [hbm:s5], $0x2800  }
0xf: {  	_ =	swait.ge [sflag:s11], $0x2800  }
0x10: {  	[sflag:s11] =	ssyncset.done $0x0  }
0x11: {  	[sflag:s11] =	ssyncadd.s32 $0xFFFFD800  }
0x12: {  	[tilespmem:s12], [sflag:$0x2] =	stream.linear.gather [hbm4b:s4+s3], $0x4000, $0x38;
	[tilespmem:$0x1A800] =	vst v63  }
0x13: {  	_ =	swait.ge [sflag:s11], $0x4000  }
0x14: {  	[sflag:s11] =	ssyncset.done $0x0  }
0x15: {  	[sflag:s11] =	ssyncadd.s32 $0xFFFFC000  }
0x16: {  	[tilespmem:s3], [sflag:$0x2] =	stream.linear.gather [hbm4b:s7+s3], $0x2800, $0x38;
	[tilespmem:$0x1A800] =	vst v63  }
0x17: {  	_ =	swait.ge [sflag:s11], $0x2800  }
0x18: {  	[sflag:s11] =	ssyncset.done $0x0  }
0x19: {  	p0 =	por $0x1, $0x1;
	[sflag:s11] =	ssyncadd.s32 $0xFFFFD800  }
0x1a: {  	s18 =	simm.s32 @!p0 $0x1;
	[bflag:$0x0] =	sbarrier.arrive $0xFFFF  }
0x1b: {  	[spmem:s2] =	stream.indirect.scatter.add.f32 [tilespmem:s12], [sflag:$0x1], $0x80, s3, s13, $0xb8;
	[tilespmem:$0x1A800] =	vst v63  }
0x1c: {  	_ =	swait.ge @!p0 [sflag:s18], $0x4000  }
0x1d: {  	s16 =	simm.s32 $0x1;
	s17 =	simm.s32 $0x0;
	[sflag:s18] =	ssyncset.done @!p0 $0x0  }
.LBB2_2:
0x1e: {  	[sflag:s18] =	ssyncadd.s32 @!p0 $0xFFFFC000  }
0x1f: {  	s17 =	sadd.s32 $0x80, s17;
	s18 =	smov.u32 s16;
	s16 =	sadd.s32 $0x1, s16  }
0x20: {  	p1 =	sne.s32 s16, $0x50  }
0x21: {  	[spmem:s2] =	stream.indirect.scatter.add.f32 [tilespmem:s12], [sflag:$0x1], $0x80, s17, s13, $0xb8;
	[tilespmem:$0x1A800] =	vst v63  }
.Ltmp0:
0x22: {  	_ = 	snop;
	(pc) =	sbr.rel @p1 .LBB2_2-.Ltmp0, $4  }
0x23: {  	p0 =	slt.u32 s18, $0x8  }
0x24: {  	s18 =	simm.s32 @!p0 $0x1  }
0x25: {  	_ =	swait.ge @!p0 [sflag:s18], $0x4000  }
0x26: {  	[sflag:s18] =	ssyncset.done @!p0 $0x0  }
0x27: {  	[sflag:s18] =	ssyncadd.s32 @!p0 $0xFFFFC000  }
0x28: {  	_ =	swait.ge [sflag:s14], $0x4000  }
0x29: {  	[sflag:s14] =	ssyncset.done $0x0  }
0x2a: {  	[sflag:s14] =	ssyncadd.s32 $0xFFFFC000  }
0x2b: {  	_ =	swait.ge [sflag:s14], $0x4000  }
0x2c: {  	[sflag:s14] =	ssyncset.done $0x0  }
0x2d: {  	[sflag:s14] =	ssyncadd.s32 $0xFFFFC000  }
0x2e: {  	_ =	swait.ge [sflag:s14], $0x4000  }
0x2f: {  	[sflag:s14] =	ssyncset.done $0x0  }
0x30: {  	[sflag:s14] =	ssyncadd.s32 $0xFFFFC000  }
0x31: {  	_ =	swait.ge [sflag:s14], $0x4000  }
0x32: {  	[sflag:s14] =	ssyncset.done $0x0  }
0x33: {  	[sflag:s14] =	ssyncadd.s32 $0xFFFFC000  }
0x34: {  	_ =	swait.ge [sflag:s14], $0x4000  }
0x35: {  	[sflag:s14] =	ssyncset.done $0x0  }
0x36: {  	[sflag:s14] =	ssyncadd.s32 $0xFFFFC000  }
0x37: {  	_ =	swait.ge [sflag:s14], $0x4000  }
0x38: {  	[sflag:s14] =	ssyncset.done $0x0  }
0x39: {  	[sflag:s14] =	ssyncadd.s32 $0xFFFFC000  }
0x3a: {  	_ =	swait.ge [sflag:s14], $0x4000  }
0x3b: {  	[sflag:s14] =	ssyncset.done $0x0  }
0x3c: {  	[sflag:s14] =	ssyncadd.s32 $0xFFFFC000  }
0x3d: {  	_ =	swait.ge [sflag:s14], $0x4000  }
0x3e: {  	s15 =	sadd.s32 $0x1, s15;
	[sflag:s14] =	ssyncset.done $0x0  }
0x3f: {  	p0 =	sne.s32 s15, s9;
	[sflag:s14] =	ssyncadd.s32 $0xFFFFC000  }
.Ltmp1:
0x40: {  	[bflag:$0x0] =	sbarrier.arrive $0xFFFF;
	(pc) =	sbr.rel @p0 .LBB2_1-.Ltmp1, $4  }
0x41: {  	[hbm:s8], [sflag:s6] =	dma.local [spmem:s10], $0x2800  }
0x42: {  	_ =	swait.ge [sflag:s11], $0x2800  }
0x43: {  	[sflag:s11] =	ssyncset.done $0x0  }
0x44: {  	[sflag:s11] =	ssyncadd.s32 $0xFFFFD800  }
0x45: {  	_ =	sfence.sel $0x180000  }
0x46: {  	[bflag:$0x0] =	sbarrier.arrive $0xFFFF  }
0x47: {  	p0 =	sne.s32 s0, $0x0;
	_ =	strace $0x9000004A  }
0x48: {  	s0 =	sadd.s32 @!p0 $0x100000, s1;
	[bflag:$0x2] =	sbarrier.arrive $0xFFFF  }
0x49: {  	[sflag:s0] =	ssyncadd.tile.s32 @!p0 $0x1;
	_ =	shalt  }
.Lfunc_end2:
_tile_overlayer_lowered:
.L_overlay_start_2:
0x4a: {  	(tag) =	ssettag $0x2  }
0x4b: {  	s0 =	rddreg [dreg:$0x0];
	s2 =	stileid.u32  }
0x4c: {  	s1 =	rddreg [dreg:$0x1];
	p0 =	sne.s32 s2, $0x0  }
0x4d: {  	s3 =	rddreg [dreg:$0x2];
	[bflag:$0x3] =	sbarrier.arrive $0xFFFF;
	s2 =	simm.s32 @!p0 $0x1C02  }
0x4e: {  	[timem:s3], [sflag:s2] =	dma.local @!p0 [hbm:s0], s1  }
0x4f: {  	s0 =	simm.s32 @!p0 $0x2  }
0x50: {  	_ =	swait.ge @!p0 [sflag:s0], s1  }
0x51: {  	s1 =	ssub.s32 @!p0 $0x0, s1;
	[sflag:s0] =	ssyncset.done @!p0 $0x0  }
0x52: {  	[sflag:s0] =	ssyncadd.s32 @!p0 s1  }
0x53: {  	[bflag:$0x3] =	sbarrier.arrive $0xFFFF  }
0x54: {  	_ =	shalt  }

// kernel: kernel.9.cloned.1.call-start
scs
__scs_entry_jumppad:
0x0: {  	(pc) =	sbr.rel $0x88, $3  }
0x1: {  	(tag) =	ssettag $0x0;
	lr =	simm.s32 $0x1  }
0x2: {  	[smem:$0x3F9B] =	sst lr;
	_ =	strace $0xD0000000  }
0x3: {  	_ = 	snop  }
0x4: {  	_ = 	snop  }
0x5: {  	_ = 	snop  }
0x6: {  	_ = 	snop  }
0x7: {  	_ = 	snop  }
__scs_overlays_trampoline_lowered:
0x8: {  	[smem:$0x3FAA] =	sst s0  }
0x9: {  	[smem:$0x3FAB] =	sst s1  }
0xa: {  	[smem:$0x3FAC] =	sst s2  }
0xb: {  	[smem:$0x3FAD] =	sst s3  }
0xc: {  	[smem:$0x3FAE] =	sst s4  }
0xd: {  	[smem:$0x3FAF] =	sst s5  }
0xe: {  	[smem:$0x3FB0] =	sst s6  }
0xf: {  	[smem:$0x3FB1] =	sst s7  }
0x10: {  	[smem:$0x3FB2] =	sst s8  }
0x11: {  	[smem:$0x3FB3] =	sst s9;
	s0 =	simm.s32 @!p0 $0x0  }
0x12: {  	s1 =	sld [smem:$0x3F99];
	s0 =	simm.s32 @p0 $0x1  }
0x13: {  	[smem:$0x3FB4] =	sst s0;
	s0 =	simm.s32 @!p1 $0x0  }
0x14: {  	s2 =	sld [smem:$0x3F98];
	s0 =	simm.s32 @p1 $0x1  }
0x15: {  	[smem:$0x3FB5] =	sst s0;
	s0 =	simm.s32 @!p2 $0x0  }
0x16: {  	s3 =	sld [smem:$0x3FDB];
	s0 =	simm.s32 @p2 $0x1  }
0x17: {  	s4 =	simm.s32 $0x1BF5;
	[smem:$0x3FB7] =	sst s0  }
0x18: {  	s0 =	sld [smem:$0x3F9A];
	_ =	swait.ge [sflag:s4], $0x0  }
0x19: {  	s7 =	sld [smem:$0x3F9B]  }
0x1a: {  	s8 =	sadd.s32 $0xFFFFE003, lr  }
0x1b: {  	s9 =	sadd.s32 $0xFFFFFEF7, lr;
	s5 =	simm.s32 $0xFFFFFFFF;
	p2 =	slt.u32 s8, $0xFFFFF086  }
0x1c: {  	p1 =	slt.u32 s9, $0xF7A;
	s5 =	simm.s32 @!p2 $0x0  }
0x1d: {  	s5 =	simm.s32 @p1 $0x1;
	p0 =	seq.s32 s7, s2  }
0x1e: {  	s7 =	smul.u32 @!p0 $0xF7A, s2;
	p2 =	seq.s32 @!p0 s5, $0x0  }
0x1f: {  	s9 =	smul.u32 $0xF7A, s1;
	s8 =	simm.s32 @!p0 $0x1BF5;
	p2 =	por !p2, p0  }
0x20: {  	[sflag:s8] =	ssyncset.s32 @!p0 $0xFFFFF086;
	s6 =	sadd.s32 @!p0 s3, s7;
	s7 =	simm.s32 @!p0 $0x108  }
0x21: {  	s3 =	sadd.s32 s3, s9;
	s6 =	sadd.s32 @!p0 $0x88, s6;
	s7 =	simm.s32 @p2 $0x1082  }
0x22: {  	[simem:s7], [sflag:s8] =	dma.local @!p0 [hbm:s6], $0xF7A  }
0x23: {  	s9 =	sor.u32 $0xD0000000, s2;
	s6 =	simm.s32 $0x108;
	_ =	swait.ge @!p0 [sflag:s8], $0x0  }
0x24: {  	s3 =	sadd.s32 $0x88, s3;
	s6 =	simm.s32 @!p1 $0x1082;
	[sflag:s4] =	ssyncset.s32 $0xFFFFF086  }
0x25: {  	[simem:s6], [sflag:s4] =	dma.local [hbm:s3], $0xF7A  }
0x26: {  	[smem:$0x3F9B] =	sst s1;
	(tag) =	ssettag s2;
	_ =	strace s9  }
0x27: {  	s1 =	sld [smem:$0x3FAB]  }
0x28: {  	s2 =	sld [smem:$0x3FAC]  }
0x29: {  	s4 =	sld [smem:$0x3FAE]  }
0x2a: {  	p0 =	seq.s32 s5, $0x0;
	s5 =	sld [smem:$0x3FAF]  }
0x2b: {  	s6 =	sld [smem:$0x3FB0]  }
0x2c: {  	s7 =	sld [smem:$0x3FB1]  }
0x2d: {  	s3 =	simm.s32 $0x108;
	s8 =	sld [smem:$0x3FB2]  }
0x2e: {  	s3 =	simm.s32 @!p0 $0x1082;
	s9 =	sld [smem:$0x3FB3]  }
0x2f: {  	lr =	sadd.s32 s0, s3;
	s0 =	sld [smem:$0x3FAA]  }
0x30: {  	s3 =	sld [smem:$0x3FAD]  }
0x31: {  	[smem:$0x3FB6] =	sst s10  }
0x32: {  	s10 =	sld [smem:$0x3FB4];
	_ =	sdelay $0x3  }
0x33: {  	p0 =	seq.s32 s10, $0x1;
	s10 =	sld [smem:$0x3FB6];
	_ =	sdelay $0x3  }
0x34: {  	[smem:$0x3FB6] =	sst s10  }
0x35: {  	s10 =	sld [smem:$0x3FB5];
	_ =	sdelay $0x3  }
0x36: {  	p1 =	seq.s32 s10, $0x1;
	s10 =	sld [smem:$0x3FB6];
	_ =	sdelay $0x3  }
0x37: {  	[smem:$0x3FB6] =	sst s10  }
0x38: {  	s10 =	sld [smem:$0x3FB7]  }
0x39: {  	_ = 	snop;
	(pc) =	sbr.ind lr, $3  }
0x3a: {  	_ = 	snop  }
0x3b: {  	_ = 	snop  }
0x3c: {  	p2 =	seq.s32 s10, $0x1;
	s10 =	sld [smem:$0x3FB6]  }
0x3d: {  	_ =	shalt  }
0x3e: {  	_ =	shalt  }
0x3f: {  	_ =	shalt  }
0x40: {  	_ =	shalt  }
0x41: {  	_ =	shalt  }
0x42: {  	_ =	shalt  }
0x43: {  	_ =	shalt  }
0x44: {  	_ =	shalt  }
0x45: {  	_ =	shalt  }
0x46: {  	_ =	shalt  }
0x47: {  	_ =	shalt  }
0x48: {  	_ =	shalt  }
0x49: {  	_ =	shalt  }
0x4a: {  	_ =	shalt  }
0x4b: {  	_ =	shalt  }
0x4c: {  	_ =	shalt  }
0x4d: {  	_ =	shalt  }
0x4e: {  	_ =	shalt  }
0x4f: {  	_ =	shalt  }
0x50: {  	_ =	shalt  }
0x51: {  	_ =	shalt  }
0x52: {  	_ =	shalt  }
0x53: {  	_ =	shalt  }
0x54: {  	_ =	shalt  }
0x55: {  	_ =	shalt  }
0x56: {  	_ =	shalt  }
0x57: {  	_ =	shalt  }
0x58: {  	_ =	shalt  }
0x59: {  	_ =	shalt  }
0x5a: {  	_ =	shalt  }
0x5b: {  	_ =	shalt  }
0x5c: {  	_ =	shalt  }
0x5d: {  	_ =	shalt  }
0x5e: {  	_ =	shalt  }
0x5f: {  	_ =	shalt  }
0x60: {  	_ =	shalt  }
0x61: {  	_ =	shalt  }
0x62: {  	_ =	shalt  }
0x63: {  	_ =	shalt  }
0x64: {  	_ =	shalt  }
0x65: {  	_ =	shalt  }
0x66: {  	_ =	shalt  }
0x67: {  	_ =	shalt  }
0x68: {  	_ =	shalt  }
0x69: {  	_ =	shalt  }
0x6a: {  	_ =	shalt  }
0x6b: {  	_ =	shalt  }
0x6c: {  	_ =	shalt  }
0x6d: {  	_ =	shalt  }
0x6e: {  	_ =	shalt  }
0x6f: {  	_ =	shalt  }
0x70: {  	_ =	shalt  }
0x71: {  	_ =	shalt  }
0x72: {  	_ =	shalt  }
0x73: {  	_ =	shalt  }
0x74: {  	_ =	shalt  }
0x75: {  	_ =	shalt  }
0x76: {  	_ =	shalt  }
0x77: {  	_ =	shalt  }
0x78: {  	_ =	shalt  }
0x79: {  	_ =	shalt  }
0x7a: {  	_ =	shalt  }
0x7b: {  	_ =	shalt  }
0x7c: {  	_ =	shalt  }
0x7d: {  	_ =	shalt  }
0x7e: {  	_ =	shalt  }
0x7f: {  	_ =	shalt  }
0x80: {  	_ =	shalt  }
0x81: {  	_ =	shalt  }
0x82: {  	_ =	shalt  }
0x83: {  	_ =	shalt  }
0x84: {  	_ =	shalt  }
0x85: {  	_ =	shalt  }
0x86: {  	_ =	shalt  }
0x87: {  	_ =	shalt  }
.Lfunc_end0:
.L_simem_size_0:
called_computation.2_lowered:
.L_overlay_start_0:
0x88: {  	s2 =	sld [smem:$0x3FD9]  }
0x89: {  	s3 =	sld [smem:$0x3FFE];
	_ =	sdelay $0x1  }
0x8a: {  	s1 =	srdreg.scid  }
0x8b: {  	s0 =	sand.u32 $0x1, s1  }
0x8c: {  	s16 =	sshll.u32 s0, $0xA;
	s2 =	sadd.s32 s3, s2  }
0x8d: {  	s2 =	sadd.s32 s2, s16  }
0x8e: {  	[smem:$0x3FC2] =	sst s2  }
0x8f: {  	_ = 	snop  }
0x90: {  	(tm) =	ssettm $0x1  }
0x91: {  	s17 =	sld [smem:$0x3FFB];
	_ =	sdelay $0x3  }
0x92: {  	_ =	strace s17  }
0x93: {  	s2 =	sld [smem:$0x3FFC];
	_ =	sdelay $0x3  }
0x94: {  	_ =	strace s2  }
0x95: {  	s2 =	sld [smem:$0x3FFD];
	_ =	sdelay $0x3  }
0x96: {  	_ =	strace s2  }
0x97: {  	_ =	strace $0x8FFFFFFF  }
0x98: {  	s18 =	sld [smem:$0x3FDB];
	_ =	sdelay $0x1  }
0x99: {  	s19 =	simm.s32 $_scs_section_size  }
0x9a: {  	s4 =	simm.s32 $_size__tile_overlayer_lowered;
	s5 =	simm.s32 $_tile_overlayer_lowered  }
0x9b: {  	s22 =	simm.s32 $0x1BFF;
	s21 =	sshll.u32 s5, $0x1;
	s2 =	sadd.s32 s19, s18  }
0x9c: {  	s6 =	simm.s32 $0x0;
	s20 =	sshll.u32 s4, $0x1;
	s4 =	sadd.s32 s21, s2  }
0x9d: {  	[timem:s6], [sflag:s22] =	dma.local [hbm:s4], s20  }
0x9e: {  	_ =	swait.ge [sflag:s22], s20  }
0x9f: {  	s3 =	ssub.s32 $0x0, s20;
	[sflag:s22] =	ssyncset.done $0x0  }
0xa0: {  	[sflag:s22] =	ssyncadd.s32 s3;
	_ =	sdelay $0x1  }
0xa1: {  	s23 =	simm.s32 $0x1B8B  }
0xa2: {  	_ =	swait.ge [sflag:s23], $0x1  }
0xa3: {  	[sflag:s23] =	ssyncset.done $0x0  }
0xa4: {  	s25 =	simm.s32 $0x1B8E;
	s24 =	sld [smem:$0x3FFE];
	[sflag:s23] =	ssyncadd.s32 $0xFFFFFFFF  }
0xa5: {  	s26 =	simm.s32 $execute0_lowered;
	[smem:$0x3FD2] =	sst s25  }
0xa6: {  	s4 =	sshll.u32 s26, $0x1;
	_ =	strace $0x8000004C;
	[dreg:$0x1] =	wrdreg $0xFFFFFFFF  }
0xa7: {  	s28 =	simm.s32 $_size_execute0_lowered;
	s2 =	sadd.s32 s2, s4;
	[dreg:$0x0] =	wrdreg $0x0  }
0xa8: {  	s4 =	sshll.u32 s28, $0x1;
	[dreg:$0x2] =	wrdreg s2  }
0xa9: {  	[dreg:$0x3] =	wrdreg s4  }
0xaa: {  	[dreg:$0x4] =	wrdreg $0xC0  }
0xab: {  	_ =	task [dreg:s6], $0x5FFFF  }
0xac: {  	[dreg:$0x1] =	wrdreg $0xFFFFFFFF  }
0xad: {  	[dreg:$0x0] =	wrdreg $0x60  }
0xae: {  	[dreg:$0x2] =	wrdreg s24  }
0xaf: {  	[dreg:$0x3] =	wrdreg $0x8C000  }
0xb0: {  	[dreg:$0x4] =	wrdreg $0x9  }
0xb1: {  	_ =	task.clear_ibuf [dreg:s6], $0x5FFFF;
	_ =	strace $0x9000004C  }
0xb2: {  	s29 =	simm.s32 $0x9;
	_ =	strace $0x8000004E  }
0xb3: {  	_ =	swait.ge [sflag:s29], $0x1  }
0xb4: {  	[sflag:s29] =	ssyncadd.s32 $0xFFFFFFFF  }
0xb5: {  	_ =	strace $0x9000004E  }
0xb6: {  	_ =	sfence  }
0xb7: {  	s30 =	sld [smem:$0x0];
	_ =	sdelay $0x2  }
0xb8: {  	s31 =	sshll.u32 s1, $0xD;
	s1 =	sshrl.u32 s1, $0x2  }
0xb9: {  	s3 =	sand.u32 $0x4000, s31;
	s1 =	sadd.s32 s1, s30  }
0xba: {  	s0 =	sor.u32 s3, s0;
	s1 =	sshll.u32 s1, $0x11  }
0xbb: {  	s0 =	sor.u32 s1, s0  }
0xbc: {  	s0 =	sadd.s32 $0x8F2B, s0  }
0xbd: {  	[sflag:s0] =	ssyncadd.remote.s32 $0x1  }
0xbe: {  	_ =	sfence.sel $0xFFFF  }
0xbf: {  	[dreg:$0x0] =	wrdreg $0xFFFFFFFF;
	(pc) =	sbr.abs _section_cstart, $3  }
0xc0: {  	[dreg:$0x1] =	wrdreg $0xFFFFFFFF  }
0xc1: {  	_ =	task.clear_ibuf [dreg:s6], $0x2FFFF;
	_ =	strace $0x9FFFFFFF  }
0xc2: {  	(tm) =	ssettm $0x7FFFFFFF  }
0xc3: {  	_ =	shalt  }
tec
execute0_lowered:
.L_overlay_start_1:
0x0: {  	(tag) =	ssettag $0x1  }
0x1: {  	s0 =	rddreg [dreg:$0x0]  }
0x2: {  	s2 =	rddreg [dreg:$0x1];
	s3 =	simm.s32 $0x0  }
0x3: {  	s12 =	stileid.u32;
	[smem:$0x7FF] =	sst s3;
	s11 =	sadd.s32 $0x32000, s0  }
0x4: {  	s19 =	simm.s32 $0x200;
	_ =	strace $0x8000004D;
	[dreg:$0x12] =	wrdreg s11  }
0x5: {  	s4 =	srdreg.scid;
	s21 =	simm.s32 $0x280;
	[dreg:$0x3] =	wrdreg s19  }
0x6: {  	s22 =	simm.s32 $0x300;
	s23 =	simm.s32 $0x380;
	[dreg:$0x4] =	wrdreg s21  }
0x7: {  	s24 =	simm.s32 $0x480;
	s25 =	simm.s32 $0x500;
	[dreg:$0x5] =	wrdreg s22  }
0x8: {  	s26 =	simm.s32 $0x580;
	s28 =	simm.s32 $0x600;
	[dreg:$0x6] =	wrdreg s23  }
0x9: {  	s29 =	simm.s32 $0x680;
	s30 =	simm.s32 $0x700;
	[dreg:$0x7] =	wrdreg s24  }
0xa: {  	s1 =	smul.u32 $0x2800, s12;
	s5 =	sand.u32 $0x1, s4;
	[dreg:$0x8] =	wrdreg s25  }
0xb: {  	s6 =	smul.u32 $0x280, s12;
	s4 =	sadd.s32 $0xFC800, s0;
	[dreg:$0x9] =	wrdreg s26  }
0xc: {  	s8 =	sadd.s32 $0xAC800, s0;
	s10 =	smul.u32 $0x50000, s12;
	[dreg:$0xa] =	wrdreg s28  }
0xd: {  	s12 =	sshll.u32 s12, $0x6;
	s7 =	smul.u32 $0x2800, s5;
	[dreg:$0xb] =	wrdreg s29  }
0xe: {  	s15 =	sor.u32 $0x1C1B, s12;
	[dreg:$0xc] =	wrdreg s30;
	s9 =	sadd.s32 s1, s0  }
0xf: {  	s31 =	ssub.s32 $0x2, s5;
	[dreg:$0x14] =	wrdreg s15;
	s13 =	sadd.s32 $0x84800, s9  }
0x10: {  	s18 =	smul.u32 $0x28000, s5;
	s14 =	sadd.s32 $0x84810, s9;
	[dreg:$0xe] =	wrdreg s13  }
0x11: {  	s3 =	sshrl.u32 s31, $0x1;
	s16 =	sadd.s32 $0x84820, s9;
	[dreg:$0x16] =	wrdreg s14  }
0x12: {  	s6 =	sadd.s32 s6, s7;
	s17 =	sadd.s32 $0x84830, s9;
	[dreg:$0x17] =	wrdreg s16  }
0x13: {  	s7 =	ssub.s32 s31, s3;
	s31 =	simm.s32 $0x780;
	[dreg:$0x18] =	wrdreg s17  }
0x14: {  	s6 =	sshll.u32 s6, $0x4;
	s20 =	smax.u32 s7, $0x1;
	[dreg:$0xd] =	wrdreg s31  }
0x15: {  	s0 =	sadd.s32 s6, s0;
	s6 =	sadd.s32 s8, s6;
	[dreg:$0x1a] =	wrdreg s20  }
0x16: {  	s10 =	sshrl.u32 s10, $0x2;
	[dreg:$0x13] =	wrdreg s6;
	s0 =	sadd.s32 $0x14C800, s0  }
0x17: {  	s6 =	sadd.s32 $0x80, s6;
	[dreg:$0x19] =	wrdreg s0;
	s0 =	sadd.s32 s18, s8  }
0x18: {  	s10 =	sadd.s32 s10, s2;
	[dreg:$0x15] =	wrdreg s6;
	s0 =	sadd.s32 s1, s0  }
0x19: {  	s5 =	simm.s32 $0x1B;
	s1 =	sshrl.u32 s10, $0x3;
	[dreg:$0xf] =	wrdreg s0  }
0x1a: {  	s19 =	simm.s32 $0x20;
	s2 =	simm.s32 $0x0;
	[dreg:$0x1b] =	wrdreg s1  }
.LBB2_1:
0x1b: {  	[dreg:$0x1c] =	wrdreg s2  }
0x1c: {  	s0 =	rddreg [dreg:$0x12]  }
0x1d: {  	[spmem:s1], [sflag:s15] =	dma.local [hbm:s0], $0x2800  }
0x1e: {  	_ =	swait.ge [sflag:s5], $0x2800  }
0x1f: {  	[sflag:s5] =	ssyncset.done $0x0  }
0x20: {  	s28 =	simm.s32 $0x0;
	s6 =	rddreg [dreg:$0x13];
	[sflag:s5] =	ssyncadd.s32 $0xFFFFD800  }
0x21: {  	[tilespmem:s28], [sflag:$0x1B] =	stream.linear.gather [hbm4b:s6+s28], $0x400, $0x38;
	[tilespmem:$0x1CC00] =	vst v63  }
0x22: {  	_ =	swait.ge [sflag:s5], $0x400  }
0x23: {  	[sflag:s5] =	ssyncset.done $0x0  }
0x24: {  	s23 =	simm.s32 $0x400;
	s7 =	rddreg [dreg:$0x15];
	[sflag:s5] =	ssyncadd.s32 $0xFFFFFC00  }
0x25: {  	[tilespmem:s23], [sflag:$0x1B] =	stream.linear.gather [hbm4b:s7+s28], $0x400, $0x38;
	[tilespmem:$0x1CC00] =	vst v63  }
0x26: {  	_ =	swait.ge [sflag:s5], $0x400  }
0x27: {  	[sflag:s5] =	ssyncset.done $0x0  }
0x28: {  	[sflag:s5] =	ssyncadd.s32 $0xFFFFFC00  }
0x29: {  	s8 =	simm.s32 $0xC00;
	[bflag:$0x0] =	sbarrier.arrive $0xFFFF  }
0x2a: {  	[tilespmem:s8], [sflag:$0x1] =	stream.indirect.gather [hbm4b:s4+s19], $0x80, s28, s19, $0xb8;
	[tilespmem:$0x1CC00] =	vst v63  }
0x2b: {  	s9 =	simm.s32 $0x800;
	s16 =	rddreg [dreg:$0xe]  }
0x2c: {  	[tilespmem:s9], [sflag:$0x11] =	stream.linear.gather [hbm4b:s16+s28], $0x80, $0x38;
	[tilespmem:$0x1CC00] =	vst v63  }
0x2d: {  	s10 =	simm.s32 $0x80;
	s26 =	simm.s32 $0x1C00  }
0x2e: {  	[tilespmem:s26], [sflag:$0x2] =	stream.indirect.gather [hbm4b:s4+s19], $0x80, s10, s19, $0xb8;
	[tilespmem:$0x1CC00] =	vst v63  }
0x2f: {  	s25 =	simm.s32 $0x880;
	s11 =	rddreg [dreg:$0x16]  }
0x30: {  	[tilespmem:s25], [sflag:$0x12] =	stream.linear.gather [hbm4b:s11+s28], $0x80, $0x38;
	[tilespmem:$0x1CC00] =	vst v63  }
0x31: {  	s12 =	simm.s32 $0x100;
	s13 =	simm.s32 $0x2C00  }
0x32: {  	[tilespmem:s13], [sflag:$0x3] =	stream.indirect.gather [hbm4b:s4+s19], $0x80, s12, s19, $0xb8;
	[tilespmem:$0x1CC00] =	vst v63  }
0x33: {  	p1 =	por $0x1, $0x1;
	s15 =	simm.s32 $0x900;
	s14 =	rddreg [dreg:$0x17]  }
0x34: {  	[tilespmem:s15], [sflag:$0x13] =	stream.linear.gather [hbm4b:s14+s28], $0x80, $0x38;
	[tilespmem:$0x1CC00] =	vst v63  }
0x35: {  	s17 =	simm.s32 $0x180;
	s18 =	simm.s32 $0x3C00;
	p0 =	por p1, p1  }
0x36: {  	[tilespmem:s18], [sflag:$0x4] =	stream.indirect.gather [hbm4b:s4+s19], $0x80, s17, s19, $0xb8;
	[tilespmem:$0x1CC00] =	vst v63  }
0x37: {  	s21 =	simm.s32 $0x980;
	s5 =	simm.s32 @p0 $0x1;
	s20 =	rddreg [dreg:$0x18]  }
0x38: {  	[tilespmem:s21], [sflag:$0x14] =	stream.linear.gather [hbm4b:s20+s28], $0x80, $0x38;
	[tilespmem:$0x1CC00] =	vst v63  }
0x39: {  	_ =	swait.ge @p0 [sflag:s5], $0x1000  }
0x3a: {  	[sflag:s5] =	ssyncset.done @p0 $0x0  }
0x3b: {  	[sflag:s5] =	ssyncadd.s32 @p0 $0xFFFFF000;
	s5 =	simm.s32 @p0 $0x11  }
0x3c: {  	s12 =	rddreg [dreg:$0xf];
	_ =	swait.ge @p0 [sflag:s5], $0x80  }
0x3d: {  	s7 =	simm.s32 @p0 $0xC00;
	[sflag:s5] =	ssyncset.done @p0 $0x0  }
0x3e: {  	s9 =	simm.s32 @p0 $0x800;
	s6 =	sadd.s32 @!p1 $0x0, s12;
	[sflag:s5] =	ssyncadd.s32 @p0 $0xFFFFFF80  }
0x3f: {  	s6 =	sadd.s32 @!p1 $0x80, s6;
	s5 =	simm.s32 @p0 $0x20;
	s0 =	rddreg [dreg:$0x1]  }
0x40: {  	[spmem:s0] =	stream.indirect.scatter.add.f32 @p0 [tilespmem:s7], [sflag:$0x9], $0x80, s9, s5, $0xb8;
	[tilespmem:$0x1CC00] =	vst v63  }
0x41: {  	s5 =	simm.s32 @!p0 $0x0;
	s7 =	simm.s32 @!p0 $0x400;
	s9 =	simm.s32 @!p0 $0x1  }
0x42: {  	[tilespmem:s7], [sflag:$0x1A] =	stream.linear.gather @!p0 [hbm4b:s6+s5], $0x400, $0x38;
	[tilespmem:$0x1CC00] =	vst v63  }
0x43: {  	_ =	swait.ge @!p0 [sflag:s9], $0x1000  }
0x44: {  	[sflag:s9] =	ssyncset.done @!p0 $0x0  }
0x45: {  	s5 =	simm.s32 @!p0 $0x11;
	[sflag:s9] =	ssyncadd.s32 @!p0 $0xFFFFF000  }
0x46: {  	_ =	swait.ge @!p0 [sflag:s5], $0x80  }
0x47: {  	s6 =	simm.s32 @!p0 $0xC00;
	s7 =	simm.s32 @!p0 $0xD;
	[sflag:s5] =	ssyncset.done @!p0 $0x0  }
0x48: {  	s9 =	simm.s32 @!p0 $0x800;
	[sflag:s5] =	ssyncadd.s32 @!p0 $0xFFFFFF80;
	s5 =	simm.s32 @!p0 $0x20  }
0x49: {  	[spmem:s0] =	stream.indirect.scatter.add.f32 @!p0 [tilespmem:s6], [sflag:$0x9], $0x80, s9, s5, $0xb8;
	[tilespmem:$0x1CC00] =	vst v63  }
0x4a: {  	_ =	swait.ge @!p0 [sflag:s7], $0x1000  }
0x4b: {  	s24 =	simm.s32 $0x4C00;
	[sflag:s7] =	ssyncset.done @!p0 $0x0  }
0x4c: {  	s5 =	sadd.s32 $0x0, s16;
	s22 =	rddreg [dreg:$0x3];
	[sflag:s7] =	ssyncadd.s32 @!p0 $0xFFFFF000  }
0x4d: {  	[tilespmem:s24], [sflag:$0x5] =	stream.indirect.gather [hbm4b:s4+s19], $0x80, s22, s19, $0xb8;
	[tilespmem:$0x1CC00] =	vst v63  }
0x4e: {  	s30 =	simm.s32 $0xA00;
	s3 =	simm.s32 $0x2;
	s29 =	sadd.s32 $0x40, s5  }
0x4f: {  	[tilespmem:s30], [sflag:$0x15] =	stream.linear.gather [hbm4b:s29+s28], $0x80, $0x38;
	[tilespmem:$0x1CC00] =	vst v63  }
0x50: {  	_ =	swait.ge [sflag:s3], $0x1000  }
0x51: {  	[sflag:s3] =	ssyncset.done $0x0  }
0x52: {  	s14 =	simm.s32 $0x12;
	[sflag:s3] =	ssyncadd.s32 $0xFFFFF000  }
0x53: {  	_ =	swait.ge [sflag:s14], $0x80  }
0x54: {  	[sflag:s14] =	ssyncset.done $0x0  }
0x55: {  	s6 =	simm.s32 @!p0 $0xE;
	[sflag:s14] =	ssyncadd.s32 $0xFFFFFF80  }
0x56: {  	[spmem:s0] =	stream.indirect.scatter.add.f32 [tilespmem:s26], [sflag:$0xA], $0x80, s25, s19, $0xb8;
	[tilespmem:$0x1CC00] =	vst v63  }
0x57: {  	_ =	swait.ge @!p0 [sflag:s6], $0x1000  }
0x58: {  	[sflag:s6] =	ssyncset.done @!p0 $0x0  }
0x59: {  	s20 =	simm.s32 $0x5C00;
	s1 =	rddreg [dreg:$0x4];
	[sflag:s6] =	ssyncadd.s32 @!p0 $0xFFFFF000  }
0x5a: {  	[tilespmem:s20], [sflag:$0x6] =	stream.indirect.gather [hbm4b:s4+s19], $0x80, s1, s19, $0xb8;
	[tilespmem:$0x1CC00] =	vst v63  }
0x5b: {  	s18 =	simm.s32 $0x3;
	s21 =	simm.s32 $0xA80;
	s13 =	sadd.s32 $0x50, s5  }
0x5c: {  	[tilespmem:s21], [sflag:$0x16] =	stream.linear.gather [hbm4b:s13+s28], $0x80, $0x38;
	[tilespmem:$0x1CC00] =	vst v63  }
0x5d: {  	_ =	swait.ge [sflag:s18], $0x1000  }
0x5e: {  	[sflag:s18] =	ssyncset.done $0x0  }
0x5f: {  	s24 =	simm.s32 $0x13;
	[sflag:s18] =	ssyncadd.s32 $0xFFFFF000  }
0x60: {  	_ =	swait.ge [sflag:s24], $0x80  }
0x61: {  	s10 =	simm.s32 $0x2C00;
	[sflag:s24] =	ssyncset.done $0x0  }
0x62: {  	s11 =	simm.s32 $0x900;
	s6 =	simm.s32 @!p0 $0xF;
	[sflag:s24] =	ssyncadd.s32 $0xFFFFFF80  }
0x63: {  	[spmem:s0] =	stream.indirect.scatter.add.f32 [tilespmem:s10], [sflag:$0xB], $0x80, s11, s19, $0xb8;
	[tilespmem:$0x1CC00] =	vst v63  }
0x64: {  	_ =	swait.ge @!p0 [sflag:s6], $0x1000  }
0x65: {  	[sflag:s6] =	ssyncset.done @!p0 $0x0  }
0x66: {  	s22 =	simm.s32 $0x6C00;
	s17 =	rddreg [dreg:$0x5];
	[sflag:s6] =	ssyncadd.s32 @!p0 $0xFFFFF000  }
0x67: {  	[tilespmem:s22], [sflag:$0x7] =	stream.indirect.gather [hbm4b:s4+s19], $0x80, s17, s19, $0xb8;
	[tilespmem:$0x1CC00] =	vst v63  }
0x68: {  	s29 =	sadd.s32 $0x60, s5;
	s30 =	simm.s32 $0xB00  }
0x69: {  	[tilespmem:s30], [sflag:$0x17] =	stream.linear.gather [hbm4b:s29+s28], $0x80, $0x38;
	[tilespmem:$0x1CC00] =	vst v63  }
0x6a: {  	s29 =	simm.s32 $0x4  }
0x6b: {  	_ =	swait.ge [sflag:s29], $0x1000  }
0x6c: {  	[sflag:s29] =	ssyncset.done $0x0  }
0x6d: {  	s30 =	simm.s32 $0x14;
	[sflag:s29] =	ssyncadd.s32 $0xFFFFF000  }
0x6e: {  	_ =	swait.ge [sflag:s30], $0x80  }
0x6f: {  	s2 =	simm.s32 $0x3C00;
	[sflag:s30] =	ssyncset.done $0x0  }
0x70: {  	s8 =	simm.s32 $0x980;
	s6 =	simm.s32 @!p0 $0x10;
	[sflag:s30] =	ssyncadd.s32 $0xFFFFFF80  }
0x71: {  	[spmem:s0] =	stream.indirect.scatter.add.f32 [tilespmem:s2], [sflag:$0xC], $0x80, s8, s19, $0xb8;
	[tilespmem:$0x1CC00] =	vst v63  }
0x72: {  	_ =	swait.ge @!p0 [sflag:s6], $0x1000  }
0x73: {  	[sflag:s6] =	ssyncset.done @!p0 $0x0  }
0x74: {  	[sflag:s6] =	ssyncadd.s32 @!p0 $0xFFFFF000;
	s6 =	simm.s32 @!p0 $0x1A  }
0x75: {  	_ =	swait.ge @!p0 [sflag:s6], $0x400  }
0x76: {  	[sflag:s6] =	ssyncset.done @!p0 $0x0  }
0x77: {  	s31 =	simm.s32 $0x7C00;
	s2 =	rddreg [dreg:$0x6];
	[sflag:s6] =	ssyncadd.s32 @!p0 $0xFFFFFC00  }
0x78: {  	[tilespmem:s31], [sflag:$0x8] =	stream.indirect.gather [hbm4b:s4+s19], $0x80, s2, s19, $0xb8;
	[tilespmem:$0x1CC00] =	vst v63  }
0x79: {  	s7 =	sadd.s32 $0x70, s5;
	s13 =	simm.s32 $0x5;
	s17 =	simm.s32 $0xB80  }
0x7a: {  	[tilespmem:s17], [sflag:$0x18] =	stream.linear.gather [hbm4b:s7+s28], $0x80, $0x38;
	[tilespmem:$0x1CC00] =	vst v63  }
0x7b: {  	_ =	swait.ge [sflag:s13], $0x1000  }
0x7c: {  	[sflag:s13] =	ssyncset.done $0x0  }
0x7d: {  	s1 =	simm.s32 $0x15;
	[sflag:s13] =	ssyncadd.s32 $0xFFFFF000  }
0x7e: {  	_ =	swait.ge [sflag:s1], $0x80  }
0x7f: {  	s15 =	simm.s32 $0xA00;
	[sflag:s1] =	ssyncset.done $0x0  }
0x80: {  	s9 =	simm.s32 $0x4C00;
	s2 =	simm.s32 $0x9;
	[sflag:s1] =	ssyncadd.s32 $0xFFFFFF80  }
0x81: {  	[spmem:s0] =	stream.indirect.scatter.add.f32 [tilespmem:s9], [sflag:$0xD], $0x80, s15, s19, $0xb8;
	[tilespmem:$0x1CC00] =	vst v63  }
0x82: {  	_ =	swait.ge [sflag:s2], $0x1000  }
0x83: {  	[sflag:s2] =	ssyncset.done $0x0  }
0x84: {  	s15 =	simm.s32 $0xC00;
	[sflag:s2] =	ssyncadd.s32 $0xFFFFF000  }
0x85: {  	[tilespmem:s15], [sflag:$0x1] =	stream.indirect.gather [hbm4b:s4+s19], $0x80, s23, s19, $0xb8;
	[tilespmem:$0x1CC00] =	vst v63  }
0x86: {  	s11 =	simm.s32 $0x800;
	s8 =	sadd.s32 $0x80, s5;
	s9 =	simm.s32 $0x6  }
0x87: {  	[tilespmem:s11], [sflag:$0x11] =	stream.linear.gather [hbm4b:s8+s28], $0x80, $0x38;
	[tilespmem:$0x1CC00] =	vst v63  }
0x88: {  	_ =	swait.ge [sflag:s9], $0x1000  }
0x89: {  	[sflag:s9] =	ssyncset.done $0x0  }
0x8a: {  	s23 =	simm.s32 $0x16;
	[sflag:s9] =	ssyncadd.s32 $0xFFFFF000  }
0x8b: {  	_ =	swait.ge [sflag:s23], $0x80  }
0x8c: {  	[sflag:s23] =	ssyncset.done $0x0  }
0x8d: {  	s6 =	simm.s32 $0xA;
	[sflag:s23] =	ssyncadd.s32 $0xFFFFFF80  }
0x8e: {  	[spmem:s0] =	stream.indirect.scatter.add.f32 [tilespmem:s20], [sflag:$0xE], $0x80, s21, s19, $0xb8;
	[tilespmem:$0x1CC00] =	vst v63  }
0x8f: {  	_ =	swait.ge [sflag:s6], $0x1000  }
0x90: {  	[sflag:s6] =	ssyncset.done $0x0  }
0x91: {  	s8 =	rddreg [dreg:$0x7];
	[sflag:s6] =	ssyncadd.s32 $0xFFFFF000  }
0x92: {  	[tilespmem:s26], [sflag:$0x2] =	stream.indirect.gather [hbm4b:s4+s19], $0x80, s8, s19, $0xb8;
	[tilespmem:$0x1CC00] =	vst v63  }
0x93: {  	s9 =	sadd.s32 $0x90, s5;
	s8 =	simm.s32 $0x7  }
0x94: {  	[tilespmem:s25], [sflag:$0x12] =	stream.linear.gather [hbm4b:s9+s28], $0x80, $0x38;
	[tilespmem:$0x1CC00] =	vst v63  }
0x95: {  	_ =	swait.ge [sflag:s8], $0x1000  }
0x96: {  	[sflag:s8] =	ssyncset.done $0x0  }
0x97: {  	s9 =	simm.s32 $0x17;
	[sflag:s8] =	ssyncadd.s32 $0xFFFFF000  }
0x98: {  	_ =	swait.ge [sflag:s9], $0x80  }
0x99: {  	[sflag:s9] =	ssyncset.done $0x0  }
0x9a: {  	s10 =	simm.s32 $0xB00;
	s22 =	simm.s32 $0x6C00;
	[sflag:s9] =	ssyncadd.s32 $0xFFFFFF80  }
0x9b: {  	[spmem:s0] =	stream.indirect.scatter.add.f32 [tilespmem:s22], [sflag:$0xF], $0x80, s10, s19, $0xb8;
	[tilespmem:$0x1CC00] =	vst v63  }
0x9c: {  	s10 =	simm.s32 $0xB  }
0x9d: {  	_ =	swait.ge [sflag:s10], $0x1000  }
0x9e: {  	[sflag:s10] =	ssyncset.done $0x0  }
0x9f: {  	s23 =	simm.s32 $0x2C00;
	s22 =	rddreg [dreg:$0x8];
	[sflag:s10] =	ssyncadd.s32 $0xFFFFF000  }
0xa0: {  	[tilespmem:s23], [sflag:$0x3] =	stream.indirect.gather [hbm4b:s4+s19], $0x80, s22, s19, $0xb8;
	[tilespmem:$0x1CC00] =	vst v63  }
0xa1: {  	s22 =	sadd.s32 $0xA0, s5;
	s23 =	simm.s32 $0x900  }
0xa2: {  	[tilespmem:s23], [sflag:$0x13] =	stream.linear.gather [hbm4b:s22+s28], $0x80, $0x38;
	[tilespmem:$0x1CC00] =	vst v63  }
0xa3: {  	s22 =	simm.s32 $0x8  }
0xa4: {  	_ =	swait.ge [sflag:s22], $0x1000  }
0xa5: {  	[sflag:s22] =	ssyncset.done $0x0  }
0xa6: {  	s7 =	simm.s32 $0x18;
	[sflag:s22] =	ssyncadd.s32 $0xFFFFF000  }
0xa7: {  	_ =	swait.ge [sflag:s7], $0x80  }
0xa8: {  	[sflag:s7] =	ssyncset.done $0x0  }
0xa9: {  	s22 =	simm.s32 $0xC;
	[sflag:s7] =	ssyncadd.s32 $0xFFFFFF80  }
0xaa: {  	[spmem:s0] =	stream.indirect.scatter.add.f32 [tilespmem:s31], [sflag:$0x10], $0x80, s17, s19, $0xb8;
	[tilespmem:$0x1CC00] =	vst v63  }
0xab: {  	_ =	swait.ge [sflag:s22], $0x1000  }
0xac: {  	p0 =	por $0x0, $0x0;
	[sflag:s22] =	ssyncset.done $0x0  }
0xad: {  	s6 =	rddreg [dreg:$0x9];
	[sflag:s22] =	ssyncadd.s32 $0xFFFFF000;
	s22 =	simm.s32 $0x3C00  }
0xae: {  	[tilespmem:s22], [sflag:$0x4] =	stream.indirect.gather [hbm4b:s4+s19], $0x80, s6, s19, $0xb8;
	[tilespmem:$0x1CC00] =	vst v63  }
0xaf: {  	s7 =	sadd.s32 $0xB0, s5;
	s22 =	simm.s32 $0x980;
	s6 =	sadd.s32 @!p0 $0x0, s12  }
0xb0: {  	[tilespmem:s22], [sflag:$0x14] =	stream.linear.gather [hbm4b:s7+s28], $0x80, $0x38;
	[tilespmem:$0x1CC00] =	vst v63  }
0xb1: {  	s6 =	sadd.s32 @!p0 $0x100, s6;
	s7 =	simm.s32 @!p0 $0x0  }
0xb2: {  	[tilespmem:s7], [sflag:$0x19] =	stream.linear.gather @!p0 [hbm4b:s6+s7], $0x400, $0x38;
	[tilespmem:$0x1CC00] =	vst v63  }
0xb3: {  	s7 =	simm.s32 $0x1  }
0xb4: {  	_ =	swait.ge [sflag:s7], $0x1000  }
0xb5: {  	[sflag:s7] =	ssyncset.done $0x0  }
0xb6: {  	[sflag:s7] =	ssyncadd.s32 $0xFFFFF000;
	s7 =	simm.s32 $0x11  }
0xb7: {  	_ =	swait.ge [sflag:s7], $0x80  }
0xb8: {  	[sflag:s7] =	ssyncset.done $0x0  }
0xb9: {  	s6 =	simm.s32 $0xD;
	[sflag:s7] =	ssyncadd.s32 $0xFFFFFF80  }
0xba: {  	[spmem:s0] =	stream.indirect.scatter.add.f32 [tilespmem:s15], [sflag:$0x9], $0x80, s11, s19, $0xb8;
	[tilespmem:$0x1CC00] =	vst v63  }
0xbb: {  	_ =	swait.ge [sflag:s6], $0x1000  }
0xbc: {  	[sflag:s6] =	ssyncset.done $0x0  }
0xbd: {  	s15 =	simm.s32 $0x4C00;
	s11 =	rddreg [dreg:$0xa];
	[sflag:s6] =	ssyncadd.s32 $0xFFFFF000  }
0xbe: {  	[tilespmem:s15], [sflag:$0x5] =	stream.indirect.gather [hbm4b:s4+s19], $0x80, s11, s19, $0xb8;
	[tilespmem:$0x1CC00] =	vst v63  }
0xbf: {  	s7 =	sadd.s32 $0xC0, s5;
	s11 =	simm.s32 $0xA00  }
0xc0: {  	[tilespmem:s11], [sflag:$0x15] =	stream.linear.gather [hbm4b:s7+s28], $0x80, $0x38;
	[tilespmem:$0x1CC00] =	vst v63  }
0xc1: {  	_ =	swait.ge [sflag:s3], $0x1000  }
0xc2: {  	[sflag:s3] =	ssyncset.done $0x0  }
0xc3: {  	[sflag:s3] =	ssyncadd.s32 $0xFFFFF000  }
0xc4: {  	_ =	swait.ge [sflag:s14], $0x80  }
0xc5: {  	[sflag:s14] =	ssyncset.done $0x0  }
0xc6: {  	s7 =	simm.s32 $0xE;
	[sflag:s14] =	ssyncadd.s32 $0xFFFFFF80  }
0xc7: {  	[spmem:s0] =	stream.indirect.scatter.add.f32 [tilespmem:s26], [sflag:$0xA], $0x80, s25, s19, $0xb8;
	[tilespmem:$0x1CC00] =	vst v63  }
0xc8: {  	_ =	swait.ge [sflag:s7], $0x1000  }
0xc9: {  	[sflag:s7] =	ssyncset.done $0x0  }
0xca: {  	s14 =	rddreg [dreg:$0xb];
	[sflag:s7] =	ssyncadd.s32 $0xFFFFF000  }
0xcb: {  	[tilespmem:s20], [sflag:$0x6] =	stream.indirect.gather [hbm4b:s4+s19], $0x80, s14, s19, $0xb8;
	[tilespmem:$0x1CC00] =	vst v63  }
0xcc: {  	s25 =	sadd.s32 $0xD0, s5  }
0xcd: {  	[tilespmem:s21], [sflag:$0x16] =	stream.linear.gather [hbm4b:s25+s28], $0x80, $0x38;
	[tilespmem:$0x1CC00] =	vst v63  }
0xce: {  	_ =	swait.ge [sflag:s18], $0x1000  }
0xcf: {  	[sflag:s18] =	ssyncset.done $0x0  }
0xd0: {  	[sflag:s18] =	ssyncadd.s32 $0xFFFFF000  }
0xd1: {  	_ =	swait.ge [sflag:s24], $0x80  }
0xd2: {  	s23 =	simm.s32 $0x900;
	[sflag:s24] =	ssyncset.done $0x0  }
0xd3: {  	s6 =	simm.s32 $0xF;
	s26 =	simm.s32 $0x2C00;
	[sflag:s24] =	ssyncadd.s32 $0xFFFFFF80  }
0xd4: {  	[spmem:s0] =	stream.indirect.scatter.add.f32 [tilespmem:s26], [sflag:$0xB], $0x80, s23, s19, $0xb8;
	[tilespmem:$0x1CC00] =	vst v63  }
0xd5: {  	_ =	swait.ge [sflag:s6], $0x1000  }
0xd6: {  	[sflag:s6] =	ssyncset.done $0x0  }
0xd7: {  	s14 =	simm.s32 $0x6C00;
	s7 =	rddreg [dreg:$0xc];
	[sflag:s6] =	ssyncadd.s32 $0xFFFFF000  }
0xd8: {  	[tilespmem:s14], [sflag:$0x7] =	stream.indirect.gather [hbm4b:s4+s19], $0x80, s7, s19, $0xb8;
	[tilespmem:$0x1CC00] =	vst v63  }
0xd9: {  	s24 =	simm.s32 $0xB00;
	s23 =	sadd.s32 $0xE0, s5  }
0xda: {  	[tilespmem:s24], [sflag:$0x17] =	stream.linear.gather [hbm4b:s23+s28], $0x80, $0x38;
	[tilespmem:$0x1CC00] =	vst v63  }
0xdb: {  	_ =	swait.ge [sflag:s29], $0x1000  }
0xdc: {  	[sflag:s29] =	ssyncset.done $0x0  }
0xdd: {  	[sflag:s29] =	ssyncadd.s32 $0xFFFFF000  }
0xde: {  	_ =	swait.ge [sflag:s30], $0x80  }
0xdf: {  	s22 =	simm.s32 $0x980;
	[sflag:s30] =	ssyncset.done $0x0  }
0xe0: {  	s26 =	simm.s32 $0x3C00;
	s29 =	simm.s32 $0x10;
	[sflag:s30] =	ssyncadd.s32 $0xFFFFFF80  }
0xe1: {  	[spmem:s0] =	stream.indirect.scatter.add.f32 [tilespmem:s26], [sflag:$0xC], $0x80, s22, s19, $0xb8;
	[tilespmem:$0x1CC00] =	vst v63  }
0xe2: {  	_ =	swait.ge [sflag:s29], $0x1000  }
0xe3: {  	[sflag:s29] =	ssyncset.done $0x0  }
0xe4: {  	s6 =	simm.s32 @!p0 $0x19;
	[sflag:s29] =	ssyncadd.s32 $0xFFFFF000  }
0xe5: {  	_ =	swait.ge @!p0 [sflag:s6], $0x400  }
0xe6: {  	[sflag:s6] =	ssyncset.done @!p0 $0x0  }
0xe7: {  	s30 =	rddreg [dreg:$0xd];
	[sflag:s6] =	ssyncadd.s32 @!p0 $0xFFFFFC00  }
0xe8: {  	[tilespmem:s31], [sflag:$0x8] =	stream.indirect.gather [hbm4b:s4+s19], $0x80, s30, s19, $0xb8;
	[tilespmem:$0x1CC00] =	vst v63  }
0xe9: {  	s5 =	sadd.s32 $0xF0, s5  }
0xea: {  	[tilespmem:s17], [sflag:$0x18] =	stream.linear.gather [hbm4b:s5+s28], $0x80, $0x38;
	[tilespmem:$0x1CC00] =	vst v63  }
0xeb: {  	_ =	swait.ge [sflag:s13], $0x1000  }
0xec: {  	[sflag:s13] =	ssyncset.done $0x0  }
0xed: {  	[sflag:s13] =	ssyncadd.s32 $0xFFFFF000  }
0xee: {  	_ =	swait.ge [sflag:s1], $0x80  }
0xef: {  	[sflag:s1] =	ssyncset.done $0x0  }
0xf0: {  	s15 =	simm.s32 $0x4C00;
	s11 =	simm.s32 $0xA00;
	[sflag:s1] =	ssyncadd.s32 $0xFFFFFF80  }
0xf1: {  	[spmem:s0] =	stream.indirect.scatter.add.f32 [tilespmem:s15], [sflag:$0xD], $0x80, s11, s19, $0xb8;
	[tilespmem:$0x1CC00] =	vst v63  }
0xf2: {  	_ =	swait.ge [sflag:s2], $0x1000  }
0xf3: {  	p2 =	por $0x0, $0x0;
	[sflag:s2] =	ssyncset.done $0x0  }
0xf4: {  	s5 =	simm.s32 @p2 $0x6;
	[sflag:s2] =	ssyncadd.s32 $0xFFFFF000  }
0xf5: {  	_ =	swait.ge @p2 [sflag:s5], $0x1000  }
0xf6: {  	[sflag:s5] =	ssyncset.done @p2 $0x0  }
0xf7: {  	s6 =	simm.s32 @p2 $0x16;
	[sflag:s5] =	ssyncadd.s32 @p2 $0xFFFFF000  }
0xf8: {  	_ =	swait.ge @p2 [sflag:s6], $0x80  }
0xf9: {  	s20 =	simm.s32 @p2 $0xA;
	s7 =	simm.s32 @p2 $0xA80;
	[sflag:s6] =	ssyncset.done @p2 $0x0  }
0xfa: {  	s1 =	simm.s32 @p2 $0x20;
	s5 =	simm.s32 @p2 $0x5C00;
	[sflag:s6] =	ssyncadd.s32 @p2 $0xFFFFFF80  }
0xfb: {  	[spmem:s0] =	stream.indirect.scatter.add.f32 @p2 [tilespmem:s5], [sflag:$0xE], $0x80, s7, s1, $0xb8;
	[tilespmem:$0x1CC00] =	vst v63  }
0xfc: {  	_ =	swait.ge @p2 [sflag:s20], $0x1000  }
0xfd: {  	s21 =	simm.s32 @!p2 $0xC00;
	s6 =	sadd.s32 @!p2 $0x0, s16;
	[sflag:s20] =	ssyncset.done @p2 $0x0  }
0xfe: {  	s5 =	simm.s32 @!p2 $0x20;
	s7 =	simm.s32 @!p2 $0x0;
	[sflag:s20] =	ssyncadd.s32 @p2 $0xFFFFF000  }
0xff: {  	[tilespmem:s21], [sflag:$0x1] =	stream.indirect.gather @!p2 [hbm4b:s4+s5], $0x80, s7, s5, $0xb8;
	[tilespmem:$0x1CC00] =	vst v63  }
0x100: {  	s23 =	simm.s32 @!p2 $0x6;
	s20 =	sadd.s32 @!p2 $0x100, s6;
	s21 =	simm.s32 @!p2 $0x800  }
0x101: {  	[tilespmem:s21], [sflag:$0x11] =	stream.linear.gather @!p2 [hbm4b:s20+s7], $0x80, $0x38;
	[tilespmem:$0x1CC00] =	vst v63  }
0x102: {  	_ =	swait.ge @!p2 [sflag:s23], $0x1000  }
0x103: {  	[sflag:s23] =	ssyncset.done @!p2 $0x0  }
0x104: {  	s20 =	simm.s32 @!p2 $0x16;
	[sflag:s23] =	ssyncadd.s32 @!p2 $0xFFFFF000  }
0x105: {  	_ =	swait.ge @!p2 [sflag:s20], $0x80  }
0x106: {  	s21 =	simm.s32 @!p2 $0xA80;
	[sflag:s20] =	ssyncset.done @!p2 $0x0  }
0x107: {  	s23 =	simm.s32 @!p2 $0x5C00;
	[sflag:s20] =	ssyncadd.s32 @!p2 $0xFFFFFF80;
	s20 =	simm.s32 @!p2 $0xA  }
0x108: {  	[spmem:s0] =	stream.indirect.scatter.add.f32 @!p2 [tilespmem:s23], [sflag:$0xE], $0x80, s21, s5, $0xb8;
	[tilespmem:$0x1CC00] =	vst v63  }
0x109: {  	_ =	swait.ge @!p2 [sflag:s20], $0x1000  }
0x10a: {  	[sflag:s20] =	ssyncset.done @!p2 $0x0  }
0x10b: {  	s21 =	simm.s32 @!p2 $0x80;
	s23 =	simm.s32 @!p2 $0x1C00;
	[sflag:s20] =	ssyncadd.s32 @!p2 $0xFFFFF000  }
0x10c: {  	[tilespmem:s23], [sflag:$0x2] =	stream.indirect.gather @!p2 [hbm4b:s4+s5], $0x80, s21, s5, $0xb8;
	[tilespmem:$0x1CC00] =	vst v63  }
0x10d: {  	s20 =	sadd.s32 @!p2 $0x110, s6;
	s21 =	simm.s32 @!p2 $0x880  }
0x10e: {  	[tilespmem:s21], [sflag:$0x12] =	stream.linear.gather @!p2 [hbm4b:s20+s7], $0x80, $0x38;
	[tilespmem:$0x1CC00] =	vst v63  }
0x10f: {  	_ =	swait.ge [sflag:s8], $0x1000  }
0x110: {  	[sflag:s8] =	ssyncset.done $0x0  }
0x111: {  	[sflag:s8] =	ssyncadd.s32 $0xFFFFF000  }
0x112: {  	_ =	swait.ge [sflag:s9], $0x80  }
0x113: {  	[sflag:s9] =	ssyncset.done $0x0  }
0x114: {  	s25 =	simm.s32 $0xB00;
	s18 =	simm.s32 $0x6C00;
	[sflag:s9] =	ssyncadd.s32 $0xFFFFFF80  }
0x115: {  	[spmem:s0] =	stream.indirect.scatter.add.f32 [tilespmem:s18], [sflag:$0xF], $0x80, s25, s19, $0xb8;
	[tilespmem:$0x1CC00] =	vst v63  }
0x116: {  	_ =	swait.ge [sflag:s10], $0x1000  }
0x117: {  	[sflag:s10] =	ssyncset.done $0x0  }
0x118: {  	s20 =	simm.s32 @p2 $0x8;
	[sflag:s10] =	ssyncadd.s32 $0xFFFFF000  }
0x119: {  	_ =	swait.ge @p2 [sflag:s20], $0x1000  }
0x11a: {  	[sflag:s20] =	ssyncset.done @p2 $0x0  }
0x11b: {  	s21 =	simm.s32 @p2 $0x18;
	[sflag:s20] =	ssyncadd.s32 @p2 $0xFFFFF000  }
0x11c: {  	_ =	swait.ge @p2 [sflag:s21], $0x80  }
0x11d: {  	s23 =	simm.s32 @p2 $0x7C00;
	[sflag:s21] =	ssyncset.done @p2 $0x0  }
0x11e: {  	s20 =	simm.s32 @p2 $0xB80;
	[sflag:s21] =	ssyncadd.s32 @p2 $0xFFFFFF80;
	s21 =	simm.s32 @p2 $0xC  }
0x11f: {  	[spmem:s0] =	stream.indirect.scatter.add.f32 @p2 [tilespmem:s23], [sflag:$0x10], $0x80, s20, s1, $0xb8;
	[tilespmem:$0x1CC00] =	vst v63  }
0x120: {  	_ =	swait.ge @p2 [sflag:s21], $0x1000  }
0x121: {  	[sflag:s21] =	ssyncset.done @p2 $0x0  }
0x122: {  	s9 =	simm.s32 @!p2 $0x100;
	s20 =	simm.s32 @!p2 $0x2C00;
	[sflag:s21] =	ssyncadd.s32 @p2 $0xFFFFF000  }
0x123: {  	[tilespmem:s20], [sflag:$0x3] =	stream.indirect.gather @!p2 [hbm4b:s4+s5], $0x80, s9, s5, $0xb8;
	[tilespmem:$0x1CC00] =	vst v63  }
0x124: {  	s21 =	simm.s32 @!p2 $0x8;
	s9 =	sadd.s32 @!p2 $0x120, s6;
	s20 =	simm.s32 @!p2 $0x900  }
0x125: {  	[tilespmem:s20], [sflag:$0x13] =	stream.linear.gather @!p2 [hbm4b:s9+s7], $0x80, $0x38;
	[tilespmem:$0x1CC00] =	vst v63  }
0x126: {  	_ =	swait.ge @!p2 [sflag:s21], $0x1000  }
0x127: {  	[sflag:s21] =	ssyncset.done @!p2 $0x0  }
0x128: {  	s9 =	simm.s32 @!p2 $0x18;
	[sflag:s21] =	ssyncadd.s32 @!p2 $0xFFFFF000  }
0x129: {  	p0 =	por $0x0, $0x0;
	_ =	swait.ge @!p2 [sflag:s9], $0x80  }
0x12a: {  	s31 =	simm.s32 $0x3;
	s20 =	simm.s32 @!p2 $0xB80;
	[sflag:s9] =	ssyncset.done @!p2 $0x0  }
0x12b: {  	s21 =	simm.s32 @!p2 $0x7C00;
	[sflag:s9] =	ssyncadd.s32 @!p2 $0xFFFFFF80;
	s9 =	simm.s32 @!p2 $0xC  }
0x12c: {  	[spmem:s0] =	stream.indirect.scatter.add.f32 @!p2 [tilespmem:s21], [sflag:$0x10], $0x80, s20, s5, $0xb8;
	[tilespmem:$0x1CC00] =	vst v63  }
0x12d: {  	s25 =	simm.s32 $0x100;
	s20 =	sadd.s32 @!p0 $0x100, s12;
	_ =	swait.ge @!p2 [sflag:s9], $0x1000  }
0x12e: {  	s21 =	simm.s32 @!p2 $0x180;
	s3 =	sadd.s32 @!p0 $0x80, s20;
	[sflag:s9] =	ssyncset.done @!p2 $0x0  }
0x12f: {  	p0 =	por p0, p0;
	[sflag:s9] =	ssyncadd.s32 @!p2 $0xFFFFF000;
	s9 =	simm.s32 @!p2 $0x3C00  }
0x130: {  	[tilespmem:s9], [sflag:$0x4] =	stream.indirect.gather @!p2 [hbm4b:s4+s5], $0x80, s21, s5, $0xb8;
	[tilespmem:$0x1CC00] =	vst v63  }
0x131: {  	s20 =	sadd.s32 @!p2 $0x130, s6;
	s5 =	simm.s32 $0x200;
	s9 =	simm.s32 @!p2 $0x980  }
.LBB2_2:
0x132: {  	s0 =	smov.u32 s5  }
0x133: {  	[tilespmem:s9], [sflag:$0x14] =	stream.linear.gather @!p2 [hbm4b:s20+s7], $0x80, $0x38;
	[tilespmem:$0x1CC00] =	vst v63  }
0x134: {  	s21 =	simm.s32 @p0 $0x1;
	[dreg:$0x10] =	wrdreg s0  }
0x135: {  	s1 =	rddreg [dreg:$0xf];
	_ =	swait.ge @p0 [sflag:s21], $0x1000  }
0x136: {  	[sflag:s21] =	ssyncset.done @p0 $0x0  }
0x137: {  	s9 =	simm.s32 @p0 $0x11;
	[sflag:s21] =	ssyncadd.s32 @p0 $0xFFFFF000  }
0x138: {  	_ =	swait.ge @p0 [sflag:s9], $0x80  }
0x139: {  	p3 =	seq.s32 s5, $0x0;
	[sflag:s9] =	ssyncset.done @p0 $0x0  }
0x13a: {  	s20 =	simm.s32 @p0 $0xC00;
	s7 =	sadd.s32 @!p3 s0, s1;
	[sflag:s9] =	ssyncadd.s32 @p0 $0xFFFFFF80  }
0x13b: {  	s21 =	simm.s32 @p0 $0x800;
	s9 =	simm.s32 @p0 $0x20;
	s2 =	rddreg [dreg:$0x1]  }
0x13c: {  	[spmem:s2] =	stream.indirect.scatter.add.f32 @p0 [tilespmem:s20], [sflag:$0x9], $0x80, s21, s9, $0xb8;
	[tilespmem:$0x1CC00] =	vst v63  }
0x13d: {  	s9 =	simm.s32 @!p0 $0x0;
	s20 =	simm.s32 @!p0 $0x400;
	s21 =	simm.s32 @!p0 $0x1  }
0x13e: {  	[tilespmem:s20], [sflag:$0x1A] =	stream.linear.gather @!p0 [hbm4b:s3+s9], $0x400, $0x38;
	[tilespmem:$0x1CC00] =	vst v63  }
0x13f: {  	s7 =	sadd.s32 @!p3 $0x80, s7;
	_ =	swait.ge @!p0 [sflag:s21], $0x1000  }
0x140: {  	s23 =	smov.u32 s7;
	[sflag:s21] =	ssyncset.done @!p0 $0x0  }
0x141: {  	s7 =	simm.s32 @!p0 $0x11;
	[dreg:$0x11] =	wrdreg s23;
	[sflag:s21] =	ssyncadd.s32 @!p0 $0xFFFFF000  }
0x142: {  	_ =	swait.ge @!p0 [sflag:s7], $0x80  }
0x143: {  	s9 =	simm.s32 @!p0 $0xC00;
	s20 =	simm.s32 @!p0 $0xD;
	[sflag:s7] =	ssyncset.done @!p0 $0x0  }
0x144: {  	s21 =	simm.s32 @!p0 $0x800;
	[sflag:s7] =	ssyncadd.s32 @!p0 $0xFFFFFF80;
	s7 =	simm.s32 @!p0 $0x20  }
0x145: {  	[spmem:s2] =	stream.indirect.scatter.add.f32 @!p0 [tilespmem:s9], [sflag:$0x9], $0x80, s21, s7, $0xb8;
	[tilespmem:$0x1CC00] =	vst v63  }
0x146: {  	s26 =	simm.s32 $0x4C00;
	_ =	swait.ge @!p0 [sflag:s20], $0x1000  }
0x147: {  	s30 =	simm.s32 $0xA00;
	[sflag:s20] =	ssyncset.done @!p0 $0x0;
	s12 =	rddreg [dreg:$0xe]  }
0x148: {  	s24 =	rddreg [dreg:$0x3];
	[sflag:s20] =	ssyncadd.s32 @!p0 $0xFFFFF000;
	s7 =	sadd.s32 s25, s12  }
0x149: {  	[tilespmem:s26], [sflag:$0x5] =	stream.indirect.gather [hbm4b:s4+s19], $0x80, s24, s19, $0xb8;
	[tilespmem:$0x1CC00] =	vst v63  }
0x14a: {  	s29 =	simm.s32 $0x0;
	s14 =	simm.s32 $0x2;
	s28 =	sadd.s32 $0x40, s7  }
0x14b: {  	[tilespmem:s30], [sflag:$0x15] =	stream.linear.gather [hbm4b:s28+s29], $0x80, $0x38;
	[tilespmem:$0x1CC00] =	vst v63  }
0x14c: {  	_ =	swait.ge [sflag:s14], $0x1000  }
0x14d: {  	[sflag:s14] =	ssyncset.done $0x0  }
0x14e: {  	s16 =	simm.s32 $0x12;
	[sflag:s14] =	ssyncadd.s32 $0xFFFFF000  }
0x14f: {  	_ =	swait.ge [sflag:s16], $0x80  }
0x150: {  	s6 =	simm.s32 $0x880;
	[sflag:s16] =	ssyncset.done $0x0  }
0x151: {  	s3 =	simm.s32 $0x1C00;
	s9 =	simm.s32 @!p0 $0xE;
	[sflag:s16] =	ssyncadd.s32 $0xFFFFFF80  }
0x152: {  	[spmem:s2] =	stream.indirect.scatter.add.f32 [tilespmem:s3], [sflag:$0xA], $0x80, s6, s19, $0xb8;
	[tilespmem:$0x1CC00] =	vst v63  }
0x153: {  	_ =	swait.ge @!p0 [sflag:s9], $0x1000  }
0x154: {  	[sflag:s9] =	ssyncset.done @!p0 $0x0  }
0x155: {  	s11 =	simm.s32 $0x5C00;
	s8 =	rddreg [dreg:$0x4];
	[sflag:s9] =	ssyncadd.s32 @!p0 $0xFFFFF000  }
0x156: {  	[tilespmem:s11], [sflag:$0x6] =	stream.indirect.gather [hbm4b:s4+s19], $0x80, s8, s19, $0xb8;
	[tilespmem:$0x1CC00] =	vst v63  }
0x157: {  	s17 =	simm.s32 $0xA80;
	s13 =	sadd.s32 $0x50, s7;
	s24 =	simm.s32 $0x3  }
0x158: {  	[tilespmem:s17], [sflag:$0x16] =	stream.linear.gather [hbm4b:s13+s29], $0x80, $0x38;
	[tilespmem:$0x1CC00] =	vst v63  }
0x159: {  	_ =	swait.ge [sflag:s24], $0x1000  }
0x15a: {  	[sflag:s24] =	ssyncset.done $0x0  }
0x15b: {  	s26 =	simm.s32 $0x13;
	[sflag:s24] =	ssyncadd.s32 $0xFFFFF000  }
0x15c: {  	_ =	swait.ge [sflag:s26], $0x80  }
0x15d: {  	s18 =	simm.s32 $0x2C00;
	[sflag:s26] =	ssyncset.done $0x0  }
0x15e: {  	s20 =	simm.s32 $0x900;
	s9 =	simm.s32 @!p0 $0xF;
	[sflag:s26] =	ssyncadd.s32 $0xFFFFFF80  }
0x15f: {  	[spmem:s2] =	stream.indirect.scatter.add.f32 [tilespmem:s18], [sflag:$0xB], $0x80, s20, s19, $0xb8;
	[tilespmem:$0x1CC00] =	vst v63  }
0x160: {  	_ =	swait.ge @!p0 [sflag:s9], $0x1000  }
0x161: {  	[sflag:s9] =	ssyncset.done @!p0 $0x0  }
0x162: {  	s22 =	simm.s32 $0x6C00;
	s21 =	rddreg [dreg:$0x5];
	[sflag:s9] =	ssyncadd.s32 @!p0 $0xFFFFF000  }
0x163: {  	[tilespmem:s22], [sflag:$0x7] =	stream.indirect.gather [hbm4b:s4+s19], $0x80, s21, s19, $0xb8;
	[tilespmem:$0x1CC00] =	vst v63  }
0x164: {  	s23 =	sadd.s32 $0x60, s7;
	s28 =	simm.s32 $0xB00  }
0x165: {  	[tilespmem:s28], [sflag:$0x17] =	stream.linear.gather [hbm4b:s23+s29], $0x80, $0x38;
	[tilespmem:$0x1CC00] =	vst v63  }
0x166: {  	s28 =	simm.s32 $0x4  }
0x167: {  	_ =	swait.ge [sflag:s28], $0x1000  }
0x168: {  	[sflag:s28] =	ssyncset.done $0x0  }
0x169: {  	s3 =	simm.s32 $0x14;
	[sflag:s28] =	ssyncadd.s32 $0xFFFFF000  }
0x16a: {  	_ =	swait.ge [sflag:s3], $0x80  }
0x16b: {  	s30 =	simm.s32 $0x3C00;
	[sflag:s3] =	ssyncset.done $0x0  }
0x16c: {  	s13 =	simm.s32 $0x980;
	s9 =	simm.s32 @!p0 $0x10;
	[sflag:s3] =	ssyncadd.s32 $0xFFFFFF80  }
0x16d: {  	[spmem:s2] =	stream.indirect.scatter.add.f32 [tilespmem:s30], [sflag:$0xC], $0x80, s13, s19, $0xb8;
	[tilespmem:$0x1CC00] =	vst v63  }
0x16e: {  	_ =	swait.ge @!p0 [sflag:s9], $0x1000  }
0x16f: {  	[sflag:s9] =	ssyncset.done @!p0 $0x0  }
0x170: {  	[sflag:s9] =	ssyncadd.s32 @!p0 $0xFFFFF000;
	s9 =	simm.s32 @!p0 $0x1A  }
0x171: {  	_ =	swait.ge @!p0 [sflag:s9], $0x400  }
0x172: {  	[sflag:s9] =	ssyncset.done @!p0 $0x0  }
0x173: {  	s23 =	simm.s32 $0x7C00;
	s18 =	rddreg [dreg:$0x6];
	[sflag:s9] =	ssyncadd.s32 @!p0 $0xFFFFFC00  }
0x174: {  	[tilespmem:s23], [sflag:$0x8] =	stream.indirect.gather [hbm4b:s4+s19], $0x80, s18, s19, $0xb8;
	[tilespmem:$0x1CC00] =	vst v63  }
0x175: {  	s20 =	sadd.s32 $0x70, s7;
	s21 =	simm.s32 $0xB80;
	s13 =	simm.s32 $0x5  }
0x176: {  	[tilespmem:s21], [sflag:$0x18] =	stream.linear.gather [hbm4b:s20+s29], $0x80, $0x38;
	[tilespmem:$0x1CC00] =	vst v63  }
0x177: {  	_ =	swait.ge [sflag:s13], $0x1000  }
0x178: {  	[sflag:s13] =	ssyncset.done $0x0  }
0x179: {  	s0 =	simm.s32 $0x15;
	[sflag:s13] =	ssyncadd.s32 $0xFFFFF000  }
0x17a: {  	_ =	swait.ge [sflag:s0], $0x80  }
0x17b: {  	s15 =	simm.s32 $0x4C00;
	[sflag:s0] =	ssyncset.done $0x0  }
0x17c: {  	s10 =	simm.s32 $0xA00;
	s30 =	simm.s32 $0x9;
	[sflag:s0] =	ssyncadd.s32 $0xFFFFFF80  }
0x17d: {  	[spmem:s2] =	stream.indirect.scatter.add.f32 [tilespmem:s15], [sflag:$0xD], $0x80, s10, s19, $0xb8;
	[tilespmem:$0x1CC00] =	vst v63  }
0x17e: {  	_ =	swait.ge [sflag:s30], $0x1000  }
0x17f: {  	[sflag:s30] =	ssyncset.done $0x0  }
0x180: {  	s22 =	simm.s32 $0x400;
	s15 =	simm.s32 $0xC00;
	[sflag:s30] =	ssyncadd.s32 $0xFFFFF000  }
0x181: {  	[tilespmem:s15], [sflag:$0x1] =	stream.indirect.gather [hbm4b:s4+s19], $0x80, s22, s19, $0xb8;
	[tilespmem:$0x1CC00] =	vst v63  }
0x182: {  	s21 =	simm.s32 $0x800;
	s20 =	simm.s32 $0x6;
	s10 =	sadd.s32 $0x80, s7  }
0x183: {  	[tilespmem:s21], [sflag:$0x11] =	stream.linear.gather [hbm4b:s10+s29], $0x80, $0x38;
	[tilespmem:$0x1CC00] =	vst v63  }
0x184: {  	_ =	swait.ge [sflag:s20], $0x1000  }
0x185: {  	[sflag:s20] =	ssyncset.done $0x0  }
0x186: {  	s22 =	simm.s32 $0x16;
	[sflag:s20] =	ssyncadd.s32 $0xFFFFF000  }
0x187: {  	_ =	swait.ge [sflag:s22], $0x80  }
0x188: {  	s6 =	simm.s32 $0x5C00;
	[sflag:s22] =	ssyncset.done $0x0  }
0x189: {  	s8 =	simm.s32 $0xA80;
	s10 =	simm.s32 $0xA;
	[sflag:s22] =	ssyncadd.s32 $0xFFFFFF80  }
0x18a: {  	[spmem:s2] =	stream.indirect.scatter.add.f32 [tilespmem:s6], [sflag:$0xE], $0x80, s8, s19, $0xb8;
	[tilespmem:$0x1CC00] =	vst v63  }
0x18b: {  	_ =	swait.ge [sflag:s10], $0x1000  }
0x18c: {  	[sflag:s10] =	ssyncset.done $0x0  }
0x18d: {  	s6 =	simm.s32 $0x1C00;
	s22 =	rddreg [dreg:$0x7];
	[sflag:s10] =	ssyncadd.s32 $0xFFFFF000  }
0x18e: {  	[tilespmem:s6], [sflag:$0x2] =	stream.indirect.gather [hbm4b:s4+s19], $0x80, s22, s19, $0xb8;
	[tilespmem:$0x1CC00] =	vst v63  }
0x18f: {  	s8 =	sadd.s32 $0x90, s7;
	s10 =	simm.s32 $0x880  }
0x190: {  	[tilespmem:s10], [sflag:$0x12] =	stream.linear.gather [hbm4b:s8+s29], $0x80, $0x38;
	[tilespmem:$0x1CC00] =	vst v63  }
0x191: {  	s8 =	simm.s32 $0x7  }
0x192: {  	_ =	swait.ge [sflag:s8], $0x1000  }
0x193: {  	[sflag:s8] =	ssyncset.done $0x0  }
0x194: {  	s10 =	simm.s32 $0x17;
	[sflag:s8] =	ssyncadd.s32 $0xFFFFF000  }
0x195: {  	_ =	swait.ge [sflag:s10], $0x80  }
0x196: {  	[sflag:s10] =	ssyncset.done $0x0  }
0x197: {  	s11 =	simm.s32 $0xB00;
	s20 =	simm.s32 $0x6C00;
	[sflag:s10] =	ssyncadd.s32 $0xFFFFFF80  }
0x198: {  	[spmem:s2] =	stream.indirect.scatter.add.f32 [tilespmem:s20], [sflag:$0xF], $0x80, s11, s19, $0xb8;
	[tilespmem:$0x1CC00] =	vst v63  }
0x199: {  	s11 =	simm.s32 $0xB  }
0x19a: {  	_ =	swait.ge [sflag:s11], $0x1000  }
0x19b: {  	[sflag:s11] =	ssyncset.done $0x0  }
0x19c: {  	s17 =	simm.s32 $0x2C00;
	s6 =	rddreg [dreg:$0x8];
	[sflag:s11] =	ssyncadd.s32 $0xFFFFF000  }
0x19d: {  	[tilespmem:s17], [sflag:$0x3] =	stream.indirect.gather [hbm4b:s4+s19], $0x80, s6, s19, $0xb8;
	[tilespmem:$0x1CC00] =	vst v63  }
0x19e: {  	s20 =	sadd.s32 $0xA0, s7;
	s6 =	simm.s32 $0x900  }
0x19f: {  	[tilespmem:s6], [sflag:$0x13] =	stream.linear.gather [hbm4b:s20+s29], $0x80, $0x38;
	[tilespmem:$0x1CC00] =	vst v63  }
0x1a0: {  	s20 =	simm.s32 $0x8  }
0x1a1: {  	_ =	swait.ge [sflag:s20], $0x1000  }
0x1a2: {  	[sflag:s20] =	ssyncset.done $0x0  }
0x1a3: {  	s6 =	simm.s32 $0x18;
	[sflag:s20] =	ssyncadd.s32 $0xFFFFF000  }
0x1a4: {  	_ =	swait.ge [sflag:s6], $0x80  }
0x1a5: {  	[sflag:s6] =	ssyncset.done $0x0  }
0x1a6: {  	s9 =	simm.s32 $0xC;
	s18 =	simm.s32 $0xB80;
	[sflag:s6] =	ssyncadd.s32 $0xFFFFFF80  }
0x1a7: {  	[spmem:s2] =	stream.indirect.scatter.add.f32 [tilespmem:s23], [sflag:$0x10], $0x80, s18, s19, $0xb8;
	[tilespmem:$0x1CC00] =	vst v63  }
0x1a8: {  	_ =	swait.ge [sflag:s9], $0x1000  }
0x1a9: {  	p2 =	seq.s32 s25, $0x2700;
	[sflag:s9] =	ssyncset.done $0x0  }
0x1aa: {  	s6 =	simm.s32 $0x3C00;
	s18 =	rddreg [dreg:$0x9];
	[sflag:s9] =	ssyncadd.s32 $0xFFFFF000  }
0x1ab: {  	[tilespmem:s6], [sflag:$0x4] =	stream.indirect.gather [hbm4b:s4+s19], $0x80, s18, s19, $0xb8;
	[tilespmem:$0x1CC00] =	vst v63  }
0x1ac: {  	s20 =	sadd.s32 $0xB0, s7;
	s9 =	sadd.s32 @!p2 s25, s1;
	s18 =	simm.s32 $0x980  }
0x1ad: {  	[tilespmem:s18], [sflag:$0x14] =	stream.linear.gather [hbm4b:s20+s29], $0x80, $0x38;
	[tilespmem:$0x1CC00] =	vst v63  }
0x1ae: {  	s9 =	sadd.s32 @!p2 $0x100, s9;
	s20 =	simm.s32 @!p2 $0x0  }
0x1af: {  	[tilespmem:s20], [sflag:$0x19] =	stream.linear.gather @!p2 [hbm4b:s9+s20], $0x400, $0x38;
	[tilespmem:$0x1CC00] =	vst v63  }
0x1b0: {  	s20 =	simm.s32 $0x1  }
0x1b1: {  	_ =	swait.ge [sflag:s20], $0x1000  }
0x1b2: {  	[sflag:s20] =	ssyncset.done $0x0  }
0x1b3: {  	s9 =	simm.s32 $0x11;
	[sflag:s20] =	ssyncadd.s32 $0xFFFFF000  }
0x1b4: {  	_ =	swait.ge [sflag:s9], $0x80  }
0x1b5: {  	[sflag:s9] =	ssyncset.done $0x0  }
0x1b6: {  	[sflag:s9] =	ssyncadd.s32 $0xFFFFFF80  }
0x1b7: {  	[spmem:s2] =	stream.indirect.scatter.add.f32 [tilespmem:s15], [sflag:$0x9], $0x80, s21, s19, $0xb8;
	[tilespmem:$0x1CC00] =	vst v63  }
0x1b8: {  	s15 =	simm.s32 $0xD  }
0x1b9: {  	_ =	swait.ge [sflag:s15], $0x1000  }
0x1ba: {  	[sflag:s15] =	ssyncset.done $0x0  }
0x1bb: {  	s21 =	simm.s32 $0x4C00;
	s20 =	rddreg [dreg:$0xa];
	[sflag:s15] =	ssyncadd.s32 $0xFFFFF000  }
0x1bc: {  	[tilespmem:s21], [sflag:$0x5] =	stream.indirect.gather [hbm4b:s4+s19], $0x80, s20, s19, $0xb8;
	[tilespmem:$0x1CC00] =	vst v63  }
0x1bd: {  	s1 =	sadd.s32 $0xC0, s7;
	s15 =	simm.s32 $0xA00  }
0x1be: {  	[tilespmem:s15], [sflag:$0x15] =	stream.linear.gather [hbm4b:s1+s29], $0x80, $0x38;
	[tilespmem:$0x1CC00] =	vst v63  }
0x1bf: {  	_ =	swait.ge [sflag:s14], $0x1000  }
0x1c0: {  	[sflag:s14] =	ssyncset.done $0x0  }
0x1c1: {  	[sflag:s14] =	ssyncadd.s32 $0xFFFFF000  }
0x1c2: {  	_ =	swait.ge [sflag:s16], $0x80  }
0x1c3: {  	s22 =	simm.s32 $0x880;
	[sflag:s16] =	ssyncset.done $0x0  }
0x1c4: {  	s14 =	simm.s32 $0x1C00;
	[sflag:s16] =	ssyncadd.s32 $0xFFFFFF80;
	s16 =	simm.s32 $0xE  }
0x1c5: {  	[spmem:s2] =	stream.indirect.scatter.add.f32 [tilespmem:s14], [sflag:$0xA], $0x80, s22, s19, $0xb8;
	[tilespmem:$0x1CC00] =	vst v63  }
0x1c6: {  	_ =	swait.ge [sflag:s16], $0x1000  }
0x1c7: {  	[sflag:s16] =	ssyncset.done $0x0  }
0x1c8: {  	s22 =	simm.s32 $0x5C00;
	s20 =	rddreg [dreg:$0xb];
	[sflag:s16] =	ssyncadd.s32 $0xFFFFF000  }
0x1c9: {  	[tilespmem:s22], [sflag:$0x6] =	stream.indirect.gather [hbm4b:s4+s19], $0x80, s20, s19, $0xb8;
	[tilespmem:$0x1CC00] =	vst v63  }
0x1ca: {  	s14 =	sadd.s32 $0xD0, s7;
	s16 =	simm.s32 $0xA80  }
0x1cb: {  	[tilespmem:s16], [sflag:$0x16] =	stream.linear.gather [hbm4b:s14+s29], $0x80, $0x38;
	[tilespmem:$0x1CC00] =	vst v63  }
0x1cc: {  	_ =	swait.ge [sflag:s24], $0x1000  }
0x1cd: {  	[sflag:s24] =	ssyncset.done $0x0  }
0x1ce: {  	[sflag:s24] =	ssyncadd.s32 $0xFFFFF000  }
0x1cf: {  	_ =	swait.ge [sflag:s26], $0x80  }
0x1d0: {  	s17 =	simm.s32 $0x900;
	[sflag:s26] =	ssyncset.done $0x0  }
0x1d1: {  	s20 =	simm.s32 $0x2C00;
	s22 =	simm.s32 $0xF;
	[sflag:s26] =	ssyncadd.s32 $0xFFFFFF80  }
0x1d2: {  	[spmem:s2] =	stream.indirect.scatter.add.f32 [tilespmem:s20], [sflag:$0xB], $0x80, s17, s19, $0xb8;
	[tilespmem:$0x1CC00] =	vst v63  }
0x1d3: {  	_ =	swait.ge [sflag:s22], $0x1000  }
0x1d4: {  	[sflag:s22] =	ssyncset.done $0x0  }
0x1d5: {  	s26 =	simm.s32 $0x6C00;
	s24 =	rddreg [dreg:$0xc];
	[sflag:s22] =	ssyncadd.s32 $0xFFFFF000  }
0x1d6: {  	[tilespmem:s26], [sflag:$0x7] =	stream.indirect.gather [hbm4b:s4+s19], $0x80, s24, s19, $0xb8;
	[tilespmem:$0x1CC00] =	vst v63  }
0x1d7: {  	s17 =	sadd.s32 $0xE0, s7;
	s20 =	simm.s32 $0xB00  }
0x1d8: {  	[tilespmem:s20], [sflag:$0x17] =	stream.linear.gather [hbm4b:s17+s29], $0x80, $0x38;
	[tilespmem:$0x1CC00] =	vst v63  }
0x1d9: {  	_ =	swait.ge [sflag:s28], $0x1000  }
0x1da: {  	[sflag:s28] =	ssyncset.done $0x0  }
0x1db: {  	[sflag:s28] =	ssyncadd.s32 $0xFFFFF000  }
0x1dc: {  	_ =	swait.ge [sflag:s3], $0x80  }
0x1dd: {  	[sflag:s3] =	ssyncset.done $0x0  }
0x1de: {  	s24 =	simm.s32 $0x10;
	[sflag:s3] =	ssyncadd.s32 $0xFFFFFF80  }
0x1df: {  	[spmem:s2] =	stream.indirect.scatter.add.f32 [tilespmem:s6], [sflag:$0xC], $0x80, s18, s19, $0xb8;
	[tilespmem:$0x1CC00] =	vst v63  }
0x1e0: {  	s3 =	rddreg [dreg:$0x11];
	_ =	swait.ge [sflag:s24], $0x1000  }
0x1e1: {  	[sflag:s24] =	ssyncset.done $0x0  }
0x1e2: {  	s9 =	simm.s32 @!p2 $0x19;
	[sflag:s24] =	ssyncadd.s32 $0xFFFFF000  }
0x1e3: {  	_ =	swait.ge @!p2 [sflag:s9], $0x400  }
0x1e4: {  	[sflag:s9] =	ssyncset.done @!p2 $0x0  }
0x1e5: {  	s26 =	rddreg [dreg:$0xd];
	[sflag:s9] =	ssyncadd.s32 @!p2 $0xFFFFFC00  }
0x1e6: {  	[tilespmem:s23], [sflag:$0x8] =	stream.indirect.gather [hbm4b:s4+s19], $0x80, s26, s19, $0xb8;
	[tilespmem:$0x1CC00] =	vst v63  }
0x1e7: {  	s7 =	sadd.s32 $0xF0, s7;
	s28 =	simm.s32 $0xB80  }
0x1e8: {  	[tilespmem:s28], [sflag:$0x18] =	stream.linear.gather [hbm4b:s7+s29], $0x80, $0x38;
	[tilespmem:$0x1CC00] =	vst v63  }
0x1e9: {  	_ =	swait.ge [sflag:s13], $0x1000  }
0x1ea: {  	[sflag:s13] =	ssyncset.done $0x0  }
0x1eb: {  	[sflag:s13] =	ssyncadd.s32 $0xFFFFF000  }
0x1ec: {  	_ =	swait.ge [sflag:s0], $0x80  }
0x1ed: {  	[sflag:s0] =	ssyncset.done $0x0  }
0x1ee: {  	[sflag:s0] =	ssyncadd.s32 $0xFFFFFF80  }
0x1ef: {  	[spmem:s2] =	stream.indirect.scatter.add.f32 [tilespmem:s21], [sflag:$0xD], $0x80, s15, s19, $0xb8;
	[tilespmem:$0x1CC00] =	vst v63  }
0x1f0: {  	_ =	swait.ge [sflag:s30], $0x1000  }
0x1f1: {  	p2 =	sgt.u32 s31, $0x4E;
	[sflag:s30] =	ssyncset.done $0x0  }
0x1f2: {  	s7 =	simm.s32 @p2 $0x6;
	[sflag:s30] =	ssyncadd.s32 $0xFFFFF000  }
0x1f3: {  	_ =	swait.ge @p2 [sflag:s7], $0x1000  }
0x1f4: {  	[sflag:s7] =	ssyncset.done @p2 $0x0  }
0x1f5: {  	s0 =	simm.s32 @p2 $0x16;
	[sflag:s7] =	ssyncadd.s32 @p2 $0xFFFFF000  }
0x1f6: {  	s30 =	rddreg [dreg:$0x10];
	_ =	swait.ge @p2 [sflag:s0], $0x80  }
0x1f7: {  	s6 =	simm.s32 @p2 $0x5C00;
	s23 =	simm.s32 @p2 $0x20;
	[sflag:s0] =	ssyncset.done @p2 $0x0  }
0x1f8: {  	s7 =	simm.s32 @p2 $0xA80;
	[sflag:s0] =	ssyncadd.s32 @p2 $0xFFFFFF80;
	s0 =	simm.s32 @p2 $0xA  }
0x1f9: {  	[spmem:s2] =	stream.indirect.scatter.add.f32 @p2 [tilespmem:s6], [sflag:$0xE], $0x80, s7, s23, $0xb8;
	[tilespmem:$0x1CC00] =	vst v63  }
0x1fa: {  	_ =	swait.ge @p2 [sflag:s0], $0x1000  }
0x1fb: {  	s20 =	sadd.s32 @!p2 s25, s12;
	s1 =	simm.s32 @!p2 $0xC00;
	[sflag:s0] =	ssyncset.done @p2 $0x0  }
0x1fc: {  	s6 =	simm.s32 @!p2 $0x20;
	s7 =	simm.s32 @!p2 $0x0;
	[sflag:s0] =	ssyncadd.s32 @p2 $0xFFFFF000  }
0x1fd: {  	[tilespmem:s1], [sflag:$0x1] =	stream.indirect.gather @!p2 [hbm4b:s4+s6], $0x80, s7, s6, $0xb8;
	[tilespmem:$0x1CC00] =	vst v63  }
0x1fe: {  	s15 =	sadd.s32 @!p2 $0x100, s20;
	s0 =	simm.s32 @!p2 $0x800;
	s1 =	simm.s32 @!p2 $0x6  }
0x1ff: {  	[tilespmem:s0], [sflag:$0x11] =	stream.linear.gather @!p2 [hbm4b:s15+s7], $0x80, $0x38;
	[tilespmem:$0x1CC00] =	vst v63  }
0x200: {  	_ =	swait.ge @!p2 [sflag:s1], $0x1000  }
0x201: {  	[sflag:s1] =	ssyncset.done @!p2 $0x0  }
0x202: {  	s0 =	simm.s32 @!p2 $0x16;
	[sflag:s1] =	ssyncadd.s32 @!p2 $0xFFFFF000  }
0x203: {  	_ =	swait.ge @!p2 [sflag:s0], $0x80  }
0x204: {  	s15 =	simm.s32 @!p2 $0x5C00;
	[sflag:s0] =	ssyncset.done @!p2 $0x0  }
0x205: {  	s1 =	simm.s32 @!p2 $0xA80;
	[sflag:s0] =	ssyncadd.s32 @!p2 $0xFFFFFF80;
	s0 =	simm.s32 @!p2 $0xA  }
0x206: {  	[spmem:s2] =	stream.indirect.scatter.add.f32 @!p2 [tilespmem:s15], [sflag:$0xE], $0x80, s1, s6, $0xb8;
	[tilespmem:$0x1CC00] =	vst v63  }
0x207: {  	_ =	swait.ge @!p2 [sflag:s0], $0x1000  }
0x208: {  	[sflag:s0] =	ssyncset.done @!p2 $0x0  }
0x209: {  	s1 =	simm.s32 @!p2 $0x80;
	s15 =	simm.s32 @!p2 $0x1C00;
	[sflag:s0] =	ssyncadd.s32 @!p2 $0xFFFFF000  }
0x20a: {  	[tilespmem:s15], [sflag:$0x2] =	stream.indirect.gather @!p2 [hbm4b:s4+s6], $0x80, s1, s6, $0xb8;
	[tilespmem:$0x1CC00] =	vst v63  }
0x20b: {  	s9 =	sadd.s32 @!p2 $0x110, s20;
	s0 =	simm.s32 @!p2 $0x880  }
0x20c: {  	[tilespmem:s0], [sflag:$0x12] =	stream.linear.gather @!p2 [hbm4b:s9+s7], $0x80, $0x38;
	[tilespmem:$0x1CC00] =	vst v63  }
0x20d: {  	_ =	swait.ge [sflag:s8], $0x1000  }
0x20e: {  	[sflag:s8] =	ssyncset.done $0x0  }
0x20f: {  	[sflag:s8] =	ssyncadd.s32 $0xFFFFF000  }
0x210: {  	_ =	swait.ge [sflag:s10], $0x80  }
0x211: {  	[sflag:s10] =	ssyncset.done $0x0  }
0x212: {  	s14 =	simm.s32 $0x6C00;
	s22 =	simm.s32 $0xB00;
	[sflag:s10] =	ssyncadd.s32 $0xFFFFFF80  }
0x213: {  	[spmem:s2] =	stream.indirect.scatter.add.f32 [tilespmem:s14], [sflag:$0xF], $0x80, s22, s19, $0xb8;
	[tilespmem:$0x1CC00] =	vst v63  }
0x214: {  	_ =	swait.ge [sflag:s11], $0x1000  }
0x215: {  	[sflag:s11] =	ssyncset.done $0x0  }
0x216: {  	s0 =	simm.s32 @p2 $0x8;
	[sflag:s11] =	ssyncadd.s32 $0xFFFFF000  }
0x217: {  	_ =	swait.ge @p2 [sflag:s0], $0x1000  }
0x218: {  	[sflag:s0] =	ssyncset.done @p2 $0x0  }
0x219: {  	s1 =	simm.s32 @p2 $0x18;
	[sflag:s0] =	ssyncadd.s32 @p2 $0xFFFFF000  }
0x21a: {  	_ =	swait.ge @p2 [sflag:s1], $0x80  }
0x21b: {  	s9 =	simm.s32 @p2 $0x7C00;
	[sflag:s1] =	ssyncset.done @p2 $0x0  }
0x21c: {  	s0 =	simm.s32 @p2 $0xB80;
	[sflag:s1] =	ssyncadd.s32 @p2 $0xFFFFFF80;
	s1 =	simm.s32 @p2 $0xC  }
0x21d: {  	[spmem:s2] =	stream.indirect.scatter.add.f32 @p2 [tilespmem:s9], [sflag:$0x10], $0x80, s0, s23, $0xb8;
	[tilespmem:$0x1CC00] =	vst v63  }
0x21e: {  	_ =	swait.ge @p2 [sflag:s1], $0x1000  }
0x21f: {  	[sflag:s1] =	ssyncset.done @p2 $0x0  }
0x220: {  	s0 =	simm.s32 @!p2 $0x100;
	s9 =	simm.s32 @!p2 $0x2C00;
	[sflag:s1] =	ssyncadd.s32 @p2 $0xFFFFF000  }
0x221: {  	[tilespmem:s9], [sflag:$0x3] =	stream.indirect.gather @!p2 [hbm4b:s4+s6], $0x80, s0, s6, $0xb8;
	[tilespmem:$0x1CC00] =	vst v63  }
0x222: {  	s21 =	sadd.s32 @!p2 $0x120, s20;
	s1 =	simm.s32 @!p2 $0x900;
	s0 =	simm.s32 @!p2 $0x8  }
0x223: {  	[tilespmem:s1], [sflag:$0x13] =	stream.linear.gather @!p2 [hbm4b:s21+s7], $0x80, $0x38;
	[tilespmem:$0x1CC00] =	vst v63  }
0x224: {  	_ =	swait.ge @!p2 [sflag:s0], $0x1000  }
0x225: {  	[sflag:s0] =	ssyncset.done @!p2 $0x0  }
0x226: {  	s1 =	simm.s32 @!p2 $0x18;
	[sflag:s0] =	ssyncadd.s32 @!p2 $0xFFFFF000  }
0x227: {  	s5 =	sadd.s32 $0x100, s5;
	_ =	swait.ge @!p2 [sflag:s1], $0x80  }
0x228: {  	p1 =	sne.s32 s5, $0x2800;
	[sflag:s1] =	ssyncset.done @!p2 $0x0  }
0x229: {  	s9 =	simm.s32 @!p2 $0x7C00;
	s0 =	simm.s32 @!p2 $0xB80;
	[sflag:s1] =	ssyncadd.s32 @!p2 $0xFFFFFF80  }
0x22a: {  	[spmem:s2] =	stream.indirect.scatter.add.f32 @!p2 [tilespmem:s9], [sflag:$0x10], $0x80, s0, s6, $0xb8;
	[tilespmem:$0x1CC00] =	vst v63  }
.Ltmp0:
0x22b: {  	p0 =	por p3, p3;
	s1 =	simm.s32 @!p2 $0xC;
	(pc) =	sbr.rel @p1 .LBB2_2-.Ltmp0, $4  }
0x22c: {  	s31 =	sadd.s32 $0x2, s31;
	s20 =	sadd.s32 @!p2 $0x130, s20;
	_ =	swait.ge @!p2 [sflag:s1], $0x1000  }
0x22d: {  	s25 =	smov.u32 s30;
	s15 =	simm.s32 @!p2 $0x3C00;
	[sflag:s1] =	ssyncset.done @!p2 $0x0  }
0x22e: {  	s0 =	simm.s32 @!p2 $0x180;
	s9 =	simm.s32 @!p2 $0x980;
	[sflag:s1] =	ssyncadd.s32 @!p2 $0xFFFFF000  }
0x22f: {  	[tilespmem:s15], [sflag:$0x4] =	stream.indirect.gather @!p2 [hbm4b:s4+s6], $0x80, s0, s6, $0xb8;
	[tilespmem:$0x1CC00] =	vst v63  }
0x230: {  	[tilespmem:s9], [sflag:$0x14] =	stream.linear.gather @!p2 [hbm4b:s20+s7], $0x80, $0x38;
	[tilespmem:$0x1CC00] =	vst v63  }
0x231: {  	s0 =	simm.s32 @p0 $0x1  }
0x232: {  	_ =	swait.ge @p0 [sflag:s0], $0x1000  }
0x233: {  	[sflag:s0] =	ssyncset.done @p0 $0x0  }
0x234: {  	[sflag:s0] =	ssyncadd.s32 @p0 $0xFFFFF000;
	s0 =	simm.s32 @p0 $0x11  }
0x235: {  	_ =	swait.ge @p0 [sflag:s0], $0x80  }
0x236: {  	[sflag:s0] =	ssyncset.done @p0 $0x0  }
0x237: {  	s1 =	simm.s32 @p0 $0xC00;
	[sflag:s0] =	ssyncadd.s32 @p0 $0xFFFFFF80  }
0x238: {  	s5 =	simm.s32 @p0 $0x800;
	s0 =	simm.s32 @p0 $0x20;
	s2 =	rddreg [dreg:$0x1]  }
0x239: {  	[spmem:s2] =	stream.indirect.scatter.add.f32 @p0 [tilespmem:s1], [sflag:$0x9], $0x80, s5, s0, $0xb8;
	[tilespmem:$0x1CC00] =	vst v63  }
0x23a: {  	s0 =	simm.s32 @!p0 $0x0;
	s1 =	simm.s32 @!p0 $0x400;
	s5 =	simm.s32 @!p0 $0x1  }
0x23b: {  	[tilespmem:s1], [sflag:$0x1A] =	stream.linear.gather @!p0 [hbm4b:s3+s0], $0x400, $0x38;
	[tilespmem:$0x1CC00] =	vst v63  }
0x23c: {  	_ =	swait.ge @!p0 [sflag:s5], $0x1000  }
0x23d: {  	[sflag:s5] =	ssyncset.done @!p0 $0x0  }
0x23e: {  	s0 =	simm.s32 @!p0 $0x11;
	[sflag:s5] =	ssyncadd.s32 @!p0 $0xFFFFF000  }
0x23f: {  	_ =	swait.ge @!p0 [sflag:s0], $0x80  }
0x240: {  	s6 =	simm.s32 @!p0 $0x800;
	s1 =	simm.s32 @!p0 $0xC00;
	[sflag:s0] =	ssyncset.done @!p0 $0x0  }
0x241: {  	s5 =	simm.s32 @!p0 $0xD;
	[sflag:s0] =	ssyncadd.s32 @!p0 $0xFFFFFF80;
	s0 =	simm.s32 @!p0 $0x20  }
0x242: {  	[spmem:s2] =	stream.indirect.scatter.add.f32 @!p0 [tilespmem:s1], [sflag:$0x9], $0x80, s6, s0, $0xb8;
	[tilespmem:$0x1CC00] =	vst v63  }
0x243: {  	s9 =	simm.s32 $0x4C00;
	_ =	swait.ge @!p0 [sflag:s5], $0x1000  }
0x244: {  	s11 =	simm.s32 $0xA00;
	[sflag:s5] =	ssyncset.done @!p0 $0x0;
	s8 =	rddreg [dreg:$0xe]  }
0x245: {  	s7 =	rddreg [dreg:$0x3];
	[sflag:s5] =	ssyncadd.s32 @!p0 $0xFFFFF000;
	s5 =	sadd.s32 s25, s8  }
0x246: {  	[tilespmem:s9], [sflag:$0x5] =	stream.indirect.gather [hbm4b:s4+s19], $0x80, s7, s19, $0xb8;
	[tilespmem:$0x1CC00] =	vst v63  }
0x247: {  	s18 =	simm.s32 $0x0;
	s14 =	simm.s32 $0x2;
	s10 =	sadd.s32 $0x40, s5  }
0x248: {  	[tilespmem:s11], [sflag:$0x15] =	stream.linear.gather [hbm4b:s10+s18], $0x80, $0x38;
	[tilespmem:$0x1CC00] =	vst v63  }
0x249: {  	_ =	swait.ge [sflag:s14], $0x1000  }
0x24a: {  	[sflag:s14] =	ssyncset.done $0x0  }
0x24b: {  	s16 =	simm.s32 $0x12;
	[sflag:s14] =	ssyncadd.s32 $0xFFFFF000  }
0x24c: {  	_ =	swait.ge [sflag:s16], $0x80  }
0x24d: {  	s12 =	simm.s32 $0x1C00;
	[sflag:s16] =	ssyncset.done $0x0  }
0x24e: {  	s24 =	simm.s32 $0x880;
	s0 =	simm.s32 @!p0 $0xE;
	[sflag:s16] =	ssyncadd.s32 $0xFFFFFF80  }
0x24f: {  	[spmem:s2] =	stream.indirect.scatter.add.f32 [tilespmem:s12], [sflag:$0xA], $0x80, s24, s19, $0xb8;
	[tilespmem:$0x1CC00] =	vst v63  }
0x250: {  	_ =	swait.ge @!p0 [sflag:s0], $0x1000  }
0x251: {  	[sflag:s0] =	ssyncset.done @!p0 $0x0  }
0x252: {  	s15 =	simm.s32 $0x5C00;
	s13 =	rddreg [dreg:$0x4];
	[sflag:s0] =	ssyncadd.s32 @!p0 $0xFFFFF000  }
0x253: {  	[tilespmem:s15], [sflag:$0x6] =	stream.indirect.gather [hbm4b:s4+s19], $0x80, s13, s19, $0xb8;
	[tilespmem:$0x1CC00] =	vst v63  }
0x254: {  	s20 =	simm.s32 $0xA80;
	s22 =	simm.s32 $0x3;
	s17 =	sadd.s32 $0x50, s5  }
0x255: {  	[tilespmem:s20], [sflag:$0x16] =	stream.linear.gather [hbm4b:s17+s18], $0x80, $0x38;
	[tilespmem:$0x1CC00] =	vst v63  }
0x256: {  	_ =	swait.ge [sflag:s22], $0x1000  }
0x257: {  	[sflag:s22] =	ssyncset.done $0x0  }
0x258: {  	s23 =	simm.s32 $0x13;
	[sflag:s22] =	ssyncadd.s32 $0xFFFFF000  }
0x259: {  	_ =	swait.ge [sflag:s23], $0x80  }
0x25a: {  	s0 =	simm.s32 @!p0 $0xF;
	[sflag:s23] =	ssyncset.done $0x0  }
0x25b: {  	s17 =	simm.s32 $0x2C00;
	s20 =	simm.s32 $0x900;
	[sflag:s23] =	ssyncadd.s32 $0xFFFFFF80  }
0x25c: {  	[spmem:s2] =	stream.indirect.scatter.add.f32 [tilespmem:s17], [sflag:$0xB], $0x80, s20, s19, $0xb8;
	[tilespmem:$0x1CC00] =	vst v63  }
0x25d: {  	_ =	swait.ge @!p0 [sflag:s0], $0x1000  }
0x25e: {  	[sflag:s0] =	ssyncset.done @!p0 $0x0  }
0x25f: {  	s26 =	simm.s32 $0x6C00;
	s21 =	rddreg [dreg:$0x5];
	[sflag:s0] =	ssyncadd.s32 @!p0 $0xFFFFF000  }
0x260: {  	[tilespmem:s26], [sflag:$0x7] =	stream.indirect.gather [hbm4b:s4+s19], $0x80, s21, s19, $0xb8;
	[tilespmem:$0x1CC00] =	vst v63  }
0x261: {  	s29 =	simm.s32 $0xB00;
	s28 =	sadd.s32 $0x60, s5;
	s26 =	simm.s32 $0x4  }
0x262: {  	[tilespmem:s29], [sflag:$0x17] =	stream.linear.gather [hbm4b:s28+s18], $0x80, $0x38;
	[tilespmem:$0x1CC00] =	vst v63  }
0x263: {  	_ =	swait.ge [sflag:s26], $0x1000  }
0x264: {  	[sflag:s26] =	ssyncset.done $0x0  }
0x265: {  	s28 =	simm.s32 $0x14;
	[sflag:s26] =	ssyncadd.s32 $0xFFFFF000  }
0x266: {  	_ =	swait.ge [sflag:s28], $0x80  }
0x267: {  	s12 =	simm.s32 $0x980;
	[sflag:s28] =	ssyncset.done $0x0  }
0x268: {  	s0 =	simm.s32 @!p0 $0x10;
	s21 =	simm.s32 $0x3C00;
	[sflag:s28] =	ssyncadd.s32 $0xFFFFFF80  }
0x269: {  	[spmem:s2] =	stream.indirect.scatter.add.f32 [tilespmem:s21], [sflag:$0xC], $0x80, s12, s19, $0xb8;
	[tilespmem:$0x1CC00] =	vst v63  }
0x26a: {  	_ =	swait.ge @!p0 [sflag:s0], $0x1000  }
0x26b: {  	[sflag:s0] =	ssyncset.done @!p0 $0x0  }
0x26c: {  	[sflag:s0] =	ssyncadd.s32 @!p0 $0xFFFFF000;
	s0 =	simm.s32 @!p0 $0x1A  }
0x26d: {  	_ =	swait.ge @!p0 [sflag:s0], $0x400  }
0x26e: {  	[sflag:s0] =	ssyncset.done @!p0 $0x0  }
0x26f: {  	s29 =	simm.s32 $0x7C00;
	s30 =	rddreg [dreg:$0x6];
	[sflag:s0] =	ssyncadd.s32 @!p0 $0xFFFFFC00  }
0x270: {  	[tilespmem:s29], [sflag:$0x8] =	stream.indirect.gather [hbm4b:s4+s19], $0x80, s30, s19, $0xb8;
	[tilespmem:$0x1CC00] =	vst v63  }
0x271: {  	s3 =	sadd.s32 $0x70, s5;
	s15 =	simm.s32 $0xB80;
	s13 =	simm.s32 $0x5  }
0x272: {  	[tilespmem:s15], [sflag:$0x18] =	stream.linear.gather [hbm4b:s3+s18], $0x80, $0x38;
	[tilespmem:$0x1CC00] =	vst v63  }
0x273: {  	_ =	swait.ge [sflag:s13], $0x1000  }
0x274: {  	[sflag:s13] =	ssyncset.done $0x0  }
0x275: {  	s3 =	simm.s32 $0x15;
	[sflag:s13] =	ssyncadd.s32 $0xFFFFF000  }
0x276: {  	_ =	swait.ge [sflag:s3], $0x80  }
0x277: {  	s6 =	simm.s32 $0x4C00;
	[sflag:s3] =	ssyncset.done $0x0  }
0x278: {  	s7 =	simm.s32 $0xA00;
	s30 =	simm.s32 $0x9;
	[sflag:s3] =	ssyncadd.s32 $0xFFFFFF80  }
0x279: {  	[spmem:s2] =	stream.indirect.scatter.add.f32 [tilespmem:s6], [sflag:$0xD], $0x80, s7, s19, $0xb8;
	[tilespmem:$0x1CC00] =	vst v63  }
0x27a: {  	_ =	swait.ge [sflag:s30], $0x1000  }
0x27b: {  	[sflag:s30] =	ssyncset.done $0x0  }
0x27c: {  	s6 =	simm.s32 $0x400;
	s7 =	simm.s32 $0xC00;
	[sflag:s30] =	ssyncadd.s32 $0xFFFFF000  }
0x27d: {  	[tilespmem:s7], [sflag:$0x1] =	stream.indirect.gather [hbm4b:s4+s19], $0x80, s6, s19, $0xb8;
	[tilespmem:$0x1CC00] =	vst v63  }
0x27e: {  	s1 =	sadd.s32 $0x80, s5;
	s6 =	simm.s32 $0x800  }
0x27f: {  	[tilespmem:s6], [sflag:$0x11] =	stream.linear.gather [hbm4b:s1+s18], $0x80, $0x38;
	[tilespmem:$0x1CC00] =	vst v63  }
0x280: {  	s1 =	simm.s32 $0x6  }
0x281: {  	_ =	swait.ge [sflag:s1], $0x1000  }
0x282: {  	[sflag:s1] =	ssyncset.done $0x0  }
0x283: {  	[sflag:s1] =	ssyncadd.s32 $0xFFFFF000;
	s1 =	simm.s32 $0x16  }
0x284: {  	_ =	swait.ge [sflag:s1], $0x80  }
0x285: {  	[sflag:s1] =	ssyncset.done $0x0  }
0x286: {  	s8 =	simm.s32 $0xA80;
	s9 =	simm.s32 $0x5C00;
	[sflag:s1] =	ssyncadd.s32 $0xFFFFFF80  }
0x287: {  	[spmem:s2] =	stream.indirect.scatter.add.f32 [tilespmem:s9], [sflag:$0xE], $0x80, s8, s19, $0xb8;
	[tilespmem:$0x1CC00] =	vst v63  }
0x288: {  	s8 =	simm.s32 $0xA  }
0x289: {  	_ =	swait.ge [sflag:s8], $0x1000  }
0x28a: {  	[sflag:s8] =	ssyncset.done $0x0  }
0x28b: {  	s9 =	rddreg [dreg:$0x7];
	[sflag:s8] =	ssyncadd.s32 $0xFFFFF000;
	s8 =	simm.s32 $0x1C00  }
0x28c: {  	[tilespmem:s8], [sflag:$0x2] =	stream.indirect.gather [hbm4b:s4+s19], $0x80, s9, s19, $0xb8;
	[tilespmem:$0x1CC00] =	vst v63  }
0x28d: {  	s9 =	sadd.s32 $0x90, s5;
	s8 =	simm.s32 $0x7  }
0x28e: {  	[tilespmem:s24], [sflag:$0x12] =	stream.linear.gather [hbm4b:s9+s18], $0x80, $0x38;
	[tilespmem:$0x1CC00] =	vst v63  }
0x28f: {  	_ =	swait.ge [sflag:s8], $0x1000  }
0x290: {  	[sflag:s8] =	ssyncset.done $0x0  }
0x291: {  	s9 =	simm.s32 $0x17;
	[sflag:s8] =	ssyncadd.s32 $0xFFFFF000  }
0x292: {  	_ =	swait.ge [sflag:s9], $0x80  }
0x293: {  	[sflag:s9] =	ssyncset.done $0x0  }
0x294: {  	s10 =	simm.s32 $0x6C00;
	s11 =	simm.s32 $0xB00;
	[sflag:s9] =	ssyncadd.s32 $0xFFFFFF80  }
0x295: {  	[spmem:s2] =	stream.indirect.scatter.add.f32 [tilespmem:s10], [sflag:$0xF], $0x80, s11, s19, $0xb8;
	[tilespmem:$0x1CC00] =	vst v63  }
0x296: {  	s10 =	simm.s32 $0xB  }
0x297: {  	_ =	swait.ge [sflag:s10], $0x1000  }
0x298: {  	[sflag:s10] =	ssyncset.done $0x0  }
0x299: {  	s1 =	rddreg [dreg:$0x8];
	[sflag:s10] =	ssyncadd.s32 $0xFFFFF000  }
0x29a: {  	[tilespmem:s17], [sflag:$0x3] =	stream.indirect.gather [hbm4b:s4+s19], $0x80, s1, s19, $0xb8;
	[tilespmem:$0x1CC00] =	vst v63  }
0x29b: {  	s11 =	sadd.s32 $0xA0, s5;
	s1 =	simm.s32 $0x8  }
0x29c: {  	[tilespmem:s20], [sflag:$0x13] =	stream.linear.gather [hbm4b:s11+s18], $0x80, $0x38;
	[tilespmem:$0x1CC00] =	vst v63  }
0x29d: {  	_ =	swait.ge [sflag:s1], $0x1000  }
0x29e: {  	[sflag:s1] =	ssyncset.done $0x0  }
0x29f: {  	s11 =	simm.s32 $0x18;
	[sflag:s1] =	ssyncadd.s32 $0xFFFFF000  }
0x2a0: {  	_ =	swait.ge [sflag:s11], $0x80  }
0x2a1: {  	[sflag:s11] =	ssyncset.done $0x0  }
0x2a2: {  	s0 =	simm.s32 $0xC;
	[sflag:s11] =	ssyncadd.s32 $0xFFFFFF80  }
0x2a3: {  	[spmem:s2] =	stream.indirect.scatter.add.f32 [tilespmem:s29], [sflag:$0x10], $0x80, s15, s19, $0xb8;
	[tilespmem:$0x1CC00] =	vst v63  }
0x2a4: {  	_ =	swait.ge [sflag:s0], $0x1000  }
0x2a5: {  	s11 =	rddreg [dreg:$0x9];
	[sflag:s0] =	ssyncset.done $0x0  }
0x2a6: {  	p0 =	seq.s32 s25, $0x2700;
	[sflag:s0] =	ssyncadd.s32 $0xFFFFF000;
	s0 =	rddreg [dreg:$0xf]  }
0x2a7: {  	[tilespmem:s21], [sflag:$0x4] =	stream.indirect.gather [hbm4b:s4+s19], $0x80, s11, s19, $0xb8;
	[tilespmem:$0x1CC00] =	vst v63  }
0x2a8: {  	s1 =	sadd.s32 $0xB0, s5;
	s0 =	sadd.s32 @!p0 s25, s0  }
0x2a9: {  	[tilespmem:s12], [sflag:$0x14] =	stream.linear.gather [hbm4b:s1+s18], $0x80, $0x38;
	[tilespmem:$0x1CC00] =	vst v63  }
0x2aa: {  	s11 =	simm.s32 $0x1;
	s0 =	sadd.s32 @!p0 $0x100, s0;
	s1 =	simm.s32 @!p0 $0x0  }
0x2ab: {  	[tilespmem:s1], [sflag:$0x19] =	stream.linear.gather @!p0 [hbm4b:s0+s1], $0x400, $0x38;
	[tilespmem:$0x1CC00] =	vst v63  }
0x2ac: {  	_ =	swait.ge [sflag:s11], $0x1000  }
0x2ad: {  	[sflag:s11] =	ssyncset.done $0x0  }
0x2ae: {  	s1 =	simm.s32 $0x11;
	[sflag:s11] =	ssyncadd.s32 $0xFFFFF000  }
0x2af: {  	_ =	swait.ge [sflag:s1], $0x80  }
0x2b0: {  	[sflag:s1] =	ssyncset.done $0x0  }
0x2b1: {  	s11 =	simm.s32 $0xD;
	[sflag:s1] =	ssyncadd.s32 $0xFFFFFF80  }
0x2b2: {  	[spmem:s2] =	stream.indirect.scatter.add.f32 [tilespmem:s7], [sflag:$0x9], $0x80, s6, s19, $0xb8;
	[tilespmem:$0x1CC00] =	vst v63  }
0x2b3: {  	_ =	swait.ge [sflag:s11], $0x1000  }
0x2b4: {  	[sflag:s11] =	ssyncset.done $0x0  }
0x2b5: {  	s7 =	simm.s32 $0x4C00;
	s6 =	rddreg [dreg:$0xa];
	[sflag:s11] =	ssyncadd.s32 $0xFFFFF000  }
0x2b6: {  	[tilespmem:s7], [sflag:$0x5] =	stream.indirect.gather [hbm4b:s4+s19], $0x80, s6, s19, $0xb8;
	[tilespmem:$0x1CC00] =	vst v63  }
0x2b7: {  	s1 =	sadd.s32 $0xC0, s5;
	s7 =	simm.s32 $0xA00  }
0x2b8: {  	[tilespmem:s7], [sflag:$0x15] =	stream.linear.gather [hbm4b:s1+s18], $0x80, $0x38;
	[tilespmem:$0x1CC00] =	vst v63  }
0x2b9: {  	_ =	swait.ge [sflag:s14], $0x1000  }
0x2ba: {  	[sflag:s14] =	ssyncset.done $0x0  }
0x2bb: {  	[sflag:s14] =	ssyncadd.s32 $0xFFFFF000  }
0x2bc: {  	_ =	swait.ge [sflag:s16], $0x80  }
0x2bd: {  	[sflag:s16] =	ssyncset.done $0x0  }
0x2be: {  	s14 =	simm.s32 $0x1C00;
	[sflag:s16] =	ssyncadd.s32 $0xFFFFFF80  }
0x2bf: {  	[spmem:s2] =	stream.indirect.scatter.add.f32 [tilespmem:s14], [sflag:$0xA], $0x80, s24, s19, $0xb8;
	[tilespmem:$0x1CC00] =	vst v63  }
0x2c0: {  	s14 =	simm.s32 $0xE  }
0x2c1: {  	_ =	swait.ge [sflag:s14], $0x1000  }
0x2c2: {  	[sflag:s14] =	ssyncset.done $0x0  }
0x2c3: {  	s24 =	simm.s32 $0x5C00;
	s16 =	rddreg [dreg:$0xb];
	[sflag:s14] =	ssyncadd.s32 $0xFFFFF000  }
0x2c4: {  	[tilespmem:s24], [sflag:$0x6] =	stream.indirect.gather [hbm4b:s4+s19], $0x80, s16, s19, $0xb8;
	[tilespmem:$0x1CC00] =	vst v63  }
0x2c5: {  	s16 =	sadd.s32 $0xD0, s5;
	s24 =	simm.s32 $0xA80  }
0x2c6: {  	[tilespmem:s24], [sflag:$0x16] =	stream.linear.gather [hbm4b:s16+s18], $0x80, $0x38;
	[tilespmem:$0x1CC00] =	vst v63  }
0x2c7: {  	_ =	swait.ge [sflag:s22], $0x1000  }
0x2c8: {  	[sflag:s22] =	ssyncset.done $0x0  }
0x2c9: {  	[sflag:s22] =	ssyncadd.s32 $0xFFFFF000  }
0x2ca: {  	_ =	swait.ge [sflag:s23], $0x80  }
0x2cb: {  	[sflag:s23] =	ssyncset.done $0x0  }
0x2cc: {  	s16 =	simm.s32 $0xF;
	[sflag:s23] =	ssyncadd.s32 $0xFFFFFF80  }
0x2cd: {  	[spmem:s2] =	stream.indirect.scatter.add.f32 [tilespmem:s17], [sflag:$0xB], $0x80, s20, s19, $0xb8;
	[tilespmem:$0x1CC00] =	vst v63  }
0x2ce: {  	_ =	swait.ge [sflag:s16], $0x1000  }
0x2cf: {  	[sflag:s16] =	ssyncset.done $0x0  }
0x2d0: {  	s17 =	simm.s32 $0x6C00;
	s1 =	rddreg [dreg:$0xc];
	[sflag:s16] =	ssyncadd.s32 $0xFFFFF000  }
0x2d1: {  	[tilespmem:s17], [sflag:$0x7] =	stream.indirect.gather [hbm4b:s4+s19], $0x80, s1, s19, $0xb8;
	[tilespmem:$0x1CC00] =	vst v63  }
0x2d2: {  	s22 =	simm.s32 $0xB00;
	s20 =	sadd.s32 $0xE0, s5  }
0x2d3: {  	[tilespmem:s22], [sflag:$0x17] =	stream.linear.gather [hbm4b:s20+s18], $0x80, $0x38;
	[tilespmem:$0x1CC00] =	vst v63  }
0x2d4: {  	_ =	swait.ge [sflag:s26], $0x1000  }
0x2d5: {  	[sflag:s26] =	ssyncset.done $0x0  }
0x2d6: {  	[sflag:s26] =	ssyncadd.s32 $0xFFFFF000  }
0x2d7: {  	_ =	swait.ge [sflag:s28], $0x80  }
0x2d8: {  	[sflag:s28] =	ssyncset.done $0x0  }
0x2d9: {  	s24 =	simm.s32 $0x10;
	[sflag:s28] =	ssyncadd.s32 $0xFFFFFF80  }
0x2da: {  	[spmem:s2] =	stream.indirect.scatter.add.f32 [tilespmem:s21], [sflag:$0xC], $0x80, s12, s19, $0xb8;
	[tilespmem:$0x1CC00] =	vst v63  }
0x2db: {  	_ =	swait.ge [sflag:s24], $0x1000  }
0x2dc: {  	[sflag:s24] =	ssyncset.done $0x0  }
0x2dd: {  	s0 =	simm.s32 @!p0 $0x19;
	[sflag:s24] =	ssyncadd.s32 $0xFFFFF000  }
0x2de: {  	_ =	swait.ge @!p0 [sflag:s0], $0x400  }
0x2df: {  	[sflag:s0] =	ssyncset.done @!p0 $0x0  }
0x2e0: {  	s26 =	rddreg [dreg:$0xd];
	[sflag:s0] =	ssyncadd.s32 @!p0 $0xFFFFFC00  }
0x2e1: {  	[tilespmem:s29], [sflag:$0x8] =	stream.indirect.gather [hbm4b:s4+s19], $0x80, s26, s19, $0xb8;
	[tilespmem:$0x1CC00] =	vst v63  }
0x2e2: {  	s28 =	sadd.s32 $0xF0, s5  }
0x2e3: {  	[tilespmem:s15], [sflag:$0x18] =	stream.linear.gather [hbm4b:s28+s18], $0x80, $0x38;
	[tilespmem:$0x1CC00] =	vst v63  }
0x2e4: {  	_ =	swait.ge [sflag:s13], $0x1000  }
0x2e5: {  	[sflag:s13] =	ssyncset.done $0x0  }
0x2e6: {  	[sflag:s13] =	ssyncadd.s32 $0xFFFFF000  }
0x2e7: {  	_ =	swait.ge [sflag:s3], $0x80  }
0x2e8: {  	[sflag:s3] =	ssyncset.done $0x0  }
0x2e9: {  	s6 =	simm.s32 $0x4C00;
	s7 =	simm.s32 $0xA00;
	[sflag:s3] =	ssyncadd.s32 $0xFFFFFF80  }
0x2ea: {  	[spmem:s2] =	stream.indirect.scatter.add.f32 [tilespmem:s6], [sflag:$0xD], $0x80, s7, s19, $0xb8;
	[tilespmem:$0x1CC00] =	vst v63  }
0x2eb: {  	_ =	swait.ge [sflag:s30], $0x1000  }
0x2ec: {  	p0 =	sgt.u32 s31, $0x4E;
	[sflag:s30] =	ssyncset.done $0x0  }
0x2ed: {  	s0 =	simm.s32 @p0 $0x6;
	[sflag:s30] =	ssyncadd.s32 $0xFFFFF000  }
0x2ee: {  	_ =	swait.ge @p0 [sflag:s0], $0x1000  }
0x2ef: {  	[sflag:s0] =	ssyncset.done @p0 $0x0  }
0x2f0: {  	s1 =	simm.s32 @p0 $0x16;
	[sflag:s0] =	ssyncadd.s32 @p0 $0xFFFFF000  }
0x2f1: {  	_ =	swait.ge @p0 [sflag:s1], $0x80  }
0x2f2: {  	s5 =	simm.s32 @p0 $0xA80;
	s3 =	simm.s32 @p0 $0x20;
	[sflag:s1] =	ssyncset.done @p0 $0x0  }
0x2f3: {  	s0 =	simm.s32 @p0 $0x5C00;
	[sflag:s1] =	ssyncadd.s32 @p0 $0xFFFFFF80;
	s1 =	simm.s32 @p0 $0xA  }
0x2f4: {  	[spmem:s2] =	stream.indirect.scatter.add.f32 @p0 [tilespmem:s0], [sflag:$0xE], $0x80, s5, s3, $0xb8;
	[tilespmem:$0x1CC00] =	vst v63  }
0x2f5: {  	s7 =	simm.s32 @!p0 $0x20;
	_ =	swait.ge @p0 [sflag:s1], $0x1000  }
0x2f6: {  	s6 =	simm.s32 @!p0 $0x0;
	s0 =	rddreg [dreg:$0xe];
	[sflag:s1] =	ssyncset.done @p0 $0x0  }
0x2f7: {  	s5 =	sadd.s32 @!p0 s25, s0;
	s0 =	simm.s32 @!p0 $0xC00;
	[sflag:s1] =	ssyncadd.s32 @p0 $0xFFFFF000  }
0x2f8: {  	[tilespmem:s0], [sflag:$0x1] =	stream.indirect.gather @!p0 [hbm4b:s4+s7], $0x80, s6, s7, $0xb8;
	[tilespmem:$0x1CC00] =	vst v63  }
0x2f9: {  	s1 =	simm.s32 @!p0 $0x800;
	s0 =	sadd.s32 @!p0 $0x100, s5  }
0x2fa: {  	[tilespmem:s1], [sflag:$0x11] =	stream.linear.gather @!p0 [hbm4b:s0+s6], $0x80, $0x38;
	[tilespmem:$0x1CC00] =	vst v63  }
0x2fb: {  	s0 =	simm.s32 @!p0 $0x6  }
0x2fc: {  	_ =	swait.ge @!p0 [sflag:s0], $0x1000  }
0x2fd: {  	[sflag:s0] =	ssyncset.done @!p0 $0x0  }
0x2fe: {  	s1 =	simm.s32 @!p0 $0x16;
	[sflag:s0] =	ssyncadd.s32 @!p0 $0xFFFFF000  }
0x2ff: {  	_ =	swait.ge @!p0 [sflag:s1], $0x80  }
0x300: {  	[sflag:s1] =	ssyncset.done @!p0 $0x0  }
0x301: {  	s0 =	simm.s32 @!p0 $0xA80;
	[sflag:s1] =	ssyncadd.s32 @!p0 $0xFFFFFF80;
	s1 =	simm.s32 @!p0 $0x5C00  }
0x302: {  	[spmem:s2] =	stream.indirect.scatter.add.f32 @!p0 [tilespmem:s1], [sflag:$0xE], $0x80, s0, s7, $0xb8;
	[tilespmem:$0x1CC00] =	vst v63  }
0x303: {  	s0 =	simm.s32 @!p0 $0xA  }
0x304: {  	_ =	swait.ge @!p0 [sflag:s0], $0x1000  }
0x305: {  	[sflag:s0] =	ssyncset.done @!p0 $0x0  }
0x306: {  	s1 =	simm.s32 @!p0 $0x80;
	[sflag:s0] =	ssyncadd.s32 @!p0 $0xFFFFF000;
	s0 =	simm.s32 @!p0 $0x1C00  }
0x307: {  	[tilespmem:s0], [sflag:$0x2] =	stream.indirect.gather @!p0 [hbm4b:s4+s7], $0x80, s1, s7, $0xb8;
	[tilespmem:$0x1CC00] =	vst v63  }
0x308: {  	s0 =	sadd.s32 @!p0 $0x110, s5;
	s1 =	simm.s32 @!p0 $0x880  }
0x309: {  	[tilespmem:s1], [sflag:$0x12] =	stream.linear.gather @!p0 [hbm4b:s0+s6], $0x80, $0x38;
	[tilespmem:$0x1CC00] =	vst v63  }
0x30a: {  	_ =	swait.ge [sflag:s8], $0x1000  }
0x30b: {  	[sflag:s8] =	ssyncset.done $0x0  }
0x30c: {  	[sflag:s8] =	ssyncadd.s32 $0xFFFFF000  }
0x30d: {  	_ =	swait.ge [sflag:s9], $0x80  }
0x30e: {  	[sflag:s9] =	ssyncset.done $0x0  }
0x30f: {  	s23 =	simm.s32 $0xB00;
	s17 =	simm.s32 $0x6C00;
	[sflag:s9] =	ssyncadd.s32 $0xFFFFFF80  }
0x310: {  	[spmem:s2] =	stream.indirect.scatter.add.f32 [tilespmem:s17], [sflag:$0xF], $0x80, s23, s19, $0xb8;
	[tilespmem:$0x1CC00] =	vst v63  }
0x311: {  	_ =	swait.ge [sflag:s10], $0x1000  }
0x312: {  	[sflag:s10] =	ssyncset.done $0x0  }
0x313: {  	s0 =	simm.s32 @p0 $0x8;
	[sflag:s10] =	ssyncadd.s32 $0xFFFFF000  }
0x314: {  	_ =	swait.ge @p0 [sflag:s0], $0x1000  }
0x315: {  	[sflag:s0] =	ssyncset.done @p0 $0x0  }
0x316: {  	s1 =	simm.s32 @p0 $0x18;
	[sflag:s0] =	ssyncadd.s32 @p0 $0xFFFFF000  }
0x317: {  	_ =	swait.ge @p0 [sflag:s1], $0x80  }
0x318: {  	[sflag:s1] =	ssyncset.done @p0 $0x0  }
0x319: {  	s0 =	simm.s32 @p0 $0xB80;
	[sflag:s1] =	ssyncadd.s32 @p0 $0xFFFFFF80;
	s1 =	simm.s32 @p0 $0x7C00  }
0x31a: {  	[spmem:s2] =	stream.indirect.scatter.add.f32 @p0 [tilespmem:s1], [sflag:$0x10], $0x80, s0, s3, $0xb8;
	[tilespmem:$0x1CC00] =	vst v63  }
0x31b: {  	s0 =	simm.s32 @p0 $0xC  }
0x31c: {  	_ =	swait.ge @p0 [sflag:s0], $0x1000  }
0x31d: {  	[sflag:s0] =	ssyncset.done @p0 $0x0  }
0x31e: {  	s1 =	simm.s32 @!p0 $0x100;
	[sflag:s0] =	ssyncadd.s32 @p0 $0xFFFFF000;
	s0 =	simm.s32 @!p0 $0x2C00  }
0x31f: {  	[tilespmem:s0], [sflag:$0x3] =	stream.indirect.gather @!p0 [hbm4b:s4+s7], $0x80, s1, s7, $0xb8;
	[tilespmem:$0x1CC00] =	vst v63  }
0x320: {  	s0 =	sadd.s32 @!p0 $0x120, s5;
	s1 =	simm.s32 @!p0 $0x900  }
0x321: {  	[tilespmem:s1], [sflag:$0x13] =	stream.linear.gather @!p0 [hbm4b:s0+s6], $0x80, $0x38;
	[tilespmem:$0x1CC00] =	vst v63  }
0x322: {  	s0 =	simm.s32 @!p0 $0x8  }
0x323: {  	_ =	swait.ge @!p0 [sflag:s0], $0x1000  }
0x324: {  	[sflag:s0] =	ssyncset.done @!p0 $0x0  }
0x325: {  	s1 =	simm.s32 @!p0 $0x18;
	[sflag:s0] =	ssyncadd.s32 @!p0 $0xFFFFF000  }
0x326: {  	_ =	swait.ge @!p0 [sflag:s1], $0x80  }
0x327: {  	[sflag:s1] =	ssyncset.done @!p0 $0x0  }
0x328: {  	s0 =	simm.s32 @!p0 $0xB80;
	[sflag:s1] =	ssyncadd.s32 @!p0 $0xFFFFFF80;
	s1 =	simm.s32 @!p0 $0x7C00  }
0x329: {  	[spmem:s2] =	stream.indirect.scatter.add.f32 @!p0 [tilespmem:s1], [sflag:$0x10], $0x80, s0, s7, $0xb8;
	[tilespmem:$0x1CC00] =	vst v63  }
0x32a: {  	s0 =	simm.s32 @!p0 $0xC  }
0x32b: {  	_ =	swait.ge @!p0 [sflag:s0], $0x1000  }
0x32c: {  	[sflag:s0] =	ssyncset.done @!p0 $0x0  }
0x32d: {  	s1 =	simm.s32 @!p0 $0x180;
	[sflag:s0] =	ssyncadd.s32 @!p0 $0xFFFFF000;
	s0 =	simm.s32 @!p0 $0x3C00  }
0x32e: {  	[tilespmem:s0], [sflag:$0x4] =	stream.indirect.gather @!p0 [hbm4b:s4+s7], $0x80, s1, s7, $0xb8;
	[tilespmem:$0x1CC00] =	vst v63  }
0x32f: {  	s0 =	sadd.s32 @!p0 $0x130, s5;
	s1 =	simm.s32 @!p0 $0x980  }
0x330: {  	[tilespmem:s1], [sflag:$0x14] =	stream.linear.gather @!p0 [hbm4b:s0+s6], $0x80, $0x38;
	[tilespmem:$0x1CC00] =	vst v63  }
0x331: {  	_ =	swait.ge [sflag:s11], $0x1000  }
0x332: {  	[sflag:s11] =	ssyncset.done $0x0  }
0x333: {  	[sflag:s11] =	ssyncadd.s32 $0xFFFFF000  }
0x334: {  	_ =	swait.ge [sflag:s14], $0x1000  }
0x335: {  	[sflag:s14] =	ssyncset.done $0x0  }
0x336: {  	[sflag:s14] =	ssyncadd.s32 $0xFFFFF000  }
0x337: {  	_ =	swait.ge [sflag:s16], $0x1000  }
0x338: {  	[sflag:s16] =	ssyncset.done $0x0  }
0x339: {  	[sflag:s16] =	ssyncadd.s32 $0xFFFFF000  }
0x33a: {  	_ =	swait.ge [sflag:s24], $0x1000  }
0x33b: {  	[sflag:s24] =	ssyncset.done $0x0  }
0x33c: {  	[sflag:s24] =	ssyncadd.s32 $0xFFFFF000  }
0x33d: {  	[bflag:$0x0] =	sbarrier.arrive $0xFFFF  }
0x33e: {  	s15 =	rddreg [dreg:$0x14]  }
0x33f: {  	s29 =	rddreg [dreg:$0x19]  }
0x340: {  	s5 =	simm.s32 $0x1B;
	s1 =	rddreg [dreg:$0x1b]  }
0x341: {  	[hbm:s29], [sflag:s15] =	dma.local [spmem:s1], $0x2800  }
0x342: {  	_ =	swait.ge [sflag:s5], $0x2800  }
0x343: {  	s30 =	rddreg [dreg:$0x1c]  }
0x344: {  	s31 =	rddreg [dreg:$0x1a];
	s2 =	sadd.s32 $0x1, s30  }
0x345: {  	p0 =	sne.s32 s2, s31  }
.Ltmp1:
0x346: {  	_ = 	snop;
	(pc) =	sbr.rel @p0 .LBB2_1-.Ltmp1, $3  }
0x347: {  	_ =	sdelay $0x1  }
0x348: {  	[sflag:s5] =	ssyncset.done $0x0  }
0x349: {  	[sflag:s5] =	ssyncadd.s32 $0xFFFFD800  }
0x34a: {  	_ =	sfence.sel $0x180000  }
0x34b: {  	[bflag:$0x0] =	sbarrier.arrive $0xFFFF  }
0x34c: {  	_ =	strace $0x9000004D  }
0x34d: {  	s0 =	stileid.u32;
	[bflag:$0x2] =	sbarrier.arrive $0xFFFF  }
0x34e: {  	p0 =	sne.s32 s0, $0x0;
	s0 =	rddreg [dreg:$0x2]  }
0x34f: {  	s0 =	sadd.s32 @!p0 $0x100000, s0  }
0x350: {  	[sflag:s0] =	ssyncadd.tile.s32 @!p0 $0x1;
	_ =	shalt  }
.Lfunc_end2:
_tile_overlayer_lowered:
.L_overlay_start_2:
0x351: {  	(tag) =	ssettag $0x2  }
0x352: {  	s0 =	rddreg [dreg:$0x0];
	s2 =	stileid.u32  }
0x353: {  	s1 =	rddreg [dreg:$0x1];
	p0 =	sne.s32 s2, $0x0  }
0x354: {  	s3 =	rddreg [dreg:$0x2];
	[bflag:$0x3] =	sbarrier.arrive $0xFFFF;
	s2 =	simm.s32 @!p0 $0x1C1B  }
0x355: {  	[timem:s3], [sflag:s2] =	dma.local @!p0 [hbm:s0], s1  }
0x356: {  	s0 =	simm.s32 @!p0 $0x1B  }
0x357: {  	_ =	swait.ge @!p0 [sflag:s0], s1  }
0x358: {  	s1 =	ssub.s32 @!p0 $0x0, s1;
	[sflag:s0] =	ssyncset.done @!p0 $0x0  }
0x359: {  	[sflag:s0] =	ssyncadd.s32 @!p0 s1  }
0x35a: {  	[bflag:$0x3] =	sbarrier.arrive $0xFFFF  }
0x35b: {  	_ =	shalt  }

</sc_bundles>
